<compile_context>
chip_gen: v7x
topology: tpu7x:2x2x1
jax: 0.10.2.dev20260603
libtpu: 0.0.44.dev20260713+nightly
codegen_flags: <defaults>
</compile_context>

<pallas_src>
import functools

import jax
import jax.numpy as jnp
from jax import lax
from jax.experimental import pallas as pl
from jax.experimental.pallas import tpu as pltpu
from jax.experimental.pallas import tpu_sc as plsc

_N, _E, _D, _H, _B = 10000, 320000, 128, 128, 64
_NP = 10240
_NC, _NS = 2, 16
_NW = _NC * _NS
_EPW = _E // _NW
_K = 80
_NCH = _EPW // _K
_RPT = _NP // _NS

_f32 = jnp.float32
_i32 = jnp.int32

_MESH = plsc.VectorSubcoreMesh(core_axis_name="c", subcore_axis_name="s")


@functools.partial(
    pl.kernel,
    out_type=jax.ShapeDtypeStruct((_NC, _NP), _f32),
    mesh=_MESH,
    scratch_types=[
        pltpu.VMEM((_NCH, _K), _i32),
        pltpu.VMEM((_K,), _f32),
        pltpu.VMEM((_RPT,), _f32),
        pltpu.VMEM_SHARED((_NP,), _f32),
        pltpu.SemaphoreType.DMA,
    ],
)
def _deg_kernel(er_hbm, out_hbm, didx_v, ones_v, zero_v, deg_sh, sem):
    c = lax.axis_index("c")
    s = lax.axis_index("s")
    wid = c * _NS + s

    pltpu.sync_copy(er_hbm.at[1, wid], didx_v)

    zeros16 = jnp.zeros((16,), _f32)
    ones16 = jnp.ones((16,), _f32)
    for j in range(_K // 16):
        ones_v[pl.ds(j * 16, 16)] = ones16

    @pl.loop(0, _RPT // 16)
    def _(i):
        zero_v[pl.ds(i * 16, 16)] = zeros16

    pltpu.sync_copy(zero_v, deg_sh.at[pl.ds(s * _RPT, _RPT)])
    plsc.subcore_barrier()

    @pl.loop(0, _NCH, step=5)
    def _(i):
        for j in range(5):
            pltpu.async_copy(ones_v, deg_sh.at[didx_v.at[i + j]], sem,
                             add=True)
        for j in range(5):
            pltpu.make_async_copy(ones_v, deg_sh.at[didx_v.at[0]], sem).wait()

    plsc.subcore_barrier()
    pltpu.sync_copy(deg_sh.at[pl.ds(s * _RPT, _RPT)],
                    out_hbm.at[c, pl.ds(s * _RPT, _RPT)])


@functools.partial(
    pl.kernel,
    out_type=jax.ShapeDtypeStruct((_NC, _NP, _H), _f32),
    mesh=_MESH,
    scratch_types=[
        pltpu.VMEM((_NCH, _K), _i32),
        pltpu.VMEM((3, _K), _i32),
        [pltpu.VMEM((_K, _H), _f32) for _ in range(3)],
        pltpu.VMEM_SHARED((_NP, _H), _f32),
        [pltpu.SemaphoreType.DMA for _ in range(3)],
        [pltpu.SemaphoreType.DMA for _ in range(3)],
        [pltpu.SemaphoreType.DMA for _ in range(3)],
        pltpu.SemaphoreType.DMA,
    ],
)
def _prop_kernel(g_hbm, er_hbm, out_hbm,
                 sidx_v, didx_v, rows, acc_sh, gsem, ssem, isem, zsem):
    c = lax.axis_index("c")
    s = lax.axis_index("s")
    wid = c * _NS + s

    pltpu.sync_copy(er_hbm.at[0, wid], sidx_v)

    def didx_load(ch, b):
        pltpu.async_copy(er_hbm.at[1, wid, ch], didx_v.at[b], isem[b])

    def iwait(b):
        pltpu.make_async_copy(er_hbm.at[1, wid, 0], didx_v.at[b],
                              isem[b]).wait()

    def gather(ch, b):
        pltpu.async_copy(g_hbm.at[sidx_v.at[ch]], rows[b], gsem[b])

    def gwait(b):
        pltpu.make_async_copy(g_hbm.at[pl.ds(0, _K)], rows[b],
                              gsem[b]).wait()

    def scatter(b):
        pltpu.async_copy(rows[b], acc_sh.at[didx_v.at[b]], ssem[b],
                         add=True)

    def swait(b):
        pltpu.make_async_copy(g_hbm.at[pl.ds(0, _K)], rows[b],
                              ssem[b]).wait()

    for b in range(2):
        didx_load(b, b)
        gather(b, b)

    zeros16 = jnp.zeros((16,), _f32)

    @pl.loop(0, _K)
    def _(i):
        for cc in range(_H // 16):
            rows[2][i, pl.ds(cc * 16, 16)] = zeros16

    for r in range(_RPT // _K):
        pltpu.async_copy(rows[2], acc_sh.at[pl.ds(s * _RPT + r * _K, _K)],
                         zsem)
    for r in range(_RPT // _K):
        pltpu.make_async_copy(g_hbm.at[pl.ds(0, _K)], rows[2], zsem).wait()
    didx_load(2, 2)
    gather(2, 2)
    plsc.subcore_barrier()

    @pl.loop(0, _NCH - 2, step=3)
    def _(i):
        for b in range(3):
            gwait(b)
            iwait(b)
            scatter(b)
        for b in range(3):
            swait(b)
            nxt = jnp.minimum(i + 3 + b, _NCH - 1)
            didx_load(nxt, b)
            gather(nxt, b)

    gwait(0)
    iwait(0)
    scatter(0)
    gwait(1)
    iwait(1)
    scatter(1)
    gwait(2)
    iwait(2)
    swait(0)
    swait(1)

    plsc.subcore_barrier()
    pltpu.sync_copy(acc_sh.at[pl.ds(s * _RPT, _RPT)],
                    out_hbm.at[c, pl.ds(s * _RPT, _RPT)])


def _prep0_body(x_ref, degp_ref, q_ref, dinv_ref):
    deg = degp_ref[:, 0:1] + degp_ref[:, 1:2] + 1.0
    dinv = lax.rsqrt(deg)
    q_ref[...] = x_ref[...] * dinv
    dinv_ref[...] = dinv


def _prep0(x, degp):
    blk = 2000
    grid = _N // blk
    return pl.pallas_call(
        _prep0_body,
        grid=(grid,),
        in_specs=[
            pl.BlockSpec((blk, _D), lambda i: (i, 0)),
            pl.BlockSpec((blk, _NC), lambda i: (i, 0)),
        ],
        out_specs=[
            pl.BlockSpec((blk, _H), lambda i: (i, 0)),
            pl.BlockSpec((blk, 1), lambda i: (i, 0)),
        ],
        out_shape=[
            jax.ShapeDtypeStruct((_NP, _H), _f32),
            jax.ShapeDtypeStruct((_NP, 1), _f32),
        ],
    )(x, degp)


def _comb_body(acc_ref, q_ref, dinv_ref, b_ref, w_ref, q2_ref):
    dinv = dinv_ref[...]
    u = dinv * (acc_ref[0] + acc_ref[1] + q_ref[...])
    h = jnp.maximum(jnp.dot(u, w_ref[...], preferred_element_type=_f32)
                    + b_ref[...], 0.0)
    q2_ref[...] = h * dinv


def _comb(acc, q, dinv, b, w):
    blk = 2048
    grid = _NP // blk
    return pl.pallas_call(
        _comb_body,
        grid=(grid,),
        in_specs=[
            pl.BlockSpec((_NC, blk, _H), lambda i: (0, i, 0)),
            pl.BlockSpec((blk, _H), lambda i: (i, 0)),
            pl.BlockSpec((blk, 1), lambda i: (i, 0)),
            pl.BlockSpec((1, _H), lambda i: (0, 0)),
            pl.BlockSpec((_H, _H), lambda i: (0, 0)),
        ],
        out_specs=pl.BlockSpec((blk, _H), lambda i: (i, 0)),
        out_shape=jax.ShapeDtypeStruct((_NP, _H), _f32),
    )(acc, q, dinv, b, w)


def _final_body(acc_ref, q_ref, dinv_ref, b_ref, w_ref, batch_ref,
                wout_ref, bout_ref, out_ref, pool_ref, cnt_ref):
    i = pl.program_id(0)

    @pl.when(i == 0)
    def _():
        pool_ref[...] = jnp.zeros_like(pool_ref)
        cnt_ref[...] = jnp.zeros_like(cnt_ref)

    blk = q_ref.shape[0]
    u = dinv_ref[...] * (acc_ref[0] + acc_ref[1] + q_ref[...])
    h3 = jnp.dot(u, w_ref[...], preferred_element_type=_f32) + b_ref[...]
    rid = lax.broadcasted_iota(_i32, (blk, 1), 0) + i * blk
    h3 = jnp.where(rid < _N, h3, 0.0)
    seg = lax.broadcasted_iota(_i32, (_B, batch_ref.shape[1]), 0)
    m = (seg == batch_ref[...]).astype(_f32)
    pool_ref[...] += jnp.dot(m, h3, preferred_element_type=_f32)
    cnt_ref[...] += jnp.sum(m, axis=1, keepdims=True)

    @pl.when(i == pl.num_programs(0) - 1)
    def _():
        pooled = pool_ref[...] / jnp.maximum(cnt_ref[...], 1.0)
        out_ref[...] = (jnp.dot(pooled, wout_ref[...],
                                preferred_element_type=_f32) + bout_ref[...])


def _final(acc, q, dinv, b, w, batch2d, wout, bout):
    blk = 2048
    grid = _NP // blk
    return pl.pallas_call(
        _final_body,
        grid=(grid,),
        in_specs=[
            pl.BlockSpec((_NC, blk, _H), lambda i: (0, i, 0)),
            pl.BlockSpec((blk, _H), lambda i: (i, 0)),
            pl.BlockSpec((blk, 1), lambda i: (i, 0)),
            pl.BlockSpec((1, _H), lambda i: (0, 0)),
            pl.BlockSpec((_H, _H), lambda i: (0, 0)),
            pl.BlockSpec((1, blk), lambda i: (0, i)),
            pl.BlockSpec((_H, _H), lambda i: (0, 0)),
            pl.BlockSpec((1, _H), lambda i: (0, 0)),
        ],
        out_specs=pl.BlockSpec((_B, _H), lambda i: (0, 0)),
        out_shape=jax.ShapeDtypeStruct((_B, _H), _f32),
        scratch_shapes=[
            pltpu.VMEM((_B, _H), _f32),
            pltpu.VMEM((_B, 1), _f32),
        ],
    )(acc, q, dinv, b, w, batch2d, wout, bout)


@jax.jit
def kernel(x, edge_index, batch, W0, b0, W1, b1, W2, b2, Wout, bout):
    er = edge_index.reshape(2, _NW, _NCH, _K)
    batchp = jnp.pad(batch, (0, _NP - _N), constant_values=_B)[None, :]

    degp = _deg_kernel(er)
    q0, dinv = _prep0(x, degp.T)

    acc0 = _prop_kernel(q0, er)
    q1 = _comb(acc0, q0, dinv, b0[None, :], W0)

    acc1 = _prop_kernel(q1, er)
    q2 = _comb(acc1, q1, dinv, b1[None, :], W1)

    acc2 = _prop_kernel(q2, er)
    out = _final(acc2, q2, dinv, b2[None, :], W2, batchp, Wout,
                 bout[None, :])
    return out

# --- scband reference (transcript-rebuilt; emitter-appended) ---
"""Pipeline reference for scband-gnnwrapper-52501680226462 (READ-ONLY COPY).

The authoritative reference and input builder live on the scoring server;
editing this copy changes nothing except your own understanding.
"""

import jax, jax.numpy as jnp
import numpy as np

N = 10000
E = 320000
D = 128
H = 128
B = 64


def _glorot(key, shape):
    fan_in, fan_out = shape[0], shape[1]
    limit = np.sqrt(6.0 / (fan_in + fan_out))
    return jax.random.uniform(key, shape, jnp.float32, -limit, limit)


def setup_inputs(seed: int = 0) -> dict:
    key = jax.random.key(seed)
    ks = jax.random.split(key, 12)
    x = jax.random.normal(ks[0], (N, D), jnp.float32)
    edge_index = jax.random.randint(ks[1], (2, E), 0, N, dtype=jnp.int32)
    batch = jnp.sort(jax.random.randint(ks[2], (N,), 0, B, dtype=jnp.int32))
    W0 = _glorot(ks[3], (D, H)); b0 = jnp.zeros((H,), jnp.float32)
    W1 = _glorot(ks[4], (H, H)); b1 = jnp.zeros((H,), jnp.float32)
    W2 = _glorot(ks[5], (H, H)); b2 = jnp.zeros((H,), jnp.float32)
    Wout = _glorot(ks[6], (H, H)); bout = jnp.zeros((H,), jnp.float32)
    return {"x": x, "edge_index": edge_index, "batch": batch,
            "W0": W0, "b0": b0, "W1": W1, "b1": b1,
            "W2": W2, "b2": b2, "Wout": Wout, "bout": bout}


def _gcn_conv(x, W, b, src, dst):
    # GCNConv with added self-loops and symmetric normalization
    loop = jnp.arange(N, dtype=src.dtype)
    s = jnp.concatenate([src, loop])
    d = jnp.concatenate([dst, loop])
    deg = jnp.zeros((N,), jnp.float32).at[d].add(1.0)
    dinv = jnp.where(deg > 0, jax.lax.rsqrt(deg), 0.0)
    norm = dinv[s] * dinv[d]
    h = x @ W
    msg = h[s] * norm[:, None]
    out = jnp.zeros((N, h.shape[1]), jnp.float32).at[d].add(msg)
    return out + b


def reference(x, edge_index, batch, W0, b0, W1, b1, W2, b2, Wout, bout):
    src, dst = edge_index[0], edge_index[1]
    h = _gcn_conv(x, W0, b0, src, dst)
    h = jax.nn.relu(h)
    h = _gcn_conv(h, W1, b1, src, dst)
    h = jax.nn.relu(h)
    h = _gcn_conv(h, W2, b2, src, dst)  # last GNN layer: no activation
    # global mean pooling per graph
    sums = jax.ops.segment_sum(h, batch, num_segments=B)
    cnt = jax.ops.segment_sum(jnp.ones((N,), jnp.float32), batch, num_segments=B)
    pooled = sums / jnp.maximum(cnt, 1.0)[:, None]
    # mlp_layers=1 readout head
    out = pooled @ Wout + bout
    return out

if __name__ == "__main__":
    import jax
    _d = setup_inputs()
    print(jax.jit(kernel)(*tuple(_d.values())))

</pallas_src>

<mosaic_0001>
#map = affine_map<(d0, d1) -> (0, 0)>
#map1 = affine_map<(d0, d1) -> (0, 0, 0, 0)>
#map2 = affine_map<(d0, d1) -> (0, 0, 0)>
module attributes {stable_mosaic.version = 14 : i64} {
  func.func @_prop_kernel(%arg0: i32, %arg1: i32, %arg2: memref<10240x128xf32, #tpu.memory_space<hbm>>, %arg3: memref<2x32x125x80xi32, #tpu.memory_space<hbm>>, %arg4: memref<2x10240x128xf32, #tpu.memory_space<hbm>>, %arg5: memref<125x80xi32, #tpu.memory_space<vmem>>, %arg6: memref<3x80xi32, #tpu.memory_space<vmem>>, %arg7: memref<80x128xf32, #tpu.memory_space<vmem>>, %arg8: memref<80x128xf32, #tpu.memory_space<vmem>>, %arg9: memref<80x128xf32, #tpu.memory_space<vmem>>, %arg10: memref<10240x128xf32, #tpu.memory_space<vmem_shared>>, %arg11: memref<!tpu.dma_semaphore, #tpu.memory_space<semaphore_mem>>, %arg12: memref<!tpu.dma_semaphore, #tpu.memory_space<semaphore_mem>>, %arg13: memref<!tpu.dma_semaphore, #tpu.memory_space<semaphore_mem>>, %arg14: memref<!tpu.dma_semaphore, #tpu.memory_space<semaphore_mem>>, %arg15: memref<!tpu.dma_semaphore, #tpu.memory_space<semaphore_mem>>, %arg16: memref<!tpu.dma_semaphore, #tpu.memory_space<semaphore_mem>>, %arg17: memref<!tpu.dma_semaphore, #tpu.memory_space<semaphore_mem>>, %arg18: memref<!tpu.dma_semaphore, #tpu.memory_space<semaphore_mem>>, %arg19: memref<!tpu.dma_semaphore, #tpu.memory_space<semaphore_mem>>, %arg20: memref<!tpu.dma_semaphore, #tpu.memory_space<semaphore_mem>>) attributes {dimension_semantics = [#tpu.dimension_semantics<core_parallel>, #tpu.dimension_semantics<subcore_parallel>], iteration_bounds = array<i64: 2, 16>, scalar_prefetch = 0 : i64, scratch_operands = 16 : i64, tpu.core_type = #tpu.core_type<sc_vector_subcore>, window_params = [{transform_indices = #map}, {transform_indices = #map1}, {transform_indices = #map2}]} {
    %mul3A = arith.constant 16 : i32
    %mul3A_0 = arith.muli %arg0, %mul3A : i32
    %add3A = arith.addi %mul3A_0, %arg1 : i32
    %run_scoped3A = arith.constant 0 : i32
    "tpu.region"() ({
      %run_scoped3A_281 = tpu.sem_alloc : memref<!tpu.dma_semaphore, #tpu.memory_space<semaphore_mem>>
      %dma_start3A_282 = arith.constant 0 : i32
      %dma_start3A_283 = arith.constant 0 : i32
      %dma_start3A_284 = tpu.memref_slice %arg3[%run_scoped3A, %add3A, %dma_start3A_282, %dma_start3A_283] : memref<2x32x125x80xi32, #tpu.memory_space<hbm>> -> memref<1x1x125x80xi32, #tpu.memory_space<hbm>>
      %dma_start3A_285 = tpu.memref_squeeze %dma_start3A_284 : memref<1x1x125x80xi32, #tpu.memory_space<hbm>> -> memref<125x80xi32, #tpu.memory_space<hbm>>
      %dma_start3A_286 = arith.constant 0 : i32
      %dma_start3A_287 = arith.constant 0 : i32
      %dma_start3A_288 = tpu.memref_slice %arg3[%run_scoped3A, %add3A, %dma_start3A_286, %dma_start3A_287] : memref<2x32x125x80xi32, #tpu.memory_space<hbm>> -> memref<1x1x125x80xi32, #tpu.memory_space<hbm>>
      %dma_start3A_289 = tpu.memref_squeeze %dma_start3A_288 : memref<1x1x125x80xi32, #tpu.memory_space<hbm>> -> memref<125x80xi32, #tpu.memory_space<hbm>>
      tpu.enqueue_dma source(%dma_start3A_289 : memref<125x80xi32, #tpu.memory_space<hbm>>) target(%arg5 : memref<125x80xi32, #tpu.memory_space<vmem>>) target_semaphore(%run_scoped3A_281 : memref<!tpu.dma_semaphore, #tpu.memory_space<semaphore_mem>>)
      %dma_wait3A_290 = arith.constant 0 : i32
      %dma_wait3A_291 = arith.constant 0 : i32
      %dma_wait3A_292 = tpu.memref_slice %arg3[%run_scoped3A, %add3A, %dma_wait3A_290, %dma_wait3A_291] : memref<2x32x125x80xi32, #tpu.memory_space<hbm>> -> memref<1x1x125x80xi32, #tpu.memory_space<hbm>>
      %dma_wait3A_293 = tpu.memref_squeeze %dma_wait3A_292 : memref<1x1x125x80xi32, #tpu.memory_space<hbm>> -> memref<125x80xi32, #tpu.memory_space<hbm>>
      %dma_wait3A_294 = arith.constant 0 : i32
      %dma_wait3A_295 = arith.constant 0 : i32
      %dma_wait3A_296 = tpu.memref_slice %arg3[%run_scoped3A, %add3A, %dma_wait3A_294, %dma_wait3A_295] : memref<2x32x125x80xi32, #tpu.memory_space<hbm>> -> memref<1x1x125x80xi32, #tpu.memory_space<hbm>>
      %dma_wait3A_297 = tpu.memref_squeeze %dma_wait3A_296 : memref<1x1x125x80xi32, #tpu.memory_space<hbm>> -> memref<125x80xi32, #tpu.memory_space<hbm>>
      tpu.wait_dma2 semaphore(%run_scoped3A_281 : memref<!tpu.dma_semaphore, #tpu.memory_space<semaphore_mem>>) src(%dma_wait3A_297 : memref<125x80xi32, #tpu.memory_space<hbm>>) dst(%arg5 : memref<125x80xi32, #tpu.memory_space<vmem>>)
      tpu.yield
    }) : () -> ()
    %dma_start3A = arith.constant 1 : i32
    %dma_start3A_1 = arith.constant 0 : i32
    %dma_start3A_2 = arith.constant 0 : i32
    %dma_start3A_3 = arith.constant 0 : i32
    %dma_start3A_4 = tpu.memref_slice %arg6[%dma_start3A_2, %dma_start3A_3] : memref<3x80xi32, #tpu.memory_space<vmem>> -> memref<1x80xi32, #tpu.memory_space<vmem>>
    %dma_start3A_5 = tpu.memref_squeeze %dma_start3A_4 : memref<1x80xi32, #tpu.memory_space<vmem>> -> memref<80xi32, #tpu.memory_space<vmem>>
    %dma_start3A_6 = arith.constant 0 : i32
    %dma_start3A_7 = tpu.memref_slice %arg3[%dma_start3A, %add3A, %dma_start3A_1, %dma_start3A_6] : memref<2x32x125x80xi32, #tpu.memory_space<hbm>> -> memref<1x1x1x80xi32, #tpu.memory_space<hbm>>
    %dma_start3A_8 = tpu.memref_squeeze %dma_start3A_7 : memref<1x1x1x80xi32, #tpu.memory_space<hbm>> -> memref<80xi32, #tpu.memory_space<hbm>>
    %dma_start3A_9 = arith.constant 0 : i32
    %dma_start3A_10 = tpu.memref_slice %arg6[%dma_start3A_2, %dma_start3A_9] : memref<3x80xi32, #tpu.memory_space<vmem>> -> memref<1x80xi32, #tpu.memory_space<vmem>>
    %dma_start3A_11 = tpu.memref_squeeze %dma_start3A_10 : memref<1x80xi32, #tpu.memory_space<vmem>> -> memref<80xi32, #tpu.memory_space<vmem>>
    %dma_start3A_12 = arith.constant 0 : i32
    %dma_start3A_13 = tpu.memref_slice %arg3[%dma_start3A, %add3A, %dma_start3A_1, %dma_start3A_12] : memref<2x32x125x80xi32, #tpu.memory_space<hbm>> -> memref<1x1x1x80xi32, #tpu.memory_space<hbm>>
    %dma_start3A_14 = tpu.memref_squeeze %dma_start3A_13 : memref<1x1x1x80xi32, #tpu.memory_space<hbm>> -> memref<80xi32, #tpu.memory_space<hbm>>
    tpu.enqueue_dma source(%dma_start3A_14 : memref<80xi32, #tpu.memory_space<hbm>>) target(%dma_start3A_11 : memref<80xi32, #tpu.memory_space<vmem>>) target_semaphore(%arg17 : memref<!tpu.dma_semaphore, #tpu.memory_space<semaphore_mem>>)
    %dma_start3A_15 = arith.constant 0 : i32
    %dma_start3A_16 = arith.constant 0 : i32
    %dma_start3A_17 = tpu.memref_slice %arg5[%dma_start3A_15, %dma_start3A_16] : memref<125x80xi32, #tpu.memory_space<vmem>> -> memref<1x80xi32, #tpu.memory_space<vmem>>
    %dma_start3A_18 = tpu.memref_squeeze %dma_start3A_17 : memref<1x80xi32, #tpu.memory_space<vmem>> -> memref<80xi32, #tpu.memory_space<vmem>>
    %dma_start3A_19 = arith.constant 0 : i32
    %dma_start3A_20 = arith.constant 0 : i32
    %dma_start3A_21 = tpu.memref_slice %arg2[%dma_start3A_19, %dma_start3A_20] : memref<10240x128xf32, #tpu.memory_space<hbm>> -> memref<10240x128xf32, #tpu.memory_space<hbm>>
    tpu.enqueue_indirect_dma source(%dma_start3A_21 : memref<10240x128xf32, #tpu.memory_space<hbm>>) target(%arg7 : memref<80x128xf32, #tpu.memory_space<vmem>>) offsets(%dma_start3A_18 : memref<80xi32, #tpu.memory_space<vmem>>) semaphore(%arg11 : memref<!tpu.dma_semaphore, #tpu.memory_space<semaphore_mem>>)
    %dma_start3A_22 = arith.constant 1 : i32
    %dma_start3A_23 = arith.constant 1 : i32
    %dma_start3A_24 = arith.constant 1 : i32
    %dma_start3A_25 = arith.constant 0 : i32
    %dma_start3A_26 = tpu.memref_slice %arg6[%dma_start3A_24, %dma_start3A_25] : memref<3x80xi32, #tpu.memory_space<vmem>> -> memref<1x80xi32, #tpu.memory_space<vmem>>
    %dma_start3A_27 = tpu.memref_squeeze %dma_start3A_26 : memref<1x80xi32, #tpu.memory_space<vmem>> -> memref<80xi32, #tpu.memory_space<vmem>>
    %dma_start3A_28 = arith.constant 0 : i32
    %dma_start3A_29 = tpu.memref_slice %arg3[%dma_start3A_22, %add3A, %dma_start3A_23, %dma_start3A_28] : memref<2x32x125x80xi32, #tpu.memory_space<hbm>> -> memref<1x1x1x80xi32, #tpu.memory_space<hbm>>
    %dma_start3A_30 = tpu.memref_squeeze %dma_start3A_29 : memref<1x1x1x80xi32, #tpu.memory_space<hbm>> -> memref<80xi32, #tpu.memory_space<hbm>>
    %dma_start3A_31 = arith.constant 0 : i32
    %dma_start3A_32 = tpu.memref_slice %arg6[%dma_start3A_24, %dma_start3A_31] : memref<3x80xi32, #tpu.memory_space<vmem>> -> memref<1x80xi32, #tpu.memory_space<vmem>>
    %dma_start3A_33 = tpu.memref_squeeze %dma_start3A_32 : memref<1x80xi32, #tpu.memory_space<vmem>> -> memref<80xi32, #tpu.memory_space<vmem>>
    %dma_start3A_34 = arith.constant 0 : i32
    %dma_start3A_35 = tpu.memref_slice %arg3[%dma_start3A_22, %add3A, %dma_start3A_23, %dma_start3A_34] : memref<2x32x125x80xi32, #tpu.memory_space<hbm>> -> memref<1x1x1x80xi32, #tpu.memory_space<hbm>>
    %dma_start3A_36 = tpu.memref_squeeze %dma_start3A_35 : memref<1x1x1x80xi32, #tpu.memory_space<hbm>> -> memref<80xi32, #tpu.memory_space<hbm>>
    tpu.enqueue_dma source(%dma_start3A_36 : memref<80xi32, #tpu.memory_space<hbm>>) target(%dma_start3A_33 : memref<80xi32, #tpu.memory_space<vmem>>) target_semaphore(%arg18 : memref<!tpu.dma_semaphore, #tpu.memory_space<semaphore_mem>>)
    %dma_start3A_37 = arith.constant 1 : i32
    %dma_start3A_38 = arith.constant 0 : i32
    %dma_start3A_39 = tpu.memref_slice %arg5[%dma_start3A_37, %dma_start3A_38] : memref<125x80xi32, #tpu.memory_space<vmem>> -> memref<1x80xi32, #tpu.memory_space<vmem>>
    %dma_start3A_40 = tpu.memref_squeeze %dma_start3A_39 : memref<1x80xi32, #tpu.memory_space<vmem>> -> memref<80xi32, #tpu.memory_space<vmem>>
    %dma_start3A_41 = arith.constant 0 : i32
    %dma_start3A_42 = arith.constant 0 : i32
    %dma_start3A_43 = tpu.memref_slice %arg2[%dma_start3A_41, %dma_start3A_42] : memref<10240x128xf32, #tpu.memory_space<hbm>> -> memref<10240x128xf32, #tpu.memory_space<hbm>>
    tpu.enqueue_indirect_dma source(%dma_start3A_43 : memref<10240x128xf32, #tpu.memory_space<hbm>>) target(%arg8 : memref<80x128xf32, #tpu.memory_space<vmem>>) offsets(%dma_start3A_40 : memref<80xi32, #tpu.memory_space<vmem>>) semaphore(%arg12 : memref<!tpu.dma_semaphore, #tpu.memory_space<semaphore_mem>>)
    %broadcast_in_dim3A = arith.constant 0.000000e+00 : f32
    %broadcast_in_dim3A_44 = vector.broadcast %broadcast_in_dim3A : f32 to vector<16xf32>
    %scan3A = arith.constant 0 : i32
    %scan3A_45 = arith.constant 80 : i32
    %scan3A_46 = arith.addi %scan3A, %scan3A_45 : i32
    %scan3A_47 = arith.constant 1 : i32
    scf.for %scan3A_281 = %scan3A to %scan3A_46 step %scan3A_47  : i32 {
      %mul3A_282 = arith.constant 1 : i32
      %mul3A_283 = arith.muli %scan3A_281, %mul3A_282 : i32
      %add3A_284 = arith.constant 0 : i32
      %add3A_285 = arith.addi %add3A_284, %mul3A_283 : i32
      %swap3A = arith.index_cast %add3A_285 : i32 to index
      %swap3A_286 = arith.constant 0 : index
      %swap3A_287 = tpu.vector_load %arg9[%swap3A, %swap3A_286] {strides = array<i32>} : memref<80x128xf32, #tpu.memory_space<vmem>>, vector<1x16xf32>,
      %swap3A_288 = vector.shape_cast %swap3A_287 : vector<1x16xf32> to vector<16xf32>
      %swap3A_289 = vector.shape_cast %broadcast_in_dim3A_44 : vector<16xf32> to vector<1x16xf32>
      tpu.vector_store %arg9[%swap3A, %swap3A_286], %swap3A_289 {strides = array<i32>} : memref<80x128xf32, #tpu.memory_space<vmem>>, vector<1x16xf32>,
      %swap3A_290 = arith.index_cast %add3A_285 : i32 to index
      %swap3A_291 = arith.constant 16 : index
      %swap3A_292 = tpu.vector_load %arg9[%swap3A_290, %swap3A_291] {strides = array<i32>} : memref<80x128xf32, #tpu.memory_space<vmem>>, vector<1x16xf32>,
      %swap3A_293 = vector.shape_cast %swap3A_292 : vector<1x16xf32> to vector<16xf32>
      %swap3A_294 = vector.shape_cast %broadcast_in_dim3A_44 : vector<16xf32> to vector<1x16xf32>
      tpu.vector_store %arg9[%swap3A_290, %swap3A_291], %swap3A_294 {strides = array<i32>} : memref<80x128xf32, #tpu.memory_space<vmem>>, vector<1x16xf32>,
      %swap3A_295 = arith.index_cast %add3A_285 : i32 to index
      %swap3A_296 = arith.constant 32 : index
      %swap3A_297 = tpu.vector_load %arg9[%swap3A_295, %swap3A_296] {strides = array<i32>} : memref<80x128xf32, #tpu.memory_space<vmem>>, vector<1x16xf32>,
      %swap3A_298 = vector.shape_cast %swap3A_297 : vector<1x16xf32> to vector<16xf32>
      %swap3A_299 = vector.shape_cast %broadcast_in_dim3A_44 : vector<16xf32> to vector<1x16xf32>
      tpu.vector_store %arg9[%swap3A_295, %swap3A_296], %swap3A_299 {strides = array<i32>} : memref<80x128xf32, #tpu.memory_space<vmem>>, vector<1x16xf32>,
      %swap3A_300 = arith.index_cast %add3A_285 : i32 to index
      %swap3A_301 = arith.constant 48 : index
      %swap3A_302 = tpu.vector_load %arg9[%swap3A_300, %swap3A_301] {strides = array<i32>} : memref<80x128xf32, #tpu.memory_space<vmem>>, vector<1x16xf32>,
      %swap3A_303 = vector.shape_cast %swap3A_302 : vector<1x16xf32> to vector<16xf32>
      %swap3A_304 = vector.shape_cast %broadcast_in_dim3A_44 : vector<16xf32> to vector<1x16xf32>
      tpu.vector_store %arg9[%swap3A_300, %swap3A_301], %swap3A_304 {strides = array<i32>} : memref<80x128xf32, #tpu.memory_space<vmem>>, vector<1x16xf32>,
      %swap3A_305 = arith.index_cast %add3A_285 : i32 to index
      %swap3A_306 = arith.constant 64 : index
      %swap3A_307 = tpu.vector_load %arg9[%swap3A_305, %swap3A_306] {strides = array<i32>} : memref<80x128xf32, #tpu.memory_space<vmem>>, vector<1x16xf32>,
      %swap3A_308 = vector.shape_cast %swap3A_307 : vector<1x16xf32> to vector<16xf32>
      %swap3A_309 = vector.shape_cast %broadcast_in_dim3A_44 : vector<16xf32> to vector<1x16xf32>
      tpu.vector_store %arg9[%swap3A_305, %swap3A_306], %swap3A_309 {strides = array<i32>} : memref<80x128xf32, #tpu.memory_space<vmem>>, vector<1x16xf32>,
      %swap3A_310 = arith.index_cast %add3A_285 : i32 to index
      %swap3A_311 = arith.constant 80 : index
      %swap3A_312 = tpu.vector_load %arg9[%swap3A_310, %swap3A_311] {strides = array<i32>} : memref<80x128xf32, #tpu.memory_space<vmem>>, vector<1x16xf32>,
      %swap3A_313 = vector.shape_cast %swap3A_312 : vector<1x16xf32> to vector<16xf32>
      %swap3A_314 = vector.shape_cast %broadcast_in_dim3A_44 : vector<16xf32> to vector<1x16xf32>
      tpu.vector_store %arg9[%swap3A_310, %swap3A_311], %swap3A_314 {strides = array<i32>} : memref<80x128xf32, #tpu.memory_space<vmem>>, vector<1x16xf32>,
      %swap3A_315 = arith.index_cast %add3A_285 : i32 to index
      %swap3A_316 = arith.constant 96 : index
      %swap3A_317 = tpu.vector_load %arg9[%swap3A_315, %swap3A_316] {strides = array<i32>} : memref<80x128xf32, #tpu.memory_space<vmem>>, vector<1x16xf32>,
      %swap3A_318 = vector.shape_cast %swap3A_317 : vector<1x16xf32> to vector<16xf32>
      %swap3A_319 = vector.shape_cast %broadcast_in_dim3A_44 : vector<16xf32> to vector<1x16xf32>
      tpu.vector_store %arg9[%swap3A_315, %swap3A_316], %swap3A_319 {strides = array<i32>} : memref<80x128xf32, #tpu.memory_space<vmem>>, vector<1x16xf32>,
      %swap3A_320 = arith.index_cast %add3A_285 : i32 to index
      %swap3A_321 = arith.constant 112 : index
      %swap3A_322 = tpu.vector_load %arg9[%swap3A_320, %swap3A_321] {strides = array<i32>} : memref<80x128xf32, #tpu.memory_space<vmem>>, vector<1x16xf32>,
      %swap3A_323 = vector.shape_cast %swap3A_322 : vector<1x16xf32> to vector<16xf32>
      %swap3A_324 = vector.shape_cast %broadcast_in_dim3A_44 : vector<16xf32> to vector<1x16xf32>
      tpu.vector_store %arg9[%swap3A_320, %swap3A_321], %swap3A_324 {strides = array<i32>} : memref<80x128xf32, #tpu.memory_space<vmem>>, vector<1x16xf32>,
    }
    %scan3A_48 = arith.constant 80 : i32
    %mul3A_49 = arith.constant 640 : i32
    %mul3A_50 = arith.muli %arg1, %mul3A_49 : i32
    %add3A_51 = arith.constant 0 : i32
    %add3A_52 = arith.addi %mul3A_50, %add3A_51 : i32
    %dma_start3A_53 = arith.constant 0 : i32
    %dma_start3A_54 = tpu.memref_slice %arg10[%add3A_52, %dma_start3A_53] : memref<10240x128xf32, #tpu.memory_space<vmem_shared>> -> memref<80x128xf32, #tpu.memory_space<vmem_shared>>
    %dma_start3A_55 = arith.constant 0 : i32
    %dma_start3A_56 = tpu.memref_slice %arg10[%add3A_52, %dma_start3A_55] : memref<10240x128xf32, #tpu.memory_space<vmem_shared>> -> memref<80x128xf32, #tpu.memory_space<vmem_shared>>
    tpu.enqueue_dma source(%arg9 : memref<80x128xf32, #tpu.memory_space<vmem>>) target(%dma_start3A_56 : memref<80x128xf32, #tpu.memory_space<vmem_shared>>) target_semaphore(%arg20 : memref<!tpu.dma_semaphore, #tpu.memory_space<semaphore_mem>>)
    %mul3A_57 = arith.constant 640 : i32
    %mul3A_58 = arith.muli %arg1, %mul3A_57 : i32
    %add3A_59 = arith.constant 80 : i32
    %add3A_60 = arith.addi %mul3A_58, %add3A_59 : i32
    %dma_start3A_61 = arith.constant 0 : i32
    %dma_start3A_62 = tpu.memref_slice %arg10[%add3A_60, %dma_start3A_61] : memref<10240x128xf32, #tpu.memory_space<vmem_shared>> -> memref<80x128xf32, #tpu.memory_space<vmem_shared>>
    %dma_start3A_63 = arith.constant 0 : i32
    %dma_start3A_64 = tpu.memref_slice %arg10[%add3A_60, %dma_start3A_63] : memref<10240x128xf32, #tpu.memory_space<vmem_shared>> -> memref<80x128xf32, #tpu.memory_space<vmem_shared>>
    tpu.enqueue_dma source(%arg9 : memref<80x128xf32, #tpu.memory_space<vmem>>) target(%dma_start3A_64 : memref<80x128xf32, #tpu.memory_space<vmem_shared>>) target_semaphore(%arg20 : memref<!tpu.dma_semaphore, #tpu.memory_space<semaphore_mem>>)
    %mul3A_65 = arith.constant 640 : i32
    %mul3A_66 = arith.muli %arg1, %mul3A_65 : i32
    %add3A_67 = arith.constant 160 : i32
    %add3A_68 = arith.addi %mul3A_66, %add3A_67 : i32
    %dma_start3A_69 = arith.constant 0 : i32
    %dma_start3A_70 = tpu.memref_slice %arg10[%add3A_68, %dma_start3A_69] : memref<10240x128xf32, #tpu.memory_space<vmem_shared>> -> memref<80x128xf32, #tpu.memory_space<vmem_shared>>
    %dma_start3A_71 = arith.constant 0 : i32
    %dma_start3A_72 = tpu.memref_slice %arg10[%add3A_68, %dma_start3A_71] : memref<10240x128xf32, #tpu.memory_space<vmem_shared>> -> memref<80x128xf32, #tpu.memory_space<vmem_shared>>
    tpu.enqueue_dma source(%arg9 : memref<80x128xf32, #tpu.memory_space<vmem>>) target(%dma_start3A_72 : memref<80x128xf32, #tpu.memory_space<vmem_shared>>) target_semaphore(%arg20 : memref<!tpu.dma_semaphore, #tpu.memory_space<semaphore_mem>>)
    %mul3A_73 = arith.constant 640 : i32
    %mul3A_74 = arith.muli %arg1, %mul3A_73 : i32
    %add3A_75 = arith.constant 240 : i32
    %add3A_76 = arith.addi %mul3A_74, %add3A_75 : i32
    %dma_start3A_77 = arith.constant 0 : i32
    %dma_start3A_78 = tpu.memref_slice %arg10[%add3A_76, %dma_start3A_77] : memref<10240x128xf32, #tpu.memory_space<vmem_shared>> -> memref<80x128xf32, #tpu.memory_space<vmem_shared>>
    %dma_start3A_79 = arith.constant 0 : i32
    %dma_start3A_80 = tpu.memref_slice %arg10[%add3A_76, %dma_start3A_79] : memref<10240x128xf32, #tpu.memory_space<vmem_shared>> -> memref<80x128xf32, #tpu.memory_space<vmem_shared>>
    tpu.enqueue_dma source(%arg9 : memref<80x128xf32, #tpu.memory_space<vmem>>) target(%dma_start3A_80 : memref<80x128xf32, #tpu.memory_space<vmem_shared>>) target_semaphore(%arg20 : memref<!tpu.dma_semaphore, #tpu.memory_space<semaphore_mem>>)
    %mul3A_81 = arith.constant 640 : i32
    %mul3A_82 = arith.muli %arg1, %mul3A_81 : i32
    %add3A_83 = arith.constant 320 : i32
    %add3A_84 = arith.addi %mul3A_82, %add3A_83 : i32
    %dma_start3A_85 = arith.constant 0 : i32
    %dma_start3A_86 = tpu.memref_slice %arg10[%add3A_84, %dma_start3A_85] : memref<10240x128xf32, #tpu.memory_space<vmem_shared>> -> memref<80x128xf32, #tpu.memory_space<vmem_shared>>
    %dma_start3A_87 = arith.constant 0 : i32
    %dma_start3A_88 = tpu.memref_slice %arg10[%add3A_84, %dma_start3A_87] : memref<10240x128xf32, #tpu.memory_space<vmem_shared>> -> memref<80x128xf32, #tpu.memory_space<vmem_shared>>
    tpu.enqueue_dma source(%arg9 : memref<80x128xf32, #tpu.memory_space<vmem>>) target(%dma_start3A_88 : memref<80x128xf32, #tpu.memory_space<vmem_shared>>) target_semaphore(%arg20 : memref<!tpu.dma_semaphore, #tpu.memory_space<semaphore_mem>>)
    %mul3A_89 = arith.constant 640 : i32
    %mul3A_90 = arith.muli %arg1, %mul3A_89 : i32
    %add3A_91 = arith.constant 400 : i32
    %add3A_92 = arith.addi %mul3A_90, %add3A_91 : i32
    %dma_start3A_93 = arith.constant 0 : i32
    %dma_start3A_94 = tpu.memref_slice %arg10[%add3A_92, %dma_start3A_93] : memref<10240x128xf32, #tpu.memory_space<vmem_shared>> -> memref<80x128xf32, #tpu.memory_space<vmem_shared>>
    %dma_start3A_95 = arith.constant 0 : i32
    %dma_start3A_96 = tpu.memref_slice %arg10[%add3A_92, %dma_start3A_95] : memref<10240x128xf32, #tpu.memory_space<vmem_shared>> -> memref<80x128xf32, #tpu.memory_space<vmem_shared>>
    tpu.enqueue_dma source(%arg9 : memref<80x128xf32, #tpu.memory_space<vmem>>) target(%dma_start3A_96 : memref<80x128xf32, #tpu.memory_space<vmem_shared>>) target_semaphore(%arg20 : memref<!tpu.dma_semaphore, #tpu.memory_space<semaphore_mem>>)
    %mul3A_97 = arith.constant 640 : i32
    %mul3A_98 = arith.muli %arg1, %mul3A_97 : i32
    %add3A_99 = arith.constant 480 : i32
    %add3A_100 = arith.addi %mul3A_98, %add3A_99 : i32
    %dma_start3A_101 = arith.constant 0 : i32
    %dma_start3A_102 = tpu.memref_slice %arg10[%add3A_100, %dma_start3A_101] : memref<10240x128xf32, #tpu.memory_space<vmem_shared>> -> memref<80x128xf32, #tpu.memory_space<vmem_shared>>
    %dma_start3A_103 = arith.constant 0 : i32
    %dma_start3A_104 = tpu.memref_slice %arg10[%add3A_100, %dma_start3A_103] : memref<10240x128xf32, #tpu.memory_space<vmem_shared>> -> memref<80x128xf32, #tpu.memory_space<vmem_shared>>
    tpu.enqueue_dma source(%arg9 : memref<80x128xf32, #tpu.memory_space<vmem>>) target(%dma_start3A_104 : memref<80x128xf32, #tpu.memory_space<vmem_shared>>) target_semaphore(%arg20 : memref<!tpu.dma_semaphore, #tpu.memory_space<semaphore_mem>>)
    %mul3A_105 = arith.constant 640 : i32
    %mul3A_106 = arith.muli %arg1, %mul3A_105 : i32
    %add3A_107 = arith.constant 560 : i32
    %add3A_108 = arith.addi %mul3A_106, %add3A_107 : i32
    %dma_start3A_109 = arith.constant 0 : i32
    %dma_start3A_110 = tpu.memref_slice %arg10[%add3A_108, %dma_start3A_109] : memref<10240x128xf32, #tpu.memory_space<vmem_shared>> -> memref<80x128xf32, #tpu.memory_space<vmem_shared>>
    %dma_start3A_111 = arith.constant 0 : i32
    %dma_start3A_112 = tpu.memref_slice %arg10[%add3A_108, %dma_start3A_111] : memref<10240x128xf32, #tpu.memory_space<vmem_shared>> -> memref<80x128xf32, #tpu.memory_space<vmem_shared>>
    tpu.enqueue_dma source(%arg9 : memref<80x128xf32, #tpu.memory_space<vmem>>) target(%dma_start3A_112 : memref<80x128xf32, #tpu.memory_space<vmem_shared>>) target_semaphore(%arg20 : memref<!tpu.dma_semaphore, #tpu.memory_space<semaphore_mem>>)
    %dma_wait3A = arith.constant 0 : i32
    %dma_wait3A_113 = arith.constant 0 : i32
    %dma_wait3A_114 = tpu.memref_slice %arg2[%dma_wait3A, %dma_wait3A_113] : memref<10240x128xf32, #tpu.memory_space<hbm>> -> memref<80x128xf32, #tpu.memory_space<hbm>>
    %dma_wait3A_115 = arith.constant 0 : i32
    %dma_wait3A_116 = arith.constant 0 : i32
    %dma_wait3A_117 = tpu.memref_slice %arg2[%dma_wait3A_115, %dma_wait3A_116] : memref<10240x128xf32, #tpu.memory_space<hbm>> -> memref<80x128xf32, #tpu.memory_space<hbm>>
    tpu.wait_dma2 semaphore(%arg20 : memref<!tpu.dma_semaphore, #tpu.memory_space<semaphore_mem>>) src(%dma_wait3A_117 : memref<80x128xf32, #tpu.memory_space<hbm>>) dst(%arg9 : memref<80x128xf32, #tpu.memory_space<vmem>>)
    %dma_wait3A_118 = arith.constant 0 : i32
    %dma_wait3A_119 = arith.constant 0 : i32
    %dma_wait3A_120 = tpu.memref_slice %arg2[%dma_wait3A_118, %dma_wait3A_119] : memref<10240x128xf32, #tpu.memory_space<hbm>> -> memref<80x128xf32, #tpu.memory_space<hbm>>
    %dma_wait3A_121 = arith.constant 0 : i32
    %dma_wait3A_122 = arith.constant 0 : i32
    %dma_wait3A_123 = tpu.memref_slice %arg2[%dma_wait3A_121, %dma_wait3A_122] : memref<10240x128xf32, #tpu.memory_space<hbm>> -> memref<80x128xf32, #tpu.memory_space<hbm>>
    tpu.wait_dma2 semaphore(%arg20 : memref<!tpu.dma_semaphore, #tpu.memory_space<semaphore_mem>>) src(%dma_wait3A_123 : memref<80x128xf32, #tpu.memory_space<hbm>>) dst(%arg9 : memref<80x128xf32, #tpu.memory_space<vmem>>)
    %dma_wait3A_124 = arith.constant 0 : i32
    %dma_wait3A_125 = arith.constant 0 : i32
    %dma_wait3A_126 = tpu.memref_slice %arg2[%dma_wait3A_124, %dma_wait3A_125] : memref<10240x128xf32, #tpu.memory_space<hbm>> -> memref<80x128xf32, #tpu.memory_space<hbm>>
    %dma_wait3A_127 = arith.constant 0 : i32
    %dma_wait3A_128 = arith.constant 0 : i32
    %dma_wait3A_129 = tpu.memref_slice %arg2[%dma_wait3A_127, %dma_wait3A_128] : memref<10240x128xf32, #tpu.memory_space<hbm>> -> memref<80x128xf32, #tpu.memory_space<hbm>>
    tpu.wait_dma2 semaphore(%arg20 : memref<!tpu.dma_semaphore, #tpu.memory_space<semaphore_mem>>) src(%dma_wait3A_129 : memref<80x128xf32, #tpu.memory_space<hbm>>) dst(%arg9 : memref<80x128xf32, #tpu.memory_space<vmem>>)
    %dma_wait3A_130 = arith.constant 0 : i32
    %dma_wait3A_131 = arith.constant 0 : i32
    %dma_wait3A_132 = tpu.memref_slice %arg2[%dma_wait3A_130, %dma_wait3A_131] : memref<10240x128xf32, #tpu.memory_space<hbm>> -> memref<80x128xf32, #tpu.memory_space<hbm>>
    %dma_wait3A_133 = arith.constant 0 : i32
    %dma_wait3A_134 = arith.constant 0 : i32
    %dma_wait3A_135 = tpu.memref_slice %arg2[%dma_wait3A_133, %dma_wait3A_134] : memref<10240x128xf32, #tpu.memory_space<hbm>> -> memref<80x128xf32, #tpu.memory_space<hbm>>
    tpu.wait_dma2 semaphore(%arg20 : memref<!tpu.dma_semaphore, #tpu.memory_space<semaphore_mem>>) src(%dma_wait3A_135 : memref<80x128xf32, #tpu.memory_space<hbm>>) dst(%arg9 : memref<80x128xf32, #tpu.memory_space<vmem>>)
    %dma_wait3A_136 = arith.constant 0 : i32
    %dma_wait3A_137 = arith.constant 0 : i32
    %dma_wait3A_138 = tpu.memref_slice %arg2[%dma_wait3A_136, %dma_wait3A_137] : memref<10240x128xf32, #tpu.memory_space<hbm>> -> memref<80x128xf32, #tpu.memory_space<hbm>>
    %dma_wait3A_139 = arith.constant 0 : i32
    %dma_wait3A_140 = arith.constant 0 : i32
    %dma_wait3A_141 = tpu.memref_slice %arg2[%dma_wait3A_139, %dma_wait3A_140] : memref<10240x128xf32, #tpu.memory_space<hbm>> -> memref<80x128xf32, #tpu.memory_space<hbm>>
    tpu.wait_dma2 semaphore(%arg20 : memref<!tpu.dma_semaphore, #tpu.memory_space<semaphore_mem>>) src(%dma_wait3A_141 : memref<80x128xf32, #tpu.memory_space<hbm>>) dst(%arg9 : memref<80x128xf32, #tpu.memory_space<vmem>>)
    %dma_wait3A_142 = arith.constant 0 : i32
    %dma_wait3A_143 = arith.constant 0 : i32
    %dma_wait3A_144 = tpu.memref_slice %arg2[%dma_wait3A_142, %dma_wait3A_143] : memref<10240x128xf32, #tpu.memory_space<hbm>> -> memref<80x128xf32, #tpu.memory_space<hbm>>
    %dma_wait3A_145 = arith.constant 0 : i32
    %dma_wait3A_146 = arith.constant 0 : i32
    %dma_wait3A_147 = tpu.memref_slice %arg2[%dma_wait3A_145, %dma_wait3A_146] : memref<10240x128xf32, #tpu.memory_space<hbm>> -> memref<80x128xf32, #tpu.memory_space<hbm>>
    tpu.wait_dma2 semaphore(%arg20 : memref<!tpu.dma_semaphore, #tpu.memory_space<semaphore_mem>>) src(%dma_wait3A_147 : memref<80x128xf32, #tpu.memory_space<hbm>>) dst(%arg9 : memref<80x128xf32, #tpu.memory_space<vmem>>)
    %dma_wait3A_148 = arith.constant 0 : i32
    %dma_wait3A_149 = arith.constant 0 : i32
    %dma_wait3A_150 = tpu.memref_slice %arg2[%dma_wait3A_148, %dma_wait3A_149] : memref<10240x128xf32, #tpu.memory_space<hbm>> -> memref<80x128xf32, #tpu.memory_space<hbm>>
    %dma_wait3A_151 = arith.constant 0 : i32
    %dma_wait3A_152 = arith.constant 0 : i32
    %dma_wait3A_153 = tpu.memref_slice %arg2[%dma_wait3A_151, %dma_wait3A_152] : memref<10240x128xf32, #tpu.memory_space<hbm>> -> memref<80x128xf32, #tpu.memory_space<hbm>>
    tpu.wait_dma2 semaphore(%arg20 : memref<!tpu.dma_semaphore, #tpu.memory_space<semaphore_mem>>) src(%dma_wait3A_153 : memref<80x128xf32, #tpu.memory_space<hbm>>) dst(%arg9 : memref<80x128xf32, #tpu.memory_space<vmem>>)
    %dma_wait3A_154 = arith.constant 0 : i32
    %dma_wait3A_155 = arith.constant 0 : i32
    %dma_wait3A_156 = tpu.memref_slice %arg2[%dma_wait3A_154, %dma_wait3A_155] : memref<10240x128xf32, #tpu.memory_space<hbm>> -> memref<80x128xf32, #tpu.memory_space<hbm>>
    %dma_wait3A_157 = arith.constant 0 : i32
    %dma_wait3A_158 = arith.constant 0 : i32
    %dma_wait3A_159 = tpu.memref_slice %arg2[%dma_wait3A_157, %dma_wait3A_158] : memref<10240x128xf32, #tpu.memory_space<hbm>> -> memref<80x128xf32, #tpu.memory_space<hbm>>
    tpu.wait_dma2 semaphore(%arg20 : memref<!tpu.dma_semaphore, #tpu.memory_space<semaphore_mem>>) src(%dma_wait3A_159 : memref<80x128xf32, #tpu.memory_space<hbm>>) dst(%arg9 : memref<80x128xf32, #tpu.memory_space<vmem>>)
    %dma_start3A_160 = arith.constant 1 : i32
    %dma_start3A_161 = arith.constant 2 : i32
    %dma_start3A_162 = arith.constant 2 : i32
    %dma_start3A_163 = arith.constant 0 : i32
    %dma_start3A_164 = tpu.memref_slice %arg6[%dma_start3A_162, %dma_start3A_163] : memref<3x80xi32, #tpu.memory_space<vmem>> -> memref<1x80xi32, #tpu.memory_space<vmem>>
    %dma_start3A_165 = tpu.memref_squeeze %dma_start3A_164 : memref<1x80xi32, #tpu.memory_space<vmem>> -> memref<80xi32, #tpu.memory_space<vmem>>
    %dma_start3A_166 = arith.constant 0 : i32
    %dma_start3A_167 = tpu.memref_slice %arg3[%dma_start3A_160, %add3A, %dma_start3A_161, %dma_start3A_166] : memref<2x32x125x80xi32, #tpu.memory_space<hbm>> -> memref<1x1x1x80xi32, #tpu.memory_space<hbm>>
    %dma_start3A_168 = tpu.memref_squeeze %dma_start3A_167 : memref<1x1x1x80xi32, #tpu.memory_space<hbm>> -> memref<80xi32, #tpu.memory_space<hbm>>
    %dma_start3A_169 = arith.constant 0 : i32
    %dma_start3A_170 = tpu.memref_slice %arg6[%dma_start3A_162, %dma_start3A_169] : memref<3x80xi32, #tpu.memory_space<vmem>> -> memref<1x80xi32, #tpu.memory_space<vmem>>
    %dma_start3A_171 = tpu.memref_squeeze %dma_start3A_170 : memref<1x80xi32, #tpu.memory_space<vmem>> -> memref<80xi32, #tpu.memory_space<vmem>>
    %dma_start3A_172 = arith.constant 0 : i32
    %dma_start3A_173 = tpu.memref_slice %arg3[%dma_start3A_160, %add3A, %dma_start3A_161, %dma_start3A_172] : memref<2x32x125x80xi32, #tpu.memory_space<hbm>> -> memref<1x1x1x80xi32, #tpu.memory_space<hbm>>
    %dma_start3A_174 = tpu.memref_squeeze %dma_start3A_173 : memref<1x1x1x80xi32, #tpu.memory_space<hbm>> -> memref<80xi32, #tpu.memory_space<hbm>>
    tpu.enqueue_dma source(%dma_start3A_174 : memref<80xi32, #tpu.memory_space<hbm>>) target(%dma_start3A_171 : memref<80xi32, #tpu.memory_space<vmem>>) target_semaphore(%arg19 : memref<!tpu.dma_semaphore, #tpu.memory_space<semaphore_mem>>)
    %dma_start3A_175 = arith.constant 2 : i32
    %dma_start3A_176 = arith.constant 0 : i32
    %dma_start3A_177 = tpu.memref_slice %arg5[%dma_start3A_175, %dma_start3A_176] : memref<125x80xi32, #tpu.memory_space<vmem>> -> memref<1x80xi32, #tpu.memory_space<vmem>>
    %dma_start3A_178 = tpu.memref_squeeze %dma_start3A_177 : memref<1x80xi32, #tpu.memory_space<vmem>> -> memref<80xi32, #tpu.memory_space<vmem>>
    %dma_start3A_179 = arith.constant 0 : i32
    %dma_start3A_180 = arith.constant 0 : i32
    %dma_start3A_181 = tpu.memref_slice %arg2[%dma_start3A_179, %dma_start3A_180] : memref<10240x128xf32, #tpu.memory_space<hbm>> -> memref<10240x128xf32, #tpu.memory_space<hbm>>
    tpu.enqueue_indirect_dma source(%dma_start3A_181 : memref<10240x128xf32, #tpu.memory_space<hbm>>) target(%arg9 : memref<80x128xf32, #tpu.memory_space<vmem>>) offsets(%dma_start3A_178 : memref<80xi32, #tpu.memory_space<vmem>>) semaphore(%arg13 : memref<!tpu.dma_semaphore, #tpu.memory_space<semaphore_mem>>)
    %barrier3A = arith.constant 0 : index
    tpu.barrier barrier_id(%barrier3A)
    %scan3A_182 = arith.constant 0 : i32
    %scan3A_183 = arith.constant 41 : i32
    %scan3A_184 = arith.addi %scan3A_182, %scan3A_183 : i32
    %scan3A_185 = arith.constant 1 : i32
    scf.for %scan3A_281 = %scan3A_182 to %scan3A_184 step %scan3A_185  : i32 {
      %mul3A_282 = arith.constant 3 : i32
      %mul3A_283 = arith.muli %scan3A_281, %mul3A_282 : i32
      %add3A_284 = arith.constant 0 : i32
      %add3A_285 = arith.addi %add3A_284, %mul3A_283 : i32
      %dma_wait3A_286 = arith.constant 0 : i32
      %dma_wait3A_287 = arith.constant 0 : i32
      %dma_wait3A_288 = tpu.memref_slice %arg2[%dma_wait3A_286, %dma_wait3A_287] : memref<10240x128xf32, #tpu.memory_space<hbm>> -> memref<80x128xf32, #tpu.memory_space<hbm>>
      %dma_wait3A_289 = arith.constant 0 : i32
      %dma_wait3A_290 = arith.constant 0 : i32
      %dma_wait3A_291 = tpu.memref_slice %arg2[%dma_wait3A_289, %dma_wait3A_290] : memref<10240x128xf32, #tpu.memory_space<hbm>> -> memref<80x128xf32, #tpu.memory_space<hbm>>
      tpu.wait_dma2 semaphore(%arg11 : memref<!tpu.dma_semaphore, #tpu.memory_space<semaphore_mem>>) src(%dma_wait3A_291 : memref<80x128xf32, #tpu.memory_space<hbm>>) dst(%arg7 : memref<80x128xf32, #tpu.memory_space<vmem>>)
      %dma_wait3A_292 = arith.constant 1 : i32
      %dma_wait3A_293 = arith.constant 0 : i32
      %dma_wait3A_294 = arith.constant 0 : i32
      %dma_wait3A_295 = arith.constant 0 : i32
      %dma_wait3A_296 = tpu.memref_slice %arg6[%dma_wait3A_294, %dma_wait3A_295] : memref<3x80xi32, #tpu.memory_space<vmem>> -> memref<1x80xi32, #tpu.memory_space<vmem>>
      %dma_wait3A_297 = tpu.memref_squeeze %dma_wait3A_296 : memref<1x80xi32, #tpu.memory_space<vmem>> -> memref<80xi32, #tpu.memory_space<vmem>>
      %dma_wait3A_298 = arith.constant 0 : i32
      %dma_wait3A_299 = tpu.memref_slice %arg3[%dma_wait3A_292, %add3A, %dma_wait3A_293, %dma_wait3A_298] : memref<2x32x125x80xi32, #tpu.memory_space<hbm>> -> memref<1x1x1x80xi32, #tpu.memory_space<hbm>>
      %dma_wait3A_300 = tpu.memref_squeeze %dma_wait3A_299 : memref<1x1x1x80xi32, #tpu.memory_space<hbm>> -> memref<80xi32, #tpu.memory_space<hbm>>
      %dma_wait3A_301 = arith.constant 0 : i32
      %dma_wait3A_302 = tpu.memref_slice %arg6[%dma_wait3A_294, %dma_wait3A_301] : memref<3x80xi32, #tpu.memory_space<vmem>> -> memref<1x80xi32, #tpu.memory_space<vmem>>
      %dma_wait3A_303 = tpu.memref_squeeze %dma_wait3A_302 : memref<1x80xi32, #tpu.memory_space<vmem>> -> memref<80xi32, #tpu.memory_space<vmem>>
      %dma_wait3A_304 = arith.constant 0 : i32
      %dma_wait3A_305 = tpu.memref_slice %arg3[%dma_wait3A_292, %add3A, %dma_wait3A_293, %dma_wait3A_304] : memref<2x32x125x80xi32, #tpu.memory_space<hbm>> -> memref<1x1x1x80xi32, #tpu.memory_space<hbm>>
      %dma_wait3A_306 = tpu.memref_squeeze %dma_wait3A_305 : memref<1x1x1x80xi32, #tpu.memory_space<hbm>> -> memref<80xi32, #tpu.memory_space<hbm>>
      tpu.wait_dma2 semaphore(%arg17 : memref<!tpu.dma_semaphore, #tpu.memory_space<semaphore_mem>>) src(%dma_wait3A_306 : memref<80xi32, #tpu.memory_space<hbm>>) dst(%dma_wait3A_303 : memref<80xi32, #tpu.memory_space<vmem>>)
      %dma_start3A_307 = arith.constant 0 : i32
      %dma_start3A_308 = arith.constant 0 : i32
      %dma_start3A_309 = tpu.memref_slice %arg6[%dma_start3A_307, %dma_start3A_308] : memref<3x80xi32, #tpu.memory_space<vmem>> -> memref<1x80xi32, #tpu.memory_space<vmem>>
      %dma_start3A_310 = tpu.memref_squeeze %dma_start3A_309 : memref<1x80xi32, #tpu.memory_space<vmem>> -> memref<80xi32, #tpu.memory_space<vmem>>
      %dma_start3A_311 = arith.constant 0 : i32
      %dma_start3A_312 = arith.constant 0 : i32
      %dma_start3A_313 = tpu.memref_slice %arg10[%dma_start3A_311, %dma_start3A_312] : memref<10240x128xf32, #tpu.memory_space<vmem_shared>> -> memref<10240x128xf32, #tpu.memory_space<vmem_shared>>
      tpu.enqueue_indirect_dma source(%arg7 : memref<80x128xf32, #tpu.memory_space<vmem>>) target(%dma_start3A_313 : memref<10240x128xf32, #tpu.memory_space<vmem_shared>>) offsets(%dma_start3A_310 : memref<80xi32, #tpu.memory_space<vmem>>) semaphore(%arg14 : memref<!tpu.dma_semaphore, #tpu.memory_space<semaphore_mem>>) {add = true}
      %dma_wait3A_314 = arith.constant 0 : i32
      %dma_wait3A_315 = arith.constant 0 : i32
      %dma_wait3A_316 = tpu.memref_slice %arg2[%dma_wait3A_314, %dma_wait3A_315] : memref<10240x128xf32, #tpu.memory_space<hbm>> -> memref<80x128xf32, #tpu.memory_space<hbm>>
      %dma_wait3A_317 = arith.constant 0 : i32
      %dma_wait3A_318 = arith.constant 0 : i32
      %dma_wait3A_319 = tpu.memref_slice %arg2[%dma_wait3A_317, %dma_wait3A_318] : memref<10240x128xf32, #tpu.memory_space<hbm>> -> memref<80x128xf32, #tpu.memory_space<hbm>>
      tpu.wait_dma2 semaphore(%arg12 : memref<!tpu.dma_semaphore, #tpu.memory_space<semaphore_mem>>) src(%dma_wait3A_319 : memref<80x128xf32, #tpu.memory_space<hbm>>) dst(%arg8 : memref<80x128xf32, #tpu.memory_space<vmem>>)
      %dma_wait3A_320 = arith.constant 1 : i32
      %dma_wait3A_321 = arith.constant 0 : i32
      %dma_wait3A_322 = arith.constant 1 : i32
      %dma_wait3A_323 = arith.constant 0 : i32
      %dma_wait3A_324 = tpu.memref_slice %arg6[%dma_wait3A_322, %dma_wait3A_323] : memref<3x80xi32, #tpu.memory_space<vmem>> -> memref<1x80xi32, #tpu.memory_space<vmem>>
      %dma_wait3A_325 = tpu.memref_squeeze %dma_wait3A_324 : memref<1x80xi32, #tpu.memory_space<vmem>> -> memref<80xi32, #tpu.memory_space<vmem>>
      %dma_wait3A_326 = arith.constant 0 : i32
      %dma_wait3A_327 = tpu.memref_slice %arg3[%dma_wait3A_320, %add3A, %dma_wait3A_321, %dma_wait3A_326] : memref<2x32x125x80xi32, #tpu.memory_space<hbm>> -> memref<1x1x1x80xi32, #tpu.memory_space<hbm>>
      %dma_wait3A_328 = tpu.memref_squeeze %dma_wait3A_327 : memref<1x1x1x80xi32, #tpu.memory_space<hbm>> -> memref<80xi32, #tpu.memory_space<hbm>>
      %dma_wait3A_329 = arith.constant 0 : i32
      %dma_wait3A_330 = tpu.memref_slice %arg6[%dma_wait3A_322, %dma_wait3A_329] : memref<3x80xi32, #tpu.memory_space<vmem>> -> memref<1x80xi32, #tpu.memory_space<vmem>>
      %dma_wait3A_331 = tpu.memref_squeeze %dma_wait3A_330 : memref<1x80xi32, #tpu.memory_space<vmem>> -> memref<80xi32, #tpu.memory_space<vmem>>
      %dma_wait3A_332 = arith.constant 0 : i32
      %dma_wait3A_333 = tpu.memref_slice %arg3[%dma_wait3A_320, %add3A, %dma_wait3A_321, %dma_wait3A_332] : memref<2x32x125x80xi32, #tpu.memory_space<hbm>> -> memref<1x1x1x80xi32, #tpu.memory_space<hbm>>
      %dma_wait3A_334 = tpu.memref_squeeze %dma_wait3A_333 : memref<1x1x1x80xi32, #tpu.memory_space<hbm>> -> memref<80xi32, #tpu.memory_space<hbm>>
      tpu.wait_dma2 semaphore(%arg18 : memref<!tpu.dma_semaphore, #tpu.memory_space<semaphore_mem>>) src(%dma_wait3A_334 : memref<80xi32, #tpu.memory_space<hbm>>) dst(%dma_wait3A_331 : memref<80xi32, #tpu.memory_space<vmem>>)
      %dma_start3A_335 = arith.constant 1 : i32
      %dma_start3A_336 = arith.constant 0 : i32
      %dma_start3A_337 = tpu.memref_slice %arg6[%dma_start3A_335, %dma_start3A_336] : memref<3x80xi32, #tpu.memory_space<vmem>> -> memref<1x80xi32, #tpu.memory_space<vmem>>
      %dma_start3A_338 = tpu.memref_squeeze %dma_start3A_337 : memref<1x80xi32, #tpu.memory_space<vmem>> -> memref<80xi32, #tpu.memory_space<vmem>>
      %dma_start3A_339 = arith.constant 0 : i32
      %dma_start3A_340 = arith.constant 0 : i32
      %dma_start3A_341 = tpu.memref_slice %arg10[%dma_start3A_339, %dma_start3A_340] : memref<10240x128xf32, #tpu.memory_space<vmem_shared>> -> memref<10240x128xf32, #tpu.memory_space<vmem_shared>>
      tpu.enqueue_indirect_dma source(%arg8 : memref<80x128xf32, #tpu.memory_space<vmem>>) target(%dma_start3A_341 : memref<10240x128xf32, #tpu.memory_space<vmem_shared>>) offsets(%dma_start3A_338 : memref<80xi32, #tpu.memory_space<vmem>>) semaphore(%arg15 : memref<!tpu.dma_semaphore, #tpu.memory_space<semaphore_mem>>) {add = true}
      %dma_wait3A_342 = arith.constant 0 : i32
      %dma_wait3A_343 = arith.constant 0 : i32
      %dma_wait3A_344 = tpu.memref_slice %arg2[%dma_wait3A_342, %dma_wait3A_343] : memref<10240x128xf32, #tpu.memory_space<hbm>> -> memref<80x128xf32, #tpu.memory_space<hbm>>
      %dma_wait3A_345 = arith.constant 0 : i32
      %dma_wait3A_346 = arith.constant 0 : i32
      %dma_wait3A_347 = tpu.memref_slice %arg2[%dma_wait3A_345, %dma_wait3A_346] : memref<10240x128xf32, #tpu.memory_space<hbm>> -> memref<80x128xf32, #tpu.memory_space<hbm>>
      tpu.wait_dma2 semaphore(%arg13 : memref<!tpu.dma_semaphore, #tpu.memory_space<semaphore_mem>>) src(%dma_wait3A_347 : memref<80x128xf32, #tpu.memory_space<hbm>>) dst(%arg9 : memref<80x128xf32, #tpu.memory_space<vmem>>)
      %dma_wait3A_348 = arith.constant 1 : i32
      %dma_wait3A_349 = arith.constant 0 : i32
      %dma_wait3A_350 = arith.constant 2 : i32
      %dma_wait3A_351 = arith.constant 0 : i32
      %dma_wait3A_352 = tpu.memref_slice %arg6[%dma_wait3A_350, %dma_wait3A_351] : memref<3x80xi32, #tpu.memory_space<vmem>> -> memref<1x80xi32, #tpu.memory_space<vmem>>
      %dma_wait3A_353 = tpu.memref_squeeze %dma_wait3A_352 : memref<1x80xi32, #tpu.memory_space<vmem>> -> memref<80xi32, #tpu.memory_space<vmem>>
      %dma_wait3A_354 = arith.constant 0 : i32
      %dma_wait3A_355 = tpu.memref_slice %arg3[%dma_wait3A_348, %add3A, %dma_wait3A_349, %dma_wait3A_354] : memref<2x32x125x80xi32, #tpu.memory_space<hbm>> -> memref<1x1x1x80xi32, #tpu.memory_space<hbm>>
      %dma_wait3A_356 = tpu.memref_squeeze %dma_wait3A_355 : memref<1x1x1x80xi32, #tpu.memory_space<hbm>> -> memref<80xi32, #tpu.memory_space<hbm>>
      %dma_wait3A_357 = arith.constant 0 : i32
      %dma_wait3A_358 = tpu.memref_slice %arg6[%dma_wait3A_350, %dma_wait3A_357] : memref<3x80xi32, #tpu.memory_space<vmem>> -> memref<1x80xi32, #tpu.memory_space<vmem>>
      %dma_wait3A_359 = tpu.memref_squeeze %dma_wait3A_358 : memref<1x80xi32, #tpu.memory_space<vmem>> -> memref<80xi32, #tpu.memory_space<vmem>>
      %dma_wait3A_360 = arith.constant 0 : i32
      %dma_wait3A_361 = tpu.memref_slice %arg3[%dma_wait3A_348, %add3A, %dma_wait3A_349, %dma_wait3A_360] : memref<2x32x125x80xi32, #tpu.memory_space<hbm>> -> memref<1x1x1x80xi32, #tpu.memory_space<hbm>>
      %dma_wait3A_362 = tpu.memref_squeeze %dma_wait3A_361 : memref<1x1x1x80xi32, #tpu.memory_space<hbm>> -> memref<80xi32, #tpu.memory_space<hbm>>
      tpu.wait_dma2 semaphore(%arg19 : memref<!tpu.dma_semaphore, #tpu.memory_space<semaphore_mem>>) src(%dma_wait3A_362 : memref<80xi32, #tpu.memory_space<hbm>>) dst(%dma_wait3A_359 : memref<80xi32, #tpu.memory_space<vmem>>)
      %dma_start3A_363 = arith.constant 2 : i32
      %dma_start3A_364 = arith.constant 0 : i32
      %dma_start3A_365 = tpu.memref_slice %arg6[%dma_start3A_363, %dma_start3A_364] : memref<3x80xi32, #tpu.memory_space<vmem>> -> memref<1x80xi32, #tpu.memory_space<vmem>>
      %dma_start3A_366 = tpu.memref_squeeze %dma_start3A_365 : memref<1x80xi32, #tpu.memory_space<vmem>> -> memref<80xi32, #tpu.memory_space<vmem>>
      %dma_start3A_367 = arith.constant 0 : i32
      %dma_start3A_368 = arith.constant 0 : i32
      %dma_start3A_369 = tpu.memref_slice %arg10[%dma_start3A_367, %dma_start3A_368] : memref<10240x128xf32, #tpu.memory_space<vmem_shared>> -> memref<10240x128xf32, #tpu.memory_space<vmem_shared>>
      tpu.enqueue_indirect_dma source(%arg9 : memref<80x128xf32, #tpu.memory_space<vmem>>) target(%dma_start3A_369 : memref<10240x128xf32, #tpu.memory_space<vmem_shared>>) offsets(%dma_start3A_366 : memref<80xi32, #tpu.memory_space<vmem>>) semaphore(%arg16 : memref<!tpu.dma_semaphore, #tpu.memory_space<semaphore_mem>>) {add = true}
      %dma_wait3A_370 = arith.constant 0 : i32
      %dma_wait3A_371 = arith.constant 0 : i32
      %dma_wait3A_372 = tpu.memref_slice %arg2[%dma_wait3A_370, %dma_wait3A_371] : memref<10240x128xf32, #tpu.memory_space<hbm>> -> memref<80x128xf32, #tpu.memory_space<hbm>>
      %dma_wait3A_373 = arith.constant 0 : i32
      %dma_wait3A_374 = arith.constant 0 : i32
      %dma_wait3A_375 = tpu.memref_slice %arg2[%dma_wait3A_373, %dma_wait3A_374] : memref<10240x128xf32, #tpu.memory_space<hbm>> -> memref<80x128xf32, #tpu.memory_space<hbm>>
      tpu.wait_dma2 semaphore(%arg14 : memref<!tpu.dma_semaphore, #tpu.memory_space<semaphore_mem>>) src(%dma_wait3A_375 : memref<80x128xf32, #tpu.memory_space<hbm>>) dst(%arg7 : memref<80x128xf32, #tpu.memory_space<vmem>>)
      %add3A_376 = arith.constant 3 : i32
      %add3A_377 = arith.addi %add3A_285, %add3A_376 : i32
      %add3A_378 = arith.constant 0 : i32
      %add3A_379 = arith.addi %add3A_377, %add3A_378 : i32
      %min3A = arith.constant 124 : i32
      %min3A_380 = arith.minsi %add3A_379, %min3A : i32
      %dma_start3A_381 = arith.constant 1 : i32
      %dma_start3A_382 = arith.constant 0 : i32
      %dma_start3A_383 = arith.constant 0 : i32
      %dma_start3A_384 = tpu.memref_slice %arg6[%dma_start3A_382, %dma_start3A_383] : memref<3x80xi32, #tpu.memory_space<vmem>> -> memref<1x80xi32, #tpu.memory_space<vmem>>
      %dma_start3A_385 = tpu.memref_squeeze %dma_start3A_384 : memref<1x80xi32, #tpu.memory_space<vmem>> -> memref<80xi32, #tpu.memory_space<vmem>>
      %dma_start3A_386 = arith.constant 0 : i32
      %dma_start3A_387 = tpu.memref_slice %arg3[%dma_start3A_381, %add3A, %min3A_380, %dma_start3A_386] : memref<2x32x125x80xi32, #tpu.memory_space<hbm>> -> memref<1x1x1x80xi32, #tpu.memory_space<hbm>>
      %dma_start3A_388 = tpu.memref_squeeze %dma_start3A_387 : memref<1x1x1x80xi32, #tpu.memory_space<hbm>> -> memref<80xi32, #tpu.memory_space<hbm>>
      %dma_start3A_389 = arith.constant 0 : i32
      %dma_start3A_390 = tpu.memref_slice %arg6[%dma_start3A_382, %dma_start3A_389] : memref<3x80xi32, #tpu.memory_space<vmem>> -> memref<1x80xi32, #tpu.memory_space<vmem>>
      %dma_start3A_391 = tpu.memref_squeeze %dma_start3A_390 : memref<1x80xi32, #tpu.memory_space<vmem>> -> memref<80xi32, #tpu.memory_space<vmem>>
      %dma_start3A_392 = arith.constant 0 : i32
      %dma_start3A_393 = tpu.memref_slice %arg3[%dma_start3A_381, %add3A, %min3A_380, %dma_start3A_392] : memref<2x32x125x80xi32, #tpu.memory_space<hbm>> -> memref<1x1x1x80xi32, #tpu.memory_space<hbm>>
      %dma_start3A_394 = tpu.memref_squeeze %dma_start3A_393 : memref<1x1x1x80xi32, #tpu.memory_space<hbm>> -> memref<80xi32, #tpu.memory_space<hbm>>
      tpu.enqueue_dma source(%dma_start3A_394 : memref<80xi32, #tpu.memory_space<hbm>>) target(%dma_start3A_391 : memref<80xi32, #tpu.memory_space<vmem>>) target_semaphore(%arg17 : memref<!tpu.dma_semaphore, #tpu.memory_space<semaphore_mem>>)
      %dma_start3A_395 = arith.constant 0 : i32
      %dma_start3A_396 = tpu.memref_slice %arg5[%min3A_380, %dma_start3A_395] : memref<125x80xi32, #tpu.memory_space<vmem>> -> memref<1x80xi32, #tpu.memory_space<vmem>>
      %dma_start3A_397 = tpu.memref_squeeze %dma_start3A_396 : memref<1x80xi32, #tpu.memory_space<vmem>> -> memref<80xi32, #tpu.memory_space<vmem>>
      %dma_start3A_398 = arith.constant 0 : i32
      %dma_start3A_399 = arith.constant 0 : i32
      %dma_start3A_400 = tpu.memref_slice %arg2[%dma_start3A_398, %dma_start3A_399] : memref<10240x128xf32, #tpu.memory_space<hbm>> -> memref<10240x128xf32, #tpu.memory_space<hbm>>
      tpu.enqueue_indirect_dma source(%dma_start3A_400 : memref<10240x128xf32, #tpu.memory_space<hbm>>) target(%arg7 : memref<80x128xf32, #tpu.memory_space<vmem>>) offsets(%dma_start3A_397 : memref<80xi32, #tpu.memory_space<vmem>>) semaphore(%arg11 : memref<!tpu.dma_semaphore, #tpu.memory_space<semaphore_mem>>)
      %dma_wait3A_401 = arith.constant 0 : i32
      %dma_wait3A_402 = arith.constant 0 : i32
      %dma_wait3A_403 = tpu.memref_slice %arg2[%dma_wait3A_401, %dma_wait3A_402] : memref<10240x128xf32, #tpu.memory_space<hbm>> -> memref<80x128xf32, #tpu.memory_space<hbm>>
      %dma_wait3A_404 = arith.constant 0 : i32
      %dma_wait3A_405 = arith.constant 0 : i32
      %dma_wait3A_406 = tpu.memref_slice %arg2[%dma_wait3A_404, %dma_wait3A_405] : memref<10240x128xf32, #tpu.memory_space<hbm>> -> memref<80x128xf32, #tpu.memory_space<hbm>>
      tpu.wait_dma2 semaphore(%arg15 : memref<!tpu.dma_semaphore, #tpu.memory_space<semaphore_mem>>) src(%dma_wait3A_406 : memref<80x128xf32, #tpu.memory_space<hbm>>) dst(%arg8 : memref<80x128xf32, #tpu.memory_space<vmem>>)
      %add3A_407 = arith.constant 3 : i32
      %add3A_408 = arith.addi %add3A_285, %add3A_407 : i32
      %add3A_409 = arith.constant 1 : i32
      %add3A_410 = arith.addi %add3A_408, %add3A_409 : i32
      %min3A_411 = arith.constant 124 : i32
      %min3A_412 = arith.minsi %add3A_410, %min3A_411 : i32
      %dma_start3A_413 = arith.constant 1 : i32
      %dma_start3A_414 = arith.constant 1 : i32
      %dma_start3A_415 = arith.constant 0 : i32
      %dma_start3A_416 = tpu.memref_slice %arg6[%dma_start3A_414, %dma_start3A_415] : memref<3x80xi32, #tpu.memory_space<vmem>> -> memref<1x80xi32, #tpu.memory_space<vmem>>
      %dma_start3A_417 = tpu.memref_squeeze %dma_start3A_416 : memref<1x80xi32, #tpu.memory_space<vmem>> -> memref<80xi32, #tpu.memory_space<vmem>>
      %dma_start3A_418 = arith.constant 0 : i32
      %dma_start3A_419 = tpu.memref_slice %arg3[%dma_start3A_413, %add3A, %min3A_412, %dma_start3A_418] : memref<2x32x125x80xi32, #tpu.memory_space<hbm>> -> memref<1x1x1x80xi32, #tpu.memory_space<hbm>>
      %dma_start3A_420 = tpu.memref_squeeze %dma_start3A_419 : memref<1x1x1x80xi32, #tpu.memory_space<hbm>> -> memref<80xi32, #tpu.memory_space<hbm>>
      %dma_start3A_421 = arith.constant 0 : i32
      %dma_start3A_422 = tpu.memref_slice %arg6[%dma_start3A_414, %dma_start3A_421] : memref<3x80xi32, #tpu.memory_space<vmem>> -> memref<1x80xi32, #tpu.memory_space<vmem>>
      %dma_start3A_423 = tpu.memref_squeeze %dma_start3A_422 : memref<1x80xi32, #tpu.memory_space<vmem>> -> memref<80xi32, #tpu.memory_space<vmem>>
      %dma_start3A_424 = arith.constant 0 : i32
      %dma_start3A_425 = tpu.memref_slice %arg3[%dma_start3A_413, %add3A, %min3A_412, %dma_start3A_424] : memref<2x32x125x80xi32, #tpu.memory_space<hbm>> -> memref<1x1x1x80xi32, #tpu.memory_space<hbm>>
      %dma_start3A_426 = tpu.memref_squeeze %dma_start3A_425 : memref<1x1x1x80xi32, #tpu.memory_space<hbm>> -> memref<80xi32, #tpu.memory_space<hbm>>
      tpu.enqueue_dma source(%dma_start3A_426 : memref<80xi32, #tpu.memory_space<hbm>>) target(%dma_start3A_423 : memref<80xi32, #tpu.memory_space<vmem>>) target_semaphore(%arg18 : memref<!tpu.dma_semaphore, #tpu.memory_space<semaphore_mem>>)
      %dma_start3A_427 = arith.constant 0 : i32
      %dma_start3A_428 = tpu.memref_slice %arg5[%min3A_412, %dma_start3A_427] : memref<125x80xi32, #tpu.memory_space<vmem>> -> memref<1x80xi32, #tpu.memory_space<vmem>>
      %dma_start3A_429 = tpu.memref_squeeze %dma_start3A_428 : memref<1x80xi32, #tpu.memory_space<vmem>> -> memref<80xi32, #tpu.memory_space<vmem>>
      %dma_start3A_430 = arith.constant 0 : i32
      %dma_start3A_431 = arith.constant 0 : i32
      %dma_start3A_432 = tpu.memref_slice %arg2[%dma_start3A_430, %dma_start3A_431] : memref<10240x128xf32, #tpu.memory_space<hbm>> -> memref<10240x128xf32, #tpu.memory_space<hbm>>
      tpu.enqueue_indirect_dma source(%dma_start3A_432 : memref<10240x128xf32, #tpu.memory_space<hbm>>) target(%arg8 : memref<80x128xf32, #tpu.memory_space<vmem>>) offsets(%dma_start3A_429 : memref<80xi32, #tpu.memory_space<vmem>>) semaphore(%arg12 : memref<!tpu.dma_semaphore, #tpu.memory_space<semaphore_mem>>)
      %dma_wait3A_433 = arith.constant 0 : i32
      %dma_wait3A_434 = arith.constant 0 : i32
      %dma_wait3A_435 = tpu.memref_slice %arg2[%dma_wait3A_433, %dma_wait3A_434] : memref<10240x128xf32, #tpu.memory_space<hbm>> -> memref<80x128xf32, #tpu.memory_space<hbm>>
      %dma_wait3A_436 = arith.constant 0 : i32
      %dma_wait3A_437 = arith.constant 0 : i32
      %dma_wait3A_438 = tpu.memref_slice %arg2[%dma_wait3A_436, %dma_wait3A_437] : memref<10240x128xf32, #tpu.memory_space<hbm>> -> memref<80x128xf32, #tpu.memory_space<hbm>>
      tpu.wait_dma2 semaphore(%arg16 : memref<!tpu.dma_semaphore, #tpu.memory_space<semaphore_mem>>) src(%dma_wait3A_438 : memref<80x128xf32, #tpu.memory_space<hbm>>) dst(%arg9 : memref<80x128xf32, #tpu.memory_space<vmem>>)
      %add3A_439 = arith.constant 3 : i32
      %add3A_440 = arith.addi %add3A_285, %add3A_439 : i32
      %add3A_441 = arith.constant 2 : i32
      %add3A_442 = arith.addi %add3A_440, %add3A_441 : i32
      %min3A_443 = arith.constant 124 : i32
      %min3A_444 = arith.minsi %add3A_442, %min3A_443 : i32
      %dma_start3A_445 = arith.constant 1 : i32
      %dma_start3A_446 = arith.constant 2 : i32
      %dma_start3A_447 = arith.constant 0 : i32
      %dma_start3A_448 = tpu.memref_slice %arg6[%dma_start3A_446, %dma_start3A_447] : memref<3x80xi32, #tpu.memory_space<vmem>> -> memref<1x80xi32, #tpu.memory_space<vmem>>
      %dma_start3A_449 = tpu.memref_squeeze %dma_start3A_448 : memref<1x80xi32, #tpu.memory_space<vmem>> -> memref<80xi32, #tpu.memory_space<vmem>>
      %dma_start3A_450 = arith.constant 0 : i32
      %dma_start3A_451 = tpu.memref_slice %arg3[%dma_start3A_445, %add3A, %min3A_444, %dma_start3A_450] : memref<2x32x125x80xi32, #tpu.memory_space<hbm>> -> memref<1x1x1x80xi32, #tpu.memory_space<hbm>>
      %dma_start3A_452 = tpu.memref_squeeze %dma_start3A_451 : memref<1x1x1x80xi32, #tpu.memory_space<hbm>> -> memref<80xi32, #tpu.memory_space<hbm>>
      %dma_start3A_453 = arith.constant 0 : i32
      %dma_start3A_454 = tpu.memref_slice %arg6[%dma_start3A_446, %dma_start3A_453] : memref<3x80xi32, #tpu.memory_space<vmem>> -> memref<1x80xi32, #tpu.memory_space<vmem>>
      %dma_start3A_455 = tpu.memref_squeeze %dma_start3A_454 : memref<1x80xi32, #tpu.memory_space<vmem>> -> memref<80xi32, #tpu.memory_space<vmem>>
      %dma_start3A_456 = arith.constant 0 : i32
      %dma_start3A_457 = tpu.memref_slice %arg3[%dma_start3A_445, %add3A, %min3A_444, %dma_start3A_456] : memref<2x32x125x80xi32, #tpu.memory_space<hbm>> -> memref<1x1x1x80xi32, #tpu.memory_space<hbm>>
      %dma_start3A_458 = tpu.memref_squeeze %dma_start3A_457 : memref<1x1x1x80xi32, #tpu.memory_space<hbm>> -> memref<80xi32, #tpu.memory_space<hbm>>
      tpu.enqueue_dma source(%dma_start3A_458 : memref<80xi32, #tpu.memory_space<hbm>>) target(%dma_start3A_455 : memref<80xi32, #tpu.memory_space<vmem>>) target_semaphore(%arg19 : memref<!tpu.dma_semaphore, #tpu.memory_space<semaphore_mem>>)
      %dma_start3A_459 = arith.constant 0 : i32
      %dma_start3A_460 = tpu.memref_slice %arg5[%min3A_444, %dma_start3A_459] : memref<125x80xi32, #tpu.memory_space<vmem>> -> memref<1x80xi32, #tpu.memory_space<vmem>>
      %dma_start3A_461 = tpu.memref_squeeze %dma_start3A_460 : memref<1x80xi32, #tpu.memory_space<vmem>> -> memref<80xi32, #tpu.memory_space<vmem>>
      %dma_start3A_462 = arith.constant 0 : i32
      %dma_start3A_463 = arith.constant 0 : i32
      %dma_start3A_464 = tpu.memref_slice %arg2[%dma_start3A_462, %dma_start3A_463] : memref<10240x128xf32, #tpu.memory_space<hbm>> -> memref<10240x128xf32, #tpu.memory_space<hbm>>
      tpu.enqueue_indirect_dma source(%dma_start3A_464 : memref<10240x128xf32, #tpu.memory_space<hbm>>) target(%arg9 : memref<80x128xf32, #tpu.memory_space<vmem>>) offsets(%dma_start3A_461 : memref<80xi32, #tpu.memory_space<vmem>>) semaphore(%arg13 : memref<!tpu.dma_semaphore, #tpu.memory_space<semaphore_mem>>)
    }
    %scan3A_186 = arith.constant 41 : i32
    %dma_wait3A_187 = arith.constant 0 : i32
    %dma_wait3A_188 = arith.constant 0 : i32
    %dma_wait3A_189 = tpu.memref_slice %arg2[%dma_wait3A_187, %dma_wait3A_188] : memref<10240x128xf32, #tpu.memory_space<hbm>> -> memref<80x128xf32, #tpu.memory_space<hbm>>
    %dma_wait3A_190 = arith.constant 0 : i32
    %dma_wait3A_191 = arith.constant 0 : i32
    %dma_wait3A_192 = tpu.memref_slice %arg2[%dma_wait3A_190, %dma_wait3A_191] : memref<10240x128xf32, #tpu.memory_space<hbm>> -> memref<80x128xf32, #tpu.memory_space<hbm>>
    tpu.wait_dma2 semaphore(%arg11 : memref<!tpu.dma_semaphore, #tpu.memory_space<semaphore_mem>>) src(%dma_wait3A_192 : memref<80x128xf32, #tpu.memory_space<hbm>>) dst(%arg7 : memref<80x128xf32, #tpu.memory_space<vmem>>)
    %dma_wait3A_193 = arith.constant 1 : i32
    %dma_wait3A_194 = arith.constant 0 : i32
    %dma_wait3A_195 = arith.constant 0 : i32
    %dma_wait3A_196 = arith.constant 0 : i32
    %dma_wait3A_197 = tpu.memref_slice %arg6[%dma_wait3A_195, %dma_wait3A_196] : memref<3x80xi32, #tpu.memory_space<vmem>> -> memref<1x80xi32, #tpu.memory_space<vmem>>
    %dma_wait3A_198 = tpu.memref_squeeze %dma_wait3A_197 : memref<1x80xi32, #tpu.memory_space<vmem>> -> memref<80xi32, #tpu.memory_space<vmem>>
    %dma_wait3A_199 = arith.constant 0 : i32
    %dma_wait3A_200 = tpu.memref_slice %arg3[%dma_wait3A_193, %add3A, %dma_wait3A_194, %dma_wait3A_199] : memref<2x32x125x80xi32, #tpu.memory_space<hbm>> -> memref<1x1x1x80xi32, #tpu.memory_space<hbm>>
    %dma_wait3A_201 = tpu.memref_squeeze %dma_wait3A_200 : memref<1x1x1x80xi32, #tpu.memory_space<hbm>> -> memref<80xi32, #tpu.memory_space<hbm>>
    %dma_wait3A_202 = arith.constant 0 : i32
    %dma_wait3A_203 = tpu.memref_slice %arg6[%dma_wait3A_195, %dma_wait3A_202] : memref<3x80xi32, #tpu.memory_space<vmem>> -> memref<1x80xi32, #tpu.memory_space<vmem>>
    %dma_wait3A_204 = tpu.memref_squeeze %dma_wait3A_203 : memref<1x80xi32, #tpu.memory_space<vmem>> -> memref<80xi32, #tpu.memory_space<vmem>>
    %dma_wait3A_205 = arith.constant 0 : i32
    %dma_wait3A_206 = tpu.memref_slice %arg3[%dma_wait3A_193, %add3A, %dma_wait3A_194, %dma_wait3A_205] : memref<2x32x125x80xi32, #tpu.memory_space<hbm>> -> memref<1x1x1x80xi32, #tpu.memory_space<hbm>>
    %dma_wait3A_207 = tpu.memref_squeeze %dma_wait3A_206 : memref<1x1x1x80xi32, #tpu.memory_space<hbm>> -> memref<80xi32, #tpu.memory_space<hbm>>
    tpu.wait_dma2 semaphore(%arg17 : memref<!tpu.dma_semaphore, #tpu.memory_space<semaphore_mem>>) src(%dma_wait3A_207 : memref<80xi32, #tpu.memory_space<hbm>>) dst(%dma_wait3A_204 : memref<80xi32, #tpu.memory_space<vmem>>)
    %dma_start3A_208 = arith.constant 0 : i32
    %dma_start3A_209 = arith.constant 0 : i32
    %dma_start3A_210 = tpu.memref_slice %arg6[%dma_start3A_208, %dma_start3A_209] : memref<3x80xi32, #tpu.memory_space<vmem>> -> memref<1x80xi32, #tpu.memory_space<vmem>>
    %dma_start3A_211 = tpu.memref_squeeze %dma_start3A_210 : memref<1x80xi32, #tpu.memory_space<vmem>> -> memref<80xi32, #tpu.memory_space<vmem>>
    %dma_start3A_212 = arith.constant 0 : i32
    %dma_start3A_213 = arith.constant 0 : i32
    %dma_start3A_214 = tpu.memref_slice %arg10[%dma_start3A_212, %dma_start3A_213] : memref<10240x128xf32, #tpu.memory_space<vmem_shared>> -> memref<10240x128xf32, #tpu.memory_space<vmem_shared>>
    tpu.enqueue_indirect_dma source(%arg7 : memref<80x128xf32, #tpu.memory_space<vmem>>) target(%dma_start3A_214 : memref<10240x128xf32, #tpu.memory_space<vmem_shared>>) offsets(%dma_start3A_211 : memref<80xi32, #tpu.memory_space<vmem>>) semaphore(%arg14 : memref<!tpu.dma_semaphore, #tpu.memory_space<semaphore_mem>>) {add = true}
    %dma_wait3A_215 = arith.constant 0 : i32
    %dma_wait3A_216 = arith.constant 0 : i32
    %dma_wait3A_217 = tpu.memref_slice %arg2[%dma_wait3A_215, %dma_wait3A_216] : memref<10240x128xf32, #tpu.memory_space<hbm>> -> memref<80x128xf32, #tpu.memory_space<hbm>>
    %dma_wait3A_218 = arith.constant 0 : i32
    %dma_wait3A_219 = arith.constant 0 : i32
    %dma_wait3A_220 = tpu.memref_slice %arg2[%dma_wait3A_218, %dma_wait3A_219] : memref<10240x128xf32, #tpu.memory_space<hbm>> -> memref<80x128xf32, #tpu.memory_space<hbm>>
    tpu.wait_dma2 semaphore(%arg12 : memref<!tpu.dma_semaphore, #tpu.memory_space<semaphore_mem>>) src(%dma_wait3A_220 : memref<80x128xf32, #tpu.memory_space<hbm>>) dst(%arg8 : memref<80x128xf32, #tpu.memory_space<vmem>>)
    %dma_wait3A_221 = arith.constant 1 : i32
    %dma_wait3A_222 = arith.constant 0 : i32
    %dma_wait3A_223 = arith.constant 1 : i32
    %dma_wait3A_224 = arith.constant 0 : i32
    %dma_wait3A_225 = tpu.memref_slice %arg6[%dma_wait3A_223, %dma_wait3A_224] : memref<3x80xi32, #tpu.memory_space<vmem>> -> memref<1x80xi32, #tpu.memory_space<vmem>>
    %dma_wait3A_226 = tpu.memref_squeeze %dma_wait3A_225 : memref<1x80xi32, #tpu.memory_space<vmem>> -> memref<80xi32, #tpu.memory_space<vmem>>
    %dma_wait3A_227 = arith.constant 0 : i32
    %dma_wait3A_228 = tpu.memref_slice %arg3[%dma_wait3A_221, %add3A, %dma_wait3A_222, %dma_wait3A_227] : memref<2x32x125x80xi32, #tpu.memory_space<hbm>> -> memref<1x1x1x80xi32, #tpu.memory_space<hbm>>
    %dma_wait3A_229 = tpu.memref_squeeze %dma_wait3A_228 : memref<1x1x1x80xi32, #tpu.memory_space<hbm>> -> memref<80xi32, #tpu.memory_space<hbm>>
    %dma_wait3A_230 = arith.constant 0 : i32
    %dma_wait3A_231 = tpu.memref_slice %arg6[%dma_wait3A_223, %dma_wait3A_230] : memref<3x80xi32, #tpu.memory_space<vmem>> -> memref<1x80xi32, #tpu.memory_space<vmem>>
    %dma_wait3A_232 = tpu.memref_squeeze %dma_wait3A_231 : memref<1x80xi32, #tpu.memory_space<vmem>> -> memref<80xi32, #tpu.memory_space<vmem>>
    %dma_wait3A_233 = arith.constant 0 : i32
    %dma_wait3A_234 = tpu.memref_slice %arg3[%dma_wait3A_221, %add3A, %dma_wait3A_222, %dma_wait3A_233] : memref<2x32x125x80xi32, #tpu.memory_space<hbm>> -> memref<1x1x1x80xi32, #tpu.memory_space<hbm>>
    %dma_wait3A_235 = tpu.memref_squeeze %dma_wait3A_234 : memref<1x1x1x80xi32, #tpu.memory_space<hbm>> -> memref<80xi32, #tpu.memory_space<hbm>>
    tpu.wait_dma2 semaphore(%arg18 : memref<!tpu.dma_semaphore, #tpu.memory_space<semaphore_mem>>) src(%dma_wait3A_235 : memref<80xi32, #tpu.memory_space<hbm>>) dst(%dma_wait3A_232 : memref<80xi32, #tpu.memory_space<vmem>>)
    %dma_start3A_236 = arith.constant 1 : i32
    %dma_start3A_237 = arith.constant 0 : i32
    %dma_start3A_238 = tpu.memref_slice %arg6[%dma_start3A_236, %dma_start3A_237] : memref<3x80xi32, #tpu.memory_space<vmem>> -> memref<1x80xi32, #tpu.memory_space<vmem>>
    %dma_start3A_239 = tpu.memref_squeeze %dma_start3A_238 : memref<1x80xi32, #tpu.memory_space<vmem>> -> memref<80xi32, #tpu.memory_space<vmem>>
    %dma_start3A_240 = arith.constant 0 : i32
    %dma_start3A_241 = arith.constant 0 : i32
    %dma_start3A_242 = tpu.memref_slice %arg10[%dma_start3A_240, %dma_start3A_241] : memref<10240x128xf32, #tpu.memory_space<vmem_shared>> -> memref<10240x128xf32, #tpu.memory_space<vmem_shared>>
    tpu.enqueue_indirect_dma source(%arg8 : memref<80x128xf32, #tpu.memory_space<vmem>>) target(%dma_start3A_242 : memref<10240x128xf32, #tpu.memory_space<vmem_shared>>) offsets(%dma_start3A_239 : memref<80xi32, #tpu.memory_space<vmem>>) semaphore(%arg15 : memref<!tpu.dma_semaphore, #tpu.memory_space<semaphore_mem>>) {add = true}
    %dma_wait3A_243 = arith.constant 0 : i32
    %dma_wait3A_244 = arith.constant 0 : i32
    %dma_wait3A_245 = tpu.memref_slice %arg2[%dma_wait3A_243, %dma_wait3A_244] : memref<10240x128xf32, #tpu.memory_space<hbm>> -> memref<80x128xf32, #tpu.memory_space<hbm>>
    %dma_wait3A_246 = arith.constant 0 : i32
    %dma_wait3A_247 = arith.constant 0 : i32
    %dma_wait3A_248 = tpu.memref_slice %arg2[%dma_wait3A_246, %dma_wait3A_247] : memref<10240x128xf32, #tpu.memory_space<hbm>> -> memref<80x128xf32, #tpu.memory_space<hbm>>
    tpu.wait_dma2 semaphore(%arg13 : memref<!tpu.dma_semaphore, #tpu.memory_space<semaphore_mem>>) src(%dma_wait3A_248 : memref<80x128xf32, #tpu.memory_space<hbm>>) dst(%arg9 : memref<80x128xf32, #tpu.memory_space<vmem>>)
    %dma_wait3A_249 = arith.constant 1 : i32
    %dma_wait3A_250 = arith.constant 0 : i32
    %dma_wait3A_251 = arith.constant 2 : i32
    %dma_wait3A_252 = arith.constant 0 : i32
    %dma_wait3A_253 = tpu.memref_slice %arg6[%dma_wait3A_251, %dma_wait3A_252] : memref<3x80xi32, #tpu.memory_space<vmem>> -> memref<1x80xi32, #tpu.memory_space<vmem>>
    %dma_wait3A_254 = tpu.memref_squeeze %dma_wait3A_253 : memref<1x80xi32, #tpu.memory_space<vmem>> -> memref<80xi32, #tpu.memory_space<vmem>>
    %dma_wait3A_255 = arith.constant 0 : i32
    %dma_wait3A_256 = tpu.memref_slice %arg3[%dma_wait3A_249, %add3A, %dma_wait3A_250, %dma_wait3A_255] : memref<2x32x125x80xi32, #tpu.memory_space<hbm>> -> memref<1x1x1x80xi32, #tpu.memory_space<hbm>>
    %dma_wait3A_257 = tpu.memref_squeeze %dma_wait3A_256 : memref<1x1x1x80xi32, #tpu.memory_space<hbm>> -> memref<80xi32, #tpu.memory_space<hbm>>
    %dma_wait3A_258 = arith.constant 0 : i32
    %dma_wait3A_259 = tpu.memref_slice %arg6[%dma_wait3A_251, %dma_wait3A_258] : memref<3x80xi32, #tpu.memory_space<vmem>> -> memref<1x80xi32, #tpu.memory_space<vmem>>
    %dma_wait3A_260 = tpu.memref_squeeze %dma_wait3A_259 : memref<1x80xi32, #tpu.memory_space<vmem>> -> memref<80xi32, #tpu.memory_space<vmem>>
    %dma_wait3A_261 = arith.constant 0 : i32
    %dma_wait3A_262 = tpu.memref_slice %arg3[%dma_wait3A_249, %add3A, %dma_wait3A_250, %dma_wait3A_261] : memref<2x32x125x80xi32, #tpu.memory_space<hbm>> -> memref<1x1x1x80xi32, #tpu.memory_space<hbm>>
    %dma_wait3A_263 = tpu.memref_squeeze %dma_wait3A_262 : memref<1x1x1x80xi32, #tpu.memory_space<hbm>> -> memref<80xi32, #tpu.memory_space<hbm>>
    tpu.wait_dma2 semaphore(%arg19 : memref<!tpu.dma_semaphore, #tpu.memory_space<semaphore_mem>>) src(%dma_wait3A_263 : memref<80xi32, #tpu.memory_space<hbm>>) dst(%dma_wait3A_260 : memref<80xi32, #tpu.memory_space<vmem>>)
    %dma_wait3A_264 = arith.constant 0 : i32
    %dma_wait3A_265 = arith.constant 0 : i32
    %dma_wait3A_266 = tpu.memref_slice %arg2[%dma_wait3A_264, %dma_wait3A_265] : memref<10240x128xf32, #tpu.memory_space<hbm>> -> memref<80x128xf32, #tpu.memory_space<hbm>>
    %dma_wait3A_267 = arith.constant 0 : i32
    %dma_wait3A_268 = arith.constant 0 : i32
    %dma_wait3A_269 = tpu.memref_slice %arg2[%dma_wait3A_267, %dma_wait3A_268] : memref<10240x128xf32, #tpu.memory_space<hbm>> -> memref<80x128xf32, #tpu.memory_space<hbm>>
    tpu.wait_dma2 semaphore(%arg14 : memref<!tpu.dma_semaphore, #tpu.memory_space<semaphore_mem>>) src(%dma_wait3A_269 : memref<80x128xf32, #tpu.memory_space<hbm>>) dst(%arg7 : memref<80x128xf32, #tpu.memory_space<vmem>>)
    %dma_wait3A_270 = arith.constant 0 : i32
    %dma_wait3A_271 = arith.constant 0 : i32
    %dma_wait3A_272 = tpu.memref_slice %arg2[%dma_wait3A_270, %dma_wait3A_271] : memref<10240x128xf32, #tpu.memory_space<hbm>> -> memref<80x128xf32, #tpu.memory_space<hbm>>
    %dma_wait3A_273 = arith.constant 0 : i32
    %dma_wait3A_274 = arith.constant 0 : i32
    %dma_wait3A_275 = tpu.memref_slice %arg2[%dma_wait3A_273, %dma_wait3A_274] : memref<10240x128xf32, #tpu.memory_space<hbm>> -> memref<80x128xf32, #tpu.memory_space<hbm>>
    tpu.wait_dma2 semaphore(%arg15 : memref<!tpu.dma_semaphore, #tpu.memory_space<semaphore_mem>>) src(%dma_wait3A_275 : memref<80x128xf32, #tpu.memory_space<hbm>>) dst(%arg8 : memref<80x128xf32, #tpu.memory_space<vmem>>)
    %barrier3A_276 = arith.constant 0 : index
    tpu.barrier barrier_id(%barrier3A_276)
    %mul3A_277 = arith.constant 640 : i32
    %mul3A_278 = arith.muli %arg1, %mul3A_277 : i32
    %mul3A_279 = arith.constant 640 : i32
    %mul3A_280 = arith.muli %arg1, %mul3A_279 : i32
    "tpu.region"() ({
      %run_scoped3A_281 = tpu.sem_alloc : memref<!tpu.dma_semaphore, #tpu.memory_space<semaphore_mem>>
      %dma_start3A_282 = arith.constant 0 : i32
      %dma_start3A_283 = tpu.memref_slice %arg4[%arg0, %mul3A_280, %dma_start3A_282] : memref<2x10240x128xf32, #tpu.memory_space<hbm>> -> memref<1x640x128xf32, #tpu.memory_space<hbm>>
      %dma_start3A_284 = tpu.memref_squeeze %dma_start3A_283 : memref<1x640x128xf32, #tpu.memory_space<hbm>> -> memref<640x128xf32, #tpu.memory_space<hbm>>
      %dma_start3A_285 = arith.constant 0 : i32
      %dma_start3A_286 = tpu.memref_slice %arg10[%mul3A_278, %dma_start3A_285] : memref<10240x128xf32, #tpu.memory_space<vmem_shared>> -> memref<640x128xf32, #tpu.memory_space<vmem_shared>>
      tpu.enqueue_dma source(%dma_start3A_286 : memref<640x128xf32, #tpu.memory_space<vmem_shared>>) target(%dma_start3A_284 : memref<640x128xf32, #tpu.memory_space<hbm>>) target_semaphore(%run_scoped3A_281 : memref<!tpu.dma_semaphore, #tpu.memory_space<semaphore_mem>>)
      %dma_wait3A_287 = arith.constant 0 : i32
      %dma_wait3A_288 = tpu.memref_slice %arg4[%arg0, %mul3A_280, %dma_wait3A_287] : memref<2x10240x128xf32, #tpu.memory_space<hbm>> -> memref<1x640x128xf32, #tpu.memory_space<hbm>>
      %dma_wait3A_289 = tpu.memref_squeeze %dma_wait3A_288 : memref<1x640x128xf32, #tpu.memory_space<hbm>> -> memref<640x128xf32, #tpu.memory_space<hbm>>
      %dma_wait3A_290 = arith.constant 0 : i32
      %dma_wait3A_291 = tpu.memref_slice %arg10[%mul3A_278, %dma_wait3A_290] : memref<10240x128xf32, #tpu.memory_space<vmem_shared>> -> memref<640x128xf32, #tpu.memory_space<vmem_shared>>
      tpu.wait_dma2 semaphore(%run_scoped3A_281 : memref<!tpu.dma_semaphore, #tpu.memory_space<semaphore_mem>>) src(%dma_wait3A_291 : memref<640x128xf32, #tpu.memory_space<vmem_shared>>) dst(%dma_wait3A_289 : memref<640x128xf32, #tpu.memory_space<hbm>>)
      tpu.yield
    }) : () -> ()
    return
  }
}

#map = affine_map<(d0, d1) -> (0, 0, 0, 0)>
#map1 = affine_map<(d0, d1) -> (0, 0)>
module attributes {stable_mosaic.version = 14 : i64} {
  func.func @_deg_kernel(%arg0: i32, %arg1: i32, %arg2: memref<2x32x125x80xi32, #tpu.memory_space<hbm>>, %arg3: memref<2x10240xf32, #tpu.memory_space<hbm>>, %arg4: memref<125x80xi32, #tpu.memory_space<vmem>>, %arg5: memref<80xf32, #tpu.memory_space<vmem>>, %arg6: memref<640xf32, #tpu.memory_space<vmem>>, %arg7: memref<10240xf32, #tpu.memory_space<vmem_shared>>, %arg8: memref<!tpu.dma_semaphore, #tpu.memory_space<semaphore_mem>>) attributes {dimension_semantics = [#tpu.dimension_semantics<core_parallel>, #tpu.dimension_semantics<subcore_parallel>], iteration_bounds = array<i64: 2, 16>, scalar_prefetch = 0 : i64, scratch_operands = 5 : i64, tpu.core_type = #tpu.core_type<sc_vector_subcore>, window_params = [{transform_indices = #map}, {transform_indices = #map1}]} {
    %mul3A = arith.constant 16 : i32
    %mul3A_0 = arith.muli %arg0, %mul3A : i32
    %add3A = arith.addi %mul3A_0, %arg1 : i32
    %run_scoped3A = arith.constant 1 : i32
    "tpu.region"() ({
      %run_scoped3A_39 = tpu.sem_alloc : memref<!tpu.dma_semaphore, #tpu.memory_space<semaphore_mem>>
      %dma_start3A = arith.constant 0 : i32
      %dma_start3A_40 = arith.constant 0 : i32
      %dma_start3A_41 = tpu.memref_slice %arg2[%run_scoped3A, %add3A, %dma_start3A, %dma_start3A_40] : memref<2x32x125x80xi32, #tpu.memory_space<hbm>> -> memref<1x1x125x80xi32, #tpu.memory_space<hbm>>
      %dma_start3A_42 = tpu.memref_squeeze %dma_start3A_41 : memref<1x1x125x80xi32, #tpu.memory_space<hbm>> -> memref<125x80xi32, #tpu.memory_space<hbm>>
      %dma_start3A_43 = arith.constant 0 : i32
      %dma_start3A_44 = arith.constant 0 : i32
      %dma_start3A_45 = tpu.memref_slice %arg2[%run_scoped3A, %add3A, %dma_start3A_43, %dma_start3A_44] : memref<2x32x125x80xi32, #tpu.memory_space<hbm>> -> memref<1x1x125x80xi32, #tpu.memory_space<hbm>>
      %dma_start3A_46 = tpu.memref_squeeze %dma_start3A_45 : memref<1x1x125x80xi32, #tpu.memory_space<hbm>> -> memref<125x80xi32, #tpu.memory_space<hbm>>
      tpu.enqueue_dma source(%dma_start3A_46 : memref<125x80xi32, #tpu.memory_space<hbm>>) target(%arg4 : memref<125x80xi32, #tpu.memory_space<vmem>>) target_semaphore(%run_scoped3A_39 : memref<!tpu.dma_semaphore, #tpu.memory_space<semaphore_mem>>)
      %dma_wait3A = arith.constant 0 : i32
      %dma_wait3A_47 = arith.constant 0 : i32
      %dma_wait3A_48 = tpu.memref_slice %arg2[%run_scoped3A, %add3A, %dma_wait3A, %dma_wait3A_47] : memref<2x32x125x80xi32, #tpu.memory_space<hbm>> -> memref<1x1x125x80xi32, #tpu.memory_space<hbm>>
      %dma_wait3A_49 = tpu.memref_squeeze %dma_wait3A_48 : memref<1x1x125x80xi32, #tpu.memory_space<hbm>> -> memref<125x80xi32, #tpu.memory_space<hbm>>
      %dma_wait3A_50 = arith.constant 0 : i32
      %dma_wait3A_51 = arith.constant 0 : i32
      %dma_wait3A_52 = tpu.memref_slice %arg2[%run_scoped3A, %add3A, %dma_wait3A_50, %dma_wait3A_51] : memref<2x32x125x80xi32, #tpu.memory_space<hbm>> -> memref<1x1x125x80xi32, #tpu.memory_space<hbm>>
      %dma_wait3A_53 = tpu.memref_squeeze %dma_wait3A_52 : memref<1x1x125x80xi32, #tpu.memory_space<hbm>> -> memref<125x80xi32, #tpu.memory_space<hbm>>
      tpu.wait_dma2 semaphore(%run_scoped3A_39 : memref<!tpu.dma_semaphore, #tpu.memory_space<semaphore_mem>>) src(%dma_wait3A_53 : memref<125x80xi32, #tpu.memory_space<hbm>>) dst(%arg4 : memref<125x80xi32, #tpu.memory_space<vmem>>)
      tpu.yield
    }) : () -> ()
    %broadcast_in_dim3A = arith.constant 0.000000e+00 : f32
    %broadcast_in_dim3A_1 = vector.broadcast %broadcast_in_dim3A : f32 to vector<16xf32>
    %broadcast_in_dim3A_2 = arith.constant 1.000000e+00 : f32
    %broadcast_in_dim3A_3 = vector.broadcast %broadcast_in_dim3A_2 : f32 to vector<16xf32>
    %swap3A = arith.constant 0 : index
    %swap3A_4 = tpu.vector_load %arg5[%swap3A] {strides = array<i32>} : memref<80xf32, #tpu.memory_space<vmem>>, vector<16xf32>,
    %swap3A_5 = vector.shape_cast %swap3A_4 : vector<16xf32> to vector<16xf32>
    %swap3A_6 = vector.shape_cast %broadcast_in_dim3A_3 : vector<16xf32> to vector<16xf32>
    tpu.vector_store %arg5[%swap3A], %swap3A_6 {strides = array<i32>} : memref<80xf32, #tpu.memory_space<vmem>>, vector<16xf32>,
    %swap3A_7 = arith.constant 16 : index
    %swap3A_8 = tpu.vector_load %arg5[%swap3A_7] {strides = array<i32>} : memref<80xf32, #tpu.memory_space<vmem>>, vector<16xf32>,
    %swap3A_9 = vector.shape_cast %swap3A_8 : vector<16xf32> to vector<16xf32>
    %swap3A_10 = vector.shape_cast %broadcast_in_dim3A_3 : vector<16xf32> to vector<16xf32>
    tpu.vector_store %arg5[%swap3A_7], %swap3A_10 {strides = array<i32>} : memref<80xf32, #tpu.memory_space<vmem>>, vector<16xf32>,
    %swap3A_11 = arith.constant 32 : index
    %swap3A_12 = tpu.vector_load %arg5[%swap3A_11] {strides = array<i32>} : memref<80xf32, #tpu.memory_space<vmem>>, vector<16xf32>,
    %swap3A_13 = vector.shape_cast %swap3A_12 : vector<16xf32> to vector<16xf32>
    %swap3A_14 = vector.shape_cast %broadcast_in_dim3A_3 : vector<16xf32> to vector<16xf32>
    tpu.vector_store %arg5[%swap3A_11], %swap3A_14 {strides = array<i32>} : memref<80xf32, #tpu.memory_space<vmem>>, vector<16xf32>,
    %swap3A_15 = arith.constant 48 : index
    %swap3A_16 = tpu.vector_load %arg5[%swap3A_15] {strides = array<i32>} : memref<80xf32, #tpu.memory_space<vmem>>, vector<16xf32>,
    %swap3A_17 = vector.shape_cast %swap3A_16 : vector<16xf32> to vector<16xf32>
    %swap3A_18 = vector.shape_cast %broadcast_in_dim3A_3 : vector<16xf32> to vector<16xf32>
    tpu.vector_store %arg5[%swap3A_15], %swap3A_18 {strides = array<i32>} : memref<80xf32, #tpu.memory_space<vmem>>, vector<16xf32>,
    %swap3A_19 = arith.constant 64 : index
    %swap3A_20 = tpu.vector_load %arg5[%swap3A_19] {strides = array<i32>} : memref<80xf32, #tpu.memory_space<vmem>>, vector<16xf32>,
    %swap3A_21 = vector.shape_cast %swap3A_20 : vector<16xf32> to vector<16xf32>
    %swap3A_22 = vector.shape_cast %broadcast_in_dim3A_3 : vector<16xf32> to vector<16xf32>
    tpu.vector_store %arg5[%swap3A_19], %swap3A_22 {strides = array<i32>} : memref<80xf32, #tpu.memory_space<vmem>>, vector<16xf32>,
    %scan3A = arith.constant 0 : i32
    %scan3A_23 = arith.constant 40 : i32
    %scan3A_24 = arith.addi %scan3A, %scan3A_23 : i32
    %scan3A_25 = arith.constant 1 : i32
    scf.for %scan3A_39 = %scan3A to %scan3A_24 step %scan3A_25  : i32 {
      %mul3A_40 = arith.constant 1 : i32
      %mul3A_41 = arith.muli %scan3A_39, %mul3A_40 : i32
      %add3A_42 = arith.constant 0 : i32
      %add3A_43 = arith.addi %add3A_42, %mul3A_41 : i32
      %mul3A_44 = arith.constant 16 : i32
      %mul3A_45 = arith.muli %add3A_43, %mul3A_44 : i32
      %swap3A_46 = arith.index_cast %mul3A_45 : i32 to index
      %swap3A_47 = tpu.vector_load %arg6[%swap3A_46] {strides = array<i32>} : memref<640xf32, #tpu.memory_space<vmem>>, vector<16xf32>,
      %swap3A_48 = vector.shape_cast %swap3A_47 : vector<16xf32> to vector<16xf32>
      %swap3A_49 = vector.shape_cast %broadcast_in_dim3A_1 : vector<16xf32> to vector<16xf32>
      tpu.vector_store %arg6[%swap3A_46], %swap3A_49 {strides = array<i32>} : memref<640xf32, #tpu.memory_space<vmem>>, vector<16xf32>,
    }
    %scan3A_26 = arith.constant 40 : i32
    %mul3A_27 = arith.constant 640 : i32
    %mul3A_28 = arith.muli %arg1, %mul3A_27 : i32
    "tpu.region"() ({
      %run_scoped3A_39 = tpu.sem_alloc : memref<!tpu.dma_semaphore, #tpu.memory_space<semaphore_mem>>
      %dma_start3A = tpu.memref_slice %arg7[%mul3A_28] : memref<10240xf32, #tpu.memory_space<vmem_shared>> -> memref<640xf32, #tpu.memory_space<vmem_shared>>
      %dma_start3A_40 = tpu.memref_slice %arg7[%mul3A_28] : memref<10240xf32, #tpu.memory_space<vmem_shared>> -> memref<640xf32, #tpu.memory_space<vmem_shared>>
      tpu.enqueue_dma source(%arg6 : memref<640xf32, #tpu.memory_space<vmem>>) target(%dma_start3A_40 : memref<640xf32, #tpu.memory_space<vmem_shared>>) target_semaphore(%run_scoped3A_39 : memref<!tpu.dma_semaphore, #tpu.memory_space<semaphore_mem>>)
      %dma_wait3A = tpu.memref_slice %arg7[%mul3A_28] : memref<10240xf32, #tpu.memory_space<vmem_shared>> -> memref<640xf32, #tpu.memory_space<vmem_shared>>
      %dma_wait3A_41 = tpu.memref_slice %arg7[%mul3A_28] : memref<10240xf32, #tpu.memory_space<vmem_shared>> -> memref<640xf32, #tpu.memory_space<vmem_shared>>
      tpu.wait_dma2 semaphore(%run_scoped3A_39 : memref<!tpu.dma_semaphore, #tpu.memory_space<semaphore_mem>>) src(%arg6 : memref<640xf32, #tpu.memory_space<vmem>>) dst(%dma_wait3A_41 : memref<640xf32, #tpu.memory_space<vmem_shared>>)
      tpu.yield
    }) : () -> ()
    %barrier3A = arith.constant 0 : index
    tpu.barrier barrier_id(%barrier3A)
    %scan3A_29 = arith.constant 0 : i32
    %scan3A_30 = arith.constant 25 : i32
    %scan3A_31 = arith.addi %scan3A_29, %scan3A_30 : i32
    %scan3A_32 = arith.constant 1 : i32
    scf.for %scan3A_39 = %scan3A_29 to %scan3A_31 step %scan3A_32  : i32 {
      %mul3A_40 = arith.constant 5 : i32
      %mul3A_41 = arith.muli %scan3A_39, %mul3A_40 : i32
      %add3A_42 = arith.constant 0 : i32
      %add3A_43 = arith.addi %add3A_42, %mul3A_41 : i32
      %add3A_44 = arith.constant 0 : i32
      %add3A_45 = arith.addi %add3A_43, %add3A_44 : i32
      %dma_start3A = arith.constant 0 : i32
      %dma_start3A_46 = tpu.memref_slice %arg4[%add3A_45, %dma_start3A] : memref<125x80xi32, #tpu.memory_space<vmem>> -> memref<1x80xi32, #tpu.memory_space<vmem>>
      %dma_start3A_47 = tpu.memref_squeeze %dma_start3A_46 : memref<1x80xi32, #tpu.memory_space<vmem>> -> memref<80xi32, #tpu.memory_space<vmem>>
      %dma_start3A_48 = arith.constant 0 : i32
      %dma_start3A_49 = tpu.memref_slice %arg7[%dma_start3A_48] : memref<10240xf32, #tpu.memory_space<vmem_shared>> -> memref<10240xf32, #tpu.memory_space<vmem_shared>>
      tpu.enqueue_indirect_dma source(%arg5 : memref<80xf32, #tpu.memory_space<vmem>>) target(%dma_start3A_49 : memref<10240xf32, #tpu.memory_space<vmem_shared>>) offsets(%dma_start3A_47 : memref<80xi32, #tpu.memory_space<vmem>>) semaphore(%arg8 : memref<!tpu.dma_semaphore, #tpu.memory_space<semaphore_mem>>) {add = true}
      %add3A_50 = arith.constant 1 : i32
      %add3A_51 = arith.addi %add3A_43, %add3A_50 : i32
      %dma_start3A_52 = arith.constant 0 : i32
      %dma_start3A_53 = tpu.memref_slice %arg4[%add3A_51, %dma_start3A_52] : memref<125x80xi32, #tpu.memory_space<vmem>> -> memref<1x80xi32, #tpu.memory_space<vmem>>
      %dma_start3A_54 = tpu.memref_squeeze %dma_start3A_53 : memref<1x80xi32, #tpu.memory_space<vmem>> -> memref<80xi32, #tpu.memory_space<vmem>>
      %dma_start3A_55 = arith.constant 0 : i32
      %dma_start3A_56 = tpu.memref_slice %arg7[%dma_start3A_55] : memref<10240xf32, #tpu.memory_space<vmem_shared>> -> memref<10240xf32, #tpu.memory_space<vmem_shared>>
      tpu.enqueue_indirect_dma source(%arg5 : memref<80xf32, #tpu.memory_space<vmem>>) target(%dma_start3A_56 : memref<10240xf32, #tpu.memory_space<vmem_shared>>) offsets(%dma_start3A_54 : memref<80xi32, #tpu.memory_space<vmem>>) semaphore(%arg8 : memref<!tpu.dma_semaphore, #tpu.memory_space<semaphore_mem>>) {add = true}
      %add3A_57 = arith.constant 2 : i32
      %add3A_58 = arith.addi %add3A_43, %add3A_57 : i32
      %dma_start3A_59 = arith.constant 0 : i32
      %dma_start3A_60 = tpu.memref_slice %arg4[%add3A_58, %dma_start3A_59] : memref<125x80xi32, #tpu.memory_space<vmem>> -> memref<1x80xi32, #tpu.memory_space<vmem>>
      %dma_start3A_61 = tpu.memref_squeeze %dma_start3A_60 : memref<1x80xi32, #tpu.memory_space<vmem>> -> memref<80xi32, #tpu.memory_space<vmem>>
      %dma_start3A_62 = arith.constant 0 : i32
      %dma_start3A_63 = tpu.memref_slice %arg7[%dma_start3A_62] : memref<10240xf32, #tpu.memory_space<vmem_shared>> -> memref<10240xf32, #tpu.memory_space<vmem_shared>>
      tpu.enqueue_indirect_dma source(%arg5 : memref<80xf32, #tpu.memory_space<vmem>>) target(%dma_start3A_63 : memref<10240xf32, #tpu.memory_space<vmem_shared>>) offsets(%dma_start3A_61 : memref<80xi32, #tpu.memory_space<vmem>>) semaphore(%arg8 : memref<!tpu.dma_semaphore, #tpu.memory_space<semaphore_mem>>) {add = true}
      %add3A_64 = arith.constant 3 : i32
      %add3A_65 = arith.addi %add3A_43, %add3A_64 : i32
      %dma_start3A_66 = arith.constant 0 : i32
      %dma_start3A_67 = tpu.memref_slice %arg4[%add3A_65, %dma_start3A_66] : memref<125x80xi32, #tpu.memory_space<vmem>> -> memref<1x80xi32, #tpu.memory_space<vmem>>
      %dma_start3A_68 = tpu.memref_squeeze %dma_start3A_67 : memref<1x80xi32, #tpu.memory_space<vmem>> -> memref<80xi32, #tpu.memory_space<vmem>>
      %dma_start3A_69 = arith.constant 0 : i32
      %dma_start3A_70 = tpu.memref_slice %arg7[%dma_start3A_69] : memref<10240xf32, #tpu.memory_space<vmem_shared>> -> memref<10240xf32, #tpu.memory_space<vmem_shared>>
      tpu.enqueue_indirect_dma source(%arg5 : memref<80xf32, #tpu.memory_space<vmem>>) target(%dma_start3A_70 : memref<10240xf32, #tpu.memory_space<vmem_shared>>) offsets(%dma_start3A_68 : memref<80xi32, #tpu.memory_space<vmem>>) semaphore(%arg8 : memref<!tpu.dma_semaphore, #tpu.memory_space<semaphore_mem>>) {add = true}
      %add3A_71 = arith.constant 4 : i32
      %add3A_72 = arith.addi %add3A_43, %add3A_71 : i32
      %dma_start3A_73 = arith.constant 0 : i32
      %dma_start3A_74 = tpu.memref_slice %arg4[%add3A_72, %dma_start3A_73] : memref<125x80xi32, #tpu.memory_space<vmem>> -> memref<1x80xi32, #tpu.memory_space<vmem>>
      %dma_start3A_75 = tpu.memref_squeeze %dma_start3A_74 : memref<1x80xi32, #tpu.memory_space<vmem>> -> memref<80xi32, #tpu.memory_space<vmem>>
      %dma_start3A_76 = arith.constant 0 : i32
      %dma_start3A_77 = tpu.memref_slice %arg7[%dma_start3A_76] : memref<10240xf32, #tpu.memory_space<vmem_shared>> -> memref<10240xf32, #tpu.memory_space<vmem_shared>>
      tpu.enqueue_indirect_dma source(%arg5 : memref<80xf32, #tpu.memory_space<vmem>>) target(%dma_start3A_77 : memref<10240xf32, #tpu.memory_space<vmem_shared>>) offsets(%dma_start3A_75 : memref<80xi32, #tpu.memory_space<vmem>>) semaphore(%arg8 : memref<!tpu.dma_semaphore, #tpu.memory_space<semaphore_mem>>) {add = true}
      %dma_wait3A = arith.constant 0 : i32
      %dma_wait3A_78 = arith.constant 0 : i32
      %dma_wait3A_79 = tpu.memref_slice %arg4[%dma_wait3A, %dma_wait3A_78] : memref<125x80xi32, #tpu.memory_space<vmem>> -> memref<1x80xi32, #tpu.memory_space<vmem>>
      %dma_wait3A_80 = tpu.memref_squeeze %dma_wait3A_79 : memref<1x80xi32, #tpu.memory_space<vmem>> -> memref<80xi32, #tpu.memory_space<vmem>>
      %dma_wait3A_81 = arith.constant 0 : i32
      %dma_wait3A_82 = tpu.memref_slice %arg7[%dma_wait3A_81] : memref<10240xf32, #tpu.memory_space<vmem_shared>> -> memref<10240xf32, #tpu.memory_space<vmem_shared>>
      tpu.wait_indirect_dma semaphore(%arg8 : memref<!tpu.dma_semaphore, #tpu.memory_space<semaphore_mem>>) src(%arg5 : memref<80xf32, #tpu.memory_space<vmem>>) dst(%dma_wait3A_82 : memref<10240xf32, #tpu.memory_space<vmem_shared>>)
      %dma_wait3A_83 = arith.constant 0 : i32
      %dma_wait3A_84 = arith.constant 0 : i32
      %dma_wait3A_85 = tpu.memref_slice %arg4[%dma_wait3A_83, %dma_wait3A_84] : memref<125x80xi32, #tpu.memory_space<vmem>> -> memref<1x80xi32, #tpu.memory_space<vmem>>
      %dma_wait3A_86 = tpu.memref_squeeze %dma_wait3A_85 : memref<1x80xi32, #tpu.memory_space<vmem>> -> memref<80xi32, #tpu.memory_space<vmem>>
      %dma_wait3A_87 = arith.constant 0 : i32
      %dma_wait3A_88 = tpu.memref_slice %arg7[%dma_wait3A_87] : memref<10240xf32, #tpu.memory_space<vmem_shared>> -> memref<10240xf32, #tpu.memory_space<vmem_shared>>
      tpu.wait_indirect_dma semaphore(%arg8 : memref<!tpu.dma_semaphore, #tpu.memory_space<semaphore_mem>>) src(%arg5 : memref<80xf32, #tpu.memory_space<vmem>>) dst(%dma_wait3A_88 : memref<10240xf32, #tpu.memory_space<vmem_shared>>)
      %dma_wait3A_89 = arith.constant 0 : i32
      %dma_wait3A_90 = arith.constant 0 : i32
      %dma_wait3A_91 = tpu.memref_slice %arg4[%dma_wait3A_89, %dma_wait3A_90] : memref<125x80xi32, #tpu.memory_space<vmem>> -> memref<1x80xi32, #tpu.memory_space<vmem>>
      %dma_wait3A_92 = tpu.memref_squeeze %dma_wait3A_91 : memref<1x80xi32, #tpu.memory_space<vmem>> -> memref<80xi32, #tpu.memory_space<vmem>>
      %dma_wait3A_93 = arith.constant 0 : i32
      %dma_wait3A_94 = tpu.memref_slice %arg7[%dma_wait3A_93] : memref<10240xf32, #tpu.memory_space<vmem_shared>> -> memref<10240xf32, #tpu.memory_space<vmem_shared>>
      tpu.wait_indirect_dma semaphore(%arg8 : memref<!tpu.dma_semaphore, #tpu.memory_space<semaphore_mem>>) src(%arg5 : memref<80xf32, #tpu.memory_space<vmem>>) dst(%dma_wait3A_94 : memref<10240xf32, #tpu.memory_space<vmem_shared>>)
      %dma_wait3A_95 = arith.constant 0 : i32
      %dma_wait3A_96 = arith.constant 0 : i32
      %dma_wait3A_97 = tpu.memref_slice %arg4[%dma_wait3A_95, %dma_wait3A_96] : memref<125x80xi32, #tpu.memory_space<vmem>> -> memref<1x80xi32, #tpu.memory_space<vmem>>
      %dma_wait3A_98 = tpu.memref_squeeze %dma_wait3A_97 : memref<1x80xi32, #tpu.memory_space<vmem>> -> memref<80xi32, #tpu.memory_space<vmem>>
      %dma_wait3A_99 = arith.constant 0 : i32
      %dma_wait3A_100 = tpu.memref_slice %arg7[%dma_wait3A_99] : memref<10240xf32, #tpu.memory_space<vmem_shared>> -> memref<10240xf32, #tpu.memory_space<vmem_shared>>
      tpu.wait_indirect_dma semaphore(%arg8 : memref<!tpu.dma_semaphore, #tpu.memory_space<semaphore_mem>>) src(%arg5 : memref<80xf32, #tpu.memory_space<vmem>>) dst(%dma_wait3A_100 : memref<10240xf32, #tpu.memory_space<vmem_shared>>)
      %dma_wait3A_101 = arith.constant 0 : i32
      %dma_wait3A_102 = arith.constant 0 : i32
      %dma_wait3A_103 = tpu.memref_slice %arg4[%dma_wait3A_101, %dma_wait3A_102] : memref<125x80xi32, #tpu.memory_space<vmem>> -> memref<1x80xi32, #tpu.memory_space<vmem>>
      %dma_wait3A_104 = tpu.memref_squeeze %dma_wait3A_103 : memref<1x80xi32, #tpu.memory_space<vmem>> -> memref<80xi32, #tpu.memory_space<vmem>>
      %dma_wait3A_105 = arith.constant 0 : i32
      %dma_wait3A_106 = tpu.memref_slice %arg7[%dma_wait3A_105] : memref<10240xf32, #tpu.memory_space<vmem_shared>> -> memref<10240xf32, #tpu.memory_space<vmem_shared>>
      tpu.wait_indirect_dma semaphore(%arg8 : memref<!tpu.dma_semaphore, #tpu.memory_space<semaphore_mem>>) src(%arg5 : memref<80xf32, #tpu.memory_space<vmem>>) dst(%dma_wait3A_106 : memref<10240xf32, #tpu.memory_space<vmem_shared>>)
    }
    %scan3A_33 = arith.constant 25 : i32
    %barrier3A_34 = arith.constant 0 : index
    tpu.barrier barrier_id(%barrier3A_34)
    %mul3A_35 = arith.constant 640 : i32
    %mul3A_36 = arith.muli %arg1, %mul3A_35 : i32
    %mul3A_37 = arith.constant 640 : i32
    %mul3A_38 = arith.muli %arg1, %mul3A_37 : i32
    "tpu.region"() ({
      %run_scoped3A_39 = tpu.sem_alloc : memref<!tpu.dma_semaphore, #tpu.memory_space<semaphore_mem>>
      %dma_start3A = tpu.memref_slice %arg3[%arg0, %mul3A_38] : memref<2x10240xf32, #tpu.memory_space<hbm>> -> memref<1x640xf32, #tpu.memory_space<hbm>>
      %dma_start3A_40 = tpu.memref_squeeze %dma_start3A : memref<1x640xf32, #tpu.memory_space<hbm>> -> memref<640xf32, #tpu.memory_space<hbm>>
      %dma_start3A_41 = tpu.memref_slice %arg7[%mul3A_36] : memref<10240xf32, #tpu.memory_space<vmem_shared>> -> memref<640xf32, #tpu.memory_space<vmem_shared>>
      tpu.enqueue_dma source(%dma_start3A_41 : memref<640xf32, #tpu.memory_space<vmem_shared>>) target(%dma_start3A_40 : memref<640xf32, #tpu.memory_space<hbm>>) target_semaphore(%run_scoped3A_39 : memref<!tpu.dma_semaphore, #tpu.memory_space<semaphore_mem>>)
      %dma_wait3A = tpu.memref_slice %arg3[%arg0, %mul3A_38] : memref<2x10240xf32, #tpu.memory_space<hbm>> -> memref<1x640xf32, #tpu.memory_space<hbm>>
      %dma_wait3A_42 = tpu.memref_squeeze %dma_wait3A : memref<1x640xf32, #tpu.memory_space<hbm>> -> memref<640xf32, #tpu.memory_space<hbm>>
      %dma_wait3A_43 = tpu.memref_slice %arg7[%mul3A_36] : memref<10240xf32, #tpu.memory_space<vmem_shared>> -> memref<640xf32, #tpu.memory_space<vmem_shared>>
      tpu.wait_dma2 semaphore(%run_scoped3A_39 : memref<!tpu.dma_semaphore, #tpu.memory_space<semaphore_mem>>) src(%dma_wait3A_43 : memref<640xf32, #tpu.memory_space<vmem_shared>>) dst(%dma_wait3A_42 : memref<640xf32, #tpu.memory_space<hbm>>)
      tpu.yield
    }) : () -> ()
    return
  }
}

#map = affine_map<(d0, d1) -> (0, 0)>
#map1 = affine_map<(d0, d1) -> (0, 0, 0, 0)>
#map2 = affine_map<(d0, d1) -> (0, 0, 0)>
module attributes {stable_mosaic.version = 14 : i64} {
  func.func @_prop_kernel(%arg0: i32, %arg1: i32, %arg2: memref<10240x128xf32, #tpu.memory_space<hbm>>, %arg3: memref<2x32x125x80xi32, #tpu.memory_space<hbm>>, %arg4: memref<2x10240x128xf32, #tpu.memory_space<hbm>>, %arg5: memref<125x80xi32, #tpu.memory_space<vmem>>, %arg6: memref<3x80xi32, #tpu.memory_space<vmem>>, %arg7: memref<80x128xf32, #tpu.memory_space<vmem>>, %arg8: memref<80x128xf32, #tpu.memory_space<vmem>>, %arg9: memref<80x128xf32, #tpu.memory_space<vmem>>, %arg10: memref<10240x128xf32, #tpu.memory_space<vmem_shared>>, %arg11: memref<!tpu.dma_semaphore, #tpu.memory_space<semaphore_mem>>, %arg12: memref<!tpu.dma_semaphore, #tpu.memory_space<semaphore_mem>>, %arg13: memref<!tpu.dma_semaphore, #tpu.memory_space<semaphore_mem>>, %arg14: memref<!tpu.dma_semaphore, #tpu.memory_space<semaphore_mem>>, %arg15: memref<!tpu.dma_semaphore, #tpu.memory_space<semaphore_mem>>, %arg16: memref<!tpu.dma_semaphore, #tpu.memory_space<semaphore_mem>>, %arg17: memref<!tpu.dma_semaphore, #tpu.memory_space<semaphore_mem>>, %arg18: memref<!tpu.dma_semaphore, #tpu.memory_space<semaphore_mem>>, %arg19: memref<!tpu.dma_semaphore, #tpu.memory_space<semaphore_mem>>, %arg20: memref<!tpu.dma_semaphore, #tpu.memory_space<semaphore_mem>>) attributes {dimension_semantics = [#tpu.dimension_semantics<core_parallel>, #tpu.dimension_semantics<subcore_parallel>], iteration_bounds = array<i64: 2, 16>, scalar_prefetch = 0 : i64, scratch_operands = 16 : i64, tpu.core_type = #tpu.core_type<sc_vector_subcore>, window_params = [{transform_indices = #map}, {transform_indices = #map1}, {transform_indices = #map2}]} {
    %mul3A = arith.constant 16 : i32
    %mul3A_0 = arith.muli %arg0, %mul3A : i32
    %add3A = arith.addi %mul3A_0, %arg1 : i32
    %run_scoped3A = arith.constant 0 : i32
    "tpu.region"() ({
      %run_scoped3A_281 = tpu.sem_alloc : memref<!tpu.dma_semaphore, #tpu.memory_space<semaphore_mem>>
      %dma_start3A_282 = arith.constant 0 : i32
      %dma_start3A_283 = arith.constant 0 : i32
      %dma_start3A_284 = tpu.memref_slice %arg3[%run_scoped3A, %add3A, %dma_start3A_282, %dma_start3A_283] : memref<2x32x125x80xi32, #tpu.memory_space<hbm>> -> memref<1x1x125x80xi32, #tpu.memory_space<hbm>>
      %dma_start3A_285 = tpu.memref_squeeze %dma_start3A_284 : memref<1x1x125x80xi32, #tpu.memory_space<hbm>> -> memref<125x80xi32, #tpu.memory_space<hbm>>
      %dma_start3A_286 = arith.constant 0 : i32
      %dma_start3A_287 = arith.constant 0 : i32
      %dma_start3A_288 = tpu.memref_slice %arg3[%run_scoped3A, %add3A, %dma_start3A_286, %dma_start3A_287] : memref<2x32x125x80xi32, #tpu.memory_space<hbm>> -> memref<1x1x125x80xi32, #tpu.memory_space<hbm>>
      %dma_start3A_289 = tpu.memref_squeeze %dma_start3A_288 : memref<1x1x125x80xi32, #tpu.memory_space<hbm>> -> memref<125x80xi32, #tpu.memory_space<hbm>>
      tpu.enqueue_dma source(%dma_start3A_289 : memref<125x80xi32, #tpu.memory_space<hbm>>) target(%arg5 : memref<125x80xi32, #tpu.memory_space<vmem>>) target_semaphore(%run_scoped3A_281 : memref<!tpu.dma_semaphore, #tpu.memory_space<semaphore_mem>>)
      %dma_wait3A_290 = arith.constant 0 : i32
      %dma_wait3A_291 = arith.constant 0 : i32
      %dma_wait3A_292 = tpu.memref_slice %arg3[%run_scoped3A, %add3A, %dma_wait3A_290, %dma_wait3A_291] : memref<2x32x125x80xi32, #tpu.memory_space<hbm>> -> memref<1x1x125x80xi32, #tpu.memory_space<hbm>>
      %dma_wait3A_293 = tpu.memref_squeeze %dma_wait3A_292 : memref<1x1x125x80xi32, #tpu.memory_space<hbm>> -> memref<125x80xi32, #tpu.memory_space<hbm>>
      %dma_wait3A_294 = arith.constant 0 : i32
      %dma_wait3A_295 = arith.constant 0 : i32
      %dma_wait3A_296 = tpu.memref_slice %arg3[%run_scoped3A, %add3A, %dma_wait3A_294, %dma_wait3A_295] : memref<2x32x125x80xi32, #tpu.memory_space<hbm>> -> memref<1x1x125x80xi32, #tpu.memory_space<hbm>>
      %dma_wait3A_297 = tpu.memref_squeeze %dma_wait3A_296 : memref<1x1x125x80xi32, #tpu.memory_space<hbm>> -> memref<125x80xi32, #tpu.memory_space<hbm>>
      tpu.wait_dma2 semaphore(%run_scoped3A_281 : memref<!tpu.dma_semaphore, #tpu.memory_space<semaphore_mem>>) src(%dma_wait3A_297 : memref<125x80xi32, #tpu.memory_space<hbm>>) dst(%arg5 : memref<125x80xi32, #tpu.memory_space<vmem>>)
      tpu.yield
    }) : () -> ()
    %dma_start3A = arith.constant 1 : i32
    %dma_start3A_1 = arith.constant 0 : i32
    %dma_start3A_2 = arith.constant 0 : i32
    %dma_start3A_3 = arith.constant 0 : i32
    %dma_start3A_4 = tpu.memref_slice %arg6[%dma_start3A_2, %dma_start3A_3] : memref<3x80xi32, #tpu.memory_space<vmem>> -> memref<1x80xi32, #tpu.memory_space<vmem>>
    %dma_start3A_5 = tpu.memref_squeeze %dma_start3A_4 : memref<1x80xi32, #tpu.memory_space<vmem>> -> memref<80xi32, #tpu.memory_space<vmem>>
    %dma_start3A_6 = arith.constant 0 : i32
    %dma_start3A_7 = tpu.memref_slice %arg3[%dma_start3A, %add3A, %dma_start3A_1, %dma_start3A_6] : memref<2x32x125x80xi32, #tpu.memory_space<hbm>> -> memref<1x1x1x80xi32, #tpu.memory_space<hbm>>
    %dma_start3A_8 = tpu.memref_squeeze %dma_start3A_7 : memref<1x1x1x80xi32, #tpu.memory_space<hbm>> -> memref<80xi32, #tpu.memory_space<hbm>>
    %dma_start3A_9 = arith.constant 0 : i32
    %dma_start3A_10 = tpu.memref_slice %arg6[%dma_start3A_2, %dma_start3A_9] : memref<3x80xi32, #tpu.memory_space<vmem>> -> memref<1x80xi32, #tpu.memory_space<vmem>>
    %dma_start3A_11 = tpu.memref_squeeze %dma_start3A_10 : memref<1x80xi32, #tpu.memory_space<vmem>> -> memref<80xi32, #tpu.memory_space<vmem>>
    %dma_start3A_12 = arith.constant 0 : i32
    %dma_start3A_13 = tpu.memref_slice %arg3[%dma_start3A, %add3A, %dma_start3A_1, %dma_start3A_12] : memref<2x32x125x80xi32, #tpu.memory_space<hbm>> -> memref<1x1x1x80xi32, #tpu.memory_space<hbm>>
    %dma_start3A_14 = tpu.memref_squeeze %dma_start3A_13 : memref<1x1x1x80xi32, #tpu.memory_space<hbm>> -> memref<80xi32, #tpu.memory_space<hbm>>
    tpu.enqueue_dma source(%dma_start3A_14 : memref<80xi32, #tpu.memory_space<hbm>>) target(%dma_start3A_11 : memref<80xi32, #tpu.memory_space<vmem>>) target_semaphore(%arg17 : memref<!tpu.dma_semaphore, #tpu.memory_space<semaphore_mem>>)
    %dma_start3A_15 = arith.constant 0 : i32
    %dma_start3A_16 = arith.constant 0 : i32
    %dma_start3A_17 = tpu.memref_slice %arg5[%dma_start3A_15, %dma_start3A_16] : memref<125x80xi32, #tpu.memory_space<vmem>> -> memref<1x80xi32, #tpu.memory_space<vmem>>
    %dma_start3A_18 = tpu.memref_squeeze %dma_start3A_17 : memref<1x80xi32, #tpu.memory_space<vmem>> -> memref<80xi32, #tpu.memory_space<vmem>>
    %dma_start3A_19 = arith.constant 0 : i32
    %dma_start3A_20 = arith.constant 0 : i32
    %dma_start3A_21 = tpu.memref_slice %arg2[%dma_start3A_19, %dma_start3A_20] : memref<10240x128xf32, #tpu.memory_space<hbm>> -> memref<10240x128xf32, #tpu.memory_space<hbm>>
    tpu.enqueue_indirect_dma source(%dma_start3A_21 : memref<10240x128xf32, #tpu.memory_space<hbm>>) target(%arg7 : memref<80x128xf32, #tpu.memory_space<vmem>>) offsets(%dma_start3A_18 : memref<80xi32, #tpu.memory_space<vmem>>) semaphore(%arg11 : memref<!tpu.dma_semaphore, #tpu.memory_space<semaphore_mem>>)
    %dma_start3A_22 = arith.constant 1 : i32
    %dma_start3A_23 = arith.constant 1 : i32
    %dma_start3A_24 = arith.constant 1 : i32
    %dma_start3A_25 = arith.constant 0 : i32
    %dma_start3A_26 = tpu.memref_slice %arg6[%dma_start3A_24, %dma_start3A_25] : memref<3x80xi32, #tpu.memory_space<vmem>> -> memref<1x80xi32, #tpu.memory_space<vmem>>
    %dma_start3A_27 = tpu.memref_squeeze %dma_start3A_26 : memref<1x80xi32, #tpu.memory_space<vmem>> -> memref<80xi32, #tpu.memory_space<vmem>>
    %dma_start3A_28 = arith.constant 0 : i32
    %dma_start3A_29 = tpu.memref_slice %arg3[%dma_start3A_22, %add3A, %dma_start3A_23, %dma_start3A_28] : memref<2x32x125x80xi32, #tpu.memory_space<hbm>> -> memref<1x1x1x80xi32, #tpu.memory_space<hbm>>
    %dma_start3A_30 = tpu.memref_squeeze %dma_start3A_29 : memref<1x1x1x80xi32, #tpu.memory_space<hbm>> -> memref<80xi32, #tpu.memory_space<hbm>>
    %dma_start3A_31 = arith.constant 0 : i32
    %dma_start3A_32 = tpu.memref_slice %arg6[%dma_start3A_24, %dma_start3A_31] : memref<3x80xi32, #tpu.memory_space<vmem>> -> memref<1x80xi32, #tpu.memory_space<vmem>>
    %dma_start3A_33 = tpu.memref_squeeze %dma_start3A_32 : memref<1x80xi32, #tpu.memory_space<vmem>> -> memref<80xi32, #tpu.memory_space<vmem>>
    %dma_start3A_34 = arith.constant 0 : i32
    %dma_start3A_35 = tpu.memref_slice %arg3[%dma_start3A_22, %add3A, %dma_start3A_23, %dma_start3A_34] : memref<2x32x125x80xi32, #tpu.memory_space<hbm>> -> memref<1x1x1x80xi32, #tpu.memory_space<hbm>>
    %dma_start3A_36 = tpu.memref_squeeze %dma_start3A_35 : memref<1x1x1x80xi32, #tpu.memory_space<hbm>> -> memref<80xi32, #tpu.memory_space<hbm>>
    tpu.enqueue_dma source(%dma_start3A_36 : memref<80xi32, #tpu.memory_space<hbm>>) target(%dma_start3A_33 : memref<80xi32, #tpu.memory_space<vmem>>) target_semaphore(%arg18 : memref<!tpu.dma_semaphore, #tpu.memory_space<semaphore_mem>>)
    %dma_start3A_37 = arith.constant 1 : i32
    %dma_start3A_38 = arith.constant 0 : i32
    %dma_start3A_39 = tpu.memref_slice %arg5[%dma_start3A_37, %dma_start3A_38] : memref<125x80xi32, #tpu.memory_space<vmem>> -> memref<1x80xi32, #tpu.memory_space<vmem>>
    %dma_start3A_40 = tpu.memref_squeeze %dma_start3A_39 : memref<1x80xi32, #tpu.memory_space<vmem>> -> memref<80xi32, #tpu.memory_space<vmem>>
    %dma_start3A_41 = arith.constant 0 : i32
    %dma_start3A_42 = arith.constant 0 : i32
    %dma_start3A_43 = tpu.memref_slice %arg2[%dma_start3A_41, %dma_start3A_42] : memref<10240x128xf32, #tpu.memory_space<hbm>> -> memref<10240x128xf32, #tpu.memory_space<hbm>>
    tpu.enqueue_indirect_dma source(%dma_start3A_43 : memref<10240x128xf32, #tpu.memory_space<hbm>>) target(%arg8 : memref<80x128xf32, #tpu.memory_space<vmem>>) offsets(%dma_start3A_40 : memref<80xi32, #tpu.memory_space<vmem>>) semaphore(%arg12 : memref<!tpu.dma_semaphore, #tpu.memory_space<semaphore_mem>>)
    %broadcast_in_dim3A = arith.constant 0.000000e+00 : f32
    %broadcast_in_dim3A_44 = vector.broadcast %broadcast_in_dim3A : f32 to vector<16xf32>
    %scan3A = arith.constant 0 : i32
    %scan3A_45 = arith.constant 80 : i32
    %scan3A_46 = arith.addi %scan3A, %scan3A_45 : i32
    %scan3A_47 = arith.constant 1 : i32
    scf.for %scan3A_281 = %scan3A to %scan3A_46 step %scan3A_47  : i32 {
      %mul3A_282 = arith.constant 1 : i32
      %mul3A_283 = arith.muli %scan3A_281, %mul3A_282 : i32
      %add3A_284 = arith.constant 0 : i32
      %add3A_285 = arith.addi %add3A_284, %mul3A_283 : i32
      %swap3A = arith.index_cast %add3A_285 : i32 to index
      %swap3A_286 = arith.constant 0 : index
      %swap3A_287 = tpu.vector_load %arg9[%swap3A, %swap3A_286] {strides = array<i32>} : memref<80x128xf32, #tpu.memory_space<vmem>>, vector<1x16xf32>,
      %swap3A_288 = vector.shape_cast %swap3A_287 : vector<1x16xf32> to vector<16xf32>
      %swap3A_289 = vector.shape_cast %broadcast_in_dim3A_44 : vector<16xf32> to vector<1x16xf32>
      tpu.vector_store %arg9[%swap3A, %swap3A_286], %swap3A_289 {strides = array<i32>} : memref<80x128xf32, #tpu.memory_space<vmem>>, vector<1x16xf32>,
      %swap3A_290 = arith.index_cast %add3A_285 : i32 to index
      %swap3A_291 = arith.constant 16 : index
      %swap3A_292 = tpu.vector_load %arg9[%swap3A_290, %swap3A_291] {strides = array<i32>} : memref<80x128xf32, #tpu.memory_space<vmem>>, vector<1x16xf32>,
      %swap3A_293 = vector.shape_cast %swap3A_292 : vector<1x16xf32> to vector<16xf32>
      %swap3A_294 = vector.shape_cast %broadcast_in_dim3A_44 : vector<16xf32> to vector<1x16xf32>
      tpu.vector_store %arg9[%swap3A_290, %swap3A_291], %swap3A_294 {strides = array<i32>} : memref<80x128xf32, #tpu.memory_space<vmem>>, vector<1x16xf32>,
      %swap3A_295 = arith.index_cast %add3A_285 : i32 to index
      %swap3A_296 = arith.constant 32 : index
      %swap3A_297 = tpu.vector_load %arg9[%swap3A_295, %swap3A_296] {strides = array<i32>} : memref<80x128xf32, #tpu.memory_space<vmem>>, vector<1x16xf32>,
      %swap3A_298 = vector.shape_cast %swap3A_297 : vector<1x16xf32> to vector<16xf32>
      %swap3A_299 = vector.shape_cast %broadcast_in_dim3A_44 : vector<16xf32> to vector<1x16xf32>
      tpu.vector_store %arg9[%swap3A_295, %swap3A_296], %swap3A_299 {strides = array<i32>} : memref<80x128xf32, #tpu.memory_space<vmem>>, vector<1x16xf32>,
      %swap3A_300 = arith.index_cast %add3A_285 : i32 to index
      %swap3A_301 = arith.constant 48 : index
      %swap3A_302 = tpu.vector_load %arg9[%swap3A_300, %swap3A_301] {strides = array<i32>} : memref<80x128xf32, #tpu.memory_space<vmem>>, vector<1x16xf32>,
      %swap3A_303 = vector.shape_cast %swap3A_302 : vector<1x16xf32> to vector<16xf32>
      %swap3A_304 = vector.shape_cast %broadcast_in_dim3A_44 : vector<16xf32> to vector<1x16xf32>
      tpu.vector_store %arg9[%swap3A_300, %swap3A_301], %swap3A_304 {strides = array<i32>} : memref<80x128xf32, #tpu.memory_space<vmem>>, vector<1x16xf32>,
      %swap3A_305 = arith.index_cast %add3A_285 : i32 to index
      %swap3A_306 = arith.constant 64 : index
      %swap3A_307 = tpu.vector_load %arg9[%swap3A_305, %swap3A_306] {strides = array<i32>} : memref<80x128xf32, #tpu.memory_space<vmem>>, vector<1x16xf32>,
      %swap3A_308 = vector.shape_cast %swap3A_307 : vector<1x16xf32> to vector<16xf32>
      %swap3A_309 = vector.shape_cast %broadcast_in_dim3A_44 : vector<16xf32> to vector<1x16xf32>
      tpu.vector_store %arg9[%swap3A_305, %swap3A_306], %swap3A_309 {strides = array<i32>} : memref<80x128xf32, #tpu.memory_space<vmem>>, vector<1x16xf32>,
      %swap3A_310 = arith.index_cast %add3A_285 : i32 to index
      %swap3A_311 = arith.constant 80 : index
      %swap3A_312 = tpu.vector_load %arg9[%swap3A_310, %swap3A_311] {strides = array<i32>} : memref<80x128xf32, #tpu.memory_space<vmem>>, vector<1x16xf32>,
      %swap3A_313 = vector.shape_cast %swap3A_312 : vector<1x16xf32> to vector<16xf32>
      %swap3A_314 = vector.shape_cast %broadcast_in_dim3A_44 : vector<16xf32> to vector<1x16xf32>
      tpu.vector_store %arg9[%swap3A_310, %swap3A_311], %swap3A_314 {strides = array<i32>} : memref<80x128xf32, #tpu.memory_space<vmem>>, vector<1x16xf32>,
      %swap3A_315 = arith.index_cast %add3A_285 : i32 to index
      %swap3A_316 = arith.constant 96 : index
      %swap3A_317 = tpu.vector_load %arg9[%swap3A_315, %swap3A_316] {strides = array<i32>} : memref<80x128xf32, #tpu.memory_space<vmem>>, vector<1x16xf32>,
      %swap3A_318 = vector.shape_cast %swap3A_317 : vector<1x16xf32> to vector<16xf32>
      %swap3A_319 = vector.shape_cast %broadcast_in_dim3A_44 : vector<16xf32> to vector<1x16xf32>
      tpu.vector_store %arg9[%swap3A_315, %swap3A_316], %swap3A_319 {strides = array<i32>} : memref<80x128xf32, #tpu.memory_space<vmem>>, vector<1x16xf32>,
      %swap3A_320 = arith.index_cast %add3A_285 : i32 to index
      %swap3A_321 = arith.constant 112 : index
      %swap3A_322 = tpu.vector_load %arg9[%swap3A_320, %swap3A_321] {strides = array<i32>} : memref<80x128xf32, #tpu.memory_space<vmem>>, vector<1x16xf32>,
      %swap3A_323 = vector.shape_cast %swap3A_322 : vector<1x16xf32> to vector<16xf32>
      %swap3A_324 = vector.shape_cast %broadcast_in_dim3A_44 : vector<16xf32> to vector<1x16xf32>
      tpu.vector_store %arg9[%swap3A_320, %swap3A_321], %swap3A_324 {strides = array<i32>} : memref<80x128xf32, #tpu.memory_space<vmem>>, vector<1x16xf32>,
    }
    %scan3A_48 = arith.constant 80 : i32
    %mul3A_49 = arith.constant 640 : i32
    %mul3A_50 = arith.muli %arg1, %mul3A_49 : i32
    %add3A_51 = arith.constant 0 : i32
    %add3A_52 = arith.addi %mul3A_50, %add3A_51 : i32
    %dma_start3A_53 = arith.constant 0 : i32
    %dma_start3A_54 = tpu.memref_slice %arg10[%add3A_52, %dma_start3A_53] : memref<10240x128xf32, #tpu.memory_space<vmem_shared>> -> memref<80x128xf32, #tpu.memory_space<vmem_shared>>
    %dma_start3A_55 = arith.constant 0 : i32
    %dma_start3A_56 = tpu.memref_slice %arg10[%add3A_52, %dma_start3A_55] : memref<10240x128xf32, #tpu.memory_space<vmem_shared>> -> memref<80x128xf32, #tpu.memory_space<vmem_shared>>
    tpu.enqueue_dma source(%arg9 : memref<80x128xf32, #tpu.memory_space<vmem>>) target(%dma_start3A_56 : memref<80x128xf32, #tpu.memory_space<vmem_shared>>) target_semaphore(%arg20 : memref<!tpu.dma_semaphore, #tpu.memory_space<semaphore_mem>>)
    %mul3A_57 = arith.constant 640 : i32
    %mul3A_58 = arith.muli %arg1, %mul3A_57 : i32
    %add3A_59 = arith.constant 80 : i32
    %add3A_60 = arith.addi %mul3A_58, %add3A_59 : i32
    %dma_start3A_61 = arith.constant 0 : i32
    %dma_start3A_62 = tpu.memref_slice %arg10[%add3A_60, %dma_start3A_61] : memref<10240x128xf32, #tpu.memory_space<vmem_shared>> -> memref<80x128xf32, #tpu.memory_space<vmem_shared>>
    %dma_start3A_63 = arith.constant 0 : i32
    %dma_start3A_64 = tpu.memref_slice %arg10[%add3A_60, %dma_start3A_63] : memref<10240x128xf32, #tpu.memory_space<vmem_shared>> -> memref<80x128xf32, #tpu.memory_space<vmem_shared>>
    tpu.enqueue_dma source(%arg9 : memref<80x128xf32, #tpu.memory_space<vmem>>) target(%dma_start3A_64 : memref<80x128xf32, #tpu.memory_space<vmem_shared>>) target_semaphore(%arg20 : memref<!tpu.dma_semaphore, #tpu.memory_space<semaphore_mem>>)
    %mul3A_65 = arith.constant 640 : i32
    %mul3A_66 = arith.muli %arg1, %mul3A_65 : i32
    %add3A_67 = arith.constant 160 : i32
    %add3A_68 = arith.addi %mul3A_66, %add3A_67 : i32
    %dma_start3A_69 = arith.constant 0 : i32
    %dma_start3A_70 = tpu.memref_slice %arg10[%add3A_68, %dma_start3A_69] : memref<10240x128xf32, #tpu.memory_space<vmem_shared>> -> memref<80x128xf32, #tpu.memory_space<vmem_shared>>
    %dma_start3A_71 = arith.constant 0 : i32
    %dma_start3A_72 = tpu.memref_slice %arg10[%add3A_68, %dma_start3A_71] : memref<10240x128xf32, #tpu.memory_space<vmem_shared>> -> memref<80x128xf32, #tpu.memory_space<vmem_shared>>
    tpu.enqueue_dma source(%arg9 : memref<80x128xf32, #tpu.memory_space<vmem>>) target(%dma_start3A_72 : memref<80x128xf32, #tpu.memory_space<vmem_shared>>) target_semaphore(%arg20 : memref<!tpu.dma_semaphore, #tpu.memory_space<semaphore_mem>>)
    %mul3A_73 = arith.constant 640 : i32
    %mul3A_74 = arith.muli %arg1, %mul3A_73 : i32
    %add3A_75 = arith.constant 240 : i32
    %add3A_76 = arith.addi %mul3A_74, %add3A_75 : i32
    %dma_start3A_77 = arith.constant 0 : i32
    %dma_start3A_78 = tpu.memref_slice %arg10[%add3A_76, %dma_start3A_77] : memref<10240x128xf32, #tpu.memory_space<vmem_shared>> -> memref<80x128xf32, #tpu.memory_space<vmem_shared>>
    %dma_start3A_79 = arith.constant 0 : i32
    %dma_start3A_80 = tpu.memref_slice %arg10[%add3A_76, %dma_start3A_79] : memref<10240x128xf32, #tpu.memory_space<vmem_shared>> -> memref<80x128xf32, #tpu.memory_space<vmem_shared>>
    tpu.enqueue_dma source(%arg9 : memref<80x128xf32, #tpu.memory_space<vmem>>) target(%dma_start3A_80 : memref<80x128xf32, #tpu.memory_space<vmem_shared>>) target_semaphore(%arg20 : memref<!tpu.dma_semaphore, #tpu.memory_space<semaphore_mem>>)
    %mul3A_81 = arith.constant 640 : i32
    %mul3A_82 = arith.muli %arg1, %mul3A_81 : i32
    %add3A_83 = arith.constant 320 : i32
    %add3A_84 = arith.addi %mul3A_82, %add3A_83 : i32
    %dma_start3A_85 = arith.constant 0 : i32
    %dma_start3A_86 = tpu.memref_slice %arg10[%add3A_84, %dma_start3A_85] : memref<10240x128xf32, #tpu.memory_space<vmem_shared>> -> memref<80x128xf32, #tpu.memory_space<vmem_shared>>
    %dma_start3A_87 = arith.constant 0 : i32
    %dma_start3A_88 = tpu.memref_slice %arg10[%add3A_84, %dma_start3A_87] : memref<10240x128xf32, #tpu.memory_space<vmem_shared>> -> memref<80x128xf32, #tpu.memory_space<vmem_shared>>
    tpu.enqueue_dma source(%arg9 : memref<80x128xf32, #tpu.memory_space<vmem>>) target(%dma_start3A_88 : memref<80x128xf32, #tpu.memory_space<vmem_shared>>) target_semaphore(%arg20 : memref<!tpu.dma_semaphore, #tpu.memory_space<semaphore_mem>>)
    %mul3A_89 = arith.constant 640 : i32
    %mul3A_90 = arith.muli %arg1, %mul3A_89 : i32
    %add3A_91 = arith.constant 400 : i32
    %add3A_92 = arith.addi %mul3A_90, %add3A_91 : i32
    %dma_start3A_93 = arith.constant 0 : i32
    %dma_start3A_94 = tpu.memref_slice %arg10[%add3A_92, %dma_start3A_93] : memref<10240x128xf32, #tpu.memory_space<vmem_shared>> -> memref<80x128xf32, #tpu.memory_space<vmem_shared>>
    %dma_start3A_95 = arith.constant 0 : i32
    %dma_start3A_96 = tpu.memref_slice %arg10[%add3A_92, %dma_start3A_95] : memref<10240x128xf32, #tpu.memory_space<vmem_shared>> -> memref<80x128xf32, #tpu.memory_space<vmem_shared>>
    tpu.enqueue_dma source(%arg9 : memref<80x128xf32, #tpu.memory_space<vmem>>) target(%dma_start3A_96 : memref<80x128xf32, #tpu.memory_space<vmem_shared>>) target_semaphore(%arg20 : memref<!tpu.dma_semaphore, #tpu.memory_space<semaphore_mem>>)
    %mul3A_97 = arith.constant 640 : i32
    %mul3A_98 = arith.muli %arg1, %mul3A_97 : i32
    %add3A_99 = arith.constant 480 : i32
    %add3A_100 = arith.addi %mul3A_98, %add3A_99 : i32
    %dma_start3A_101 = arith.constant 0 : i32
    %dma_start3A_102 = tpu.memref_slice %arg10[%add3A_100, %dma_start3A_101] : memref<10240x128xf32, #tpu.memory_space<vmem_shared>> -> memref<80x128xf32, #tpu.memory_space<vmem_shared>>
    %dma_start3A_103 = arith.constant 0 : i32
    %dma_start3A_104 = tpu.memref_slice %arg10[%add3A_100, %dma_start3A_103] : memref<10240x128xf32, #tpu.memory_space<vmem_shared>> -> memref<80x128xf32, #tpu.memory_space<vmem_shared>>
    tpu.enqueue_dma source(%arg9 : memref<80x128xf32, #tpu.memory_space<vmem>>) target(%dma_start3A_104 : memref<80x128xf32, #tpu.memory_space<vmem_shared>>) target_semaphore(%arg20 : memref<!tpu.dma_semaphore, #tpu.memory_space<semaphore_mem>>)
    %mul3A_105 = arith.constant 640 : i32
    %mul3A_106 = arith.muli %arg1, %mul3A_105 : i32
    %add3A_107 = arith.constant 560 : i32
    %add3A_108 = arith.addi %mul3A_106, %add3A_107 : i32
    %dma_start3A_109 = arith.constant 0 : i32
    %dma_start3A_110 = tpu.memref_slice %arg10[%add3A_108, %dma_start3A_109] : memref<10240x128xf32, #tpu.memory_space<vmem_shared>> -> memref<80x128xf32, #tpu.memory_space<vmem_shared>>
    %dma_start3A_111 = arith.constant 0 : i32
    %dma_start3A_112 = tpu.memref_slice %arg10[%add3A_108, %dma_start3A_111] : memref<10240x128xf32, #tpu.memory_space<vmem_shared>> -> memref<80x128xf32, #tpu.memory_space<vmem_shared>>
    tpu.enqueue_dma source(%arg9 : memref<80x128xf32, #tpu.memory_space<vmem>>) target(%dma_start3A_112 : memref<80x128xf32, #tpu.memory_space<vmem_shared>>) target_semaphore(%arg20 : memref<!tpu.dma_semaphore, #tpu.memory_space<semaphore_mem>>)
    %dma_wait3A = arith.constant 0 : i32
    %dma_wait3A_113 = arith.constant 0 : i32
    %dma_wait3A_114 = tpu.memref_slice %arg2[%dma_wait3A, %dma_wait3A_113] : memref<10240x128xf32, #tpu.memory_space<hbm>> -> memref<80x128xf32, #tpu.memory_space<hbm>>
    %dma_wait3A_115 = arith.constant 0 : i32
    %dma_wait3A_116 = arith.constant 0 : i32
    %dma_wait3A_117 = tpu.memref_slice %arg2[%dma_wait3A_115, %dma_wait3A_116] : memref<10240x128xf32, #tpu.memory_space<hbm>> -> memref<80x128xf32, #tpu.memory_space<hbm>>
    tpu.wait_dma2 semaphore(%arg20 : memref<!tpu.dma_semaphore, #tpu.memory_space<semaphore_mem>>) src(%dma_wait3A_117 : memref<80x128xf32, #tpu.memory_space<hbm>>) dst(%arg9 : memref<80x128xf32, #tpu.memory_space<vmem>>)
    %dma_wait3A_118 = arith.constant 0 : i32
    %dma_wait3A_119 = arith.constant 0 : i32
    %dma_wait3A_120 = tpu.memref_slice %arg2[%dma_wait3A_118, %dma_wait3A_119] : memref<10240x128xf32, #tpu.memory_space<hbm>> -> memref<80x128xf32, #tpu.memory_space<hbm>>
    %dma_wait3A_121 = arith.constant 0 : i32
    %dma_wait3A_122 = arith.constant 0 : i32
    %dma_wait3A_123 = tpu.memref_slice %arg2[%dma_wait3A_121, %dma_wait3A_122] : memref<10240x128xf32, #tpu.memory_space<hbm>> -> memref<80x128xf32, #tpu.memory_space<hbm>>
    tpu.wait_dma2 semaphore(%arg20 : memref<!tpu.dma_semaphore, #tpu.memory_space<semaphore_mem>>) src(%dma_wait3A_123 : memref<80x128xf32, #tpu.memory_space<hbm>>) dst(%arg9 : memref<80x128xf32, #tpu.memory_space<vmem>>)
    %dma_wait3A_124 = arith.constant 0 : i32
    %dma_wait3A_125 = arith.constant 0 : i32
    %dma_wait3A_126 = tpu.memref_slice %arg2[%dma_wait3A_124, %dma_wait3A_125] : memref<10240x128xf32, #tpu.memory_space<hbm>> -> memref<80x128xf32, #tpu.memory_space<hbm>>
    %dma_wait3A_127 = arith.constant 0 : i32
    %dma_wait3A_128 = arith.constant 0 : i32
    %dma_wait3A_129 = tpu.memref_slice %arg2[%dma_wait3A_127, %dma_wait3A_128] : memref<10240x128xf32, #tpu.memory_space<hbm>> -> memref<80x128xf32, #tpu.memory_space<hbm>>
    tpu.wait_dma2 semaphore(%arg20 : memref<!tpu.dma_semaphore, #tpu.memory_space<semaphore_mem>>) src(%dma_wait3A_129 : memref<80x128xf32, #tpu.memory_space<hbm>>) dst(%arg9 : memref<80x128xf32, #tpu.memory_space<vmem>>)
    %dma_wait3A_130 = arith.constant 0 : i32
    %dma_wait3A_131 = arith.constant 0 : i32
    %dma_wait3A_132 = tpu.memref_slice %arg2[%dma_wait3A_130, %dma_wait3A_131] : memref<10240x128xf32, #tpu.memory_space<hbm>> -> memref<80x128xf32, #tpu.memory_space<hbm>>
    %dma_wait3A_133 = arith.constant 0 : i32
    %dma_wait3A_134 = arith.constant 0 : i32
    %dma_wait3A_135 = tpu.memref_slice %arg2[%dma_wait3A_133, %dma_wait3A_134] : memref<10240x128xf32, #tpu.memory_space<hbm>> -> memref<80x128xf32, #tpu.memory_space<hbm>>
    tpu.wait_dma2 semaphore(%arg20 : memref<!tpu.dma_semaphore, #tpu.memory_space<semaphore_mem>>) src(%dma_wait3A_135 : memref<80x128xf32, #tpu.memory_space<hbm>>) dst(%arg9 : memref<80x128xf32, #tpu.memory_space<vmem>>)
    %dma_wait3A_136 = arith.constant 0 : i32
    %dma_wait3A_137 = arith.constant 0 : i32
    %dma_wait3A_138 = tpu.memref_slice %arg2[%dma_wait3A_136, %dma_wait3A_137] : memref<10240x128xf32, #tpu.memory_space<hbm>> -> memref<80x128xf32, #tpu.memory_space<hbm>>
    %dma_wait3A_139 = arith.constant 0 : i32
    %dma_wait3A_140 = arith.constant 0 : i32
    %dma_wait3A_141 = tpu.memref_slice %arg2[%dma_wait3A_139, %dma_wait3A_140] : memref<10240x128xf32, #tpu.memory_space<hbm>> -> memref<80x128xf32, #tpu.memory_space<hbm>>
    tpu.wait_dma2 semaphore(%arg20 : memref<!tpu.dma_semaphore, #tpu.memory_space<semaphore_mem>>) src(%dma_wait3A_141 : memref<80x128xf32, #tpu.memory_space<hbm>>) dst(%arg9 : memref<80x128xf32, #tpu.memory_space<vmem>>)
    %dma_wait3A_142 = arith.constant 0 : i32
    %dma_wait3A_143 = arith.constant 0 : i32
    %dma_wait3A_144 = tpu.memref_slice %arg2[%dma_wait3A_142, %dma_wait3A_143] : memref<10240x128xf32, #tpu.memory_space<hbm>> -> memref<80x128xf32, #tpu.memory_space<hbm>>
    %dma_wait3A_145 = arith.constant 0 : i32
    %dma_wait3A_146 = arith.constant 0 : i32
    %dma_wait3A_147 = tpu.memref_slice %arg2[%dma_wait3A_145, %dma_wait3A_146] : memref<10240x128xf32, #tpu.memory_space<hbm>> -> memref<80x128xf32, #tpu.memory_space<hbm>>
    tpu.wait_dma2 semaphore(%arg20 : memref<!tpu.dma_semaphore, #tpu.memory_space<semaphore_mem>>) src(%dma_wait3A_147 : memref<80x128xf32, #tpu.memory_space<hbm>>) dst(%arg9 : memref<80x128xf32, #tpu.memory_space<vmem>>)
    %dma_wait3A_148 = arith.constant 0 : i32
    %dma_wait3A_149 = arith.constant 0 : i32
    %dma_wait3A_150 = tpu.memref_slice %arg2[%dma_wait3A_148, %dma_wait3A_149] : memref<10240x128xf32, #tpu.memory_space<hbm>> -> memref<80x128xf32, #tpu.memory_space<hbm>>
    %dma_wait3A_151 = arith.constant 0 : i32
    %dma_wait3A_152 = arith.constant 0 : i32
    %dma_wait3A_153 = tpu.memref_slice %arg2[%dma_wait3A_151, %dma_wait3A_152] : memref<10240x128xf32, #tpu.memory_space<hbm>> -> memref<80x128xf32, #tpu.memory_space<hbm>>
    tpu.wait_dma2 semaphore(%arg20 : memref<!tpu.dma_semaphore, #tpu.memory_space<semaphore_mem>>) src(%dma_wait3A_153 : memref<80x128xf32, #tpu.memory_space<hbm>>) dst(%arg9 : memref<80x128xf32, #tpu.memory_space<vmem>>)
    %dma_wait3A_154 = arith.constant 0 : i32
    %dma_wait3A_155 = arith.constant 0 : i32
    %dma_wait3A_156 = tpu.memref_slice %arg2[%dma_wait3A_154, %dma_wait3A_155] : memref<10240x128xf32, #tpu.memory_space<hbm>> -> memref<80x128xf32, #tpu.memory_space<hbm>>
    %dma_wait3A_157 = arith.constant 0 : i32
    %dma_wait3A_158 = arith.constant 0 : i32
    %dma_wait3A_159 = tpu.memref_slice %arg2[%dma_wait3A_157, %dma_wait3A_158] : memref<10240x128xf32, #tpu.memory_space<hbm>> -> memref<80x128xf32, #tpu.memory_space<hbm>>
    tpu.wait_dma2 semaphore(%arg20 : memref<!tpu.dma_semaphore, #tpu.memory_space<semaphore_mem>>) src(%dma_wait3A_159 : memref<80x128xf32, #tpu.memory_space<hbm>>) dst(%arg9 : memref<80x128xf32, #tpu.memory_space<vmem>>)
    %dma_start3A_160 = arith.constant 1 : i32
    %dma_start3A_161 = arith.constant 2 : i32
    %dma_start3A_162 = arith.constant 2 : i32
    %dma_start3A_163 = arith.constant 0 : i32
    %dma_start3A_164 = tpu.memref_slice %arg6[%dma_start3A_162, %dma_start3A_163] : memref<3x80xi32, #tpu.memory_space<vmem>> -> memref<1x80xi32, #tpu.memory_space<vmem>>
    %dma_start3A_165 = tpu.memref_squeeze %dma_start3A_164 : memref<1x80xi32, #tpu.memory_space<vmem>> -> memref<80xi32, #tpu.memory_space<vmem>>
    %dma_start3A_166 = arith.constant 0 : i32
    %dma_start3A_167 = tpu.memref_slice %arg3[%dma_start3A_160, %add3A, %dma_start3A_161, %dma_start3A_166] : memref<2x32x125x80xi32, #tpu.memory_space<hbm>> -> memref<1x1x1x80xi32, #tpu.memory_space<hbm>>
    %dma_start3A_168 = tpu.memref_squeeze %dma_start3A_167 : memref<1x1x1x80xi32, #tpu.memory_space<hbm>> -> memref<80xi32, #tpu.memory_space<hbm>>
    %dma_start3A_169 = arith.constant 0 : i32
    %dma_start3A_170 = tpu.memref_slice %arg6[%dma_start3A_162, %dma_start3A_169] : memref<3x80xi32, #tpu.memory_space<vmem>> -> memref<1x80xi32, #tpu.memory_space<vmem>>
    %dma_start3A_171 = tpu.memref_squeeze %dma_start3A_170 : memref<1x80xi32, #tpu.memory_space<vmem>> -> memref<80xi32, #tpu.memory_space<vmem>>
    %dma_start3A_172 = arith.constant 0 : i32
    %dma_start3A_173 = tpu.memref_slice %arg3[%dma_start3A_160, %add3A, %dma_start3A_161, %dma_start3A_172] : memref<2x32x125x80xi32, #tpu.memory_space<hbm>> -> memref<1x1x1x80xi32, #tpu.memory_space<hbm>>
    %dma_start3A_174 = tpu.memref_squeeze %dma_start3A_173 : memref<1x1x1x80xi32, #tpu.memory_space<hbm>> -> memref<80xi32, #tpu.memory_space<hbm>>
    tpu.enqueue_dma source(%dma_start3A_174 : memref<80xi32, #tpu.memory_space<hbm>>) target(%dma_start3A_171 : memref<80xi32, #tpu.memory_space<vmem>>) target_semaphore(%arg19 : memref<!tpu.dma_semaphore, #tpu.memory_space<semaphore_mem>>)
    %dma_start3A_175 = arith.constant 2 : i32
    %dma_start3A_176 = arith.constant 0 : i32
    %dma_start3A_177 = tpu.memref_slice %arg5[%dma_start3A_175, %dma_start3A_176] : memref<125x80xi32, #tpu.memory_space<vmem>> -> memref<1x80xi32, #tpu.memory_space<vmem>>
    %dma_start3A_178 = tpu.memref_squeeze %dma_start3A_177 : memref<1x80xi32, #tpu.memory_space<vmem>> -> memref<80xi32, #tpu.memory_space<vmem>>
    %dma_start3A_179 = arith.constant 0 : i32
    %dma_start3A_180 = arith.constant 0 : i32
    %dma_start3A_181 = tpu.memref_slice %arg2[%dma_start3A_179, %dma_start3A_180] : memref<10240x128xf32, #tpu.memory_space<hbm>> -> memref<10240x128xf32, #tpu.memory_space<hbm>>
    tpu.enqueue_indirect_dma source(%dma_start3A_181 : memref<10240x128xf32, #tpu.memory_space<hbm>>) target(%arg9 : memref<80x128xf32, #tpu.memory_space<vmem>>) offsets(%dma_start3A_178 : memref<80xi32, #tpu.memory_space<vmem>>) semaphore(%arg13 : memref<!tpu.dma_semaphore, #tpu.memory_space<semaphore_mem>>)
    %barrier3A = arith.constant 0 : index
    tpu.barrier barrier_id(%barrier3A)
    %scan3A_182 = arith.constant 0 : i32
    %scan3A_183 = arith.constant 41 : i32
    %scan3A_184 = arith.addi %scan3A_182, %scan3A_183 : i32
    %scan3A_185 = arith.constant 1 : i32
    scf.for %scan3A_281 = %scan3A_182 to %scan3A_184 step %scan3A_185  : i32 {
      %mul3A_282 = arith.constant 3 : i32
      %mul3A_283 = arith.muli %scan3A_281, %mul3A_282 : i32
      %add3A_284 = arith.constant 0 : i32
      %add3A_285 = arith.addi %add3A_284, %mul3A_283 : i32
      %dma_wait3A_286 = arith.constant 0 : i32
      %dma_wait3A_287 = arith.constant 0 : i32
      %dma_wait3A_288 = tpu.memref_slice %arg2[%dma_wait3A_286, %dma_wait3A_287] : memref<10240x128xf32, #tpu.memory_space<hbm>> -> memref<80x128xf32, #tpu.memory_space<hbm>>
      %dma_wait3A_289 = arith.constant 0 : i32
      %dma_wait3A_290 = arith.constant 0 : i32
      %dma_wait3A_291 = tpu.memref_slice %arg2[%dma_wait3A_289, %dma_wait3A_290] : memref<10240x128xf32, #tpu.memory_space<hbm>> -> memref<80x128xf32, #tpu.memory_space<hbm>>
      tpu.wait_dma2 semaphore(%arg11 : memref<!tpu.dma_semaphore, #tpu.memory_space<semaphore_mem>>) src(%dma_wait3A_291 : memref<80x128xf32, #tpu.memory_space<hbm>>) dst(%arg7 : memref<80x128xf32, #tpu.memory_space<vmem>>)
      %dma_wait3A_292 = arith.constant 1 : i32
      %dma_wait3A_293 = arith.constant 0 : i32
      %dma_wait3A_294 = arith.constant 0 : i32
      %dma_wait3A_295 = arith.constant 0 : i32
      %dma_wait3A_296 = tpu.memref_slice %arg6[%dma_wait3A_294, %dma_wait3A_295] : memref<3x80xi32, #tpu.memory_space<vmem>> -> memref<1x80xi32, #tpu.memory_space<vmem>>
      %dma_wait3A_297 = tpu.memref_squeeze %dma_wait3A_296 : memref<1x80xi32, #tpu.memory_space<vmem>> -> memref<80xi32, #tpu.memory_space<vmem>>
      %dma_wait3A_298 = arith.constant 0 : i32
      %dma_wait3A_299 = tpu.memref_slice %arg3[%dma_wait3A_292, %add3A, %dma_wait3A_293, %dma_wait3A_298] : memref<2x32x125x80xi32, #tpu.memory_space<hbm>> -> memref<1x1x1x80xi32, #tpu.memory_space<hbm>>
      %dma_wait3A_300 = tpu.memref_squeeze %dma_wait3A_299 : memref<1x1x1x80xi32, #tpu.memory_space<hbm>> -> memref<80xi32, #tpu.memory_space<hbm>>
      %dma_wait3A_301 = arith.constant 0 : i32
      %dma_wait3A_302 = tpu.memref_slice %arg6[%dma_wait3A_294, %dma_wait3A_301] : memref<3x80xi32, #tpu.memory_space<vmem>> -> memref<1x80xi32, #tpu.memory_space<vmem>>
      %dma_wait3A_303 = tpu.memref_squeeze %dma_wait3A_302 : memref<1x80xi32, #tpu.memory_space<vmem>> -> memref<80xi32, #tpu.memory_space<vmem>>
      %dma_wait3A_304 = arith.constant 0 : i32
      %dma_wait3A_305 = tpu.memref_slice %arg3[%dma_wait3A_292, %add3A, %dma_wait3A_293, %dma_wait3A_304] : memref<2x32x125x80xi32, #tpu.memory_space<hbm>> -> memref<1x1x1x80xi32, #tpu.memory_space<hbm>>
      %dma_wait3A_306 = tpu.memref_squeeze %dma_wait3A_305 : memref<1x1x1x80xi32, #tpu.memory_space<hbm>> -> memref<80xi32, #tpu.memory_space<hbm>>
      tpu.wait_dma2 semaphore(%arg17 : memref<!tpu.dma_semaphore, #tpu.memory_space<semaphore_mem>>) src(%dma_wait3A_306 : memref<80xi32, #tpu.memory_space<hbm>>) dst(%dma_wait3A_303 : memref<80xi32, #tpu.memory_space<vmem>>)
      %dma_start3A_307 = arith.constant 0 : i32
      %dma_start3A_308 = arith.constant 0 : i32
      %dma_start3A_309 = tpu.memref_slice %arg6[%dma_start3A_307, %dma_start3A_308] : memref<3x80xi32, #tpu.memory_space<vmem>> -> memref<1x80xi32, #tpu.memory_space<vmem>>
      %dma_start3A_310 = tpu.memref_squeeze %dma_start3A_309 : memref<1x80xi32, #tpu.memory_space<vmem>> -> memref<80xi32, #tpu.memory_space<vmem>>
      %dma_start3A_311 = arith.constant 0 : i32
      %dma_start3A_312 = arith.constant 0 : i32
      %dma_start3A_313 = tpu.memref_slice %arg10[%dma_start3A_311, %dma_start3A_312] : memref<10240x128xf32, #tpu.memory_space<vmem_shared>> -> memref<10240x128xf32, #tpu.memory_space<vmem_shared>>
      tpu.enqueue_indirect_dma source(%arg7 : memref<80x128xf32, #tpu.memory_space<vmem>>) target(%dma_start3A_313 : memref<10240x128xf32, #tpu.memory_space<vmem_shared>>) offsets(%dma_start3A_310 : memref<80xi32, #tpu.memory_space<vmem>>) semaphore(%arg14 : memref<!tpu.dma_semaphore, #tpu.memory_space<semaphore_mem>>) {add = true}
      %dma_wait3A_314 = arith.constant 0 : i32
      %dma_wait3A_315 = arith.constant 0 : i32
      %dma_wait3A_316 = tpu.memref_slice %arg2[%dma_wait3A_314, %dma_wait3A_315] : memref<10240x128xf32, #tpu.memory_space<hbm>> -> memref<80x128xf32, #tpu.memory_space<hbm>>
      %dma_wait3A_317 = arith.constant 0 : i32
      %dma_wait3A_318 = arith.constant 0 : i32
      %dma_wait3A_319 = tpu.memref_slice %arg2[%dma_wait3A_317, %dma_wait3A_318] : memref<10240x128xf32, #tpu.memory_space<hbm>> -> memref<80x128xf32, #tpu.memory_space<hbm>>
      tpu.wait_dma2 semaphore(%arg12 : memref<!tpu.dma_semaphore, #tpu.memory_space<semaphore_mem>>) src(%dma_wait3A_319 : memref<80x128xf32, #tpu.memory_space<hbm>>) dst(%arg8 : memref<80x128xf32, #tpu.memory_space<vmem>>)
      %dma_wait3A_320 = arith.constant 1 : i32
      %dma_wait3A_321 = arith.constant 0 : i32
      %dma_wait3A_322 = arith.constant 1 : i32
      %dma_wait3A_323 = arith.constant 0 : i32
      %dma_wait3A_324 = tpu.memref_slice %arg6[%dma_wait3A_322, %dma_wait3A_323] : memref<3x80xi32, #tpu.memory_space<vmem>> -> memref<1x80xi32, #tpu.memory_space<vmem>>
      %dma_wait3A_325 = tpu.memref_squeeze %dma_wait3A_324 : memref<1x80xi32, #tpu.memory_space<vmem>> -> memref<80xi32, #tpu.memory_space<vmem>>
      %dma_wait3A_326 = arith.constant 0 : i32
      %dma_wait3A_327 = tpu.memref_slice %arg3[%dma_wait3A_320, %add3A, %dma_wait3A_321, %dma_wait3A_326] : memref<2x32x125x80xi32, #tpu.memory_space<hbm>> -> memref<1x1x1x80xi32, #tpu.memory_space<hbm>>
      %dma_wait3A_328 = tpu.memref_squeeze %dma_wait3A_327 : memref<1x1x1x80xi32, #tpu.memory_space<hbm>> -> memref<80xi32, #tpu.memory_space<hbm>>
      %dma_wait3A_329 = arith.constant 0 : i32
      %dma_wait3A_330 = tpu.memref_slice %arg6[%dma_wait3A_322, %dma_wait3A_329] : memref<3x80xi32, #tpu.memory_space<vmem>> -> memref<1x80xi32, #tpu.memory_space<vmem>>
      %dma_wait3A_331 = tpu.memref_squeeze %dma_wait3A_330 : memref<1x80xi32, #tpu.memory_space<vmem>> -> memref<80xi32, #tpu.memory_space<vmem>>
      %dma_wait3A_332 = arith.constant 0 : i32
      %dma_wait3A_333 = tpu.memref_slice %arg3[%dma_wait3A_320, %add3A, %dma_wait3A_321, %dma_wait3A_332] : memref<2x32x125x80xi32, #tpu.memory_space<hbm>> -> memref<1x1x1x80xi32, #tpu.memory_space<hbm>>
      %dma_wait3A_334 = tpu.memref_squeeze %dma_wait3A_333 : memref<1x1x1x80xi32, #tpu.memory_space<hbm>> -> memref<80xi32, #tpu.memory_space<hbm>>
      tpu.wait_dma2 semaphore(%arg18 : memref<!tpu.dma_semaphore, #tpu.memory_space<semaphore_mem>>) src(%dma_wait3A_334 : memref<80xi32, #tpu.memory_space<hbm>>) dst(%dma_wait3A_331 : memref<80xi32, #tpu.memory_space<vmem>>)
      %dma_start3A_335 = arith.constant 1 : i32
      %dma_start3A_336 = arith.constant 0 : i32
      %dma_start3A_337 = tpu.memref_slice %arg6[%dma_start3A_335, %dma_start3A_336] : memref<3x80xi32, #tpu.memory_space<vmem>> -> memref<1x80xi32, #tpu.memory_space<vmem>>
      %dma_start3A_338 = tpu.memref_squeeze %dma_start3A_337 : memref<1x80xi32, #tpu.memory_space<vmem>> -> memref<80xi32, #tpu.memory_space<vmem>>
      %dma_start3A_339 = arith.constant 0 : i32
      %dma_start3A_340 = arith.constant 0 : i32
      %dma_start3A_341 = tpu.memref_slice %arg10[%dma_start3A_339, %dma_start3A_340] : memref<10240x128xf32, #tpu.memory_space<vmem_shared>> -> memref<10240x128xf32, #tpu.memory_space<vmem_shared>>
      tpu.enqueue_indirect_dma source(%arg8 : memref<80x128xf32, #tpu.memory_space<vmem>>) target(%dma_start3A_341 : memref<10240x128xf32, #tpu.memory_space<vmem_shared>>) offsets(%dma_start3A_338 : memref<80xi32, #tpu.memory_space<vmem>>) semaphore(%arg15 : memref<!tpu.dma_semaphore, #tpu.memory_space<semaphore_mem>>) {add = true}
      %dma_wait3A_342 = arith.constant 0 : i32
      %dma_wait3A_343 = arith.constant 0 : i32
      %dma_wait3A_344 = tpu.memref_slice %arg2[%dma_wait3A_342, %dma_wait3A_343] : memref<10240x128xf32, #tpu.memory_space<hbm>> -> memref<80x128xf32, #tpu.memory_space<hbm>>
      %dma_wait3A_345 = arith.constant 0 : i32
      %dma_wait3A_346 = arith.constant 0 : i32
      %dma_wait3A_347 = tpu.memref_slice %arg2[%dma_wait3A_345, %dma_wait3A_346] : memref<10240x128xf32, #tpu.memory_space<hbm>> -> memref<80x128xf32, #tpu.memory_space<hbm>>
      tpu.wait_dma2 semaphore(%arg13 : memref<!tpu.dma_semaphore, #tpu.memory_space<semaphore_mem>>) src(%dma_wait3A_347 : memref<80x128xf32, #tpu.memory_space<hbm>>) dst(%arg9 : memref<80x128xf32, #tpu.memory_space<vmem>>)
      %dma_wait3A_348 = arith.constant 1 : i32
      %dma_wait3A_349 = arith.constant 0 : i32
      %dma_wait3A_350 = arith.constant 2 : i32
      %dma_wait3A_351 = arith.constant 0 : i32
      %dma_wait3A_352 = tpu.memref_slice %arg6[%dma_wait3A_350, %dma_wait3A_351] : memref<3x80xi32, #tpu.memory_space<vmem>> -> memref<1x80xi32, #tpu.memory_space<vmem>>
      %dma_wait3A_353 = tpu.memref_squeeze %dma_wait3A_352 : memref<1x80xi32, #tpu.memory_space<vmem>> -> memref<80xi32, #tpu.memory_space<vmem>>
      %dma_wait3A_354 = arith.constant 0 : i32
      %dma_wait3A_355 = tpu.memref_slice %arg3[%dma_wait3A_348, %add3A, %dma_wait3A_349, %dma_wait3A_354] : memref<2x32x125x80xi32, #tpu.memory_space<hbm>> -> memref<1x1x1x80xi32, #tpu.memory_space<hbm>>
      %dma_wait3A_356 = tpu.memref_squeeze %dma_wait3A_355 : memref<1x1x1x80xi32, #tpu.memory_space<hbm>> -> memref<80xi32, #tpu.memory_space<hbm>>
      %dma_wait3A_357 = arith.constant 0 : i32
      %dma_wait3A_358 = tpu.memref_slice %arg6[%dma_wait3A_350, %dma_wait3A_357] : memref<3x80xi32, #tpu.memory_space<vmem>> -> memref<1x80xi32, #tpu.memory_space<vmem>>
      %dma_wait3A_359 = tpu.memref_squeeze %dma_wait3A_358 : memref<1x80xi32, #tpu.memory_space<vmem>> -> memref<80xi32, #tpu.memory_space<vmem>>
      %dma_wait3A_360 = arith.constant 0 : i32
      %dma_wait3A_361 = tpu.memref_slice %arg3[%dma_wait3A_348, %add3A, %dma_wait3A_349, %dma_wait3A_360] : memref<2x32x125x80xi32, #tpu.memory_space<hbm>> -> memref<1x1x1x80xi32, #tpu.memory_space<hbm>>
      %dma_wait3A_362 = tpu.memref_squeeze %dma_wait3A_361 : memref<1x1x1x80xi32, #tpu.memory_space<hbm>> -> memref<80xi32, #tpu.memory_space<hbm>>
      tpu.wait_dma2 semaphore(%arg19 : memref<!tpu.dma_semaphore, #tpu.memory_space<semaphore_mem>>) src(%dma_wait3A_362 : memref<80xi32, #tpu.memory_space<hbm>>) dst(%dma_wait3A_359 : memref<80xi32, #tpu.memory_space<vmem>>)
      %dma_start3A_363 = arith.constant 2 : i32
      %dma_start3A_364 = arith.constant 0 : i32
      %dma_start3A_365 = tpu.memref_slice %arg6[%dma_start3A_363, %dma_start3A_364] : memref<3x80xi32, #tpu.memory_space<vmem>> -> memref<1x80xi32, #tpu.memory_space<vmem>>
      %dma_start3A_366 = tpu.memref_squeeze %dma_start3A_365 : memref<1x80xi32, #tpu.memory_space<vmem>> -> memref<80xi32, #tpu.memory_space<vmem>>
      %dma_start3A_367 = arith.constant 0 : i32
      %dma_start3A_368 = arith.constant 0 : i32
      %dma_start3A_369 = tpu.memref_slice %arg10[%dma_start3A_367, %dma_start3A_368] : memref<10240x128xf32, #tpu.memory_space<vmem_shared>> -> memref<10240x128xf32, #tpu.memory_space<vmem_shared>>
      tpu.enqueue_indirect_dma source(%arg9 : memref<80x128xf32, #tpu.memory_space<vmem>>) target(%dma_start3A_369 : memref<10240x128xf32, #tpu.memory_space<vmem_shared>>) offsets(%dma_start3A_366 : memref<80xi32, #tpu.memory_space<vmem>>) semaphore(%arg16 : memref<!tpu.dma_semaphore, #tpu.memory_space<semaphore_mem>>) {add = true}
      %dma_wait3A_370 = arith.constant 0 : i32
      %dma_wait3A_371 = arith.constant 0 : i32
      %dma_wait3A_372 = tpu.memref_slice %arg2[%dma_wait3A_370, %dma_wait3A_371] : memref<10240x128xf32, #tpu.memory_space<hbm>> -> memref<80x128xf32, #tpu.memory_space<hbm>>
      %dma_wait3A_373 = arith.constant 0 : i32
      %dma_wait3A_374 = arith.constant 0 : i32
      %dma_wait3A_375 = tpu.memref_slice %arg2[%dma_wait3A_373, %dma_wait3A_374] : memref<10240x128xf32, #tpu.memory_space<hbm>> -> memref<80x128xf32, #tpu.memory_space<hbm>>
      tpu.wait_dma2 semaphore(%arg14 : memref<!tpu.dma_semaphore, #tpu.memory_space<semaphore_mem>>) src(%dma_wait3A_375 : memref<80x128xf32, #tpu.memory_space<hbm>>) dst(%arg7 : memref<80x128xf32, #tpu.memory_space<vmem>>)
      %add3A_376 = arith.constant 3 : i32
      %add3A_377 = arith.addi %add3A_285, %add3A_376 : i32
      %add3A_378 = arith.constant 0 : i32
      %add3A_379 = arith.addi %add3A_377, %add3A_378 : i32
      %min3A = arith.constant 124 : i32
      %min3A_380 = arith.minsi %add3A_379, %min3A : i32
      %dma_start3A_381 = arith.constant 1 : i32
      %dma_start3A_382 = arith.constant 0 : i32
      %dma_start3A_383 = arith.constant 0 : i32
      %dma_start3A_384 = tpu.memref_slice %arg6[%dma_start3A_382, %dma_start3A_383] : memref<3x80xi32, #tpu.memory_space<vmem>> -> memref<1x80xi32, #tpu.memory_space<vmem>>
      %dma_start3A_385 = tpu.memref_squeeze %dma_start3A_384 : memref<1x80xi32, #tpu.memory_space<vmem>> -> memref<80xi32, #tpu.memory_space<vmem>>
      %dma_start3A_386 = arith.constant 0 : i32
      %dma_start3A_387 = tpu.memref_slice %arg3[%dma_start3A_381, %add3A, %min3A_380, %dma_start3A_386] : memref<2x32x125x80xi32, #tpu.memory_space<hbm>> -> memref<1x1x1x80xi32, #tpu.memory_space<hbm>>
      %dma_start3A_388 = tpu.memref_squeeze %dma_start3A_387 : memref<1x1x1x80xi32, #tpu.memory_space<hbm>> -> memref<80xi32, #tpu.memory_space<hbm>>
      %dma_start3A_389 = arith.constant 0 : i32
      %dma_start3A_390 = tpu.memref_slice %arg6[%dma_start3A_382, %dma_start3A_389] : memref<3x80xi32, #tpu.memory_space<vmem>> -> memref<1x80xi32, #tpu.memory_space<vmem>>
      %dma_start3A_391 = tpu.memref_squeeze %dma_start3A_390 : memref<1x80xi32, #tpu.memory_space<vmem>> -> memref<80xi32, #tpu.memory_space<vmem>>
      %dma_start3A_392 = arith.constant 0 : i32
      %dma_start3A_393 = tpu.memref_slice %arg3[%dma_start3A_381, %add3A, %min3A_380, %dma_start3A_392] : memref<2x32x125x80xi32, #tpu.memory_space<hbm>> -> memref<1x1x1x80xi32, #tpu.memory_space<hbm>>
      %dma_start3A_394 = tpu.memref_squeeze %dma_start3A_393 : memref<1x1x1x80xi32, #tpu.memory_space<hbm>> -> memref<80xi32, #tpu.memory_space<hbm>>
      tpu.enqueue_dma source(%dma_start3A_394 : memref<80xi32, #tpu.memory_space<hbm>>) target(%dma_start3A_391 : memref<80xi32, #tpu.memory_space<vmem>>) target_semaphore(%arg17 : memref<!tpu.dma_semaphore, #tpu.memory_space<semaphore_mem>>)
      %dma_start3A_395 = arith.constant 0 : i32
      %dma_start3A_396 = tpu.memref_slice %arg5[%min3A_380, %dma_start3A_395] : memref<125x80xi32, #tpu.memory_space<vmem>> -> memref<1x80xi32, #tpu.memory_space<vmem>>
      %dma_start3A_397 = tpu.memref_squeeze %dma_start3A_396 : memref<1x80xi32, #tpu.memory_space<vmem>> -> memref<80xi32, #tpu.memory_space<vmem>>
      %dma_start3A_398 = arith.constant 0 : i32
      %dma_start3A_399 = arith.constant 0 : i32
      %dma_start3A_400 = tpu.memref_slice %arg2[%dma_start3A_398, %dma_start3A_399] : memref<10240x128xf32, #tpu.memory_space<hbm>> -> memref<10240x128xf32, #tpu.memory_space<hbm>>
      tpu.enqueue_indirect_dma source(%dma_start3A_400 : memref<10240x128xf32, #tpu.memory_space<hbm>>) target(%arg7 : memref<80x128xf32, #tpu.memory_space<vmem>>) offsets(%dma_start3A_397 : memref<80xi32, #tpu.memory_space<vmem>>) semaphore(%arg11 : memref<!tpu.dma_semaphore, #tpu.memory_space<semaphore_mem>>)
      %dma_wait3A_401 = arith.constant 0 : i32
      %dma_wait3A_402 = arith.constant 0 : i32
      %dma_wait3A_403 = tpu.memref_slice %arg2[%dma_wait3A_401, %dma_wait3A_402] : memref<10240x128xf32, #tpu.memory_space<hbm>> -> memref<80x128xf32, #tpu.memory_space<hbm>>
      %dma_wait3A_404 = arith.constant 0 : i32
      %dma_wait3A_405 = arith.constant 0 : i32
      %dma_wait3A_406 = tpu.memref_slice %arg2[%dma_wait3A_404, %dma_wait3A_405] : memref<10240x128xf32, #tpu.memory_space<hbm>> -> memref<80x128xf32, #tpu.memory_space<hbm>>
      tpu.wait_dma2 semaphore(%arg15 : memref<!tpu.dma_semaphore, #tpu.memory_space<semaphore_mem>>) src(%dma_wait3A_406 : memref<80x128xf32, #tpu.memory_space<hbm>>) dst(%arg8 : memref<80x128xf32, #tpu.memory_space<vmem>>)
      %add3A_407 = arith.constant 3 : i32
      %add3A_408 = arith.addi %add3A_285, %add3A_407 : i32
      %add3A_409 = arith.constant 1 : i32
      %add3A_410 = arith.addi %add3A_408, %add3A_409 : i32
      %min3A_411 = arith.constant 124 : i32
      %min3A_412 = arith.minsi %add3A_410, %min3A_411 : i32
      %dma_start3A_413 = arith.constant 1 : i32
      %dma_start3A_414 = arith.constant 1 : i32
      %dma_start3A_415 = arith.constant 0 : i32
      %dma_start3A_416 = tpu.memref_slice %arg6[%dma_start3A_414, %dma_start3A_415] : memref<3x80xi32, #tpu.memory_space<vmem>> -> memref<1x80xi32, #tpu.memory_space<vmem>>
      %dma_start3A_417 = tpu.memref_squeeze %dma_start3A_416 : memref<1x80xi32, #tpu.memory_space<vmem>> -> memref<80xi32, #tpu.memory_space<vmem>>
      %dma_start3A_418 = arith.constant 0 : i32
      %dma_start3A_419 = tpu.memref_slice %arg3[%dma_start3A_413, %add3A, %min3A_412, %dma_start3A_418] : memref<2x32x125x80xi32, #tpu.memory_space<hbm>> -> memref<1x1x1x80xi32, #tpu.memory_space<hbm>>
      %dma_start3A_420 = tpu.memref_squeeze %dma_start3A_419 : memref<1x1x1x80xi32, #tpu.memory_space<hbm>> -> memref<80xi32, #tpu.memory_space<hbm>>
      %dma_start3A_421 = arith.constant 0 : i32
      %dma_start3A_422 = tpu.memref_slice %arg6[%dma_start3A_414, %dma_start3A_421] : memref<3x80xi32, #tpu.memory_space<vmem>> -> memref<1x80xi32, #tpu.memory_space<vmem>>
      %dma_start3A_423 = tpu.memref_squeeze %dma_start3A_422 : memref<1x80xi32, #tpu.memory_space<vmem>> -> memref<80xi32, #tpu.memory_space<vmem>>
      %dma_start3A_424 = arith.constant 0 : i32
      %dma_start3A_425 = tpu.memref_slice %arg3[%dma_start3A_413, %add3A, %min3A_412, %dma_start3A_424] : memref<2x32x125x80xi32, #tpu.memory_space<hbm>> -> memref<1x1x1x80xi32, #tpu.memory_space<hbm>>
      %dma_start3A_426 = tpu.memref_squeeze %dma_start3A_425 : memref<1x1x1x80xi32, #tpu.memory_space<hbm>> -> memref<80xi32, #tpu.memory_space<hbm>>
      tpu.enqueue_dma source(%dma_start3A_426 : memref<80xi32, #tpu.memory_space<hbm>>) target(%dma_start3A_423 : memref<80xi32, #tpu.memory_space<vmem>>) target_semaphore(%arg18 : memref<!tpu.dma_semaphore, #tpu.memory_space<semaphore_mem>>)
      %dma_start3A_427 = arith.constant 0 : i32
      %dma_start3A_428 = tpu.memref_slice %arg5[%min3A_412, %dma_start3A_427] : memref<125x80xi32, #tpu.memory_space<vmem>> -> memref<1x80xi32, #tpu.memory_space<vmem>>
      %dma_start3A_429 = tpu.memref_squeeze %dma_start3A_428 : memref<1x80xi32, #tpu.memory_space<vmem>> -> memref<80xi32, #tpu.memory_space<vmem>>
      %dma_start3A_430 = arith.constant 0 : i32
      %dma_start3A_431 = arith.constant 0 : i32
      %dma_start3A_432 = tpu.memref_slice %arg2[%dma_start3A_430, %dma_start3A_431] : memref<10240x128xf32, #tpu.memory_space<hbm>> -> memref<10240x128xf32, #tpu.memory_space<hbm>>
      tpu.enqueue_indirect_dma source(%dma_start3A_432 : memref<10240x128xf32, #tpu.memory_space<hbm>>) target(%arg8 : memref<80x128xf32, #tpu.memory_space<vmem>>) offsets(%dma_start3A_429 : memref<80xi32, #tpu.memory_space<vmem>>) semaphore(%arg12 : memref<!tpu.dma_semaphore, #tpu.memory_space<semaphore_mem>>)
      %dma_wait3A_433 = arith.constant 0 : i32
      %dma_wait3A_434 = arith.constant 0 : i32
      %dma_wait3A_435 = tpu.memref_slice %arg2[%dma_wait3A_433, %dma_wait3A_434] : memref<10240x128xf32, #tpu.memory_space<hbm>> -> memref<80x128xf32, #tpu.memory_space<hbm>>
      %dma_wait3A_436 = arith.constant 0 : i32
      %dma_wait3A_437 = arith.constant 0 : i32
      %dma_wait3A_438 = tpu.memref_slice %arg2[%dma_wait3A_436, %dma_wait3A_437] : memref<10240x128xf32, #tpu.memory_space<hbm>> -> memref<80x128xf32, #tpu.memory_space<hbm>>
      tpu.wait_dma2 semaphore(%arg16 : memref<!tpu.dma_semaphore, #tpu.memory_space<semaphore_mem>>) src(%dma_wait3A_438 : memref<80x128xf32, #tpu.memory_space<hbm>>) dst(%arg9 : memref<80x128xf32, #tpu.memory_space<vmem>>)
      %add3A_439 = arith.constant 3 : i32
      %add3A_440 = arith.addi %add3A_285, %add3A_439 : i32
      %add3A_441 = arith.constant 2 : i32
      %add3A_442 = arith.addi %add3A_440, %add3A_441 : i32
      %min3A_443 = arith.constant 124 : i32
      %min3A_444 = arith.minsi %add3A_442, %min3A_443 : i32
      %dma_start3A_445 = arith.constant 1 : i32
      %dma_start3A_446 = arith.constant 2 : i32
      %dma_start3A_447 = arith.constant 0 : i32
      %dma_start3A_448 = tpu.memref_slice %arg6[%dma_start3A_446, %dma_start3A_447] : memref<3x80xi32, #tpu.memory_space<vmem>> -> memref<1x80xi32, #tpu.memory_space<vmem>>
      %dma_start3A_449 = tpu.memref_squeeze %dma_start3A_448 : memref<1x80xi32, #tpu.memory_space<vmem>> -> memref<80xi32, #tpu.memory_space<vmem>>
      %dma_start3A_450 = arith.constant 0 : i32
      %dma_start3A_451 = tpu.memref_slice %arg3[%dma_start3A_445, %add3A, %min3A_444, %dma_start3A_450] : memref<2x32x125x80xi32, #tpu.memory_space<hbm>> -> memref<1x1x1x80xi32, #tpu.memory_space<hbm>>
      %dma_start3A_452 = tpu.memref_squeeze %dma_start3A_451 : memref<1x1x1x80xi32, #tpu.memory_space<hbm>> -> memref<80xi32, #tpu.memory_space<hbm>>
      %dma_start3A_453 = arith.constant 0 : i32
      %dma_start3A_454 = tpu.memref_slice %arg6[%dma_start3A_446, %dma_start3A_453] : memref<3x80xi32, #tpu.memory_space<vmem>> -> memref<1x80xi32, #tpu.memory_space<vmem>>
      %dma_start3A_455 = tpu.memref_squeeze %dma_start3A_454 : memref<1x80xi32, #tpu.memory_space<vmem>> -> memref<80xi32, #tpu.memory_space<vmem>>
      %dma_start3A_456 = arith.constant 0 : i32
      %dma_start3A_457 = tpu.memref_slice %arg3[%dma_start3A_445, %add3A, %min3A_444, %dma_start3A_456] : memref<2x32x125x80xi32, #tpu.memory_space<hbm>> -> memref<1x1x1x80xi32, #tpu.memory_space<hbm>>
      %dma_start3A_458 = tpu.memref_squeeze %dma_start3A_457 : memref<1x1x1x80xi32, #tpu.memory_space<hbm>> -> memref<80xi32, #tpu.memory_space<hbm>>
      tpu.enqueue_dma source(%dma_start3A_458 : memref<80xi32, #tpu.memory_space<hbm>>) target(%dma_start3A_455 : memref<80xi32, #tpu.memory_space<vmem>>) target_semaphore(%arg19 : memref<!tpu.dma_semaphore, #tpu.memory_space<semaphore_mem>>)
      %dma_start3A_459 = arith.constant 0 : i32
      %dma_start3A_460 = tpu.memref_slice %arg5[%min3A_444, %dma_start3A_459] : memref<125x80xi32, #tpu.memory_space<vmem>> -> memref<1x80xi32, #tpu.memory_space<vmem>>
      %dma_start3A_461 = tpu.memref_squeeze %dma_start3A_460 : memref<1x80xi32, #tpu.memory_space<vmem>> -> memref<80xi32, #tpu.memory_space<vmem>>
      %dma_start3A_462 = arith.constant 0 : i32
      %dma_start3A_463 = arith.constant 0 : i32
      %dma_start3A_464 = tpu.memref_slice %arg2[%dma_start3A_462, %dma_start3A_463] : memref<10240x128xf32, #tpu.memory_space<hbm>> -> memref<10240x128xf32, #tpu.memory_space<hbm>>
      tpu.enqueue_indirect_dma source(%dma_start3A_464 : memref<10240x128xf32, #tpu.memory_space<hbm>>) target(%arg9 : memref<80x128xf32, #tpu.memory_space<vmem>>) offsets(%dma_start3A_461 : memref<80xi32, #tpu.memory_space<vmem>>) semaphore(%arg13 : memref<!tpu.dma_semaphore, #tpu.memory_space<semaphore_mem>>)
    }
    %scan3A_186 = arith.constant 41 : i32
    %dma_wait3A_187 = arith.constant 0 : i32
    %dma_wait3A_188 = arith.constant 0 : i32
    %dma_wait3A_189 = tpu.memref_slice %arg2[%dma_wait3A_187, %dma_wait3A_188] : memref<10240x128xf32, #tpu.memory_space<hbm>> -> memref<80x128xf32, #tpu.memory_space<hbm>>
    %dma_wait3A_190 = arith.constant 0 : i32
    %dma_wait3A_191 = arith.constant 0 : i32
    %dma_wait3A_192 = tpu.memref_slice %arg2[%dma_wait3A_190, %dma_wait3A_191] : memref<10240x128xf32, #tpu.memory_space<hbm>> -> memref<80x128xf32, #tpu.memory_space<hbm>>
    tpu.wait_dma2 semaphore(%arg11 : memref<!tpu.dma_semaphore, #tpu.memory_space<semaphore_mem>>) src(%dma_wait3A_192 : memref<80x128xf32, #tpu.memory_space<hbm>>) dst(%arg7 : memref<80x128xf32, #tpu.memory_space<vmem>>)
    %dma_wait3A_193 = arith.constant 1 : i32
    %dma_wait3A_194 = arith.constant 0 : i32
    %dma_wait3A_195 = arith.constant 0 : i32
    %dma_wait3A_196 = arith.constant 0 : i32
    %dma_wait3A_197 = tpu.memref_slice %arg6[%dma_wait3A_195, %dma_wait3A_196] : memref<3x80xi32, #tpu.memory_space<vmem>> -> memref<1x80xi32, #tpu.memory_space<vmem>>
    %dma_wait3A_198 = tpu.memref_squeeze %dma_wait3A_197 : memref<1x80xi32, #tpu.memory_space<vmem>> -> memref<80xi32, #tpu.memory_space<vmem>>
    %dma_wait3A_199 = arith.constant 0 : i32
    %dma_wait3A_200 = tpu.memref_slice %arg3[%dma_wait3A_193, %add3A, %dma_wait3A_194, %dma_wait3A_199] : memref<2x32x125x80xi32, #tpu.memory_space<hbm>> -> memref<1x1x1x80xi32, #tpu.memory_space<hbm>>
    %dma_wait3A_201 = tpu.memref_squeeze %dma_wait3A_200 : memref<1x1x1x80xi32, #tpu.memory_space<hbm>> -> memref<80xi32, #tpu.memory_space<hbm>>
    %dma_wait3A_202 = arith.constant 0 : i32
    %dma_wait3A_203 = tpu.memref_slice %arg6[%dma_wait3A_195, %dma_wait3A_202] : memref<3x80xi32, #tpu.memory_space<vmem>> -> memref<1x80xi32, #tpu.memory_space<vmem>>
    %dma_wait3A_204 = tpu.memref_squeeze %dma_wait3A_203 : memref<1x80xi32, #tpu.memory_space<vmem>> -> memref<80xi32, #tpu.memory_space<vmem>>
    %dma_wait3A_205 = arith.constant 0 : i32
    %dma_wait3A_206 = tpu.memref_slice %arg3[%dma_wait3A_193, %add3A, %dma_wait3A_194, %dma_wait3A_205] : memref<2x32x125x80xi32, #tpu.memory_space<hbm>> -> memref<1x1x1x80xi32, #tpu.memory_space<hbm>>
    %dma_wait3A_207 = tpu.memref_squeeze %dma_wait3A_206 : memref<1x1x1x80xi32, #tpu.memory_space<hbm>> -> memref<80xi32, #tpu.memory_space<hbm>>
    tpu.wait_dma2 semaphore(%arg17 : memref<!tpu.dma_semaphore, #tpu.memory_space<semaphore_mem>>) src(%dma_wait3A_207 : memref<80xi32, #tpu.memory_space<hbm>>) dst(%dma_wait3A_204 : memref<80xi32, #tpu.memory_space<vmem>>)
    %dma_start3A_208 = arith.constant 0 : i32
    %dma_start3A_209 = arith.constant 0 : i32
    %dma_start3A_210 = tpu.memref_slice %arg6[%dma_start3A_208, %dma_start3A_209] : memref<3x80xi32, #tpu.memory_space<vmem>> -> memref<1x80xi32, #tpu.memory_space<vmem>>
    %dma_start3A_211 = tpu.memref_squeeze %dma_start3A_210 : memref<1x80xi32, #tpu.memory_space<vmem>> -> memref<80xi32, #tpu.memory_space<vmem>>
    %dma_start3A_212 = arith.constant 0 : i32
    %dma_start3A_213 = arith.constant 0 : i32
    %dma_start3A_214 = tpu.memref_slice %arg10[%dma_start3A_212, %dma_start3A_213] : memref<10240x128xf32, #tpu.memory_space<vmem_shared>> -> memref<10240x128xf32, #tpu.memory_space<vmem_shared>>
    tpu.enqueue_indirect_dma source(%arg7 : memref<80x128xf32, #tpu.memory_space<vmem>>) target(%dma_start3A_214 : memref<10240x128xf32, #tpu.memory_space<vmem_shared>>) offsets(%dma_start3A_211 : memref<80xi32, #tpu.memory_space<vmem>>) semaphore(%arg14 : memref<!tpu.dma_semaphore, #tpu.memory_space<semaphore_mem>>) {add = true}
    %dma_wait3A_215 = arith.constant 0 : i32
    %dma_wait3A_216 = arith.constant 0 : i32
    %dma_wait3A_217 = tpu.memref_slice %arg2[%dma_wait3A_215, %dma_wait3A_216] : memref<10240x128xf32, #tpu.memory_space<hbm>> -> memref<80x128xf32, #tpu.memory_space<hbm>>
    %dma_wait3A_218 = arith.constant 0 : i32
    %dma_wait3A_219 = arith.constant 0 : i32
    %dma_wait3A_220 = tpu.memref_slice %arg2[%dma_wait3A_218, %dma_wait3A_219] : memref<10240x128xf32, #tpu.memory_space<hbm>> -> memref<80x128xf32, #tpu.memory_space<hbm>>
    tpu.wait_dma2 semaphore(%arg12 : memref<!tpu.dma_semaphore, #tpu.memory_space<semaphore_mem>>) src(%dma_wait3A_220 : memref<80x128xf32, #tpu.memory_space<hbm>>) dst(%arg8 : memref<80x128xf32, #tpu.memory_space<vmem>>)
    %dma_wait3A_221 = arith.constant 1 : i32
    %dma_wait3A_222 = arith.constant 0 : i32
    %dma_wait3A_223 = arith.constant 1 : i32
    %dma_wait3A_224 = arith.constant 0 : i32
    %dma_wait3A_225 = tpu.memref_slice %arg6[%dma_wait3A_223, %dma_wait3A_224] : memref<3x80xi32, #tpu.memory_space<vmem>> -> memref<1x80xi32, #tpu.memory_space<vmem>>
    %dma_wait3A_226 = tpu.memref_squeeze %dma_wait3A_225 : memref<1x80xi32, #tpu.memory_space<vmem>> -> memref<80xi32, #tpu.memory_space<vmem>>
    %dma_wait3A_227 = arith.constant 0 : i32
    %dma_wait3A_228 = tpu.memref_slice %arg3[%dma_wait3A_221, %add3A, %dma_wait3A_222, %dma_wait3A_227] : memref<2x32x125x80xi32, #tpu.memory_space<hbm>> -> memref<1x1x1x80xi32, #tpu.memory_space<hbm>>
    %dma_wait3A_229 = tpu.memref_squeeze %dma_wait3A_228 : memref<1x1x1x80xi32, #tpu.memory_space<hbm>> -> memref<80xi32, #tpu.memory_space<hbm>>
    %dma_wait3A_230 = arith.constant 0 : i32
    %dma_wait3A_231 = tpu.memref_slice %arg6[%dma_wait3A_223, %dma_wait3A_230] : memref<3x80xi32, #tpu.memory_space<vmem>> -> memref<1x80xi32, #tpu.memory_space<vmem>>
    %dma_wait3A_232 = tpu.memref_squeeze %dma_wait3A_231 : memref<1x80xi32, #tpu.memory_space<vmem>> -> memref<80xi32, #tpu.memory_space<vmem>>
    %dma_wait3A_233 = arith.constant 0 : i32
    %dma_wait3A_234 = tpu.memref_slice %arg3[%dma_wait3A_221, %add3A, %dma_wait3A_222, %dma_wait3A_233] : memref<2x32x125x80xi32, #tpu.memory_space<hbm>> -> memref<1x1x1x80xi32, #tpu.memory_space<hbm>>
    %dma_wait3A_235 = tpu.memref_squeeze %dma_wait3A_234 : memref<1x1x1x80xi32, #tpu.memory_space<hbm>> -> memref<80xi32, #tpu.memory_space<hbm>>
    tpu.wait_dma2 semaphore(%arg18 : memref<!tpu.dma_semaphore, #tpu.memory_space<semaphore_mem>>) src(%dma_wait3A_235 : memref<80xi32, #tpu.memory_space<hbm>>) dst(%dma_wait3A_232 : memref<80xi32, #tpu.memory_space<vmem>>)
    %dma_start3A_236 = arith.constant 1 : i32
    %dma_start3A_237 = arith.constant 0 : i32
    %dma_start3A_238 = tpu.memref_slice %arg6[%dma_start3A_236, %dma_start3A_237] : memref<3x80xi32, #tpu.memory_space<vmem>> -> memref<1x80xi32, #tpu.memory_space<vmem>>
    %dma_start3A_239 = tpu.memref_squeeze %dma_start3A_238 : memref<1x80xi32, #tpu.memory_space<vmem>> -> memref<80xi32, #tpu.memory_space<vmem>>
    %dma_start3A_240 = arith.constant 0 : i32
    %dma_start3A_241 = arith.constant 0 : i32
    %dma_start3A_242 = tpu.memref_slice %arg10[%dma_start3A_240, %dma_start3A_241] : memref<10240x128xf32, #tpu.memory_space<vmem_shared>> -> memref<10240x128xf32, #tpu.memory_space<vmem_shared>>
    tpu.enqueue_indirect_dma source(%arg8 : memref<80x128xf32, #tpu.memory_space<vmem>>) target(%dma_start3A_242 : memref<10240x128xf32, #tpu.memory_space<vmem_shared>>) offsets(%dma_start3A_239 : memref<80xi32, #tpu.memory_space<vmem>>) semaphore(%arg15 : memref<!tpu.dma_semaphore, #tpu.memory_space<semaphore_mem>>) {add = true}
    %dma_wait3A_243 = arith.constant 0 : i32
    %dma_wait3A_244 = arith.constant 0 : i32
    %dma_wait3A_245 = tpu.memref_slice %arg2[%dma_wait3A_243, %dma_wait3A_244] : memref<10240x128xf32, #tpu.memory_space<hbm>> -> memref<80x128xf32, #tpu.memory_space<hbm>>
    %dma_wait3A_246 = arith.constant 0 : i32
    %dma_wait3A_247 = arith.constant 0 : i32
    %dma_wait3A_248 = tpu.memref_slice %arg2[%dma_wait3A_246, %dma_wait3A_247] : memref<10240x128xf32, #tpu.memory_space<hbm>> -> memref<80x128xf32, #tpu.memory_space<hbm>>
    tpu.wait_dma2 semaphore(%arg13 : memref<!tpu.dma_semaphore, #tpu.memory_space<semaphore_mem>>) src(%dma_wait3A_248 : memref<80x128xf32, #tpu.memory_space<hbm>>) dst(%arg9 : memref<80x128xf32, #tpu.memory_space<vmem>>)
    %dma_wait3A_249 = arith.constant 1 : i32
    %dma_wait3A_250 = arith.constant 0 : i32
    %dma_wait3A_251 = arith.constant 2 : i32
    %dma_wait3A_252 = arith.constant 0 : i32
    %dma_wait3A_253 = tpu.memref_slice %arg6[%dma_wait3A_251, %dma_wait3A_252] : memref<3x80xi32, #tpu.memory_space<vmem>> -> memref<1x80xi32, #tpu.memory_space<vmem>>
    %dma_wait3A_254 = tpu.memref_squeeze %dma_wait3A_253 : memref<1x80xi32, #tpu.memory_space<vmem>> -> memref<80xi32, #tpu.memory_space<vmem>>
    %dma_wait3A_255 = arith.constant 0 : i32
    %dma_wait3A_256 = tpu.memref_slice %arg3[%dma_wait3A_249, %add3A, %dma_wait3A_250, %dma_wait3A_255] : memref<2x32x125x80xi32, #tpu.memory_space<hbm>> -> memref<1x1x1x80xi32, #tpu.memory_space<hbm>>
    %dma_wait3A_257 = tpu.memref_squeeze %dma_wait3A_256 : memref<1x1x1x80xi32, #tpu.memory_space<hbm>> -> memref<80xi32, #tpu.memory_space<hbm>>
    %dma_wait3A_258 = arith.constant 0 : i32
    %dma_wait3A_259 = tpu.memref_slice %arg6[%dma_wait3A_251, %dma_wait3A_258] : memref<3x80xi32, #tpu.memory_space<vmem>> -> memref<1x80xi32, #tpu.memory_space<vmem>>
    %dma_wait3A_260 = tpu.memref_squeeze %dma_wait3A_259 : memref<1x80xi32, #tpu.memory_space<vmem>> -> memref<80xi32, #tpu.memory_space<vmem>>
    %dma_wait3A_261 = arith.constant 0 : i32
    %dma_wait3A_262 = tpu.memref_slice %arg3[%dma_wait3A_249, %add3A, %dma_wait3A_250, %dma_wait3A_261] : memref<2x32x125x80xi32, #tpu.memory_space<hbm>> -> memref<1x1x1x80xi32, #tpu.memory_space<hbm>>
    %dma_wait3A_263 = tpu.memref_squeeze %dma_wait3A_262 : memref<1x1x1x80xi32, #tpu.memory_space<hbm>> -> memref<80xi32, #tpu.memory_space<hbm>>
    tpu.wait_dma2 semaphore(%arg19 : memref<!tpu.dma_semaphore, #tpu.memory_space<semaphore_mem>>) src(%dma_wait3A_263 : memref<80xi32, #tpu.memory_space<hbm>>) dst(%dma_wait3A_260 : memref<80xi32, #tpu.memory_space<vmem>>)
    %dma_wait3A_264 = arith.constant 0 : i32
    %dma_wait3A_265 = arith.constant 0 : i32
    %dma_wait3A_266 = tpu.memref_slice %arg2[%dma_wait3A_264, %dma_wait3A_265] : memref<10240x128xf32, #tpu.memory_space<hbm>> -> memref<80x128xf32, #tpu.memory_space<hbm>>
    %dma_wait3A_267 = arith.constant 0 : i32
    %dma_wait3A_268 = arith.constant 0 : i32
    %dma_wait3A_269 = tpu.memref_slice %arg2[%dma_wait3A_267, %dma_wait3A_268] : memref<10240x128xf32, #tpu.memory_space<hbm>> -> memref<80x128xf32, #tpu.memory_space<hbm>>
    tpu.wait_dma2 semaphore(%arg14 : memref<!tpu.dma_semaphore, #tpu.memory_space<semaphore_mem>>) src(%dma_wait3A_269 : memref<80x128xf32, #tpu.memory_space<hbm>>) dst(%arg7 : memref<80x128xf32, #tpu.memory_space<vmem>>)
    %dma_wait3A_270 = arith.constant 0 : i32
    %dma_wait3A_271 = arith.constant 0 : i32
    %dma_wait3A_272 = tpu.memref_slice %arg2[%dma_wait3A_270, %dma_wait3A_271] : memref<10240x128xf32, #tpu.memory_space<hbm>> -> memref<80x128xf32, #tpu.memory_space<hbm>>
    %dma_wait3A_273 = arith.constant 0 : i32
    %dma_wait3A_274 = arith.constant 0 : i32
    %dma_wait3A_275 = tpu.memref_slice %arg2[%dma_wait3A_273, %dma_wait3A_274] : memref<10240x128xf32, #tpu.memory_space<hbm>> -> memref<80x128xf32, #tpu.memory_space<hbm>>
    tpu.wait_dma2 semaphore(%arg15 : memref<!tpu.dma_semaphore, #tpu.memory_space<semaphore_mem>>) src(%dma_wait3A_275 : memref<80x128xf32, #tpu.memory_space<hbm>>) dst(%arg8 : memref<80x128xf32, #tpu.memory_space<vmem>>)
    %barrier3A_276 = arith.constant 0 : index
    tpu.barrier barrier_id(%barrier3A_276)
    %mul3A_277 = arith.constant 640 : i32
    %mul3A_278 = arith.muli %arg1, %mul3A_277 : i32
    %mul3A_279 = arith.constant 640 : i32
    %mul3A_280 = arith.muli %arg1, %mul3A_279 : i32
    "tpu.region"() ({
      %run_scoped3A_281 = tpu.sem_alloc : memref<!tpu.dma_semaphore, #tpu.memory_space<semaphore_mem>>
      %dma_start3A_282 = arith.constant 0 : i32
      %dma_start3A_283 = tpu.memref_slice %arg4[%arg0, %mul3A_280, %dma_start3A_282] : memref<2x10240x128xf32, #tpu.memory_space<hbm>> -> memref<1x640x128xf32, #tpu.memory_space<hbm>>
      %dma_start3A_284 = tpu.memref_squeeze %dma_start3A_283 : memref<1x640x128xf32, #tpu.memory_space<hbm>> -> memref<640x128xf32, #tpu.memory_space<hbm>>
      %dma_start3A_285 = arith.constant 0 : i32
      %dma_start3A_286 = tpu.memref_slice %arg10[%mul3A_278, %dma_start3A_285] : memref<10240x128xf32, #tpu.memory_space<vmem_shared>> -> memref<640x128xf32, #tpu.memory_space<vmem_shared>>
      tpu.enqueue_dma source(%dma_start3A_286 : memref<640x128xf32, #tpu.memory_space<vmem_shared>>) target(%dma_start3A_284 : memref<640x128xf32, #tpu.memory_space<hbm>>) target_semaphore(%run_scoped3A_281 : memref<!tpu.dma_semaphore, #tpu.memory_space<semaphore_mem>>)
      %dma_wait3A_287 = arith.constant 0 : i32
      %dma_wait3A_288 = tpu.memref_slice %arg4[%arg0, %mul3A_280, %dma_wait3A_287] : memref<2x10240x128xf32, #tpu.memory_space<hbm>> -> memref<1x640x128xf32, #tpu.memory_space<hbm>>
      %dma_wait3A_289 = tpu.memref_squeeze %dma_wait3A_288 : memref<1x640x128xf32, #tpu.memory_space<hbm>> -> memref<640x128xf32, #tpu.memory_space<hbm>>
      %dma_wait3A_290 = arith.constant 0 : i32
      %dma_wait3A_291 = tpu.memref_slice %arg10[%mul3A_278, %dma_wait3A_290] : memref<10240x128xf32, #tpu.memory_space<vmem_shared>> -> memref<640x128xf32, #tpu.memory_space<vmem_shared>>
      tpu.wait_dma2 semaphore(%run_scoped3A_281 : memref<!tpu.dma_semaphore, #tpu.memory_space<semaphore_mem>>) src(%dma_wait3A_291 : memref<640x128xf32, #tpu.memory_space<vmem_shared>>) dst(%dma_wait3A_289 : memref<640x128xf32, #tpu.memory_space<hbm>>)
      tpu.yield
    }) : () -> ()
    return
  }
}

#map = affine_map<(d0, d1) -> (0, 0)>
#map1 = affine_map<(d0, d1) -> (0, 0, 0, 0)>
#map2 = affine_map<(d0, d1) -> (0, 0, 0)>
module attributes {stable_mosaic.version = 14 : i64} {
  func.func @_prop_kernel(%arg0: i32, %arg1: i32, %arg2: memref<10240x128xf32, #tpu.memory_space<hbm>>, %arg3: memref<2x32x125x80xi32, #tpu.memory_space<hbm>>, %arg4: memref<2x10240x128xf32, #tpu.memory_space<hbm>>, %arg5: memref<125x80xi32, #tpu.memory_space<vmem>>, %arg6: memref<3x80xi32, #tpu.memory_space<vmem>>, %arg7: memref<80x128xf32, #tpu.memory_space<vmem>>, %arg8: memref<80x128xf32, #tpu.memory_space<vmem>>, %arg9: memref<80x128xf32, #tpu.memory_space<vmem>>, %arg10: memref<10240x128xf32, #tpu.memory_space<vmem_shared>>, %arg11: memref<!tpu.dma_semaphore, #tpu.memory_space<semaphore_mem>>, %arg12: memref<!tpu.dma_semaphore, #tpu.memory_space<semaphore_mem>>, %arg13: memref<!tpu.dma_semaphore, #tpu.memory_space<semaphore_mem>>, %arg14: memref<!tpu.dma_semaphore, #tpu.memory_space<semaphore_mem>>, %arg15: memref<!tpu.dma_semaphore, #tpu.memory_space<semaphore_mem>>, %arg16: memref<!tpu.dma_semaphore, #tpu.memory_space<semaphore_mem>>, %arg17: memref<!tpu.dma_semaphore, #tpu.memory_space<semaphore_mem>>, %arg18: memref<!tpu.dma_semaphore, #tpu.memory_space<semaphore_mem>>, %arg19: memref<!tpu.dma_semaphore, #tpu.memory_space<semaphore_mem>>, %arg20: memref<!tpu.dma_semaphore, #tpu.memory_space<semaphore_mem>>) attributes {dimension_semantics = [#tpu.dimension_semantics<core_parallel>, #tpu.dimension_semantics<subcore_parallel>], iteration_bounds = array<i64: 2, 16>, scalar_prefetch = 0 : i64, scratch_operands = 16 : i64, tpu.core_type = #tpu.core_type<sc_vector_subcore>, window_params = [{transform_indices = #map}, {transform_indices = #map1}, {transform_indices = #map2}]} {
    %mul3A = arith.constant 16 : i32
    %mul3A_0 = arith.muli %arg0, %mul3A : i32
    %add3A = arith.addi %mul3A_0, %arg1 : i32
    %run_scoped3A = arith.constant 0 : i32
    "tpu.region"() ({
      %run_scoped3A_281 = tpu.sem_alloc : memref<!tpu.dma_semaphore, #tpu.memory_space<semaphore_mem>>
      %dma_start3A_282 = arith.constant 0 : i32
      %dma_start3A_283 = arith.constant 0 : i32
      %dma_start3A_284 = tpu.memref_slice %arg3[%run_scoped3A, %add3A, %dma_start3A_282, %dma_start3A_283] : memref<2x32x125x80xi32, #tpu.memory_space<hbm>> -> memref<1x1x125x80xi32, #tpu.memory_space<hbm>>
      %dma_start3A_285 = tpu.memref_squeeze %dma_start3A_284 : memref<1x1x125x80xi32, #tpu.memory_space<hbm>> -> memref<125x80xi32, #tpu.memory_space<hbm>>
      %dma_start3A_286 = arith.constant 0 : i32
      %dma_start3A_287 = arith.constant 0 : i32
      %dma_start3A_288 = tpu.memref_slice %arg3[%run_scoped3A, %add3A, %dma_start3A_286, %dma_start3A_287] : memref<2x32x125x80xi32, #tpu.memory_space<hbm>> -> memref<1x1x125x80xi32, #tpu.memory_space<hbm>>
      %dma_start3A_289 = tpu.memref_squeeze %dma_start3A_288 : memref<1x1x125x80xi32, #tpu.memory_space<hbm>> -> memref<125x80xi32, #tpu.memory_space<hbm>>
      tpu.enqueue_dma source(%dma_start3A_289 : memref<125x80xi32, #tpu.memory_space<hbm>>) target(%arg5 : memref<125x80xi32, #tpu.memory_space<vmem>>) target_semaphore(%run_scoped3A_281 : memref<!tpu.dma_semaphore, #tpu.memory_space<semaphore_mem>>)
      %dma_wait3A_290 = arith.constant 0 : i32
      %dma_wait3A_291 = arith.constant 0 : i32
      %dma_wait3A_292 = tpu.memref_slice %arg3[%run_scoped3A, %add3A, %dma_wait3A_290, %dma_wait3A_291] : memref<2x32x125x80xi32, #tpu.memory_space<hbm>> -> memref<1x1x125x80xi32, #tpu.memory_space<hbm>>
      %dma_wait3A_293 = tpu.memref_squeeze %dma_wait3A_292 : memref<1x1x125x80xi32, #tpu.memory_space<hbm>> -> memref<125x80xi32, #tpu.memory_space<hbm>>
      %dma_wait3A_294 = arith.constant 0 : i32
      %dma_wait3A_295 = arith.constant 0 : i32
      %dma_wait3A_296 = tpu.memref_slice %arg3[%run_scoped3A, %add3A, %dma_wait3A_294, %dma_wait3A_295] : memref<2x32x125x80xi32, #tpu.memory_space<hbm>> -> memref<1x1x125x80xi32, #tpu.memory_space<hbm>>
      %dma_wait3A_297 = tpu.memref_squeeze %dma_wait3A_296 : memref<1x1x125x80xi32, #tpu.memory_space<hbm>> -> memref<125x80xi32, #tpu.memory_space<hbm>>
      tpu.wait_dma2 semaphore(%run_scoped3A_281 : memref<!tpu.dma_semaphore, #tpu.memory_space<semaphore_mem>>) src(%dma_wait3A_297 : memref<125x80xi32, #tpu.memory_space<hbm>>) dst(%arg5 : memref<125x80xi32, #tpu.memory_space<vmem>>)
      tpu.yield
    }) : () -> ()
    %dma_start3A = arith.constant 1 : i32
    %dma_start3A_1 = arith.constant 0 : i32
    %dma_start3A_2 = arith.constant 0 : i32
    %dma_start3A_3 = arith.constant 0 : i32
    %dma_start3A_4 = tpu.memref_slice %arg6[%dma_start3A_2, %dma_start3A_3] : memref<3x80xi32, #tpu.memory_space<vmem>> -> memref<1x80xi32, #tpu.memory_space<vmem>>
    %dma_start3A_5 = tpu.memref_squeeze %dma_start3A_4 : memref<1x80xi32, #tpu.memory_space<vmem>> -> memref<80xi32, #tpu.memory_space<vmem>>
    %dma_start3A_6 = arith.constant 0 : i32
    %dma_start3A_7 = tpu.memref_slice %arg3[%dma_start3A, %add3A, %dma_start3A_1, %dma_start3A_6] : memref<2x32x125x80xi32, #tpu.memory_space<hbm>> -> memref<1x1x1x80xi32, #tpu.memory_space<hbm>>
    %dma_start3A_8 = tpu.memref_squeeze %dma_start3A_7 : memref<1x1x1x80xi32, #tpu.memory_space<hbm>> -> memref<80xi32, #tpu.memory_space<hbm>>
    %dma_start3A_9 = arith.constant 0 : i32
    %dma_start3A_10 = tpu.memref_slice %arg6[%dma_start3A_2, %dma_start3A_9] : memref<3x80xi32, #tpu.memory_space<vmem>> -> memref<1x80xi32, #tpu.memory_space<vmem>>
    %dma_start3A_11 = tpu.memref_squeeze %dma_start3A_10 : memref<1x80xi32, #tpu.memory_space<vmem>> -> memref<80xi32, #tpu.memory_space<vmem>>
    %dma_start3A_12 = arith.constant 0 : i32
    %dma_start3A_13 = tpu.memref_slice %arg3[%dma_start3A, %add3A, %dma_start3A_1, %dma_start3A_12] : memref<2x32x125x80xi32, #tpu.memory_space<hbm>> -> memref<1x1x1x80xi32, #tpu.memory_space<hbm>>
    %dma_start3A_14 = tpu.memref_squeeze %dma_start3A_13 : memref<1x1x1x80xi32, #tpu.memory_space<hbm>> -> memref<80xi32, #tpu.memory_space<hbm>>
    tpu.enqueue_dma source(%dma_start3A_14 : memref<80xi32, #tpu.memory_space<hbm>>) target(%dma_start3A_11 : memref<80xi32, #tpu.memory_space<vmem>>) target_semaphore(%arg17 : memref<!tpu.dma_semaphore, #tpu.memory_space<semaphore_mem>>)
    %dma_start3A_15 = arith.constant 0 : i32
    %dma_start3A_16 = arith.constant 0 : i32
    %dma_start3A_17 = tpu.memref_slice %arg5[%dma_start3A_15, %dma_start3A_16] : memref<125x80xi32, #tpu.memory_space<vmem>> -> memref<1x80xi32, #tpu.memory_space<vmem>>
    %dma_start3A_18 = tpu.memref_squeeze %dma_start3A_17 : memref<1x80xi32, #tpu.memory_space<vmem>> -> memref<80xi32, #tpu.memory_space<vmem>>
    %dma_start3A_19 = arith.constant 0 : i32
    %dma_start3A_20 = arith.constant 0 : i32
    %dma_start3A_21 = tpu.memref_slice %arg2[%dma_start3A_19, %dma_start3A_20] : memref<10240x128xf32, #tpu.memory_space<hbm>> -> memref<10240x128xf32, #tpu.memory_space<hbm>>
    tpu.enqueue_indirect_dma source(%dma_start3A_21 : memref<10240x128xf32, #tpu.memory_space<hbm>>) target(%arg7 : memref<80x128xf32, #tpu.memory_space<vmem>>) offsets(%dma_start3A_18 : memref<80xi32, #tpu.memory_space<vmem>>) semaphore(%arg11 : memref<!tpu.dma_semaphore, #tpu.memory_space<semaphore_mem>>)
    %dma_start3A_22 = arith.constant 1 : i32
    %dma_start3A_23 = arith.constant 1 : i32
    %dma_start3A_24 = arith.constant 1 : i32
    %dma_start3A_25 = arith.constant 0 : i32
    %dma_start3A_26 = tpu.memref_slice %arg6[%dma_start3A_24, %dma_start3A_25] : memref<3x80xi32, #tpu.memory_space<vmem>> -> memref<1x80xi32, #tpu.memory_space<vmem>>
    %dma_start3A_27 = tpu.memref_squeeze %dma_start3A_26 : memref<1x80xi32, #tpu.memory_space<vmem>> -> memref<80xi32, #tpu.memory_space<vmem>>
    %dma_start3A_28 = arith.constant 0 : i32
    %dma_start3A_29 = tpu.memref_slice %arg3[%dma_start3A_22, %add3A, %dma_start3A_23, %dma_start3A_28] : memref<2x32x125x80xi32, #tpu.memory_space<hbm>> -> memref<1x1x1x80xi32, #tpu.memory_space<hbm>>
    %dma_start3A_30 = tpu.memref_squeeze %dma_start3A_29 : memref<1x1x1x80xi32, #tpu.memory_space<hbm>> -> memref<80xi32, #tpu.memory_space<hbm>>
    %dma_start3A_31 = arith.constant 0 : i32
    %dma_start3A_32 = tpu.memref_slice %arg6[%dma_start3A_24, %dma_start3A_31] : memref<3x80xi32, #tpu.memory_space<vmem>> -> memref<1x80xi32, #tpu.memory_space<vmem>>
    %dma_start3A_33 = tpu.memref_squeeze %dma_start3A_32 : memref<1x80xi32, #tpu.memory_space<vmem>> -> memref<80xi32, #tpu.memory_space<vmem>>
    %dma_start3A_34 = arith.constant 0 : i32
    %dma_start3A_35 = tpu.memref_slice %arg3[%dma_start3A_22, %add3A, %dma_start3A_23, %dma_start3A_34] : memref<2x32x125x80xi32, #tpu.memory_space<hbm>> -> memref<1x1x1x80xi32, #tpu.memory_space<hbm>>
    %dma_start3A_36 = tpu.memref_squeeze %dma_start3A_35 : memref<1x1x1x80xi32, #tpu.memory_space<hbm>> -> memref<80xi32, #tpu.memory_space<hbm>>
    tpu.enqueue_dma source(%dma_start3A_36 : memref<80xi32, #tpu.memory_space<hbm>>) target(%dma_start3A_33 : memref<80xi32, #tpu.memory_space<vmem>>) target_semaphore(%arg18 : memref<!tpu.dma_semaphore, #tpu.memory_space<semaphore_mem>>)
    %dma_start3A_37 = arith.constant 1 : i32
    %dma_start3A_38 = arith.constant 0 : i32
    %dma_start3A_39 = tpu.memref_slice %arg5[%dma_start3A_37, %dma_start3A_38] : memref<125x80xi32, #tpu.memory_space<vmem>> -> memref<1x80xi32, #tpu.memory_space<vmem>>
    %dma_start3A_40 = tpu.memref_squeeze %dma_start3A_39 : memref<1x80xi32, #tpu.memory_space<vmem>> -> memref<80xi32, #tpu.memory_space<vmem>>
    %dma_start3A_41 = arith.constant 0 : i32
    %dma_start3A_42 = arith.constant 0 : i32
    %dma_start3A_43 = tpu.memref_slice %arg2[%dma_start3A_41, %dma_start3A_42] : memref<10240x128xf32, #tpu.memory_space<hbm>> -> memref<10240x128xf32, #tpu.memory_space<hbm>>
    tpu.enqueue_indirect_dma source(%dma_start3A_43 : memref<10240x128xf32, #tpu.memory_space<hbm>>) target(%arg8 : memref<80x128xf32, #tpu.memory_space<vmem>>) offsets(%dma_start3A_40 : memref<80xi32, #tpu.memory_space<vmem>>) semaphore(%arg12 : memref<!tpu.dma_semaphore, #tpu.memory_space<semaphore_mem>>)
    %broadcast_in_dim3A = arith.constant 0.000000e+00 : f32
    %broadcast_in_dim3A_44 = vector.broadcast %broadcast_in_dim3A : f32 to vector<16xf32>
    %scan3A = arith.constant 0 : i32
    %scan3A_45 = arith.constant 80 : i32
    %scan3A_46 = arith.addi %scan3A, %scan3A_45 : i32
    %scan3A_47 = arith.constant 1 : i32
    scf.for %scan3A_281 = %scan3A to %scan3A_46 step %scan3A_47  : i32 {
      %mul3A_282 = arith.constant 1 : i32
      %mul3A_283 = arith.muli %scan3A_281, %mul3A_282 : i32
      %add3A_284 = arith.constant 0 : i32
      %add3A_285 = arith.addi %add3A_284, %mul3A_283 : i32
      %swap3A = arith.index_cast %add3A_285 : i32 to index
      %swap3A_286 = arith.constant 0 : index
      %swap3A_287 = tpu.vector_load %arg9[%swap3A, %swap3A_286] {strides = array<i32>} : memref<80x128xf32, #tpu.memory_space<vmem>>, vector<1x16xf32>,
      %swap3A_288 = vector.shape_cast %swap3A_287 : vector<1x16xf32> to vector<16xf32>
      %swap3A_289 = vector.shape_cast %broadcast_in_dim3A_44 : vector<16xf32> to vector<1x16xf32>
      tpu.vector_store %arg9[%swap3A, %swap3A_286], %swap3A_289 {strides = array<i32>} : memref<80x128xf32, #tpu.memory_space<vmem>>, vector<1x16xf32>,
      %swap3A_290 = arith.index_cast %add3A_285 : i32 to index
      %swap3A_291 = arith.constant 16 : index
      %swap3A_292 = tpu.vector_load %arg9[%swap3A_290, %swap3A_291] {strides = array<i32>} : memref<80x128xf32, #tpu.memory_space<vmem>>, vector<1x16xf32>,
      %swap3A_293 = vector.shape_cast %swap3A_292 : vector<1x16xf32> to vector<16xf32>
      %swap3A_294 = vector.shape_cast %broadcast_in_dim3A_44 : vector<16xf32> to vector<1x16xf32>
      tpu.vector_store %arg9[%swap3A_290, %swap3A_291], %swap3A_294 {strides = array<i32>} : memref<80x128xf32, #tpu.memory_space<vmem>>, vector<1x16xf32>,
      %swap3A_295 = arith.index_cast %add3A_285 : i32 to index
      %swap3A_296 = arith.constant 32 : index
      %swap3A_297 = tpu.vector_load %arg9[%swap3A_295, %swap3A_296] {strides = array<i32>} : memref<80x128xf32, #tpu.memory_space<vmem>>, vector<1x16xf32>,
      %swap3A_298 = vector.shape_cast %swap3A_297 : vector<1x16xf32> to vector<16xf32>
      %swap3A_299 = vector.shape_cast %broadcast_in_dim3A_44 : vector<16xf32> to vector<1x16xf32>
      tpu.vector_store %arg9[%swap3A_295, %swap3A_296], %swap3A_299 {strides = array<i32>} : memref<80x128xf32, #tpu.memory_space<vmem>>, vector<1x16xf32>,
      %swap3A_300 = arith.index_cast %add3A_285 : i32 to index
      %swap3A_301 = arith.constant 48 : index
      %swap3A_302 = tpu.vector_load %arg9[%swap3A_300, %swap3A_301] {strides = array<i32>} : memref<80x128xf32, #tpu.memory_space<vmem>>, vector<1x16xf32>,
      %swap3A_303 = vector.shape_cast %swap3A_302 : vector<1x16xf32> to vector<16xf32>
      %swap3A_304 = vector.shape_cast %broadcast_in_dim3A_44 : vector<16xf32> to vector<1x16xf32>
      tpu.vector_store %arg9[%swap3A_300, %swap3A_301], %swap3A_304 {strides = array<i32>} : memref<80x128xf32, #tpu.memory_space<vmem>>, vector<1x16xf32>,
      %swap3A_305 = arith.index_cast %add3A_285 : i32 to index
      %swap3A_306 = arith.constant 64 : index
      %swap3A_307 = tpu.vector_load %arg9[%swap3A_305, %swap3A_306] {strides = array<i32>} : memref<80x128xf32, #tpu.memory_space<vmem>>, vector<1x16xf32>,
      %swap3A_308 = vector.shape_cast %swap3A_307 : vector<1x16xf32> to vector<16xf32>
      %swap3A_309 = vector.shape_cast %broadcast_in_dim3A_44 : vector<16xf32> to vector<1x16xf32>
      tpu.vector_store %arg9[%swap3A_305, %swap3A_306], %swap3A_309 {strides = array<i32>} : memref<80x128xf32, #tpu.memory_space<vmem>>, vector<1x16xf32>,
      %swap3A_310 = arith.index_cast %add3A_285 : i32 to index
      %swap3A_311 = arith.constant 80 : index
      %swap3A_312 = tpu.vector_load %arg9[%swap3A_310, %swap3A_311] {strides = array<i32>} : memref<80x128xf32, #tpu.memory_space<vmem>>, vector<1x16xf32>,
      %swap3A_313 = vector.shape_cast %swap3A_312 : vector<1x16xf32> to vector<16xf32>
      %swap3A_314 = vector.shape_cast %broadcast_in_dim3A_44 : vector<16xf32> to vector<1x16xf32>
      tpu.vector_store %arg9[%swap3A_310, %swap3A_311], %swap3A_314 {strides = array<i32>} : memref<80x128xf32, #tpu.memory_space<vmem>>, vector<1x16xf32>,
      %swap3A_315 = arith.index_cast %add3A_285 : i32 to index
      %swap3A_316 = arith.constant 96 : index
      %swap3A_317 = tpu.vector_load %arg9[%swap3A_315, %swap3A_316] {strides = array<i32>} : memref<80x128xf32, #tpu.memory_space<vmem>>, vector<1x16xf32>,
      %swap3A_318 = vector.shape_cast %swap3A_317 : vector<1x16xf32> to vector<16xf32>
      %swap3A_319 = vector.shape_cast %broadcast_in_dim3A_44 : vector<16xf32> to vector<1x16xf32>
      tpu.vector_store %arg9[%swap3A_315, %swap3A_316], %swap3A_319 {strides = array<i32>} : memref<80x128xf32, #tpu.memory_space<vmem>>, vector<1x16xf32>,
      %swap3A_320 = arith.index_cast %add3A_285 : i32 to index
      %swap3A_321 = arith.constant 112 : index
      %swap3A_322 = tpu.vector_load %arg9[%swap3A_320, %swap3A_321] {strides = array<i32>} : memref<80x128xf32, #tpu.memory_space<vmem>>, vector<1x16xf32>,
      %swap3A_323 = vector.shape_cast %swap3A_322 : vector<1x16xf32> to vector<16xf32>
      %swap3A_324 = vector.shape_cast %broadcast_in_dim3A_44 : vector<16xf32> to vector<1x16xf32>
      tpu.vector_store %arg9[%swap3A_320, %swap3A_321], %swap3A_324 {strides = array<i32>} : memref<80x128xf32, #tpu.memory_space<vmem>>, vector<1x16xf32>,
    }
    %scan3A_48 = arith.constant 80 : i32
    %mul3A_49 = arith.constant 640 : i32
    %mul3A_50 = arith.muli %arg1, %mul3A_49 : i32
    %add3A_51 = arith.constant 0 : i32
    %add3A_52 = arith.addi %mul3A_50, %add3A_51 : i32
    %dma_start3A_53 = arith.constant 0 : i32
    %dma_start3A_54 = tpu.memref_slice %arg10[%add3A_52, %dma_start3A_53] : memref<10240x128xf32, #tpu.memory_space<vmem_shared>> -> memref<80x128xf32, #tpu.memory_space<vmem_shared>>
    %dma_start3A_55 = arith.constant 0 : i32
    %dma_start3A_56 = tpu.memref_slice %arg10[%add3A_52, %dma_start3A_55] : memref<10240x128xf32, #tpu.memory_space<vmem_shared>> -> memref<80x128xf32, #tpu.memory_space<vmem_shared>>
    tpu.enqueue_dma source(%arg9 : memref<80x128xf32, #tpu.memory_space<vmem>>) target(%dma_start3A_56 : memref<80x128xf32, #tpu.memory_space<vmem_shared>>) target_semaphore(%arg20 : memref<!tpu.dma_semaphore, #tpu.memory_space<semaphore_mem>>)
    %mul3A_57 = arith.constant 640 : i32
    %mul3A_58 = arith.muli %arg1, %mul3A_57 : i32
    %add3A_59 = arith.constant 80 : i32
    %add3A_60 = arith.addi %mul3A_58, %add3A_59 : i32
    %dma_start3A_61 = arith.constant 0 : i32
    %dma_start3A_62 = tpu.memref_slice %arg10[%add3A_60, %dma_start3A_61] : memref<10240x128xf32, #tpu.memory_space<vmem_shared>> -> memref<80x128xf32, #tpu.memory_space<vmem_shared>>
    %dma_start3A_63 = arith.constant 0 : i32
    %dma_start3A_64 = tpu.memref_slice %arg10[%add3A_60, %dma_start3A_63] : memref<10240x128xf32, #tpu.memory_space<vmem_shared>> -> memref<80x128xf32, #tpu.memory_space<vmem_shared>>
    tpu.enqueue_dma source(%arg9 : memref<80x128xf32, #tpu.memory_space<vmem>>) target(%dma_start3A_64 : memref<80x128xf32, #tpu.memory_space<vmem_shared>>) target_semaphore(%arg20 : memref<!tpu.dma_semaphore, #tpu.memory_space<semaphore_mem>>)
    %mul3A_65 = arith.constant 640 : i32
    %mul3A_66 = arith.muli %arg1, %mul3A_65 : i32
    %add3A_67 = arith.constant 160 : i32
    %add3A_68 = arith.addi %mul3A_66, %add3A_67 : i32
    %dma_start3A_69 = arith.constant 0 : i32
    %dma_start3A_70 = tpu.memref_slice %arg10[%add3A_68, %dma_start3A_69] : memref<10240x128xf32, #tpu.memory_space<vmem_shared>> -> memref<80x128xf32, #tpu.memory_space<vmem_shared>>
    %dma_start3A_71 = arith.constant 0 : i32
    %dma_start3A_72 = tpu.memref_slice %arg10[%add3A_68, %dma_start3A_71] : memref<10240x128xf32, #tpu.memory_space<vmem_shared>> -> memref<80x128xf32, #tpu.memory_space<vmem_shared>>
    tpu.enqueue_dma source(%arg9 : memref<80x128xf32, #tpu.memory_space<vmem>>) target(%dma_start3A_72 : memref<80x128xf32, #tpu.memory_space<vmem_shared>>) target_semaphore(%arg20 : memref<!tpu.dma_semaphore, #tpu.memory_space<semaphore_mem>>)
    %mul3A_73 = arith.constant 640 : i32
    %mul3A_74 = arith.muli %arg1, %mul3A_73 : i32
    %add3A_75 = arith.constant 240 : i32
    %add3A_76 = arith.addi %mul3A_74, %add3A_75 : i32
    %dma_start3A_77 = arith.constant 0 : i32
    %dma_start3A_78 = tpu.memref_slice %arg10[%add3A_76, %dma_start3A_77] : memref<10240x128xf32, #tpu.memory_space<vmem_shared>> -> memref<80x128xf32, #tpu.memory_space<vmem_shared>>
    %dma_start3A_79 = arith.constant 0 : i32
    %dma_start3A_80 = tpu.memref_slice %arg10[%add3A_76, %dma_start3A_79] : memref<10240x128xf32, #tpu.memory_space<vmem_shared>> -> memref<80x128xf32, #tpu.memory_space<vmem_shared>>
    tpu.enqueue_dma source(%arg9 : memref<80x128xf32, #tpu.memory_space<vmem>>) target(%dma_start3A_80 : memref<80x128xf32, #tpu.memory_space<vmem_shared>>) target_semaphore(%arg20 : memref<!tpu.dma_semaphore, #tpu.memory_space<semaphore_mem>>)
    %mul3A_81 = arith.constant 640 : i32
    %mul3A_82 = arith.muli %arg1, %mul3A_81 : i32
    %add3A_83 = arith.constant 320 : i32
    %add3A_84 = arith.addi %mul3A_82, %add3A_83 : i32
    %dma_start3A_85 = arith.constant 0 : i32
    %dma_start3A_86 = tpu.memref_slice %arg10[%add3A_84, %dma_start3A_85] : memref<10240x128xf32, #tpu.memory_space<vmem_shared>> -> memref<80x128xf32, #tpu.memory_space<vmem_shared>>
    %dma_start3A_87 = arith.constant 0 : i32
    %dma_start3A_88 = tpu.memref_slice %arg10[%add3A_84, %dma_start3A_87] : memref<10240x128xf32, #tpu.memory_space<vmem_shared>> -> memref<80x128xf32, #tpu.memory_space<vmem_shared>>
    tpu.enqueue_dma source(%arg9 : memref<80x128xf32, #tpu.memory_space<vmem>>) target(%dma_start3A_88 : memref<80x128xf32, #tpu.memory_space<vmem_shared>>) target_semaphore(%arg20 : memref<!tpu.dma_semaphore, #tpu.memory_space<semaphore_mem>>)
    %mul3A_89 = arith.constant 640 : i32
    %mul3A_90 = arith.muli %arg1, %mul3A_89 : i32
    %add3A_91 = arith.constant 400 : i32
    %add3A_92 = arith.addi %mul3A_90, %add3A_91 : i32
    %dma_start3A_93 = arith.constant 0 : i32
    %dma_start3A_94 = tpu.memref_slice %arg10[%add3A_92, %dma_start3A_93] : memref<10240x128xf32, #tpu.memory_space<vmem_shared>> -> memref<80x128xf32, #tpu.memory_space<vmem_shared>>
    %dma_start3A_95 = arith.constant 0 : i32
    %dma_start3A_96 = tpu.memref_slice %arg10[%add3A_92, %dma_start3A_95] : memref<10240x128xf32, #tpu.memory_space<vmem_shared>> -> memref<80x128xf32, #tpu.memory_space<vmem_shared>>
    tpu.enqueue_dma source(%arg9 : memref<80x128xf32, #tpu.memory_space<vmem>>) target(%dma_start3A_96 : memref<80x128xf32, #tpu.memory_space<vmem_shared>>) target_semaphore(%arg20 : memref<!tpu.dma_semaphore, #tpu.memory_space<semaphore_mem>>)
    %mul3A_97 = arith.constant 640 : i32
    %mul3A_98 = arith.muli %arg1, %mul3A_97 : i32
    %add3A_99 = arith.constant 480 : i32
    %add3A_100 = arith.addi %mul3A_98, %add3A_99 : i32
    %dma_start3A_101 = arith.constant 0 : i32
    %dma_start3A_102 = tpu.memref_slice %arg10[%add3A_100, %dma_start3A_101] : memref<10240x128xf32, #tpu.memory_space<vmem_shared>> -> memref<80x128xf32, #tpu.memory_space<vmem_shared>>
    %dma_start3A_103 = arith.constant 0 : i32
    %dma_start3A_104 = tpu.memref_slice %arg10[%add3A_100, %dma_start3A_103] : memref<10240x128xf32, #tpu.memory_space<vmem_shared>> -> memref<80x128xf32, #tpu.memory_space<vmem_shared>>
    tpu.enqueue_dma source(%arg9 : memref<80x128xf32, #tpu.memory_space<vmem>>) target(%dma_start3A_104 : memref<80x128xf32, #tpu.memory_space<vmem_shared>>) target_semaphore(%arg20 : memref<!tpu.dma_semaphore, #tpu.memory_space<semaphore_mem>>)
    %mul3A_105 = arith.constant 640 : i32
    %mul3A_106 = arith.muli %arg1, %mul3A_105 : i32
    %add3A_107 = arith.constant 560 : i32
    %add3A_108 = arith.addi %mul3A_106, %add3A_107 : i32
    %dma_start3A_109 = arith.constant 0 : i32
    %dma_start3A_110 = tpu.memref_slice %arg10[%add3A_108, %dma_start3A_109] : memref<10240x128xf32, #tpu.memory_space<vmem_shared>> -> memref<80x128xf32, #tpu.memory_space<vmem_shared>>
    %dma_start3A_111 = arith.constant 0 : i32
    %dma_start3A_112 = tpu.memref_slice %arg10[%add3A_108, %dma_start3A_111] : memref<10240x128xf32, #tpu.memory_space<vmem_shared>> -> memref<80x128xf32, #tpu.memory_space<vmem_shared>>
    tpu.enqueue_dma source(%arg9 : memref<80x128xf32, #tpu.memory_space<vmem>>) target(%dma_start3A_112 : memref<80x128xf32, #tpu.memory_space<vmem_shared>>) target_semaphore(%arg20 : memref<!tpu.dma_semaphore, #tpu.memory_space<semaphore_mem>>)
    %dma_wait3A = arith.constant 0 : i32
    %dma_wait3A_113 = arith.constant 0 : i32
    %dma_wait3A_114 = tpu.memref_slice %arg2[%dma_wait3A, %dma_wait3A_113] : memref<10240x128xf32, #tpu.memory_space<hbm>> -> memref<80x128xf32, #tpu.memory_space<hbm>>
    %dma_wait3A_115 = arith.constant 0 : i32
    %dma_wait3A_116 = arith.constant 0 : i32
    %dma_wait3A_117 = tpu.memref_slice %arg2[%dma_wait3A_115, %dma_wait3A_116] : memref<10240x128xf32, #tpu.memory_space<hbm>> -> memref<80x128xf32, #tpu.memory_space<hbm>>
    tpu.wait_dma2 semaphore(%arg20 : memref<!tpu.dma_semaphore, #tpu.memory_space<semaphore_mem>>) src(%dma_wait3A_117 : memref<80x128xf32, #tpu.memory_space<hbm>>) dst(%arg9 : memref<80x128xf32, #tpu.memory_space<vmem>>)
    %dma_wait3A_118 = arith.constant 0 : i32
    %dma_wait3A_119 = arith.constant 0 : i32
    %dma_wait3A_120 = tpu.memref_slice %arg2[%dma_wait3A_118, %dma_wait3A_119] : memref<10240x128xf32, #tpu.memory_space<hbm>> -> memref<80x128xf32, #tpu.memory_space<hbm>>
    %dma_wait3A_121 = arith.constant 0 : i32
    %dma_wait3A_122 = arith.constant 0 : i32
    %dma_wait3A_123 = tpu.memref_slice %arg2[%dma_wait3A_121, %dma_wait3A_122] : memref<10240x128xf32, #tpu.memory_space<hbm>> -> memref<80x128xf32, #tpu.memory_space<hbm>>
    tpu.wait_dma2 semaphore(%arg20 : memref<!tpu.dma_semaphore, #tpu.memory_space<semaphore_mem>>) src(%dma_wait3A_123 : memref<80x128xf32, #tpu.memory_space<hbm>>) dst(%arg9 : memref<80x128xf32, #tpu.memory_space<vmem>>)
    %dma_wait3A_124 = arith.constant 0 : i32
    %dma_wait3A_125 = arith.constant 0 : i32
    %dma_wait3A_126 = tpu.memref_slice %arg2[%dma_wait3A_124, %dma_wait3A_125] : memref<10240x128xf32, #tpu.memory_space<hbm>> -> memref<80x128xf32, #tpu.memory_space<hbm>>
    %dma_wait3A_127 = arith.constant 0 : i32
    %dma_wait3A_128 = arith.constant 0 : i32
    %dma_wait3A_129 = tpu.memref_slice %arg2[%dma_wait3A_127, %dma_wait3A_128] : memref<10240x128xf32, #tpu.memory_space<hbm>> -> memref<80x128xf32, #tpu.memory_space<hbm>>
    tpu.wait_dma2 semaphore(%arg20 : memref<!tpu.dma_semaphore, #tpu.memory_space<semaphore_mem>>) src(%dma_wait3A_129 : memref<80x128xf32, #tpu.memory_space<hbm>>) dst(%arg9 : memref<80x128xf32, #tpu.memory_space<vmem>>)
    %dma_wait3A_130 = arith.constant 0 : i32
    %dma_wait3A_131 = arith.constant 0 : i32
    %dma_wait3A_132 = tpu.memref_slice %arg2[%dma_wait3A_130, %dma_wait3A_131] : memref<10240x128xf32, #tpu.memory_space<hbm>> -> memref<80x128xf32, #tpu.memory_space<hbm>>
    %dma_wait3A_133 = arith.constant 0 : i32
    %dma_wait3A_134 = arith.constant 0 : i32
    %dma_wait3A_135 = tpu.memref_slice %arg2[%dma_wait3A_133, %dma_wait3A_134] : memref<10240x128xf32, #tpu.memory_space<hbm>> -> memref<80x128xf32, #tpu.memory_space<hbm>>
    tpu.wait_dma2 semaphore(%arg20 : memref<!tpu.dma_semaphore, #tpu.memory_space<semaphore_mem>>) src(%dma_wait3A_135 : memref<80x128xf32, #tpu.memory_space<hbm>>) dst(%arg9 : memref<80x128xf32, #tpu.memory_space<vmem>>)
    %dma_wait3A_136 = arith.constant 0 : i32
    %dma_wait3A_137 = arith.constant 0 : i32
    %dma_wait3A_138 = tpu.memref_slice %arg2[%dma_wait3A_136, %dma_wait3A_137] : memref<10240x128xf32, #tpu.memory_space<hbm>> -> memref<80x128xf32, #tpu.memory_space<hbm>>
    %dma_wait3A_139 = arith.constant 0 : i32
    %dma_wait3A_140 = arith.constant 0 : i32
    %dma_wait3A_141 = tpu.memref_slice %arg2[%dma_wait3A_139, %dma_wait3A_140] : memref<10240x128xf32, #tpu.memory_space<hbm>> -> memref<80x128xf32, #tpu.memory_space<hbm>>
    tpu.wait_dma2 semaphore(%arg20 : memref<!tpu.dma_semaphore, #tpu.memory_space<semaphore_mem>>) src(%dma_wait3A_141 : memref<80x128xf32, #tpu.memory_space<hbm>>) dst(%arg9 : memref<80x128xf32, #tpu.memory_space<vmem>>)
    %dma_wait3A_142 = arith.constant 0 : i32
    %dma_wait3A_143 = arith.constant 0 : i32
    %dma_wait3A_144 = tpu.memref_slice %arg2[%dma_wait3A_142, %dma_wait3A_143] : memref<10240x128xf32, #tpu.memory_space<hbm>> -> memref<80x128xf32, #tpu.memory_space<hbm>>
    %dma_wait3A_145 = arith.constant 0 : i32
    %dma_wait3A_146 = arith.constant 0 : i32
    %dma_wait3A_147 = tpu.memref_slice %arg2[%dma_wait3A_145, %dma_wait3A_146] : memref<10240x128xf32, #tpu.memory_space<hbm>> -> memref<80x128xf32, #tpu.memory_space<hbm>>
    tpu.wait_dma2 semaphore(%arg20 : memref<!tpu.dma_semaphore, #tpu.memory_space<semaphore_mem>>) src(%dma_wait3A_147 : memref<80x128xf32, #tpu.memory_space<hbm>>) dst(%arg9 : memref<80x128xf32, #tpu.memory_space<vmem>>)
    %dma_wait3A_148 = arith.constant 0 : i32
    %dma_wait3A_149 = arith.constant 0 : i32
    %dma_wait3A_150 = tpu.memref_slice %arg2[%dma_wait3A_148, %dma_wait3A_149] : memref<10240x128xf32, #tpu.memory_space<hbm>> -> memref<80x128xf32, #tpu.memory_space<hbm>>
    %dma_wait3A_151 = arith.constant 0 : i32
    %dma_wait3A_152 = arith.constant 0 : i32
    %dma_wait3A_153 = tpu.memref_slice %arg2[%dma_wait3A_151, %dma_wait3A_152] : memref<10240x128xf32, #tpu.memory_space<hbm>> -> memref<80x128xf32, #tpu.memory_space<hbm>>
    tpu.wait_dma2 semaphore(%arg20 : memref<!tpu.dma_semaphore, #tpu.memory_space<semaphore_mem>>) src(%dma_wait3A_153 : memref<80x128xf32, #tpu.memory_space<hbm>>) dst(%arg9 : memref<80x128xf32, #tpu.memory_space<vmem>>)
    %dma_wait3A_154 = arith.constant 0 : i32
    %dma_wait3A_155 = arith.constant 0 : i32
    %dma_wait3A_156 = tpu.memref_slice %arg2[%dma_wait3A_154, %dma_wait3A_155] : memref<10240x128xf32, #tpu.memory_space<hbm>> -> memref<80x128xf32, #tpu.memory_space<hbm>>
    %dma_wait3A_157 = arith.constant 0 : i32
    %dma_wait3A_158 = arith.constant 0 : i32
    %dma_wait3A_159 = tpu.memref_slice %arg2[%dma_wait3A_157, %dma_wait3A_158] : memref<10240x128xf32, #tpu.memory_space<hbm>> -> memref<80x128xf32, #tpu.memory_space<hbm>>
    tpu.wait_dma2 semaphore(%arg20 : memref<!tpu.dma_semaphore, #tpu.memory_space<semaphore_mem>>) src(%dma_wait3A_159 : memref<80x128xf32, #tpu.memory_space<hbm>>) dst(%arg9 : memref<80x128xf32, #tpu.memory_space<vmem>>)
    %dma_start3A_160 = arith.constant 1 : i32
    %dma_start3A_161 = arith.constant 2 : i32
    %dma_start3A_162 = arith.constant 2 : i32
    %dma_start3A_163 = arith.constant 0 : i32
    %dma_start3A_164 = tpu.memref_slice %arg6[%dma_start3A_162, %dma_start3A_163] : memref<3x80xi32, #tpu.memory_space<vmem>> -> memref<1x80xi32, #tpu.memory_space<vmem>>
    %dma_start3A_165 = tpu.memref_squeeze %dma_start3A_164 : memref<1x80xi32, #tpu.memory_space<vmem>> -> memref<80xi32, #tpu.memory_space<vmem>>
    %dma_start3A_166 = arith.constant 0 : i32
    %dma_start3A_167 = tpu.memref_slice %arg3[%dma_start3A_160, %add3A, %dma_start3A_161, %dma_start3A_166] : memref<2x32x125x80xi32, #tpu.memory_space<hbm>> -> memref<1x1x1x80xi32, #tpu.memory_space<hbm>>
    %dma_start3A_168 = tpu.memref_squeeze %dma_start3A_167 : memref<1x1x1x80xi32, #tpu.memory_space<hbm>> -> memref<80xi32, #tpu.memory_space<hbm>>
    %dma_start3A_169 = arith.constant 0 : i32
    %dma_start3A_170 = tpu.memref_slice %arg6[%dma_start3A_162, %dma_start3A_169] : memref<3x80xi32, #tpu.memory_space<vmem>> -> memref<1x80xi32, #tpu.memory_space<vmem>>
    %dma_start3A_171 = tpu.memref_squeeze %dma_start3A_170 : memref<1x80xi32, #tpu.memory_space<vmem>> -> memref<80xi32, #tpu.memory_space<vmem>>
    %dma_start3A_172 = arith.constant 0 : i32
    %dma_start3A_173 = tpu.memref_slice %arg3[%dma_start3A_160, %add3A, %dma_start3A_161, %dma_start3A_172] : memref<2x32x125x80xi32, #tpu.memory_space<hbm>> -> memref<1x1x1x80xi32, #tpu.memory_space<hbm>>
    %dma_start3A_174 = tpu.memref_squeeze %dma_start3A_173 : memref<1x1x1x80xi32, #tpu.memory_space<hbm>> -> memref<80xi32, #tpu.memory_space<hbm>>
    tpu.enqueue_dma source(%dma_start3A_174 : memref<80xi32, #tpu.memory_space<hbm>>) target(%dma_start3A_171 : memref<80xi32, #tpu.memory_space<vmem>>) target_semaphore(%arg19 : memref<!tpu.dma_semaphore, #tpu.memory_space<semaphore_mem>>)
    %dma_start3A_175 = arith.constant 2 : i32
    %dma_start3A_176 = arith.constant 0 : i32
    %dma_start3A_177 = tpu.memref_slice %arg5[%dma_start3A_175, %dma_start3A_176] : memref<125x80xi32, #tpu.memory_space<vmem>> -> memref<1x80xi32, #tpu.memory_space<vmem>>
    %dma_start3A_178 = tpu.memref_squeeze %dma_start3A_177 : memref<1x80xi32, #tpu.memory_space<vmem>> -> memref<80xi32, #tpu.memory_space<vmem>>
    %dma_start3A_179 = arith.constant 0 : i32
    %dma_start3A_180 = arith.constant 0 : i32
    %dma_start3A_181 = tpu.memref_slice %arg2[%dma_start3A_179, %dma_start3A_180] : memref<10240x128xf32, #tpu.memory_space<hbm>> -> memref<10240x128xf32, #tpu.memory_space<hbm>>
    tpu.enqueue_indirect_dma source(%dma_start3A_181 : memref<10240x128xf32, #tpu.memory_space<hbm>>) target(%arg9 : memref<80x128xf32, #tpu.memory_space<vmem>>) offsets(%dma_start3A_178 : memref<80xi32, #tpu.memory_space<vmem>>) semaphore(%arg13 : memref<!tpu.dma_semaphore, #tpu.memory_space<semaphore_mem>>)
    %barrier3A = arith.constant 0 : index
    tpu.barrier barrier_id(%barrier3A)
    %scan3A_182 = arith.constant 0 : i32
    %scan3A_183 = arith.constant 41 : i32
    %scan3A_184 = arith.addi %scan3A_182, %scan3A_183 : i32
    %scan3A_185 = arith.constant 1 : i32
    scf.for %scan3A_281 = %scan3A_182 to %scan3A_184 step %scan3A_185  : i32 {
      %mul3A_282 = arith.constant 3 : i32
      %mul3A_283 = arith.muli %scan3A_281, %mul3A_282 : i32
      %add3A_284 = arith.constant 0 : i32
      %add3A_285 = arith.addi %add3A_284, %mul3A_283 : i32
      %dma_wait3A_286 = arith.constant 0 : i32
      %dma_wait3A_287 = arith.constant 0 : i32
      %dma_wait3A_288 = tpu.memref_slice %arg2[%dma_wait3A_286, %dma_wait3A_287] : memref<10240x128xf32, #tpu.memory_space<hbm>> -> memref<80x128xf32, #tpu.memory_space<hbm>>
      %dma_wait3A_289 = arith.constant 0 : i32
      %dma_wait3A_290 = arith.constant 0 : i32
      %dma_wait3A_291 = tpu.memref_slice %arg2[%dma_wait3A_289, %dma_wait3A_290] : memref<10240x128xf32, #tpu.memory_space<hbm>> -> memref<80x128xf32, #tpu.memory_space<hbm>>
      tpu.wait_dma2 semaphore(%arg11 : memref<!tpu.dma_semaphore, #tpu.memory_space<semaphore_mem>>) src(%dma_wait3A_291 : memref<80x128xf32, #tpu.memory_space<hbm>>) dst(%arg7 : memref<80x128xf32, #tpu.memory_space<vmem>>)
      %dma_wait3A_292 = arith.constant 1 : i32
      %dma_wait3A_293 = arith.constant 0 : i32
      %dma_wait3A_294 = arith.constant 0 : i32
      %dma_wait3A_295 = arith.constant 0 : i32
      %dma_wait3A_296 = tpu.memref_slice %arg6[%dma_wait3A_294, %dma_wait3A_295] : memref<3x80xi32, #tpu.memory_space<vmem>> -> memref<1x80xi32, #tpu.memory_space<vmem>>
      %dma_wait3A_297 = tpu.memref_squeeze %dma_wait3A_296 : memref<1x80xi32, #tpu.memory_space<vmem>> -> memref<80xi32, #tpu.memory_space<vmem>>
      %dma_wait3A_298 = arith.constant 0 : i32
      %dma_wait3A_299 = tpu.memref_slice %arg3[%dma_wait3A_292, %add3A, %dma_wait3A_293, %dma_wait3A_298] : memref<2x32x125x80xi32, #tpu.memory_space<hbm>> -> memref<1x1x1x80xi32, #tpu.memory_space<hbm>>
      %dma_wait3A_300 = tpu.memref_squeeze %dma_wait3A_299 : memref<1x1x1x80xi32, #tpu.memory_space<hbm>> -> memref<80xi32, #tpu.memory_space<hbm>>
      %dma_wait3A_301 = arith.constant 0 : i32
      %dma_wait3A_302 = tpu.memref_slice %arg6[%dma_wait3A_294, %dma_wait3A_301] : memref<3x80xi32, #tpu.memory_space<vmem>> -> memref<1x80xi32, #tpu.memory_space<vmem>>
      %dma_wait3A_303 = tpu.memref_squeeze %dma_wait3A_302 : memref<1x80xi32, #tpu.memory_space<vmem>> -> memref<80xi32, #tpu.memory_space<vmem>>
      %dma_wait3A_304 = arith.constant 0 : i32
      %dma_wait3A_305 = tpu.memref_slice %arg3[%dma_wait3A_292, %add3A, %dma_wait3A_293, %dma_wait3A_304] : memref<2x32x125x80xi32, #tpu.memory_space<hbm>> -> memref<1x1x1x80xi32, #tpu.memory_space<hbm>>
      %dma_wait3A_306 = tpu.memref_squeeze %dma_wait3A_305 : memref<1x1x1x80xi32, #tpu.memory_space<hbm>> -> memref<80xi32, #tpu.memory_space<hbm>>
      tpu.wait_dma2 semaphore(%arg17 : memref<!tpu.dma_semaphore, #tpu.memory_space<semaphore_mem>>) src(%dma_wait3A_306 : memref<80xi32, #tpu.memory_space<hbm>>) dst(%dma_wait3A_303 : memref<80xi32, #tpu.memory_space<vmem>>)
      %dma_start3A_307 = arith.constant 0 : i32
      %dma_start3A_308 = arith.constant 0 : i32
      %dma_start3A_309 = tpu.memref_slice %arg6[%dma_start3A_307, %dma_start3A_308] : memref<3x80xi32, #tpu.memory_space<vmem>> -> memref<1x80xi32, #tpu.memory_space<vmem>>
      %dma_start3A_310 = tpu.memref_squeeze %dma_start3A_309 : memref<1x80xi32, #tpu.memory_space<vmem>> -> memref<80xi32, #tpu.memory_space<vmem>>
      %dma_start3A_311 = arith.constant 0 : i32
      %dma_start3A_312 = arith.constant 0 : i32
      %dma_start3A_313 = tpu.memref_slice %arg10[%dma_start3A_311, %dma_start3A_312] : memref<10240x128xf32, #tpu.memory_space<vmem_shared>> -> memref<10240x128xf32, #tpu.memory_space<vmem_shared>>
      tpu.enqueue_indirect_dma source(%arg7 : memref<80x128xf32, #tpu.memory_space<vmem>>) target(%dma_start3A_313 : memref<10240x128xf32, #tpu.memory_space<vmem_shared>>) offsets(%dma_start3A_310 : memref<80xi32, #tpu.memory_space<vmem>>) semaphore(%arg14 : memref<!tpu.dma_semaphore, #tpu.memory_space<semaphore_mem>>) {add = true}
      %dma_wait3A_314 = arith.constant 0 : i32
      %dma_wait3A_315 = arith.constant 0 : i32
      %dma_wait3A_316 = tpu.memref_slice %arg2[%dma_wait3A_314, %dma_wait3A_315] : memref<10240x128xf32, #tpu.memory_space<hbm>> -> memref<80x128xf32, #tpu.memory_space<hbm>>
      %dma_wait3A_317 = arith.constant 0 : i32
      %dma_wait3A_318 = arith.constant 0 : i32
      %dma_wait3A_319 = tpu.memref_slice %arg2[%dma_wait3A_317, %dma_wait3A_318] : memref<10240x128xf32, #tpu.memory_space<hbm>> -> memref<80x128xf32, #tpu.memory_space<hbm>>
      tpu.wait_dma2 semaphore(%arg12 : memref<!tpu.dma_semaphore, #tpu.memory_space<semaphore_mem>>) src(%dma_wait3A_319 : memref<80x128xf32, #tpu.memory_space<hbm>>) dst(%arg8 : memref<80x128xf32, #tpu.memory_space<vmem>>)
      %dma_wait3A_320 = arith.constant 1 : i32
      %dma_wait3A_321 = arith.constant 0 : i32
      %dma_wait3A_322 = arith.constant 1 : i32
      %dma_wait3A_323 = arith.constant 0 : i32
      %dma_wait3A_324 = tpu.memref_slice %arg6[%dma_wait3A_322, %dma_wait3A_323] : memref<3x80xi32, #tpu.memory_space<vmem>> -> memref<1x80xi32, #tpu.memory_space<vmem>>
      %dma_wait3A_325 = tpu.memref_squeeze %dma_wait3A_324 : memref<1x80xi32, #tpu.memory_space<vmem>> -> memref<80xi32, #tpu.memory_space<vmem>>
      %dma_wait3A_326 = arith.constant 0 : i32
      %dma_wait3A_327 = tpu.memref_slice %arg3[%dma_wait3A_320, %add3A, %dma_wait3A_321, %dma_wait3A_326] : memref<2x32x125x80xi32, #tpu.memory_space<hbm>> -> memref<1x1x1x80xi32, #tpu.memory_space<hbm>>
      %dma_wait3A_328 = tpu.memref_squeeze %dma_wait3A_327 : memref<1x1x1x80xi32, #tpu.memory_space<hbm>> -> memref<80xi32, #tpu.memory_space<hbm>>
      %dma_wait3A_329 = arith.constant 0 : i32
      %dma_wait3A_330 = tpu.memref_slice %arg6[%dma_wait3A_322, %dma_wait3A_329] : memref<3x80xi32, #tpu.memory_space<vmem>> -> memref<1x80xi32, #tpu.memory_space<vmem>>
      %dma_wait3A_331 = tpu.memref_squeeze %dma_wait3A_330 : memref<1x80xi32, #tpu.memory_space<vmem>> -> memref<80xi32, #tpu.memory_space<vmem>>
      %dma_wait3A_332 = arith.constant 0 : i32
      %dma_wait3A_333 = tpu.memref_slice %arg3[%dma_wait3A_320, %add3A, %dma_wait3A_321, %dma_wait3A_332] : memref<2x32x125x80xi32, #tpu.memory_space<hbm>> -> memref<1x1x1x80xi32, #tpu.memory_space<hbm>>
      %dma_wait3A_334 = tpu.memref_squeeze %dma_wait3A_333 : memref<1x1x1x80xi32, #tpu.memory_space<hbm>> -> memref<80xi32, #tpu.memory_space<hbm>>
      tpu.wait_dma2 semaphore(%arg18 : memref<!tpu.dma_semaphore, #tpu.memory_space<semaphore_mem>>) src(%dma_wait3A_334 : memref<80xi32, #tpu.memory_space<hbm>>) dst(%dma_wait3A_331 : memref<80xi32, #tpu.memory_space<vmem>>)
      %dma_start3A_335 = arith.constant 1 : i32
      %dma_start3A_336 = arith.constant 0 : i32
      %dma_start3A_337 = tpu.memref_slice %arg6[%dma_start3A_335, %dma_start3A_336] : memref<3x80xi32, #tpu.memory_space<vmem>> -> memref<1x80xi32, #tpu.memory_space<vmem>>
      %dma_start3A_338 = tpu.memref_squeeze %dma_start3A_337 : memref<1x80xi32, #tpu.memory_space<vmem>> -> memref<80xi32, #tpu.memory_space<vmem>>
      %dma_start3A_339 = arith.constant 0 : i32
      %dma_start3A_340 = arith.constant 0 : i32
      %dma_start3A_341 = tpu.memref_slice %arg10[%dma_start3A_339, %dma_start3A_340] : memref<10240x128xf32, #tpu.memory_space<vmem_shared>> -> memref<10240x128xf32, #tpu.memory_space<vmem_shared>>
      tpu.enqueue_indirect_dma source(%arg8 : memref<80x128xf32, #tpu.memory_space<vmem>>) target(%dma_start3A_341 : memref<10240x128xf32, #tpu.memory_space<vmem_shared>>) offsets(%dma_start3A_338 : memref<80xi32, #tpu.memory_space<vmem>>) semaphore(%arg15 : memref<!tpu.dma_semaphore, #tpu.memory_space<semaphore_mem>>) {add = true}
      %dma_wait3A_342 = arith.constant 0 : i32
      %dma_wait3A_343 = arith.constant 0 : i32
      %dma_wait3A_344 = tpu.memref_slice %arg2[%dma_wait3A_342, %dma_wait3A_343] : memref<10240x128xf32, #tpu.memory_space<hbm>> -> memref<80x128xf32, #tpu.memory_space<hbm>>
      %dma_wait3A_345 = arith.constant 0 : i32
      %dma_wait3A_346 = arith.constant 0 : i32
      %dma_wait3A_347 = tpu.memref_slice %arg2[%dma_wait3A_345, %dma_wait3A_346] : memref<10240x128xf32, #tpu.memory_space<hbm>> -> memref<80x128xf32, #tpu.memory_space<hbm>>
      tpu.wait_dma2 semaphore(%arg13 : memref<!tpu.dma_semaphore, #tpu.memory_space<semaphore_mem>>) src(%dma_wait3A_347 : memref<80x128xf32, #tpu.memory_space<hbm>>) dst(%arg9 : memref<80x128xf32, #tpu.memory_space<vmem>>)
      %dma_wait3A_348 = arith.constant 1 : i32
      %dma_wait3A_349 = arith.constant 0 : i32
      %dma_wait3A_350 = arith.constant 2 : i32
      %dma_wait3A_351 = arith.constant 0 : i32
      %dma_wait3A_352 = tpu.memref_slice %arg6[%dma_wait3A_350, %dma_wait3A_351] : memref<3x80xi32, #tpu.memory_space<vmem>> -> memref<1x80xi32, #tpu.memory_space<vmem>>
      %dma_wait3A_353 = tpu.memref_squeeze %dma_wait3A_352 : memref<1x80xi32, #tpu.memory_space<vmem>> -> memref<80xi32, #tpu.memory_space<vmem>>
      %dma_wait3A_354 = arith.constant 0 : i32
      %dma_wait3A_355 = tpu.memref_slice %arg3[%dma_wait3A_348, %add3A, %dma_wait3A_349, %dma_wait3A_354] : memref<2x32x125x80xi32, #tpu.memory_space<hbm>> -> memref<1x1x1x80xi32, #tpu.memory_space<hbm>>
      %dma_wait3A_356 = tpu.memref_squeeze %dma_wait3A_355 : memref<1x1x1x80xi32, #tpu.memory_space<hbm>> -> memref<80xi32, #tpu.memory_space<hbm>>
      %dma_wait3A_357 = arith.constant 0 : i32
      %dma_wait3A_358 = tpu.memref_slice %arg6[%dma_wait3A_350, %dma_wait3A_357] : memref<3x80xi32, #tpu.memory_space<vmem>> -> memref<1x80xi32, #tpu.memory_space<vmem>>
      %dma_wait3A_359 = tpu.memref_squeeze %dma_wait3A_358 : memref<1x80xi32, #tpu.memory_space<vmem>> -> memref<80xi32, #tpu.memory_space<vmem>>
      %dma_wait3A_360 = arith.constant 0 : i32
      %dma_wait3A_361 = tpu.memref_slice %arg3[%dma_wait3A_348, %add3A, %dma_wait3A_349, %dma_wait3A_360] : memref<2x32x125x80xi32, #tpu.memory_space<hbm>> -> memref<1x1x1x80xi32, #tpu.memory_space<hbm>>
      %dma_wait3A_362 = tpu.memref_squeeze %dma_wait3A_361 : memref<1x1x1x80xi32, #tpu.memory_space<hbm>> -> memref<80xi32, #tpu.memory_space<hbm>>
      tpu.wait_dma2 semaphore(%arg19 : memref<!tpu.dma_semaphore, #tpu.memory_space<semaphore_mem>>) src(%dma_wait3A_362 : memref<80xi32, #tpu.memory_space<hbm>>) dst(%dma_wait3A_359 : memref<80xi32, #tpu.memory_space<vmem>>)
      %dma_start3A_363 = arith.constant 2 : i32
      %dma_start3A_364 = arith.constant 0 : i32
      %dma_start3A_365 = tpu.memref_slice %arg6[%dma_start3A_363, %dma_start3A_364] : memref<3x80xi32, #tpu.memory_space<vmem>> -> memref<1x80xi32, #tpu.memory_space<vmem>>
      %dma_start3A_366 = tpu.memref_squeeze %dma_start3A_365 : memref<1x80xi32, #tpu.memory_space<vmem>> -> memref<80xi32, #tpu.memory_space<vmem>>
      %dma_start3A_367 = arith.constant 0 : i32
      %dma_start3A_368 = arith.constant 0 : i32
      %dma_start3A_369 = tpu.memref_slice %arg10[%dma_start3A_367, %dma_start3A_368] : memref<10240x128xf32, #tpu.memory_space<vmem_shared>> -> memref<10240x128xf32, #tpu.memory_space<vmem_shared>>
      tpu.enqueue_indirect_dma source(%arg9 : memref<80x128xf32, #tpu.memory_space<vmem>>) target(%dma_start3A_369 : memref<10240x128xf32, #tpu.memory_space<vmem_shared>>) offsets(%dma_start3A_366 : memref<80xi32, #tpu.memory_space<vmem>>) semaphore(%arg16 : memref<!tpu.dma_semaphore, #tpu.memory_space<semaphore_mem>>) {add = true}
      %dma_wait3A_370 = arith.constant 0 : i32
      %dma_wait3A_371 = arith.constant 0 : i32
      %dma_wait3A_372 = tpu.memref_slice %arg2[%dma_wait3A_370, %dma_wait3A_371] : memref<10240x128xf32, #tpu.memory_space<hbm>> -> memref<80x128xf32, #tpu.memory_space<hbm>>
      %dma_wait3A_373 = arith.constant 0 : i32
      %dma_wait3A_374 = arith.constant 0 : i32
      %dma_wait3A_375 = tpu.memref_slice %arg2[%dma_wait3A_373, %dma_wait3A_374] : memref<10240x128xf32, #tpu.memory_space<hbm>> -> memref<80x128xf32, #tpu.memory_space<hbm>>
      tpu.wait_dma2 semaphore(%arg14 : memref<!tpu.dma_semaphore, #tpu.memory_space<semaphore_mem>>) src(%dma_wait3A_375 : memref<80x128xf32, #tpu.memory_space<hbm>>) dst(%arg7 : memref<80x128xf32, #tpu.memory_space<vmem>>)
      %add3A_376 = arith.constant 3 : i32
      %add3A_377 = arith.addi %add3A_285, %add3A_376 : i32
      %add3A_378 = arith.constant 0 : i32
      %add3A_379 = arith.addi %add3A_377, %add3A_378 : i32
      %min3A = arith.constant 124 : i32
      %min3A_380 = arith.minsi %add3A_379, %min3A : i32
      %dma_start3A_381 = arith.constant 1 : i32
      %dma_start3A_382 = arith.constant 0 : i32
      %dma_start3A_383 = arith.constant 0 : i32
      %dma_start3A_384 = tpu.memref_slice %arg6[%dma_start3A_382, %dma_start3A_383] : memref<3x80xi32, #tpu.memory_space<vmem>> -> memref<1x80xi32, #tpu.memory_space<vmem>>
      %dma_start3A_385 = tpu.memref_squeeze %dma_start3A_384 : memref<1x80xi32, #tpu.memory_space<vmem>> -> memref<80xi32, #tpu.memory_space<vmem>>
      %dma_start3A_386 = arith.constant 0 : i32
      %dma_start3A_387 = tpu.memref_slice %arg3[%dma_start3A_381, %add3A, %min3A_380, %dma_start3A_386] : memref<2x32x125x80xi32, #tpu.memory_space<hbm>> -> memref<1x1x1x80xi32, #tpu.memory_space<hbm>>
      %dma_start3A_388 = tpu.memref_squeeze %dma_start3A_387 : memref<1x1x1x80xi32, #tpu.memory_space<hbm>> -> memref<80xi32, #tpu.memory_space<hbm>>
      %dma_start3A_389 = arith.constant 0 : i32
      %dma_start3A_390 = tpu.memref_slice %arg6[%dma_start3A_382, %dma_start3A_389] : memref<3x80xi32, #tpu.memory_space<vmem>> -> memref<1x80xi32, #tpu.memory_space<vmem>>
      %dma_start3A_391 = tpu.memref_squeeze %dma_start3A_390 : memref<1x80xi32, #tpu.memory_space<vmem>> -> memref<80xi32, #tpu.memory_space<vmem>>
      %dma_start3A_392 = arith.constant 0 : i32
      %dma_start3A_393 = tpu.memref_slice %arg3[%dma_start3A_381, %add3A, %min3A_380, %dma_start3A_392] : memref<2x32x125x80xi32, #tpu.memory_space<hbm>> -> memref<1x1x1x80xi32, #tpu.memory_space<hbm>>
      %dma_start3A_394 = tpu.memref_squeeze %dma_start3A_393 : memref<1x1x1x80xi32, #tpu.memory_space<hbm>> -> memref<80xi32, #tpu.memory_space<hbm>>
      tpu.enqueue_dma source(%dma_start3A_394 : memref<80xi32, #tpu.memory_space<hbm>>) target(%dma_start3A_391 : memref<80xi32, #tpu.memory_space<vmem>>) target_semaphore(%arg17 : memref<!tpu.dma_semaphore, #tpu.memory_space<semaphore_mem>>)
      %dma_start3A_395 = arith.constant 0 : i32
      %dma_start3A_396 = tpu.memref_slice %arg5[%min3A_380, %dma_start3A_395] : memref<125x80xi32, #tpu.memory_space<vmem>> -> memref<1x80xi32, #tpu.memory_space<vmem>>
      %dma_start3A_397 = tpu.memref_squeeze %dma_start3A_396 : memref<1x80xi32, #tpu.memory_space<vmem>> -> memref<80xi32, #tpu.memory_space<vmem>>
      %dma_start3A_398 = arith.constant 0 : i32
      %dma_start3A_399 = arith.constant 0 : i32
      %dma_start3A_400 = tpu.memref_slice %arg2[%dma_start3A_398, %dma_start3A_399] : memref<10240x128xf32, #tpu.memory_space<hbm>> -> memref<10240x128xf32, #tpu.memory_space<hbm>>
      tpu.enqueue_indirect_dma source(%dma_start3A_400 : memref<10240x128xf32, #tpu.memory_space<hbm>>) target(%arg7 : memref<80x128xf32, #tpu.memory_space<vmem>>) offsets(%dma_start3A_397 : memref<80xi32, #tpu.memory_space<vmem>>) semaphore(%arg11 : memref<!tpu.dma_semaphore, #tpu.memory_space<semaphore_mem>>)
      %dma_wait3A_401 = arith.constant 0 : i32
      %dma_wait3A_402 = arith.constant 0 : i32
      %dma_wait3A_403 = tpu.memref_slice %arg2[%dma_wait3A_401, %dma_wait3A_402] : memref<10240x128xf32, #tpu.memory_space<hbm>> -> memref<80x128xf32, #tpu.memory_space<hbm>>
      %dma_wait3A_404 = arith.constant 0 : i32
      %dma_wait3A_405 = arith.constant 0 : i32
      %dma_wait3A_406 = tpu.memref_slice %arg2[%dma_wait3A_404, %dma_wait3A_405] : memref<10240x128xf32, #tpu.memory_space<hbm>> -> memref<80x128xf32, #tpu.memory_space<hbm>>
      tpu.wait_dma2 semaphore(%arg15 : memref<!tpu.dma_semaphore, #tpu.memory_space<semaphore_mem>>) src(%dma_wait3A_406 : memref<80x128xf32, #tpu.memory_space<hbm>>) dst(%arg8 : memref<80x128xf32, #tpu.memory_space<vmem>>)
      %add3A_407 = arith.constant 3 : i32
      %add3A_408 = arith.addi %add3A_285, %add3A_407 : i32
      %add3A_409 = arith.constant 1 : i32
      %add3A_410 = arith.addi %add3A_408, %add3A_409 : i32
      %min3A_411 = arith.constant 124 : i32
      %min3A_412 = arith.minsi %add3A_410, %min3A_411 : i32
      %dma_start3A_413 = arith.constant 1 : i32
      %dma_start3A_414 = arith.constant 1 : i32
      %dma_start3A_415 = arith.constant 0 : i32
      %dma_start3A_416 = tpu.memref_slice %arg6[%dma_start3A_414, %dma_start3A_415] : memref<3x80xi32, #tpu.memory_space<vmem>> -> memref<1x80xi32, #tpu.memory_space<vmem>>
      %dma_start3A_417 = tpu.memref_squeeze %dma_start3A_416 : memref<1x80xi32, #tpu.memory_space<vmem>> -> memref<80xi32, #tpu.memory_space<vmem>>
      %dma_start3A_418 = arith.constant 0 : i32
      %dma_start3A_419 = tpu.memref_slice %arg3[%dma_start3A_413, %add3A, %min3A_412, %dma_start3A_418] : memref<2x32x125x80xi32, #tpu.memory_space<hbm>> -> memref<1x1x1x80xi32, #tpu.memory_space<hbm>>
      %dma_start3A_420 = tpu.memref_squeeze %dma_start3A_419 : memref<1x1x1x80xi32, #tpu.memory_space<hbm>> -> memref<80xi32, #tpu.memory_space<hbm>>
      %dma_start3A_421 = arith.constant 0 : i32
      %dma_start3A_422 = tpu.memref_slice %arg6[%dma_start3A_414, %dma_start3A_421] : memref<3x80xi32, #tpu.memory_space<vmem>> -> memref<1x80xi32, #tpu.memory_space<vmem>>
      %dma_start3A_423 = tpu.memref_squeeze %dma_start3A_422 : memref<1x80xi32, #tpu.memory_space<vmem>> -> memref<80xi32, #tpu.memory_space<vmem>>
      %dma_start3A_424 = arith.constant 0 : i32
      %dma_start3A_425 = tpu.memref_slice %arg3[%dma_start3A_413, %add3A, %min3A_412, %dma_start3A_424] : memref<2x32x125x80xi32, #tpu.memory_space<hbm>> -> memref<1x1x1x80xi32, #tpu.memory_space<hbm>>
      %dma_start3A_426 = tpu.memref_squeeze %dma_start3A_425 : memref<1x1x1x80xi32, #tpu.memory_space<hbm>> -> memref<80xi32, #tpu.memory_space<hbm>>
      tpu.enqueue_dma source(%dma_start3A_426 : memref<80xi32, #tpu.memory_space<hbm>>) target(%dma_start3A_423 : memref<80xi32, #tpu.memory_space<vmem>>) target_semaphore(%arg18 : memref<!tpu.dma_semaphore, #tpu.memory_space<semaphore_mem>>)
      %dma_start3A_427 = arith.constant 0 : i32
      %dma_start3A_428 = tpu.memref_slice %arg5[%min3A_412, %dma_start3A_427] : memref<125x80xi32, #tpu.memory_space<vmem>> -> memref<1x80xi32, #tpu.memory_space<vmem>>
      %dma_start3A_429 = tpu.memref_squeeze %dma_start3A_428 : memref<1x80xi32, #tpu.memory_space<vmem>> -> memref<80xi32, #tpu.memory_space<vmem>>
      %dma_start3A_430 = arith.constant 0 : i32
      %dma_start3A_431 = arith.constant 0 : i32
      %dma_start3A_432 = tpu.memref_slice %arg2[%dma_start3A_430, %dma_start3A_431] : memref<10240x128xf32, #tpu.memory_space<hbm>> -> memref<10240x128xf32, #tpu.memory_space<hbm>>
      tpu.enqueue_indirect_dma source(%dma_start3A_432 : memref<10240x128xf32, #tpu.memory_space<hbm>>) target(%arg8 : memref<80x128xf32, #tpu.memory_space<vmem>>) offsets(%dma_start3A_429 : memref<80xi32, #tpu.memory_space<vmem>>) semaphore(%arg12 : memref<!tpu.dma_semaphore, #tpu.memory_space<semaphore_mem>>)
      %dma_wait3A_433 = arith.constant 0 : i32
      %dma_wait3A_434 = arith.constant 0 : i32
      %dma_wait3A_435 = tpu.memref_slice %arg2[%dma_wait3A_433, %dma_wait3A_434] : memref<10240x128xf32, #tpu.memory_space<hbm>> -> memref<80x128xf32, #tpu.memory_space<hbm>>
      %dma_wait3A_436 = arith.constant 0 : i32
      %dma_wait3A_437 = arith.constant 0 : i32
      %dma_wait3A_438 = tpu.memref_slice %arg2[%dma_wait3A_436, %dma_wait3A_437] : memref<10240x128xf32, #tpu.memory_space<hbm>> -> memref<80x128xf32, #tpu.memory_space<hbm>>
      tpu.wait_dma2 semaphore(%arg16 : memref<!tpu.dma_semaphore, #tpu.memory_space<semaphore_mem>>) src(%dma_wait3A_438 : memref<80x128xf32, #tpu.memory_space<hbm>>) dst(%arg9 : memref<80x128xf32, #tpu.memory_space<vmem>>)
      %add3A_439 = arith.constant 3 : i32
      %add3A_440 = arith.addi %add3A_285, %add3A_439 : i32
      %add3A_441 = arith.constant 2 : i32
      %add3A_442 = arith.addi %add3A_440, %add3A_441 : i32
      %min3A_443 = arith.constant 124 : i32
      %min3A_444 = arith.minsi %add3A_442, %min3A_443 : i32
      %dma_start3A_445 = arith.constant 1 : i32
      %dma_start3A_446 = arith.constant 2 : i32
      %dma_start3A_447 = arith.constant 0 : i32
      %dma_start3A_448 = tpu.memref_slice %arg6[%dma_start3A_446, %dma_start3A_447] : memref<3x80xi32, #tpu.memory_space<vmem>> -> memref<1x80xi32, #tpu.memory_space<vmem>>
      %dma_start3A_449 = tpu.memref_squeeze %dma_start3A_448 : memref<1x80xi32, #tpu.memory_space<vmem>> -> memref<80xi32, #tpu.memory_space<vmem>>
      %dma_start3A_450 = arith.constant 0 : i32
      %dma_start3A_451 = tpu.memref_slice %arg3[%dma_start3A_445, %add3A, %min3A_444, %dma_start3A_450] : memref<2x32x125x80xi32, #tpu.memory_space<hbm>> -> memref<1x1x1x80xi32, #tpu.memory_space<hbm>>
      %dma_start3A_452 = tpu.memref_squeeze %dma_start3A_451 : memref<1x1x1x80xi32, #tpu.memory_space<hbm>> -> memref<80xi32, #tpu.memory_space<hbm>>
      %dma_start3A_453 = arith.constant 0 : i32
      %dma_start3A_454 = tpu.memref_slice %arg6[%dma_start3A_446, %dma_start3A_453] : memref<3x80xi32, #tpu.memory_space<vmem>> -> memref<1x80xi32, #tpu.memory_space<vmem>>
      %dma_start3A_455 = tpu.memref_squeeze %dma_start3A_454 : memref<1x80xi32, #tpu.memory_space<vmem>> -> memref<80xi32, #tpu.memory_space<vmem>>
      %dma_start3A_456 = arith.constant 0 : i32
      %dma_start3A_457 = tpu.memref_slice %arg3[%dma_start3A_445, %add3A, %min3A_444, %dma_start3A_456] : memref<2x32x125x80xi32, #tpu.memory_space<hbm>> -> memref<1x1x1x80xi32, #tpu.memory_space<hbm>>
      %dma_start3A_458 = tpu.memref_squeeze %dma_start3A_457 : memref<1x1x1x80xi32, #tpu.memory_space<hbm>> -> memref<80xi32, #tpu.memory_space<hbm>>
      tpu.enqueue_dma source(%dma_start3A_458 : memref<80xi32, #tpu.memory_space<hbm>>) target(%dma_start3A_455 : memref<80xi32, #tpu.memory_space<vmem>>) target_semaphore(%arg19 : memref<!tpu.dma_semaphore, #tpu.memory_space<semaphore_mem>>)
      %dma_start3A_459 = arith.constant 0 : i32
      %dma_start3A_460 = tpu.memref_slice %arg5[%min3A_444, %dma_start3A_459] : memref<125x80xi32, #tpu.memory_space<vmem>> -> memref<1x80xi32, #tpu.memory_space<vmem>>
      %dma_start3A_461 = tpu.memref_squeeze %dma_start3A_460 : memref<1x80xi32, #tpu.memory_space<vmem>> -> memref<80xi32, #tpu.memory_space<vmem>>
      %dma_start3A_462 = arith.constant 0 : i32
      %dma_start3A_463 = arith.constant 0 : i32
      %dma_start3A_464 = tpu.memref_slice %arg2[%dma_start3A_462, %dma_start3A_463] : memref<10240x128xf32, #tpu.memory_space<hbm>> -> memref<10240x128xf32, #tpu.memory_space<hbm>>
      tpu.enqueue_indirect_dma source(%dma_start3A_464 : memref<10240x128xf32, #tpu.memory_space<hbm>>) target(%arg9 : memref<80x128xf32, #tpu.memory_space<vmem>>) offsets(%dma_start3A_461 : memref<80xi32, #tpu.memory_space<vmem>>) semaphore(%arg13 : memref<!tpu.dma_semaphore, #tpu.memory_space<semaphore_mem>>)
    }
    %scan3A_186 = arith.constant 41 : i32
    %dma_wait3A_187 = arith.constant 0 : i32
    %dma_wait3A_188 = arith.constant 0 : i32
    %dma_wait3A_189 = tpu.memref_slice %arg2[%dma_wait3A_187, %dma_wait3A_188] : memref<10240x128xf32, #tpu.memory_space<hbm>> -> memref<80x128xf32, #tpu.memory_space<hbm>>
    %dma_wait3A_190 = arith.constant 0 : i32
    %dma_wait3A_191 = arith.constant 0 : i32
    %dma_wait3A_192 = tpu.memref_slice %arg2[%dma_wait3A_190, %dma_wait3A_191] : memref<10240x128xf32, #tpu.memory_space<hbm>> -> memref<80x128xf32, #tpu.memory_space<hbm>>
    tpu.wait_dma2 semaphore(%arg11 : memref<!tpu.dma_semaphore, #tpu.memory_space<semaphore_mem>>) src(%dma_wait3A_192 : memref<80x128xf32, #tpu.memory_space<hbm>>) dst(%arg7 : memref<80x128xf32, #tpu.memory_space<vmem>>)
    %dma_wait3A_193 = arith.constant 1 : i32
    %dma_wait3A_194 = arith.constant 0 : i32
    %dma_wait3A_195 = arith.constant 0 : i32
    %dma_wait3A_196 = arith.constant 0 : i32
    %dma_wait3A_197 = tpu.memref_slice %arg6[%dma_wait3A_195, %dma_wait3A_196] : memref<3x80xi32, #tpu.memory_space<vmem>> -> memref<1x80xi32, #tpu.memory_space<vmem>>
    %dma_wait3A_198 = tpu.memref_squeeze %dma_wait3A_197 : memref<1x80xi32, #tpu.memory_space<vmem>> -> memref<80xi32, #tpu.memory_space<vmem>>
    %dma_wait3A_199 = arith.constant 0 : i32
    %dma_wait3A_200 = tpu.memref_slice %arg3[%dma_wait3A_193, %add3A, %dma_wait3A_194, %dma_wait3A_199] : memref<2x32x125x80xi32, #tpu.memory_space<hbm>> -> memref<1x1x1x80xi32, #tpu.memory_space<hbm>>
    %dma_wait3A_201 = tpu.memref_squeeze %dma_wait3A_200 : memref<1x1x1x80xi32, #tpu.memory_space<hbm>> -> memref<80xi32, #tpu.memory_space<hbm>>
    %dma_wait3A_202 = arith.constant 0 : i32
    %dma_wait3A_203 = tpu.memref_slice %arg6[%dma_wait3A_195, %dma_wait3A_202] : memref<3x80xi32, #tpu.memory_space<vmem>> -> memref<1x80xi32, #tpu.memory_space<vmem>>
    %dma_wait3A_204 = tpu.memref_squeeze %dma_wait3A_203 : memref<1x80xi32, #tpu.memory_space<vmem>> -> memref<80xi32, #tpu.memory_space<vmem>>
    %dma_wait3A_205 = arith.constant 0 : i32
    %dma_wait3A_206 = tpu.memref_slice %arg3[%dma_wait3A_193, %add3A, %dma_wait3A_194, %dma_wait3A_205] : memref<2x32x125x80xi32, #tpu.memory_space<hbm>> -> memref<1x1x1x80xi32, #tpu.memory_space<hbm>>
    %dma_wait3A_207 = tpu.memref_squeeze %dma_wait3A_206 : memref<1x1x1x80xi32, #tpu.memory_space<hbm>> -> memref<80xi32, #tpu.memory_space<hbm>>
    tpu.wait_dma2 semaphore(%arg17 : memref<!tpu.dma_semaphore, #tpu.memory_space<semaphore_mem>>) src(%dma_wait3A_207 : memref<80xi32, #tpu.memory_space<hbm>>) dst(%dma_wait3A_204 : memref<80xi32, #tpu.memory_space<vmem>>)
    %dma_start3A_208 = arith.constant 0 : i32
    %dma_start3A_209 = arith.constant 0 : i32
    %dma_start3A_210 = tpu.memref_slice %arg6[%dma_start3A_208, %dma_start3A_209] : memref<3x80xi32, #tpu.memory_space<vmem>> -> memref<1x80xi32, #tpu.memory_space<vmem>>
    %dma_start3A_211 = tpu.memref_squeeze %dma_start3A_210 : memref<1x80xi32, #tpu.memory_space<vmem>> -> memref<80xi32, #tpu.memory_space<vmem>>
    %dma_start3A_212 = arith.constant 0 : i32
    %dma_start3A_213 = arith.constant 0 : i32
    %dma_start3A_214 = tpu.memref_slice %arg10[%dma_start3A_212, %dma_start3A_213] : memref<10240x128xf32, #tpu.memory_space<vmem_shared>> -> memref<10240x128xf32, #tpu.memory_space<vmem_shared>>
    tpu.enqueue_indirect_dma source(%arg7 : memref<80x128xf32, #tpu.memory_space<vmem>>) target(%dma_start3A_214 : memref<10240x128xf32, #tpu.memory_space<vmem_shared>>) offsets(%dma_start3A_211 : memref<80xi32, #tpu.memory_space<vmem>>) semaphore(%arg14 : memref<!tpu.dma_semaphore, #tpu.memory_space<semaphore_mem>>) {add = true}
    %dma_wait3A_215 = arith.constant 0 : i32
    %dma_wait3A_216 = arith.constant 0 : i32
    %dma_wait3A_217 = tpu.memref_slice %arg2[%dma_wait3A_215, %dma_wait3A_216] : memref<10240x128xf32, #tpu.memory_space<hbm>> -> memref<80x128xf32, #tpu.memory_space<hbm>>
    %dma_wait3A_218 = arith.constant 0 : i32
    %dma_wait3A_219 = arith.constant 0 : i32
    %dma_wait3A_220 = tpu.memref_slice %arg2[%dma_wait3A_218, %dma_wait3A_219] : memref<10240x128xf32, #tpu.memory_space<hbm>> -> memref<80x128xf32, #tpu.memory_space<hbm>>
    tpu.wait_dma2 semaphore(%arg12 : memref<!tpu.dma_semaphore, #tpu.memory_space<semaphore_mem>>) src(%dma_wait3A_220 : memref<80x128xf32, #tpu.memory_space<hbm>>) dst(%arg8 : memref<80x128xf32, #tpu.memory_space<vmem>>)
    %dma_wait3A_221 = arith.constant 1 : i32
    %dma_wait3A_222 = arith.constant 0 : i32
    %dma_wait3A_223 = arith.constant 1 : i32
    %dma_wait3A_224 = arith.constant 0 : i32
    %dma_wait3A_225 = tpu.memref_slice %arg6[%dma_wait3A_223, %dma_wait3A_224] : memref<3x80xi32, #tpu.memory_space<vmem>> -> memref<1x80xi32, #tpu.memory_space<vmem>>
    %dma_wait3A_226 = tpu.memref_squeeze %dma_wait3A_225 : memref<1x80xi32, #tpu.memory_space<vmem>> -> memref<80xi32, #tpu.memory_space<vmem>>
    %dma_wait3A_227 = arith.constant 0 : i32
    %dma_wait3A_228 = tpu.memref_slice %arg3[%dma_wait3A_221, %add3A, %dma_wait3A_222, %dma_wait3A_227] : memref<2x32x125x80xi32, #tpu.memory_space<hbm>> -> memref<1x1x1x80xi32, #tpu.memory_space<hbm>>
    %dma_wait3A_229 = tpu.memref_squeeze %dma_wait3A_228 : memref<1x1x1x80xi32, #tpu.memory_space<hbm>> -> memref<80xi32, #tpu.memory_space<hbm>>
    %dma_wait3A_230 = arith.constant 0 : i32
    %dma_wait3A_231 = tpu.memref_slice %arg6[%dma_wait3A_223, %dma_wait3A_230] : memref<3x80xi32, #tpu.memory_space<vmem>> -> memref<1x80xi32, #tpu.memory_space<vmem>>
    %dma_wait3A_232 = tpu.memref_squeeze %dma_wait3A_231 : memref<1x80xi32, #tpu.memory_space<vmem>> -> memref<80xi32, #tpu.memory_space<vmem>>
    %dma_wait3A_233 = arith.constant 0 : i32
    %dma_wait3A_234 = tpu.memref_slice %arg3[%dma_wait3A_221, %add3A, %dma_wait3A_222, %dma_wait3A_233] : memref<2x32x125x80xi32, #tpu.memory_space<hbm>> -> memref<1x1x1x80xi32, #tpu.memory_space<hbm>>
    %dma_wait3A_235 = tpu.memref_squeeze %dma_wait3A_234 : memref<1x1x1x80xi32, #tpu.memory_space<hbm>> -> memref<80xi32, #tpu.memory_space<hbm>>
    tpu.wait_dma2 semaphore(%arg18 : memref<!tpu.dma_semaphore, #tpu.memory_space<semaphore_mem>>) src(%dma_wait3A_235 : memref<80xi32, #tpu.memory_space<hbm>>) dst(%dma_wait3A_232 : memref<80xi32, #tpu.memory_space<vmem>>)
    %dma_start3A_236 = arith.constant 1 : i32
    %dma_start3A_237 = arith.constant 0 : i32
    %dma_start3A_238 = tpu.memref_slice %arg6[%dma_start3A_236, %dma_start3A_237] : memref<3x80xi32, #tpu.memory_space<vmem>> -> memref<1x80xi32, #tpu.memory_space<vmem>>
    %dma_start3A_239 = tpu.memref_squeeze %dma_start3A_238 : memref<1x80xi32, #tpu.memory_space<vmem>> -> memref<80xi32, #tpu.memory_space<vmem>>
    %dma_start3A_240 = arith.constant 0 : i32
    %dma_start3A_241 = arith.constant 0 : i32
    %dma_start3A_242 = tpu.memref_slice %arg10[%dma_start3A_240, %dma_start3A_241] : memref<10240x128xf32, #tpu.memory_space<vmem_shared>> -> memref<10240x128xf32, #tpu.memory_space<vmem_shared>>
    tpu.enqueue_indirect_dma source(%arg8 : memref<80x128xf32, #tpu.memory_space<vmem>>) target(%dma_start3A_242 : memref<10240x128xf32, #tpu.memory_space<vmem_shared>>) offsets(%dma_start3A_239 : memref<80xi32, #tpu.memory_space<vmem>>) semaphore(%arg15 : memref<!tpu.dma_semaphore, #tpu.memory_space<semaphore_mem>>) {add = true}
    %dma_wait3A_243 = arith.constant 0 : i32
    %dma_wait3A_244 = arith.constant 0 : i32
    %dma_wait3A_245 = tpu.memref_slice %arg2[%dma_wait3A_243, %dma_wait3A_244] : memref<10240x128xf32, #tpu.memory_space<hbm>> -> memref<80x128xf32, #tpu.memory_space<hbm>>
    %dma_wait3A_246 = arith.constant 0 : i32
    %dma_wait3A_247 = arith.constant 0 : i32
    %dma_wait3A_248 = tpu.memref_slice %arg2[%dma_wait3A_246, %dma_wait3A_247] : memref<10240x128xf32, #tpu.memory_space<hbm>> -> memref<80x128xf32, #tpu.memory_space<hbm>>
    tpu.wait_dma2 semaphore(%arg13 : memref<!tpu.dma_semaphore, #tpu.memory_space<semaphore_mem>>) src(%dma_wait3A_248 : memref<80x128xf32, #tpu.memory_space<hbm>>) dst(%arg9 : memref<80x128xf32, #tpu.memory_space<vmem>>)
    %dma_wait3A_249 = arith.constant 1 : i32
    %dma_wait3A_250 = arith.constant 0 : i32
    %dma_wait3A_251 = arith.constant 2 : i32
    %dma_wait3A_252 = arith.constant 0 : i32
    %dma_wait3A_253 = tpu.memref_slice %arg6[%dma_wait3A_251, %dma_wait3A_252] : memref<3x80xi32, #tpu.memory_space<vmem>> -> memref<1x80xi32, #tpu.memory_space<vmem>>
    %dma_wait3A_254 = tpu.memref_squeeze %dma_wait3A_253 : memref<1x80xi32, #tpu.memory_space<vmem>> -> memref<80xi32, #tpu.memory_space<vmem>>
    %dma_wait3A_255 = arith.constant 0 : i32
    %dma_wait3A_256 = tpu.memref_slice %arg3[%dma_wait3A_249, %add3A, %dma_wait3A_250, %dma_wait3A_255] : memref<2x32x125x80xi32, #tpu.memory_space<hbm>> -> memref<1x1x1x80xi32, #tpu.memory_space<hbm>>
    %dma_wait3A_257 = tpu.memref_squeeze %dma_wait3A_256 : memref<1x1x1x80xi32, #tpu.memory_space<hbm>> -> memref<80xi32, #tpu.memory_space<hbm>>
    %dma_wait3A_258 = arith.constant 0 : i32
    %dma_wait3A_259 = tpu.memref_slice %arg6[%dma_wait3A_251, %dma_wait3A_258] : memref<3x80xi32, #tpu.memory_space<vmem>> -> memref<1x80xi32, #tpu.memory_space<vmem>>
    %dma_wait3A_260 = tpu.memref_squeeze %dma_wait3A_259 : memref<1x80xi32, #tpu.memory_space<vmem>> -> memref<80xi32, #tpu.memory_space<vmem>>
    %dma_wait3A_261 = arith.constant 0 : i32
    %dma_wait3A_262 = tpu.memref_slice %arg3[%dma_wait3A_249, %add3A, %dma_wait3A_250, %dma_wait3A_261] : memref<2x32x125x80xi32, #tpu.memory_space<hbm>> -> memref<1x1x1x80xi32, #tpu.memory_space<hbm>>
    %dma_wait3A_263 = tpu.memref_squeeze %dma_wait3A_262 : memref<1x1x1x80xi32, #tpu.memory_space<hbm>> -> memref<80xi32, #tpu.memory_space<hbm>>
    tpu.wait_dma2 semaphore(%arg19 : memref<!tpu.dma_semaphore, #tpu.memory_space<semaphore_mem>>) src(%dma_wait3A_263 : memref<80xi32, #tpu.memory_space<hbm>>) dst(%dma_wait3A_260 : memref<80xi32, #tpu.memory_space<vmem>>)
    %dma_wait3A_264 = arith.constant 0 : i32
    %dma_wait3A_265 = arith.constant 0 : i32
    %dma_wait3A_266 = tpu.memref_slice %arg2[%dma_wait3A_264, %dma_wait3A_265] : memref<10240x128xf32, #tpu.memory_space<hbm>> -> memref<80x128xf32, #tpu.memory_space<hbm>>
    %dma_wait3A_267 = arith.constant 0 : i32
    %dma_wait3A_268 = arith.constant 0 : i32
    %dma_wait3A_269 = tpu.memref_slice %arg2[%dma_wait3A_267, %dma_wait3A_268] : memref<10240x128xf32, #tpu.memory_space<hbm>> -> memref<80x128xf32, #tpu.memory_space<hbm>>
    tpu.wait_dma2 semaphore(%arg14 : memref<!tpu.dma_semaphore, #tpu.memory_space<semaphore_mem>>) src(%dma_wait3A_269 : memref<80x128xf32, #tpu.memory_space<hbm>>) dst(%arg7 : memref<80x128xf32, #tpu.memory_space<vmem>>)
    %dma_wait3A_270 = arith.constant 0 : i32
    %dma_wait3A_271 = arith.constant 0 : i32
    %dma_wait3A_272 = tpu.memref_slice %arg2[%dma_wait3A_270, %dma_wait3A_271] : memref<10240x128xf32, #tpu.memory_space<hbm>> -> memref<80x128xf32, #tpu.memory_space<hbm>>
    %dma_wait3A_273 = arith.constant 0 : i32
    %dma_wait3A_274 = arith.constant 0 : i32
    %dma_wait3A_275 = tpu.memref_slice %arg2[%dma_wait3A_273, %dma_wait3A_274] : memref<10240x128xf32, #tpu.memory_space<hbm>> -> memref<80x128xf32, #tpu.memory_space<hbm>>
    tpu.wait_dma2 semaphore(%arg15 : memref<!tpu.dma_semaphore, #tpu.memory_space<semaphore_mem>>) src(%dma_wait3A_275 : memref<80x128xf32, #tpu.memory_space<hbm>>) dst(%arg8 : memref<80x128xf32, #tpu.memory_space<vmem>>)
    %barrier3A_276 = arith.constant 0 : index
    tpu.barrier barrier_id(%barrier3A_276)
    %mul3A_277 = arith.constant 640 : i32
    %mul3A_278 = arith.muli %arg1, %mul3A_277 : i32
    %mul3A_279 = arith.constant 640 : i32
    %mul3A_280 = arith.muli %arg1, %mul3A_279 : i32
    "tpu.region"() ({
      %run_scoped3A_281 = tpu.sem_alloc : memref<!tpu.dma_semaphore, #tpu.memory_space<semaphore_mem>>
      %dma_start3A_282 = arith.constant 0 : i32
      %dma_start3A_283 = tpu.memref_slice %arg4[%arg0, %mul3A_280, %dma_start3A_282] : memref<2x10240x128xf32, #tpu.memory_space<hbm>> -> memref<1x640x128xf32, #tpu.memory_space<hbm>>
      %dma_start3A_284 = tpu.memref_squeeze %dma_start3A_283 : memref<1x640x128xf32, #tpu.memory_space<hbm>> -> memref<640x128xf32, #tpu.memory_space<hbm>>
      %dma_start3A_285 = arith.constant 0 : i32
      %dma_start3A_286 = tpu.memref_slice %arg10[%mul3A_278, %dma_start3A_285] : memref<10240x128xf32, #tpu.memory_space<vmem_shared>> -> memref<640x128xf32, #tpu.memory_space<vmem_shared>>
      tpu.enqueue_dma source(%dma_start3A_286 : memref<640x128xf32, #tpu.memory_space<vmem_shared>>) target(%dma_start3A_284 : memref<640x128xf32, #tpu.memory_space<hbm>>) target_semaphore(%run_scoped3A_281 : memref<!tpu.dma_semaphore, #tpu.memory_space<semaphore_mem>>)
      %dma_wait3A_287 = arith.constant 0 : i32
      %dma_wait3A_288 = tpu.memref_slice %arg4[%arg0, %mul3A_280, %dma_wait3A_287] : memref<2x10240x128xf32, #tpu.memory_space<hbm>> -> memref<1x640x128xf32, #tpu.memory_space<hbm>>
      %dma_wait3A_289 = tpu.memref_squeeze %dma_wait3A_288 : memref<1x640x128xf32, #tpu.memory_space<hbm>> -> memref<640x128xf32, #tpu.memory_space<hbm>>
      %dma_wait3A_290 = arith.constant 0 : i32
      %dma_wait3A_291 = tpu.memref_slice %arg10[%mul3A_278, %dma_wait3A_290] : memref<10240x128xf32, #tpu.memory_space<vmem_shared>> -> memref<640x128xf32, #tpu.memory_space<vmem_shared>>
      tpu.wait_dma2 semaphore(%run_scoped3A_281 : memref<!tpu.dma_semaphore, #tpu.memory_space<semaphore_mem>>) src(%dma_wait3A_291 : memref<640x128xf32, #tpu.memory_space<vmem_shared>>) dst(%dma_wait3A_289 : memref<640x128xf32, #tpu.memory_space<hbm>>)
      tpu.yield
    }) : () -> ()
    return
  }
}

module attributes {stable_mosaic.version = 14 : i64} {
  func.func @_comb_body(%arg0: i32, %arg1: memref<2x2048x128xf32, #tpu.memory_space<vmem>>, %arg2: memref<2048x128xf32, #tpu.memory_space<vmem>>, %arg3: memref<2048x1xf32, #tpu.memory_space<vmem>>, %arg4: memref<1x128xf32, #tpu.memory_space<vmem>>, %arg5: memref<128x128xf32, #tpu.memory_space<vmem>>, %arg6: memref<2048x128xf32, #tpu.memory_space<vmem>>) attributes {dimension_semantics = [#tpu.dimension_semantics<arbitrary>], iteration_bounds = array<i64: 5>, scalar_prefetch = 0 : i64, scratch_operands = 0 : i64, tpu.core_type = #tpu.core_type<tc>, window_params = [{transform_indices = @transform_0, window_bounds = array<i64: 2, 2048, 128>}, {transform_indices = @transform_1, window_bounds = array<i64: 2048, 128>}, {transform_indices = @transform_2, window_bounds = array<i64: 2048, 1>}, {pipeline_mode = #tpu.pipeline_mode<synchronous>, transform_indices = @transform_3, window_bounds = array<i64: 1, 128>}, {pipeline_mode = #tpu.pipeline_mode<synchronous>, transform_indices = @transform_4, window_bounds = array<i64: 128, 128>}, {transform_indices = @transform_5, window_bounds = array<i64: 2048, 128>}]} {
    %get3A = arith.constant 0 : index
    %get3A_0 = arith.constant 0 : index
    %get3A_1 = vector.load %arg3[%get3A, %get3A_0] : memref<2048x1xf32, #tpu.memory_space<vmem>>, vector<2048x1xf32>
    %get3A_2 = arith.constant 0 : index
    %get3A_3 = arith.constant 0 : index
    %get3A_4 = arith.constant 0 : index
    %get3A_5 = vector.load %arg1[%get3A_2, %get3A_3, %get3A_4] : memref<2x2048x128xf32, #tpu.memory_space<vmem>>, vector<1x2048x128xf32>
    %get3A_6 = vector.shape_cast %get3A_5 : vector<1x2048x128xf32> to vector<2048x128xf32>
    %get3A_7 = arith.constant 1 : index
    %get3A_8 = arith.constant 0 : index
    %get3A_9 = arith.constant 0 : index
    %get3A_10 = vector.load %arg1[%get3A_7, %get3A_8, %get3A_9] : memref<2x2048x128xf32, #tpu.memory_space<vmem>>, vector<1x2048x128xf32>
    %get3A_11 = vector.shape_cast %get3A_10 : vector<1x2048x128xf32> to vector<2048x128xf32>
    %add3A = arith.addf %get3A_6, %get3A_11 : vector<2048x128xf32>
    %get3A_12 = arith.constant 0 : index
    %get3A_13 = arith.constant 0 : index
    %get3A_14 = vector.load %arg2[%get3A_12, %get3A_13] : memref<2048x128xf32, #tpu.memory_space<vmem>>, vector<2048x128xf32>
    %add3A_15 = arith.addf %add3A, %get3A_14 : vector<2048x128xf32>
    %mul3A = vector.broadcast %get3A_1 : vector<2048x1xf32> to vector<2048x128xf32>
    %mul3A_16 = arith.mulf %mul3A, %add3A_15 : vector<2048x128xf32>
    %get3A_17 = arith.constant 0 : index
    %get3A_18 = arith.constant 0 : index
    %get3A_19 = vector.load %arg5[%get3A_17, %get3A_18] : memref<128x128xf32, #tpu.memory_space<vmem>>, vector<128x128xf32>
    %dot_general3A = arith.constant dense<0.000000e+00> : vector<2048x128xf32>
    %dot_general3A_20 = tpu.matmul %mul3A_16, %get3A_19, %dot_general3A {dimension_numbers = #tpu.dot_dimension_numbers<[1], [0], [0], [1], [0, 0, 1, 1], [], []>, transpose_lhs_hint = false} : vector<2048x128xf32>, vector<128x128xf32>, vector<2048x128xf32> -> vector<2048x128xf32>
    %get3A_21 = arith.constant 0 : index
    %get3A_22 = arith.constant 0 : index
    %get3A_23 = vector.load %arg4[%get3A_21, %get3A_22] : memref<1x128xf32, #tpu.memory_space<vmem>>, vector<1x128xf32>
    %add3A_24 = vector.broadcast %get3A_23 : vector<1x128xf32> to vector<2048x128xf32>
    %add3A_25 = arith.addf %dot_general3A_20, %add3A_24 : vector<2048x128xf32>
    %max3A = arith.constant 0.000000e+00 : f32
    %max3A_26 = vector.broadcast %max3A : f32 to vector<2048x128xf32>
    %max3A_27 = arith.maximumf %add3A_25, %max3A_26 : vector<2048x128xf32>
    %mul3A_28 = vector.broadcast %get3A_1 : vector<2048x1xf32> to vector<2048x128xf32>
    %mul3A_29 = arith.mulf %max3A_27, %mul3A_28 : vector<2048x128xf32>
    %swap3A = arith.constant 0 : index
    %swap3A_30 = arith.constant 0 : index
    %swap3A_31 = vector.load %arg6[%swap3A, %swap3A_30] : memref<2048x128xf32, #tpu.memory_space<vmem>>, vector<2048x128xf32>
    tpu.vector_store %arg6[%swap3A, %swap3A_30], %mul3A_29 {strides = array<i32>} : memref<2048x128xf32, #tpu.memory_space<vmem>>, vector<2048x128xf32>,
    return
  }
  func.func @transform_0(%arg0: i32) -> (i32, i32, i32) {
    %c0_i32 = arith.constant 0 : i32
    %c0_i32_0 = arith.constant 0 : i32
    %c0_i32_1 = arith.constant 0 : i32
    return %c0_i32, %arg0, %c0_i32_0 : i32, i32, i32
  }
  func.func @transform_1(%arg0: i32) -> (i32, i32) {
    %c0_i32 = arith.constant 0 : i32
    %c0_i32_0 = arith.constant 0 : i32
    return %arg0, %c0_i32 : i32, i32
  }
  func.func @transform_2(%arg0: i32) -> (i32, i32) {
    %c0_i32 = arith.constant 0 : i32
    %c0_i32_0 = arith.constant 0 : i32
    return %arg0, %c0_i32 : i32, i32
  }
  func.func @transform_3(%arg0: i32) -> (i32, i32) {
    %c0_i32 = arith.constant 0 : i32
    %c0_i32_0 = arith.constant 0 : i32
    %c0_i32_1 = arith.constant 0 : i32
    return %c0_i32, %c0_i32_0 : i32, i32
  }
  func.func @transform_4(%arg0: i32) -> (i32, i32) {
    %c0_i32 = arith.constant 0 : i32
    %c0_i32_0 = arith.constant 0 : i32
    %c0_i32_1 = arith.constant 0 : i32
    return %c0_i32, %c0_i32_0 : i32, i32
  }
  func.func @transform_5(%arg0: i32) -> (i32, i32) {
    %c0_i32 = arith.constant 0 : i32
    %c0_i32_0 = arith.constant 0 : i32
    return %arg0, %c0_i32 : i32, i32
  }
}

module attributes {stable_mosaic.version = 14 : i64} {
  func.func @_prep0_body(%arg0: i32, %arg1: memref<2000x128xf32, #tpu.memory_space<vmem>>, %arg2: memref<2000x2xf32, #tpu.memory_space<vmem>>, %arg3: memref<2000x128xf32, #tpu.memory_space<vmem>>, %arg4: memref<2000x1xf32, #tpu.memory_space<vmem>>) attributes {dimension_semantics = [#tpu.dimension_semantics<arbitrary>], iteration_bounds = array<i64: 5>, scalar_prefetch = 0 : i64, scratch_operands = 0 : i64, tpu.core_type = #tpu.core_type<tc>, window_params = [{transform_indices = @transform_0, window_bounds = array<i64: 2000, 128>}, {transform_indices = @transform_1, window_bounds = array<i64: 2000, 2>}, {transform_indices = @transform_2, window_bounds = array<i64: 2000, 128>}, {transform_indices = @transform_3, window_bounds = array<i64: 2000, 1>}]} {
    %get3A = arith.constant 0 : index
    %get3A_0 = arith.constant 0 : index
    %get3A_1 = vector.load %arg2[%get3A, %get3A_0] : memref<2000x2xf32, #tpu.memory_space<vmem>>, vector<2000x1xf32>
    %get3A_2 = arith.constant 0 : index
    %get3A_3 = arith.constant 1 : index
    %get3A_4 = vector.load %arg2[%get3A_2, %get3A_3] : memref<2000x2xf32, #tpu.memory_space<vmem>>, vector<2000x1xf32>
    %add3A = arith.addf %get3A_1, %get3A_4 : vector<2000x1xf32>
    %add3A_5 = arith.constant 1.000000e+00 : f32
    %add3A_6 = vector.broadcast %add3A_5 : f32 to vector<2000x1xf32>
    %add3A_7 = arith.addf %add3A, %add3A_6 : vector<2000x1xf32>
    %rsqrt3A = math.rsqrt %add3A_7 : vector<2000x1xf32>
    %get3A_8 = arith.constant 0 : index
    %get3A_9 = arith.constant 0 : index
    %get3A_10 = vector.load %arg1[%get3A_8, %get3A_9] : memref<2000x128xf32, #tpu.memory_space<vmem>>, vector<2000x128xf32>
    %mul3A = vector.broadcast %rsqrt3A : vector<2000x1xf32> to vector<2000x128xf32>
    %mul3A_11 = arith.mulf %get3A_10, %mul3A : vector<2000x128xf32>
    %swap3A = arith.constant 0 : index
    %swap3A_12 = arith.constant 0 : index
    %swap3A_13 = vector.load %arg3[%swap3A, %swap3A_12] : memref<2000x128xf32, #tpu.memory_space<vmem>>, vector<2000x128xf32>
    tpu.vector_store %arg3[%swap3A, %swap3A_12], %mul3A_11 {strides = array<i32>} : memref<2000x128xf32, #tpu.memory_space<vmem>>, vector<2000x128xf32>,
    %swap3A_14 = arith.constant 0 : index
    %swap3A_15 = arith.constant 0 : index
    %swap3A_16 = vector.load %arg4[%swap3A_14, %swap3A_15] : memref<2000x1xf32, #tpu.memory_space<vmem>>, vector<2000x1xf32>
    tpu.vector_store %arg4[%swap3A_14, %swap3A_15], %rsqrt3A {strides = array<i32>} : memref<2000x1xf32, #tpu.memory_space<vmem>>, vector<2000x1xf32>,
    return
  }
  func.func @transform_0(%arg0: i32) -> (i32, i32) {
    %c0_i32 = arith.constant 0 : i32
    %c0_i32_0 = arith.constant 0 : i32
    return %arg0, %c0_i32 : i32, i32
  }
  func.func @transform_1(%arg0: i32) -> (i32, i32) {
    %c0_i32 = arith.constant 0 : i32
    %c0_i32_0 = arith.constant 0 : i32
    return %arg0, %c0_i32 : i32, i32
  }
  func.func @transform_2(%arg0: i32) -> (i32, i32) {
    %c0_i32 = arith.constant 0 : i32
    %c0_i32_0 = arith.constant 0 : i32
    return %arg0, %c0_i32 : i32, i32
  }
  func.func @transform_3(%arg0: i32) -> (i32, i32) {
    %c0_i32 = arith.constant 0 : i32
    %c0_i32_0 = arith.constant 0 : i32
    return %arg0, %c0_i32 : i32, i32
  }
}

module attributes {stable_mosaic.version = 14 : i64} {
  func.func @_final_body(%arg0: i32, %arg1: memref<2x2048x128xf32, #tpu.memory_space<vmem>>, %arg2: memref<2048x128xf32, #tpu.memory_space<vmem>>, %arg3: memref<2048x1xf32, #tpu.memory_space<vmem>>, %arg4: memref<1x128xf32, #tpu.memory_space<vmem>>, %arg5: memref<128x128xf32, #tpu.memory_space<vmem>>, %arg6: memref<1x2048xi32, #tpu.memory_space<vmem>>, %arg7: memref<128x128xf32, #tpu.memory_space<vmem>>, %arg8: memref<1x128xf32, #tpu.memory_space<vmem>>, %arg9: memref<64x128xf32, #tpu.memory_space<vmem>>, %arg10: memref<64x128xf32, #tpu.memory_space<vmem>>, %arg11: memref<64x1xf32, #tpu.memory_space<vmem>>) attributes {dimension_semantics = [#tpu.dimension_semantics<arbitrary>], iteration_bounds = array<i64: 5>, scalar_prefetch = 0 : i64, scratch_operands = 2 : i64, tpu.core_type = #tpu.core_type<tc>, window_params = [{transform_indices = @transform_0, window_bounds = array<i64: 2, 2048, 128>}, {transform_indices = @transform_1, window_bounds = array<i64: 2048, 128>}, {transform_indices = @transform_2, window_bounds = array<i64: 2048, 1>}, {pipeline_mode = #tpu.pipeline_mode<synchronous>, transform_indices = @transform_3, window_bounds = array<i64: 1, 128>}, {pipeline_mode = #tpu.pipeline_mode<synchronous>, transform_indices = @transform_4, window_bounds = array<i64: 128, 128>}, {transform_indices = @transform_5, window_bounds = array<i64: 1, 2048>}, {pipeline_mode = #tpu.pipeline_mode<synchronous>, transform_indices = @transform_6, window_bounds = array<i64: 128, 128>}, {pipeline_mode = #tpu.pipeline_mode<synchronous>, transform_indices = @transform_7, window_bounds = array<i64: 1, 128>}, {pipeline_mode = #tpu.pipeline_mode<synchronous>, transform_indices = @transform_8, window_bounds = array<i64: 64, 128>}]} {
    %eq3A = arith.constant 0 : i32
    %eq3A_0 = arith.cmpi eq, %arg0, %eq3A : i32
    %convert_element_type3A = arith.extui %eq3A_0 : i1 to i32
    %cond3A = arith.constant 0 : i32
    %cond3A_1 = arith.cmpi ne, %convert_element_type3A, %cond3A : i32
    scf.if %cond3A_1 {
      %broadcast_in_dim3A_66 = arith.constant 0.000000e+00 : f32
      %broadcast_in_dim3A_67 = vector.broadcast %broadcast_in_dim3A_66 : f32 to vector<64x128xf32>
      %swap3A_68 = arith.constant 0 : index
      %swap3A_69 = arith.constant 0 : index
      %swap3A_70 = vector.load %arg10[%swap3A_68, %swap3A_69] : memref<64x128xf32, #tpu.memory_space<vmem>>, vector<64x128xf32>
      tpu.vector_store %arg10[%swap3A_68, %swap3A_69], %broadcast_in_dim3A_67 {strides = array<i32>} : memref<64x128xf32, #tpu.memory_space<vmem>>, vector<64x128xf32>,
      %broadcast_in_dim3A_71 = arith.constant 0.000000e+00 : f32
      %broadcast_in_dim3A_72 = vector.broadcast %broadcast_in_dim3A_71 : f32 to vector<64x1xf32>
      %swap3A_73 = arith.constant 0 : index
      %swap3A_74 = arith.constant 0 : index
      %swap3A_75 = vector.load %arg11[%swap3A_73, %swap3A_74] : memref<64x1xf32, #tpu.memory_space<vmem>>, vector<64x1xf32>
      tpu.vector_store %arg11[%swap3A_73, %swap3A_74], %broadcast_in_dim3A_72 {strides = array<i32>} : memref<64x1xf32, #tpu.memory_space<vmem>>, vector<64x1xf32>,
    } else {
    }
    %get3A = arith.constant 0 : index
    %get3A_2 = arith.constant 0 : index
    %get3A_3 = vector.load %arg3[%get3A, %get3A_2] : memref<2048x1xf32, #tpu.memory_space<vmem>>, vector<2048x1xf32>
    %get3A_4 = arith.constant 0 : index
    %get3A_5 = arith.constant 0 : index
    %get3A_6 = arith.constant 0 : index
    %get3A_7 = vector.load %arg1[%get3A_4, %get3A_5, %get3A_6] : memref<2x2048x128xf32, #tpu.memory_space<vmem>>, vector<1x2048x128xf32>
    %get3A_8 = vector.shape_cast %get3A_7 : vector<1x2048x128xf32> to vector<2048x128xf32>
    %get3A_9 = arith.constant 1 : index
    %get3A_10 = arith.constant 0 : index
    %get3A_11 = arith.constant 0 : index
    %get3A_12 = vector.load %arg1[%get3A_9, %get3A_10, %get3A_11] : memref<2x2048x128xf32, #tpu.memory_space<vmem>>, vector<1x2048x128xf32>
    %get3A_13 = vector.shape_cast %get3A_12 : vector<1x2048x128xf32> to vector<2048x128xf32>
    %add3A = arith.addf %get3A_8, %get3A_13 : vector<2048x128xf32>
    %get3A_14 = arith.constant 0 : index
    %get3A_15 = arith.constant 0 : index
    %get3A_16 = vector.load %arg2[%get3A_14, %get3A_15] : memref<2048x128xf32, #tpu.memory_space<vmem>>, vector<2048x128xf32>
    %add3A_17 = arith.addf %add3A, %get3A_16 : vector<2048x128xf32>
    %mul3A = vector.broadcast %get3A_3 : vector<2048x1xf32> to vector<2048x128xf32>
    %mul3A_18 = arith.mulf %mul3A, %add3A_17 : vector<2048x128xf32>
    %get3A_19 = arith.constant 0 : index
    %get3A_20 = arith.constant 0 : index
    %get3A_21 = vector.load %arg5[%get3A_19, %get3A_20] : memref<128x128xf32, #tpu.memory_space<vmem>>, vector<128x128xf32>
    %dot_general3A = arith.constant dense<0.000000e+00> : vector<2048x128xf32>
    %dot_general3A_22 = tpu.matmul %mul3A_18, %get3A_21, %dot_general3A {dimension_numbers = #tpu.dot_dimension_numbers<[1], [0], [0], [1], [0, 0, 1, 1], [], []>, transpose_lhs_hint = false} : vector<2048x128xf32>, vector<128x128xf32>, vector<2048x128xf32> -> vector<2048x128xf32>
    %get3A_23 = arith.constant 0 : index
    %get3A_24 = arith.constant 0 : index
    %get3A_25 = vector.load %arg4[%get3A_23, %get3A_24] : memref<1x128xf32, #tpu.memory_space<vmem>>, vector<1x128xf32>
    %add3A_26 = vector.broadcast %get3A_25 : vector<1x128xf32> to vector<2048x128xf32>
    %add3A_27 = arith.addf %dot_general3A_22, %add3A_26 : vector<2048x128xf32>
    %iota3A = tpu.iota {dimensions = array<i32: 0>} : vector<2048x1xi32>
    %mul3A_28 = arith.constant 2048 : i32
    %mul3A_29 = arith.muli %arg0, %mul3A_28 : i32
    %add3A_30 = vector.broadcast %mul3A_29 : i32 to vector<2048x1xi32>
    %add3A_31 = arith.addi %iota3A, %add3A_30 : vector<2048x1xi32>
    %lt3A = arith.constant 10000 : i32
    %lt3A_32 = vector.broadcast %lt3A : i32 to vector<2048x1xi32>
    %lt3A_33 = arith.cmpi slt, %add3A_31, %lt3A_32 : vector<2048x1xi32>
    %jit3A = arith.constant 0.000000e+00 : f32
    %broadcast_in_dim3A = vector.shape_cast %lt3A_33 : vector<2048x1xi1> to vector<2048x1xi1>
    %broadcast_in_dim3A_34 = vector.broadcast %broadcast_in_dim3A : vector<2048x1xi1> to vector<2048x128xi1>
    %broadcast_in_dim3A_35 = vector.broadcast %jit3A : f32 to vector<2048x128xf32>
    %select_n3A = arith.select %broadcast_in_dim3A_34, %add3A_27, %broadcast_in_dim3A_35 : vector<2048x128xi1>, vector<2048x128xf32>
    %iota3A_36 = tpu.iota {dimensions = array<i32: 0>} : vector<64x2048xi32>
    %get3A_37 = arith.constant 0 : index
    %get3A_38 = arith.constant 0 : index
    %get3A_39 = vector.load %arg6[%get3A_37, %get3A_38] : memref<1x2048xi32, #tpu.memory_space<vmem>>, vector<1x2048xi32>
    %eq3A_40 = vector.broadcast %get3A_39 : vector<1x2048xi32> to vector<64x2048xi32>
    %eq3A_41 = arith.cmpi eq, %iota3A_36, %eq3A_40 : vector<64x2048xi32>
    %convert_element_type3A_42 = arith.extui %eq3A_41 : vector<64x2048xi1> to vector<64x2048xi32>
    %convert_element_type3A_43 = arith.sitofp %convert_element_type3A_42 : vector<64x2048xi32> to vector<64x2048xf32>
    %get3A_44 = arith.constant 0 : index
    %get3A_45 = arith.constant 0 : index
    %get3A_46 = vector.load %arg10[%get3A_44, %get3A_45] : memref<64x128xf32, #tpu.memory_space<vmem>>, vector<64x128xf32>
    %dot_general3A_47 = arith.constant dense<0.000000e+00> : vector<64x128xf32>
    %dot_general3A_48 = tpu.matmul %convert_element_type3A_43, %select_n3A, %dot_general3A_47 {dimension_numbers = #tpu.dot_dimension_numbers<[1], [0], [0], [1], [0, 0, 1, 1], [], []>, transpose_lhs_hint = false} : vector<64x2048xf32>, vector<2048x128xf32>, vector<64x128xf32> -> vector<64x128xf32>
    %add3A_49 = arith.addf %get3A_46, %dot_general3A_48 : vector<64x128xf32>
    %swap3A = arith.constant 0 : index
    %swap3A_50 = arith.constant 0 : index
    %swap3A_51 = vector.load %arg10[%swap3A, %swap3A_50] : memref<64x128xf32, #tpu.memory_space<vmem>>, vector<64x128xf32>
    tpu.vector_store %arg10[%swap3A, %swap3A_50], %add3A_49 {strides = array<i32>} : memref<64x128xf32, #tpu.memory_space<vmem>>, vector<64x128xf32>,
    %get3A_52 = arith.constant 0 : index
    %get3A_53 = arith.constant 0 : index
    %get3A_54 = vector.load %arg11[%get3A_52, %get3A_53] : memref<64x1xf32, #tpu.memory_space<vmem>>, vector<64x1xf32>
    %reduce_sum3A = arith.constant dense<0.000000e+00> : vector<64xf32>
    %reduce_sum3A_55 = vector.multi_reduction <add>, %convert_element_type3A_43, %reduce_sum3A [1] : vector<64x2048xf32> to vector<64xf32>
    %broadcast_in_dim3A_56 = vector.shape_cast %reduce_sum3A_55 : vector<64xf32> to vector<64x1xf32>
    %add3A_57 = arith.addf %get3A_54, %broadcast_in_dim3A_56 : vector<64x1xf32>
    %swap3A_58 = arith.constant 0 : index
    %swap3A_59 = arith.constant 0 : index
    %swap3A_60 = vector.load %arg11[%swap3A_58, %swap3A_59] : memref<64x1xf32, #tpu.memory_space<vmem>>, vector<64x1xf32>
    tpu.vector_store %arg11[%swap3A_58, %swap3A_59], %add3A_57 {strides = array<i32>} : memref<64x1xf32, #tpu.memory_space<vmem>>, vector<64x1xf32>,
    %eq3A_61 = arith.constant 4 : i32
    %eq3A_62 = arith.cmpi eq, %arg0, %eq3A_61 : i32
    %convert_element_type3A_63 = arith.extui %eq3A_62 : i1 to i32
    %cond3A_64 = arith.constant 0 : i32
    %cond3A_65 = arith.cmpi ne, %convert_element_type3A_63, %cond3A_64 : i32
    scf.if %cond3A_65 {
      %get3A_66 = arith.constant 0 : index
      %get3A_67 = arith.constant 0 : index
      %get3A_68 = vector.load %arg10[%get3A_66, %get3A_67] : memref<64x128xf32, #tpu.memory_space<vmem>>, vector<64x128xf32>
      %get3A_69 = arith.constant 0 : index
      %get3A_70 = arith.constant 0 : index
      %get3A_71 = vector.load %arg11[%get3A_69, %get3A_70] : memref<64x1xf32, #tpu.memory_space<vmem>>, vector<64x1xf32>
      %max3A = arith.constant 1.000000e+00 : f32
      %max3A_72 = vector.broadcast %max3A : f32 to vector<64x1xf32>
      %max3A_73 = arith.maximumf %get3A_71, %max3A_72 : vector<64x1xf32>
      %div3A = vector.broadcast %max3A_73 : vector<64x1xf32> to vector<64x128xf32>
      %div3A_74 = arith.divf %get3A_68, %div3A : vector<64x128xf32>
      %get3A_75 = arith.constant 0 : index
      %get3A_76 = arith.constant 0 : index
      %get3A_77 = vector.load %arg7[%get3A_75, %get3A_76] : memref<128x128xf32, #tpu.memory_space<vmem>>, vector<128x128xf32>
      %dot_general3A_78 = arith.constant dense<0.000000e+00> : vector<64x128xf32>
      %dot_general3A_79 = tpu.matmul %div3A_74, %get3A_77, %dot_general3A_78 {dimension_numbers = #tpu.dot_dimension_numbers<[1], [0], [0], [1], [0, 0, 1, 1], [], []>, transpose_lhs_hint = false} : vector<64x128xf32>, vector<128x128xf32>, vector<64x128xf32> -> vector<64x128xf32>
      %get3A_80 = arith.constant 0 : index
      %get3A_81 = arith.constant 0 : index
      %get3A_82 = vector.load %arg8[%get3A_80, %get3A_81] : memref<1x128xf32, #tpu.memory_space<vmem>>, vector<1x128xf32>
      %add3A_83 = vector.broadcast %get3A_82 : vector<1x128xf32> to vector<64x128xf32>
      %add3A_84 = arith.addf %dot_general3A_79, %add3A_83 : vector<64x128xf32>
      %swap3A_85 = arith.constant 0 : index
      %swap3A_86 = arith.constant 0 : index
      %swap3A_87 = vector.load %arg9[%swap3A_85, %swap3A_86] : memref<64x128xf32, #tpu.memory_space<vmem>>, vector<64x128xf32>
      tpu.vector_store %arg9[%swap3A_85, %swap3A_86], %add3A_84 {strides = array<i32>} : memref<64x128xf32, #tpu.memory_space<vmem>>, vector<64x128xf32>,
    } else {
    }
    return
  }
  func.func @transform_0(%arg0: i32) -> (i32, i32, i32) {
    %c0_i32 = arith.constant 0 : i32
    %c0_i32_0 = arith.constant 0 : i32
    %c0_i32_1 = arith.constant 0 : i32
    return %c0_i32, %arg0, %c0_i32_0 : i32, i32, i32
  }
  func.func @transform_1(%arg0: i32) -> (i32, i32) {
    %c0_i32 = arith.constant 0 : i32
    %c0_i32_0 = arith.constant 0 : i32
    return %arg0, %c0_i32 : i32, i32
  }
  func.func @transform_2(%arg0: i32) -> (i32, i32) {
    %c0_i32 = arith.constant 0 : i32
    %c0_i32_0 = arith.constant 0 : i32
    return %arg0, %c0_i32 : i32, i32
  }
  func.func @transform_3(%arg0: i32) -> (i32, i32) {
    %c0_i32 = arith.constant 0 : i32
    %c0_i32_0 = arith.constant 0 : i32
    %c0_i32_1 = arith.constant 0 : i32
    return %c0_i32, %c0_i32_0 : i32, i32
  }
  func.func @transform_4(%arg0: i32) -> (i32, i32) {
    %c0_i32 = arith.constant 0 : i32
    %c0_i32_0 = arith.constant 0 : i32
    %c0_i32_1 = arith.constant 0 : i32
    return %c0_i32, %c0_i32_0 : i32, i32
  }
  func.func @transform_5(%arg0: i32) -> (i32, i32) {
    %c0_i32 = arith.constant 0 : i32
    %c0_i32_0 = arith.constant 0 : i32
    return %c0_i32, %arg0 : i32, i32
  }
  func.func @transform_6(%arg0: i32) -> (i32, i32) {
    %c0_i32 = arith.constant 0 : i32
    %c0_i32_0 = arith.constant 0 : i32
    %c0_i32_1 = arith.constant 0 : i32
    return %c0_i32, %c0_i32_0 : i32, i32
  }
  func.func @transform_7(%arg0: i32) -> (i32, i32) {
    %c0_i32 = arith.constant 0 : i32
    %c0_i32_0 = arith.constant 0 : i32
    %c0_i32_1 = arith.constant 0 : i32
    return %c0_i32, %c0_i32_0 : i32, i32
  }
  func.func @transform_8(%arg0: i32) -> (i32, i32) {
    %c0_i32 = arith.constant 0 : i32
    %c0_i32_0 = arith.constant 0 : i32
    %c0_i32_1 = arith.constant 0 : i32
    return %c0_i32, %c0_i32_0 : i32, i32
  }
}

</mosaic_0001>

<sc_bundles>
// kernel: kernel.10.cloned.1.call-start
scs
__scs_entry_jumppad:
0x0: {  	(pc) =	sbr.rel $0x88, $3  }
0x1: {  	(tag) =	ssettag $0x0;
	lr =	simm.s32 $0x1  }
0x2: {  	[smem:$0x3F96] =	sst lr;
	_ =	strace $0xD0000000  }
0x3: {  	_ = 	snop  }
0x4: {  	_ = 	snop  }
0x5: {  	_ = 	snop  }
0x6: {  	_ = 	snop  }
0x7: {  	_ = 	snop  }
__scs_overlays_trampoline_lowered:
0x8: {  	[smem:$0x3FA5] =	sst s0  }
0x9: {  	[smem:$0x3FA6] =	sst s1  }
0xa: {  	[smem:$0x3FA7] =	sst s2  }
0xb: {  	[smem:$0x3FA8] =	sst s3  }
0xc: {  	[smem:$0x3FA9] =	sst s4  }
0xd: {  	[smem:$0x3FAA] =	sst s5  }
0xe: {  	[smem:$0x3FAB] =	sst s6  }
0xf: {  	[smem:$0x3FAC] =	sst s7  }
0x10: {  	[smem:$0x3FAD] =	sst s8  }
0x11: {  	[smem:$0x3FAE] =	sst s9;
	s0 =	simm.s32 @!p0 $0x0  }
0x12: {  	s1 =	sld [smem:$0x3F94];
	s0 =	simm.s32 @p0 $0x1  }
0x13: {  	[smem:$0x3FAF] =	sst s0;
	s0 =	simm.s32 @!p1 $0x0  }
0x14: {  	s2 =	sld [smem:$0x3F93];
	s0 =	simm.s32 @p1 $0x1  }
0x15: {  	[smem:$0x3FB0] =	sst s0;
	s0 =	simm.s32 @!p2 $0x0  }
0x16: {  	s3 =	sld [smem:$0x3FDB];
	s0 =	simm.s32 @p2 $0x1  }
0x17: {  	s4 =	simm.s32 $0x1BF5;
	[smem:$0x3FB2] =	sst s0  }
0x18: {  	s0 =	sld [smem:$0x3F95];
	_ =	swait.ge [sflag:s4], $0x0  }
0x19: {  	s7 =	sld [smem:$0x3F96]  }
0x1a: {  	s8 =	sadd.s32 $0xFFFFE003, lr  }
0x1b: {  	s9 =	sadd.s32 $0xFFFFFEF7, lr;
	s5 =	simm.s32 $0xFFFFFFFF;
	p2 =	slt.u32 s8, $0xFFFFF086  }
0x1c: {  	p1 =	slt.u32 s9, $0xF7A;
	s5 =	simm.s32 @!p2 $0x0  }
0x1d: {  	s5 =	simm.s32 @p1 $0x1;
	p0 =	seq.s32 s7, s2  }
0x1e: {  	s7 =	smul.u32 @!p0 $0xF7A, s2;
	p2 =	seq.s32 @!p0 s5, $0x0  }
0x1f: {  	s9 =	smul.u32 $0xF7A, s1;
	s8 =	simm.s32 @!p0 $0x1BF5;
	p2 =	por !p2, p0  }
0x20: {  	[sflag:s8] =	ssyncset.s32 @!p0 $0xFFFFF086;
	s6 =	sadd.s32 @!p0 s3, s7;
	s7 =	simm.s32 @!p0 $0x108  }
0x21: {  	s3 =	sadd.s32 s3, s9;
	s6 =	sadd.s32 @!p0 $0x88, s6;
	s7 =	simm.s32 @p2 $0x1082  }
0x22: {  	[simem:s7], [sflag:s8] =	dma.local @!p0 [hbm:s6], $0xF7A  }
0x23: {  	s9 =	sor.u32 $0xD0000000, s2;
	s6 =	simm.s32 $0x108;
	_ =	swait.ge @!p0 [sflag:s8], $0x0  }
0x24: {  	s3 =	sadd.s32 $0x88, s3;
	s6 =	simm.s32 @!p1 $0x1082;
	[sflag:s4] =	ssyncset.s32 $0xFFFFF086  }
0x25: {  	[simem:s6], [sflag:s4] =	dma.local [hbm:s3], $0xF7A  }
0x26: {  	[smem:$0x3F96] =	sst s1;
	(tag) =	ssettag s2;
	_ =	strace s9  }
0x27: {  	s1 =	sld [smem:$0x3FA6]  }
0x28: {  	s2 =	sld [smem:$0x3FA7]  }
0x29: {  	s4 =	sld [smem:$0x3FA9]  }
0x2a: {  	p0 =	seq.s32 s5, $0x0;
	s5 =	sld [smem:$0x3FAA]  }
0x2b: {  	s6 =	sld [smem:$0x3FAB]  }
0x2c: {  	s7 =	sld [smem:$0x3FAC]  }
0x2d: {  	s3 =	simm.s32 $0x108;
	s8 =	sld [smem:$0x3FAD]  }
0x2e: {  	s3 =	simm.s32 @!p0 $0x1082;
	s9 =	sld [smem:$0x3FAE]  }
0x2f: {  	lr =	sadd.s32 s0, s3;
	s0 =	sld [smem:$0x3FA5]  }
0x30: {  	s3 =	sld [smem:$0x3FA8]  }
0x31: {  	[smem:$0x3FB1] =	sst s10  }
0x32: {  	s10 =	sld [smem:$0x3FAF];
	_ =	sdelay $0x3  }
0x33: {  	p0 =	seq.s32 s10, $0x1;
	s10 =	sld [smem:$0x3FB1];
	_ =	sdelay $0x3  }
0x34: {  	[smem:$0x3FB1] =	sst s10  }
0x35: {  	s10 =	sld [smem:$0x3FB0];
	_ =	sdelay $0x3  }
0x36: {  	p1 =	seq.s32 s10, $0x1;
	s10 =	sld [smem:$0x3FB1];
	_ =	sdelay $0x3  }
0x37: {  	[smem:$0x3FB1] =	sst s10  }
0x38: {  	s10 =	sld [smem:$0x3FB2]  }
0x39: {  	_ = 	snop;
	(pc) =	sbr.ind lr, $3  }
0x3a: {  	_ = 	snop  }
0x3b: {  	_ = 	snop  }
0x3c: {  	p2 =	seq.s32 s10, $0x1;
	s10 =	sld [smem:$0x3FB1]  }
0x3d: {  	_ =	shalt  }
0x3e: {  	_ =	shalt  }
0x3f: {  	_ =	shalt  }
0x40: {  	_ =	shalt  }
0x41: {  	_ =	shalt  }
0x42: {  	_ =	shalt  }
0x43: {  	_ =	shalt  }
0x44: {  	_ =	shalt  }
0x45: {  	_ =	shalt  }
0x46: {  	_ =	shalt  }
0x47: {  	_ =	shalt  }
0x48: {  	_ =	shalt  }
0x49: {  	_ =	shalt  }
0x4a: {  	_ =	shalt  }
0x4b: {  	_ =	shalt  }
0x4c: {  	_ =	shalt  }
0x4d: {  	_ =	shalt  }
0x4e: {  	_ =	shalt  }
0x4f: {  	_ =	shalt  }
0x50: {  	_ =	shalt  }
0x51: {  	_ =	shalt  }
0x52: {  	_ =	shalt  }
0x53: {  	_ =	shalt  }
0x54: {  	_ =	shalt  }
0x55: {  	_ =	shalt  }
0x56: {  	_ =	shalt  }
0x57: {  	_ =	shalt  }
0x58: {  	_ =	shalt  }
0x59: {  	_ =	shalt  }
0x5a: {  	_ =	shalt  }
0x5b: {  	_ =	shalt  }
0x5c: {  	_ =	shalt  }
0x5d: {  	_ =	shalt  }
0x5e: {  	_ =	shalt  }
0x5f: {  	_ =	shalt  }
0x60: {  	_ =	shalt  }
0x61: {  	_ =	shalt  }
0x62: {  	_ =	shalt  }
0x63: {  	_ =	shalt  }
0x64: {  	_ =	shalt  }
0x65: {  	_ =	shalt  }
0x66: {  	_ =	shalt  }
0x67: {  	_ =	shalt  }
0x68: {  	_ =	shalt  }
0x69: {  	_ =	shalt  }
0x6a: {  	_ =	shalt  }
0x6b: {  	_ =	shalt  }
0x6c: {  	_ =	shalt  }
0x6d: {  	_ =	shalt  }
0x6e: {  	_ =	shalt  }
0x6f: {  	_ =	shalt  }
0x70: {  	_ =	shalt  }
0x71: {  	_ =	shalt  }
0x72: {  	_ =	shalt  }
0x73: {  	_ =	shalt  }
0x74: {  	_ =	shalt  }
0x75: {  	_ =	shalt  }
0x76: {  	_ =	shalt  }
0x77: {  	_ =	shalt  }
0x78: {  	_ =	shalt  }
0x79: {  	_ =	shalt  }
0x7a: {  	_ =	shalt  }
0x7b: {  	_ =	shalt  }
0x7c: {  	_ =	shalt  }
0x7d: {  	_ =	shalt  }
0x7e: {  	_ =	shalt  }
0x7f: {  	_ =	shalt  }
0x80: {  	_ =	shalt  }
0x81: {  	_ =	shalt  }
0x82: {  	_ =	shalt  }
0x83: {  	_ =	shalt  }
0x84: {  	_ =	shalt  }
0x85: {  	_ =	shalt  }
0x86: {  	_ =	shalt  }
0x87: {  	_ =	shalt  }
.Lfunc_end0:
.L_simem_size_0:
called_computation_lowered:
.L_overlay_start_0:
0x88: {  	s2 =	sld [smem:$0x3FD9]  }
0x89: {  	s3 =	sld [smem:$0x3FFE];
	_ =	sdelay $0x1  }
0x8a: {  	s1 =	srdreg.scid  }
0x8b: {  	s0 =	sand.u32 $0x1, s1  }
0x8c: {  	s16 =	sshll.u32 s0, $0xA;
	s2 =	sadd.s32 s3, s2  }
0x8d: {  	s2 =	sadd.s32 s2, s16  }
0x8e: {  	[smem:$0x3FBD] =	sst s2  }
0x8f: {  	_ = 	snop  }
0x90: {  	(tm) =	ssettm $0x1  }
0x91: {  	s17 =	sld [smem:$0x3FFB];
	_ =	sdelay $0x3  }
0x92: {  	_ =	strace s17  }
0x93: {  	s2 =	sld [smem:$0x3FFC];
	_ =	sdelay $0x3  }
0x94: {  	_ =	strace s2  }
0x95: {  	s2 =	sld [smem:$0x3FFD];
	_ =	sdelay $0x3  }
0x96: {  	_ =	strace s2  }
0x97: {  	_ =	strace $0x8FFFFFFF  }
0x98: {  	s18 =	sld [smem:$0x3FDB];
	_ =	sdelay $0x1  }
0x99: {  	s19 =	simm.s32 $_scs_section_size  }
0x9a: {  	s4 =	simm.s32 $_size__tile_overlayer_lowered;
	s5 =	simm.s32 $_tile_overlayer_lowered  }
0x9b: {  	s22 =	simm.s32 $0x1BFF;
	s21 =	sshll.u32 s5, $0x1;
	s2 =	sadd.s32 s19, s18  }
0x9c: {  	s6 =	simm.s32 $0x0;
	s20 =	sshll.u32 s4, $0x1;
	s4 =	sadd.s32 s21, s2  }
0x9d: {  	[timem:s6], [sflag:s22] =	dma.local [hbm:s4], s20  }
0x9e: {  	_ =	swait.ge [sflag:s22], s20  }
0x9f: {  	s3 =	ssub.s32 $0x0, s20;
	[sflag:s22] =	ssyncset.done $0x0  }
0xa0: {  	[sflag:s22] =	ssyncadd.s32 s3;
	_ =	sdelay $0x1  }
0xa1: {  	s23 =	simm.s32 $0x1B8B  }
0xa2: {  	_ =	swait.ge [sflag:s23], $0x1  }
0xa3: {  	[sflag:s23] =	ssyncset.done $0x0  }
0xa4: {  	s25 =	simm.s32 $0x1B8E;
	s24 =	sld [smem:$0x3FFE];
	[sflag:s23] =	ssyncadd.s32 $0xFFFFFFFF  }
0xa5: {  	s26 =	simm.s32 $execute0_lowered;
	[smem:$0x3FD2] =	sst s25  }
0xa6: {  	s4 =	sshll.u32 s26, $0x1;
	_ =	strace $0x80000046;
	[dreg:$0x1] =	wrdreg $0xFFFFFFFF  }
0xa7: {  	s28 =	simm.s32 $_size_execute0_lowered;
	s2 =	sadd.s32 s2, s4;
	[dreg:$0x0] =	wrdreg $0x0  }
0xa8: {  	s4 =	sshll.u32 s28, $0x1;
	[dreg:$0x2] =	wrdreg s2  }
0xa9: {  	[dreg:$0x3] =	wrdreg s4  }
0xaa: {  	[dreg:$0x4] =	wrdreg $0xC0  }
0xab: {  	_ =	task [dreg:s6], $0x5FFFF  }
0xac: {  	[dreg:$0x1] =	wrdreg $0xFFFFFFFF  }
0xad: {  	[dreg:$0x0] =	wrdreg $0x60  }
0xae: {  	[dreg:$0x2] =	wrdreg s24  }
0xaf: {  	[dreg:$0x3] =	wrdreg $0x43000  }
0xb0: {  	[dreg:$0x4] =	wrdreg $0x9  }
0xb1: {  	_ =	task.clear_ibuf [dreg:s6], $0x5FFFF;
	_ =	strace $0x90000046  }
0xb2: {  	s29 =	simm.s32 $0x9;
	_ =	strace $0x80000048  }
0xb3: {  	_ =	swait.ge [sflag:s29], $0x1  }
0xb4: {  	[sflag:s29] =	ssyncadd.s32 $0xFFFFFFFF  }
0xb5: {  	_ =	strace $0x90000048  }
0xb6: {  	_ =	sfence  }
0xb7: {  	s30 =	sld [smem:$0x0];
	_ =	sdelay $0x2  }
0xb8: {  	s31 =	sshll.u32 s1, $0xD;
	s1 =	sshrl.u32 s1, $0x2  }
0xb9: {  	s3 =	sand.u32 $0x4000, s31;
	s1 =	sadd.s32 s1, s30  }
0xba: {  	s0 =	sor.u32 s3, s0;
	s1 =	sshll.u32 s1, $0x11  }
0xbb: {  	s0 =	sor.u32 s1, s0  }
0xbc: {  	s0 =	sadd.s32 $0x8F2B, s0  }
0xbd: {  	[sflag:s0] =	ssyncadd.remote.s32 $0x1  }
0xbe: {  	_ =	sfence.sel $0xFFFF  }
0xbf: {  	[dreg:$0x0] =	wrdreg $0xFFFFFFFF;
	(pc) =	sbr.abs _section_cstart, $3  }
0xc0: {  	[dreg:$0x1] =	wrdreg $0xFFFFFFFF  }
0xc1: {  	_ =	task.clear_ibuf [dreg:s6], $0x2FFFF;
	_ =	strace $0x9FFFFFFF  }
0xc2: {  	(tm) =	ssettm $0x7FFFFFFF  }
0xc3: {  	_ =	shalt  }
tec
execute0_lowered:
.L_overlay_start_1:
0x0: {  	(tag) =	ssettag $0x1  }
0x1: {  	s4 =	rddreg [dreg:$0x0]  }
0x2: {  	s2 =	rddreg [dreg:$0x1]  }
0x3: {  	s0 =	rddreg [dreg:$0x2]  }
0x4: {  	s1 =	stileid.u32;
	s5 =	srdreg.scid  }
0x5: {  	s3 =	simm.s32 $0x0;
	s10 =	simm.s32 $0x50;
	s11 =	simm.s32 $0x4000  }
0x6: {  	s12 =	simm.s32 $0x1;
	s15 =	simm.s32 $0x20;
	s16 =	simm.s32 $0x10  }
0x7: {  	s17 =	simm.s32 $0x0;
	s5 =	sand.u32 $0x1, s5;
	s6 =	smul.u32 $0x500, s1  }
0x8: {  	[smem:$0x7FF] =	sst s3;
	s7 =	sshll.u32 s1, $0xB;
	s9 =	smul.u32 $0xA00, s1  }
0x9: {  	s13 =	sshll.u32 s1, $0x6;
	s8 =	sshll.u32 s5, $0x7;
	_ =	strace $0x80000047  }
0xa: {  	s7 =	sadd.s32 s7, s4;
	s28 =	ssub.s32 $0x2, s5;
	s5 =	sshll.u32 s5, $0xF  }
0xb: {  	s13 =	sor.u32 $0x1C02, s13;
	s6 =	sor.u32 s8, s6;
	s29 =	sshrl.u32 s28, $0x1  }
0xc: {  	s30 =	sadd.s32 s5, s7;
	s31 =	sshrl.u32 s9, $0x2;
	s9 =	simm.s32 $0x4080  }
0xd: {  	s6 =	sshrl.u32 s6, $0x3;
	s8 =	ssub.s32 s28, s29;
	s5 =	sadd.s32 s31, s2  }
0xe: {  	s6 =	sadd.s32 s6, s4;
	s4 =	sadd.s32 $0x13A00, s30;
	s7 =	smax.u32 s8, $0x1  }
0xf: {  	v0 =	vimm.f32 $1.000000000e+00;
	v1 =	vimm.f32 $0.0e+00;
	s8 =	simm.s32 $0x2;
	s14 =	sshrl.u32 s5, $0x3;
	s6 =	sadd.s32 $0x23A00, s6  }
.LBB2_1:
0x10: {  	[tilespmem:s3], [sflag:$0x2] =	stream.linear.gather [hbm4b:s4+s3], $0x3E80, $0x38;
	[tilespmem:$0x4580] =	vst v63  }
0x11: {  	_ =	swait.ge [sflag:s8], $0x3E80  }
0x12: {  	[sflag:s8] =	ssyncset.done $0x0  }
0x13: {  	[sflag:s8] =	ssyncadd.s32 $0xFFFFC180  }
0x14: {  	[tilespmem:$0x4000] =	vst v0  }
0x15: {  	[tilespmem:$0x4010] =	vst v0  }
0x16: {  	[tilespmem:$0x4020] =	vst v0  }
0x17: {  	[tilespmem:$0x4030] =	vst v0  }
0x18: {  	[tilespmem:$0x4040] =	vst v0  }
0x19: {  	[tilespmem:$0x4080] =	vst v1  }
0x1a: {  	[tilespmem:$0x4090] =	vst v1  }
0x1b: {  	[tilespmem:$0x40A0] =	vst v1  }
0x1c: {  	[tilespmem:$0x40B0] =	vst v1  }
0x1d: {  	[tilespmem:$0x40C0] =	vst v1  }
0x1e: {  	[tilespmem:$0x40D0] =	vst v1  }
0x1f: {  	[tilespmem:$0x40E0] =	vst v1  }
0x20: {  	[tilespmem:$0x40F0] =	vst v1  }
0x21: {  	[tilespmem:$0x4100] =	vst v1  }
0x22: {  	[tilespmem:$0x4110] =	vst v1  }
0x23: {  	[tilespmem:$0x4120] =	vst v1  }
0x24: {  	[tilespmem:$0x4130] =	vst v1  }
0x25: {  	[tilespmem:$0x4140] =	vst v1  }
0x26: {  	[tilespmem:$0x4150] =	vst v1  }
0x27: {  	[tilespmem:$0x4160] =	vst v1  }
0x28: {  	[tilespmem:$0x4170] =	vst v1  }
0x29: {  	[tilespmem:$0x4180] =	vst v1  }
0x2a: {  	[tilespmem:$0x4190] =	vst v1  }
0x2b: {  	[tilespmem:$0x41A0] =	vst v1  }
0x2c: {  	[tilespmem:$0x41B0] =	vst v1  }
0x2d: {  	[tilespmem:$0x41C0] =	vst v1  }
0x2e: {  	[tilespmem:$0x41D0] =	vst v1  }
0x2f: {  	[tilespmem:$0x41E0] =	vst v1  }
0x30: {  	[tilespmem:$0x41F0] =	vst v1  }
0x31: {  	[tilespmem:$0x4200] =	vst v1  }
0x32: {  	[tilespmem:$0x4210] =	vst v1  }
0x33: {  	[tilespmem:$0x4220] =	vst v1  }
0x34: {  	[tilespmem:$0x4230] =	vst v1  }
0x35: {  	[tilespmem:$0x4240] =	vst v1  }
0x36: {  	[tilespmem:$0x4250] =	vst v1  }
0x37: {  	[tilespmem:$0x4260] =	vst v1  }
0x38: {  	[tilespmem:$0x4270] =	vst v1  }
0x39: {  	[tilespmem:$0x4280] =	vst v1  }
0x3a: {  	[tilespmem:$0x4290] =	vst v1  }
0x3b: {  	[tilespmem:$0x42A0] =	vst v1  }
0x3c: {  	[tilespmem:$0x42B0] =	vst v1  }
0x3d: {  	[tilespmem:$0x42C0] =	vst v1  }
0x3e: {  	[tilespmem:$0x42D0] =	vst v1  }
0x3f: {  	[tilespmem:$0x42E0] =	vst v1  }
0x40: {  	[tilespmem:$0x42F0] =	vst v1  }
0x41: {  	[spmem:s5] =	stream.linear.scatter [tilespmem:s9], [sflag:$0x2], $0x280, $0x38;
	[tilespmem:$0x4580] =	vst v63  }
0x42: {  	_ =	swait.ge [sflag:s8], $0x280  }
0x43: {  	[sflag:s8] =	ssyncset.done $0x0  }
0x44: {  	[sflag:s8] =	ssyncadd.s32 $0xFFFFFD80  }
0x45: {  	s18 =	simm.s32 $0x0;
	[bflag:$0x0] =	sbarrier.arrive $0xFFFF  }
0x46: {  	[spmem:s2] =	stream.indirect.scatter.add.f32 [tilespmem:s11], [sflag:$0x1], $0x1, s18, s10, $0xb8;
	[tilespmem:$0x4580] =	vst v63  }
0x47: {  	s28 =	simm.s32 $0x80  }
0x48: {  	[spmem:s2] =	stream.indirect.scatter.add.f32 [tilespmem:s11], [sflag:$0x1], $0x1, s28, s10, $0xb8;
	[tilespmem:$0x4580] =	vst v63  }
0x49: {  	s29 =	simm.s32 $0x100  }
0x4a: {  	[spmem:s2] =	stream.indirect.scatter.add.f32 [tilespmem:s11], [sflag:$0x1], $0x1, s29, s10, $0xb8;
	[tilespmem:$0x4580] =	vst v63  }
0x4b: {  	s30 =	simm.s32 $0x180  }
0x4c: {  	[spmem:s2] =	stream.indirect.scatter.add.f32 [tilespmem:s11], [sflag:$0x1], $0x1, s30, s10, $0xb8;
	[tilespmem:$0x4580] =	vst v63  }
0x4d: {  	s31 =	simm.s32 $0x200  }
0x4e: {  	[spmem:s2] =	stream.indirect.scatter.add.f32 [tilespmem:s11], [sflag:$0x1], $0x1, s31, s10, $0xb8;
	[tilespmem:$0x4580] =	vst v63  }
0x4f: {  	_ =	swait.ge [sflag:s12], $0x50  }
0x50: {  	[sflag:s12] =	ssyncset.done $0x0  }
0x51: {  	[sflag:s12] =	ssyncadd.s32 $0xFFFFFFB0  }
0x52: {  	_ =	swait.ge [sflag:s12], $0x50  }
0x53: {  	[sflag:s12] =	ssyncset.done $0x0  }
0x54: {  	[sflag:s12] =	ssyncadd.s32 $0xFFFFFFB0  }
0x55: {  	_ =	swait.ge [sflag:s12], $0x50  }
0x56: {  	[sflag:s12] =	ssyncset.done $0x0  }
0x57: {  	[sflag:s12] =	ssyncadd.s32 $0xFFFFFFB0  }
0x58: {  	_ =	swait.ge [sflag:s12], $0x50  }
0x59: {  	[sflag:s12] =	ssyncset.done $0x0  }
0x5a: {  	[sflag:s12] =	ssyncadd.s32 $0xFFFFFFB0  }
0x5b: {  	_ =	swait.ge [sflag:s12], $0x50  }
0x5c: {  	s19 =	simm.s32 $0x1400;
	s18 =	simm.s32 $0xA00;
	[sflag:s12] =	ssyncset.done $0x0  }
.LBB2_2:
0x5d: {  	s20 =	sshra.s32 s18, $0x2  }
0x5e: {  	[sflag:s12] =	ssyncadd.s32 $0xFFFFFFB0;
	s18 =	smov.u32 s19;
	s21 =	sadd.s32 $0xA00, s19  }
0x5f: {  	[spmem:s2] =	stream.indirect.scatter.add.f32 [tilespmem:s11], [sflag:$0x1], $0x1, s20, s10, $0xb8;
	[tilespmem:$0x4580] =	vst v63  }
0x60: {  	p0 =	sne.s32 s19, $0xF000;
	s19 =	sadd.s32 $0x80, s20  }
0x61: {  	[spmem:s2] =	stream.indirect.scatter.add.f32 [tilespmem:s11], [sflag:$0x1], $0x1, s19, s10, $0xb8;
	[tilespmem:$0x4580] =	vst v63  }
0x62: {  	s19 =	sadd.s32 $0x100, s20  }
0x63: {  	[spmem:s2] =	stream.indirect.scatter.add.f32 [tilespmem:s11], [sflag:$0x1], $0x1, s19, s10, $0xb8;
	[tilespmem:$0x4580] =	vst v63  }
0x64: {  	s19 =	sadd.s32 $0x180, s20  }
0x65: {  	[spmem:s2] =	stream.indirect.scatter.add.f32 [tilespmem:s11], [sflag:$0x1], $0x1, s19, s10, $0xb8;
	[tilespmem:$0x4580] =	vst v63  }
0x66: {  	s19 =	sadd.s32 $0x200, s20  }
0x67: {  	[spmem:s2] =	stream.indirect.scatter.add.f32 [tilespmem:s11], [sflag:$0x1], $0x1, s19, s10, $0xb8;
	[tilespmem:$0x4580] =	vst v63  }
0x68: {  	_ =	swait.ge [sflag:s12], $0x50  }
0x69: {  	[sflag:s12] =	ssyncset.done $0x0  }
0x6a: {  	[sflag:s12] =	ssyncadd.s32 $0xFFFFFFB0  }
0x6b: {  	_ =	swait.ge [sflag:s12], $0x50  }
0x6c: {  	[sflag:s12] =	ssyncset.done $0x0  }
0x6d: {  	[sflag:s12] =	ssyncadd.s32 $0xFFFFFFB0  }
0x6e: {  	_ =	swait.ge [sflag:s12], $0x50  }
0x6f: {  	[sflag:s12] =	ssyncset.done $0x0  }
0x70: {  	[sflag:s12] =	ssyncadd.s32 $0xFFFFFFB0  }
.Ltmp0:
0x71: {  	_ =	swait.ge [sflag:s12], $0x50;
	(pc) =	sbr.rel @p0 .LBB2_2-.Ltmp0, $4  }
0x72: {  	[sflag:s12] =	ssyncset.done $0x0  }
0x73: {  	[sflag:s12] =	ssyncadd.s32 $0xFFFFFFB0  }
0x74: {  	_ =	swait.ge [sflag:s12], $0x50  }
0x75: {  	s19 =	smov.u32 s21;
	[sflag:s12] =	ssyncset.done $0x0  }
0x76: {  	s18 =	sshra.s32 s18, $0x2;
	[sflag:s12] =	ssyncadd.s32 $0xFFFFFFB0  }
0x77: {  	[spmem:s2] =	stream.indirect.scatter.add.f32 [tilespmem:s11], [sflag:$0x1], $0x1, s18, s10, $0xb8;
	[tilespmem:$0x4580] =	vst v63  }
0x78: {  	s19 =	sadd.s32 $0x80, s18  }
0x79: {  	[spmem:s2] =	stream.indirect.scatter.add.f32 [tilespmem:s11], [sflag:$0x1], $0x1, s19, s10, $0xb8;
	[tilespmem:$0x4580] =	vst v63  }
0x7a: {  	s30 =	sadd.s32 $0x100, s18  }
0x7b: {  	[spmem:s2] =	stream.indirect.scatter.add.f32 [tilespmem:s11], [sflag:$0x1], $0x1, s30, s10, $0xb8;
	[tilespmem:$0x4580] =	vst v63  }
0x7c: {  	s31 =	sadd.s32 $0x180, s18  }
0x7d: {  	[spmem:s2] =	stream.indirect.scatter.add.f32 [tilespmem:s11], [sflag:$0x1], $0x1, s31, s10, $0xb8;
	[tilespmem:$0x4580] =	vst v63  }
0x7e: {  	s18 =	sadd.s32 $0x200, s18  }
0x7f: {  	[spmem:s2] =	stream.indirect.scatter.add.f32 [tilespmem:s11], [sflag:$0x1], $0x1, s18, s10, $0xb8;
	[tilespmem:$0x4580] =	vst v63  }
0x80: {  	_ =	swait.ge [sflag:s12], $0x50  }
0x81: {  	[sflag:s12] =	ssyncset.done $0x0  }
0x82: {  	[sflag:s12] =	ssyncadd.s32 $0xFFFFFFB0  }
0x83: {  	_ =	swait.ge [sflag:s12], $0x50  }
0x84: {  	[sflag:s12] =	ssyncset.done $0x0  }
0x85: {  	[sflag:s12] =	ssyncadd.s32 $0xFFFFFFB0  }
0x86: {  	_ =	swait.ge [sflag:s12], $0x50  }
0x87: {  	[sflag:s12] =	ssyncset.done $0x0  }
0x88: {  	[sflag:s12] =	ssyncadd.s32 $0xFFFFFFB0  }
0x89: {  	_ =	swait.ge [sflag:s12], $0x50  }
0x8a: {  	[sflag:s12] =	ssyncset.done $0x0  }
0x8b: {  	[sflag:s12] =	ssyncadd.s32 $0xFFFFFFB0  }
0x8c: {  	_ =	swait.ge [sflag:s12], $0x50  }
0x8d: {  	s17 =	sadd.s32 $0x1, s17;
	[sflag:s12] =	ssyncset.done $0x0  }
0x8e: {  	p0 =	sne.s32 s17, s7;
	[sflag:s12] =	ssyncadd.s32 $0xFFFFFFB0  }
.Ltmp1:
0x8f: {  	[bflag:$0x0] =	sbarrier.arrive $0xFFFF;
	(pc) =	sbr.rel @p0 .LBB2_1-.Ltmp1, $4  }
0x90: {  	[hbm:s6@s15], [sflag:s13] =	dma.strided [spmem:s14@s16], $0x50, s12, $0x10   }
0x91: {  	_ =	swait.ge [sflag:s8], $0x50  }
0x92: {  	[sflag:s8] =	ssyncset.done $0x0  }
0x93: {  	[sflag:s8] =	ssyncadd.s32 $0xFFFFFFB0  }
0x94: {  	_ =	sfence.sel $0x180000  }
0x95: {  	[bflag:$0x0] =	sbarrier.arrive $0xFFFF  }
0x96: {  	p0 =	sne.s32 s1, $0x0;
	_ =	strace $0x90000047  }
0x97: {  	s0 =	sadd.s32 @!p0 $0x100000, s0;
	[bflag:$0x2] =	sbarrier.arrive $0xFFFF  }
0x98: {  	[sflag:s0] =	ssyncadd.tile.s32 @!p0 $0x1;
	_ =	shalt  }
.Lfunc_end2:
_tile_overlayer_lowered:
.L_overlay_start_2:
0x99: {  	(tag) =	ssettag $0x2  }
0x9a: {  	s0 =	rddreg [dreg:$0x0];
	s2 =	stileid.u32  }
0x9b: {  	s1 =	rddreg [dreg:$0x1];
	p0 =	sne.s32 s2, $0x0  }
0x9c: {  	s3 =	rddreg [dreg:$0x2];
	[bflag:$0x3] =	sbarrier.arrive $0xFFFF;
	s2 =	simm.s32 @!p0 $0x1C02  }
0x9d: {  	[timem:s3], [sflag:s2] =	dma.local @!p0 [hbm:s0], s1  }
0x9e: {  	s0 =	simm.s32 @!p0 $0x2  }
0x9f: {  	_ =	swait.ge @!p0 [sflag:s0], s1  }
0xa0: {  	s1 =	ssub.s32 @!p0 $0x0, s1;
	[sflag:s0] =	ssyncset.done @!p0 $0x0  }
0xa1: {  	[sflag:s0] =	ssyncadd.s32 @!p0 s1  }
0xa2: {  	[bflag:$0x3] =	sbarrier.arrive $0xFFFF  }
0xa3: {  	_ =	shalt  }

// kernel: kernel.13.cloned.1.call-start
scs
__scs_entry_jumppad:
0x0: {  	(pc) =	sbr.rel $0x88, $3  }
0x1: {  	(tag) =	ssettag $0x0;
	lr =	simm.s32 $0x1  }
0x2: {  	[smem:$0x3F96] =	sst lr;
	_ =	strace $0xD0000000  }
0x3: {  	_ = 	snop  }
0x4: {  	_ = 	snop  }
0x5: {  	_ = 	snop  }
0x6: {  	_ = 	snop  }
0x7: {  	_ = 	snop  }
__scs_overlays_trampoline_lowered:
0x8: {  	[smem:$0x3FA5] =	sst s0  }
0x9: {  	[smem:$0x3FA6] =	sst s1  }
0xa: {  	[smem:$0x3FA7] =	sst s2  }
0xb: {  	[smem:$0x3FA8] =	sst s3  }
0xc: {  	[smem:$0x3FA9] =	sst s4  }
0xd: {  	[smem:$0x3FAA] =	sst s5  }
0xe: {  	[smem:$0x3FAB] =	sst s6  }
0xf: {  	[smem:$0x3FAC] =	sst s7  }
0x10: {  	[smem:$0x3FAD] =	sst s8  }
0x11: {  	[smem:$0x3FAE] =	sst s9;
	s0 =	simm.s32 @!p0 $0x0  }
0x12: {  	s1 =	sld [smem:$0x3F94];
	s0 =	simm.s32 @p0 $0x1  }
0x13: {  	[smem:$0x3FAF] =	sst s0;
	s0 =	simm.s32 @!p1 $0x0  }
0x14: {  	s2 =	sld [smem:$0x3F93];
	s0 =	simm.s32 @p1 $0x1  }
0x15: {  	[smem:$0x3FB0] =	sst s0;
	s0 =	simm.s32 @!p2 $0x0  }
0x16: {  	s3 =	sld [smem:$0x3FDB];
	s0 =	simm.s32 @p2 $0x1  }
0x17: {  	s4 =	simm.s32 $0x1BF5;
	[smem:$0x3FB2] =	sst s0  }
0x18: {  	s0 =	sld [smem:$0x3F95];
	_ =	swait.ge [sflag:s4], $0x0  }
0x19: {  	s7 =	sld [smem:$0x3F96]  }
0x1a: {  	s8 =	sadd.s32 $0xFFFFE003, lr  }
0x1b: {  	s9 =	sadd.s32 $0xFFFFFEF7, lr;
	s5 =	simm.s32 $0xFFFFFFFF;
	p2 =	slt.u32 s8, $0xFFFFF086  }
0x1c: {  	p1 =	slt.u32 s9, $0xF7A;
	s5 =	simm.s32 @!p2 $0x0  }
0x1d: {  	s5 =	simm.s32 @p1 $0x1;
	p0 =	seq.s32 s7, s2  }
0x1e: {  	s7 =	smul.u32 @!p0 $0xF7A, s2;
	p2 =	seq.s32 @!p0 s5, $0x0  }
0x1f: {  	s9 =	smul.u32 $0xF7A, s1;
	s8 =	simm.s32 @!p0 $0x1BF5;
	p2 =	por !p2, p0  }
0x20: {  	[sflag:s8] =	ssyncset.s32 @!p0 $0xFFFFF086;
	s6 =	sadd.s32 @!p0 s3, s7;
	s7 =	simm.s32 @!p0 $0x108  }
0x21: {  	s3 =	sadd.s32 s3, s9;
	s6 =	sadd.s32 @!p0 $0x88, s6;
	s7 =	simm.s32 @p2 $0x1082  }
0x22: {  	[simem:s7], [sflag:s8] =	dma.local @!p0 [hbm:s6], $0xF7A  }
0x23: {  	s9 =	sor.u32 $0xD0000000, s2;
	s6 =	simm.s32 $0x108;
	_ =	swait.ge @!p0 [sflag:s8], $0x0  }
0x24: {  	s3 =	sadd.s32 $0x88, s3;
	s6 =	simm.s32 @!p1 $0x1082;
	[sflag:s4] =	ssyncset.s32 $0xFFFFF086  }
0x25: {  	[simem:s6], [sflag:s4] =	dma.local [hbm:s3], $0xF7A  }
0x26: {  	[smem:$0x3F96] =	sst s1;
	(tag) =	ssettag s2;
	_ =	strace s9  }
0x27: {  	s1 =	sld [smem:$0x3FA6]  }
0x28: {  	s2 =	sld [smem:$0x3FA7]  }
0x29: {  	s4 =	sld [smem:$0x3FA9]  }
0x2a: {  	p0 =	seq.s32 s5, $0x0;
	s5 =	sld [smem:$0x3FAA]  }
0x2b: {  	s6 =	sld [smem:$0x3FAB]  }
0x2c: {  	s7 =	sld [smem:$0x3FAC]  }
0x2d: {  	s3 =	simm.s32 $0x108;
	s8 =	sld [smem:$0x3FAD]  }
0x2e: {  	s3 =	simm.s32 @!p0 $0x1082;
	s9 =	sld [smem:$0x3FAE]  }
0x2f: {  	lr =	sadd.s32 s0, s3;
	s0 =	sld [smem:$0x3FA5]  }
0x30: {  	s3 =	sld [smem:$0x3FA8]  }
0x31: {  	[smem:$0x3FB1] =	sst s10  }
0x32: {  	s10 =	sld [smem:$0x3FAF];
	_ =	sdelay $0x3  }
0x33: {  	p0 =	seq.s32 s10, $0x1;
	s10 =	sld [smem:$0x3FB1];
	_ =	sdelay $0x3  }
0x34: {  	[smem:$0x3FB1] =	sst s10  }
0x35: {  	s10 =	sld [smem:$0x3FB0];
	_ =	sdelay $0x3  }
0x36: {  	p1 =	seq.s32 s10, $0x1;
	s10 =	sld [smem:$0x3FB1];
	_ =	sdelay $0x3  }
0x37: {  	[smem:$0x3FB1] =	sst s10  }
0x38: {  	s10 =	sld [smem:$0x3FB2]  }
0x39: {  	_ = 	snop;
	(pc) =	sbr.ind lr, $3  }
0x3a: {  	_ = 	snop  }
0x3b: {  	_ = 	snop  }
0x3c: {  	p2 =	seq.s32 s10, $0x1;
	s10 =	sld [smem:$0x3FB1]  }
0x3d: {  	_ =	shalt  }
0x3e: {  	_ =	shalt  }
0x3f: {  	_ =	shalt  }
0x40: {  	_ =	shalt  }
0x41: {  	_ =	shalt  }
0x42: {  	_ =	shalt  }
0x43: {  	_ =	shalt  }
0x44: {  	_ =	shalt  }
0x45: {  	_ =	shalt  }
0x46: {  	_ =	shalt  }
0x47: {  	_ =	shalt  }
0x48: {  	_ =	shalt  }
0x49: {  	_ =	shalt  }
0x4a: {  	_ =	shalt  }
0x4b: {  	_ =	shalt  }
0x4c: {  	_ =	shalt  }
0x4d: {  	_ =	shalt  }
0x4e: {  	_ =	shalt  }
0x4f: {  	_ =	shalt  }
0x50: {  	_ =	shalt  }
0x51: {  	_ =	shalt  }
0x52: {  	_ =	shalt  }
0x53: {  	_ =	shalt  }
0x54: {  	_ =	shalt  }
0x55: {  	_ =	shalt  }
0x56: {  	_ =	shalt  }
0x57: {  	_ =	shalt  }
0x58: {  	_ =	shalt  }
0x59: {  	_ =	shalt  }
0x5a: {  	_ =	shalt  }
0x5b: {  	_ =	shalt  }
0x5c: {  	_ =	shalt  }
0x5d: {  	_ =	shalt  }
0x5e: {  	_ =	shalt  }
0x5f: {  	_ =	shalt  }
0x60: {  	_ =	shalt  }
0x61: {  	_ =	shalt  }
0x62: {  	_ =	shalt  }
0x63: {  	_ =	shalt  }
0x64: {  	_ =	shalt  }
0x65: {  	_ =	shalt  }
0x66: {  	_ =	shalt  }
0x67: {  	_ =	shalt  }
0x68: {  	_ =	shalt  }
0x69: {  	_ =	shalt  }
0x6a: {  	_ =	shalt  }
0x6b: {  	_ =	shalt  }
0x6c: {  	_ =	shalt  }
0x6d: {  	_ =	shalt  }
0x6e: {  	_ =	shalt  }
0x6f: {  	_ =	shalt  }
0x70: {  	_ =	shalt  }
0x71: {  	_ =	shalt  }
0x72: {  	_ =	shalt  }
0x73: {  	_ =	shalt  }
0x74: {  	_ =	shalt  }
0x75: {  	_ =	shalt  }
0x76: {  	_ =	shalt  }
0x77: {  	_ =	shalt  }
0x78: {  	_ =	shalt  }
0x79: {  	_ =	shalt  }
0x7a: {  	_ =	shalt  }
0x7b: {  	_ =	shalt  }
0x7c: {  	_ =	shalt  }
0x7d: {  	_ =	shalt  }
0x7e: {  	_ =	shalt  }
0x7f: {  	_ =	shalt  }
0x80: {  	_ =	shalt  }
0x81: {  	_ =	shalt  }
0x82: {  	_ =	shalt  }
0x83: {  	_ =	shalt  }
0x84: {  	_ =	shalt  }
0x85: {  	_ =	shalt  }
0x86: {  	_ =	shalt  }
0x87: {  	_ =	shalt  }
.Lfunc_end0:
.L_simem_size_0:
called_computation.1_lowered:
.L_overlay_start_0:
0x88: {  	s2 =	sld [smem:$0x3FD9]  }
0x89: {  	s3 =	sld [smem:$0x3FFE];
	_ =	sdelay $0x1  }
0x8a: {  	s1 =	srdreg.scid  }
0x8b: {  	s0 =	sand.u32 $0x1, s1  }
0x8c: {  	s16 =	sshll.u32 s0, $0xA;
	s2 =	sadd.s32 s3, s2  }
0x8d: {  	s2 =	sadd.s32 s2, s16  }
0x8e: {  	[smem:$0x3FBD] =	sst s2  }
0x8f: {  	_ = 	snop  }
0x90: {  	(tm) =	ssettm $0x1  }
0x91: {  	s17 =	sld [smem:$0x3FFB];
	_ =	sdelay $0x3  }
0x92: {  	_ =	strace s17  }
0x93: {  	s2 =	sld [smem:$0x3FFC];
	_ =	sdelay $0x3  }
0x94: {  	_ =	strace s2  }
0x95: {  	s2 =	sld [smem:$0x3FFD];
	_ =	sdelay $0x3  }
0x96: {  	_ =	strace s2  }
0x97: {  	_ =	strace $0x8FFFFFFF  }
0x98: {  	s18 =	sld [smem:$0x3FDB];
	_ =	sdelay $0x1  }
0x99: {  	s19 =	simm.s32 $_scs_section_size  }
0x9a: {  	s4 =	simm.s32 $_size__tile_overlayer_lowered;
	s5 =	simm.s32 $_tile_overlayer_lowered  }
0x9b: {  	s22 =	simm.s32 $0x1BFF;
	s21 =	sshll.u32 s5, $0x1;
	s2 =	sadd.s32 s19, s18  }
0x9c: {  	s6 =	simm.s32 $0x0;
	s20 =	sshll.u32 s4, $0x1;
	s4 =	sadd.s32 s21, s2  }
0x9d: {  	[timem:s6], [sflag:s22] =	dma.local [hbm:s4], s20  }
0x9e: {  	_ =	swait.ge [sflag:s22], s20  }
0x9f: {  	s3 =	ssub.s32 $0x0, s20;
	[sflag:s22] =	ssyncset.done $0x0  }
0xa0: {  	[sflag:s22] =	ssyncadd.s32 s3;
	_ =	sdelay $0x1  }
0xa1: {  	s23 =	simm.s32 $0x1B8B  }
0xa2: {  	_ =	swait.ge [sflag:s23], $0x1  }
0xa3: {  	[sflag:s23] =	ssyncset.done $0x0  }
0xa4: {  	s25 =	simm.s32 $0x1B8E;
	s24 =	sld [smem:$0x3FFE];
	[sflag:s23] =	ssyncadd.s32 $0xFFFFFFFF  }
0xa5: {  	s26 =	simm.s32 $execute0_lowered;
	[smem:$0x3FD2] =	sst s25  }
0xa6: {  	s4 =	sshll.u32 s26, $0x1;
	_ =	strace $0x80000049;
	[dreg:$0x1] =	wrdreg $0xFFFFFFFF  }
0xa7: {  	s28 =	simm.s32 $_size_execute0_lowered;
	s2 =	sadd.s32 s2, s4;
	[dreg:$0x0] =	wrdreg $0x0  }
0xa8: {  	s4 =	sshll.u32 s28, $0x1;
	[dreg:$0x2] =	wrdreg s2  }
0xa9: {  	[dreg:$0x3] =	wrdreg s4  }
0xaa: {  	[dreg:$0x4] =	wrdreg $0xC0  }
0xab: {  	_ =	task [dreg:s6], $0x5FFFF  }
0xac: {  	[dreg:$0x1] =	wrdreg $0xFFFFFFFF  }
0xad: {  	[dreg:$0x0] =	wrdreg $0x60  }
0xae: {  	[dreg:$0x2] =	wrdreg s24  }
0xaf: {  	[dreg:$0x3] =	wrdreg $0xBA000  }
0xb0: {  	[dreg:$0x4] =	wrdreg $0x9  }
0xb1: {  	_ =	task.clear_ibuf [dreg:s6], $0x5FFFF;
	_ =	strace $0x90000049  }
0xb2: {  	s29 =	simm.s32 $0x9;
	_ =	strace $0x8000004B  }
0xb3: {  	_ =	swait.ge [sflag:s29], $0x1  }
0xb4: {  	[sflag:s29] =	ssyncadd.s32 $0xFFFFFFFF  }
0xb5: {  	_ =	strace $0x9000004B  }
0xb6: {  	_ =	sfence  }
0xb7: {  	s30 =	sld [smem:$0x0];
	_ =	sdelay $0x2  }
0xb8: {  	s31 =	sshll.u32 s1, $0xD;
	s1 =	sshrl.u32 s1, $0x2  }
0xb9: {  	s3 =	sand.u32 $0x4000, s31;
	s1 =	sadd.s32 s1, s30  }
0xba: {  	s0 =	sor.u32 s3, s0;
	s1 =	sshll.u32 s1, $0x11  }
0xbb: {  	s0 =	sor.u32 s1, s0  }
0xbc: {  	s0 =	sadd.s32 $0x8F2B, s0  }
0xbd: {  	[sflag:s0] =	ssyncadd.remote.s32 $0x1  }
0xbe: {  	_ =	sfence.sel $0xFFFF  }
0xbf: {  	[dreg:$0x0] =	wrdreg $0xFFFFFFFF;
	(pc) =	sbr.abs _section_cstart, $3  }
0xc0: {  	[dreg:$0x1] =	wrdreg $0xFFFFFFFF  }
0xc1: {  	_ =	task.clear_ibuf [dreg:s6], $0x2FFFF;
	_ =	strace $0x9FFFFFFF  }
0xc2: {  	(tm) =	ssettm $0x7FFFFFFF  }
0xc3: {  	_ =	shalt  }
tec
execute0_lowered:
.L_overlay_start_1:
0x0: {  	(tag) =	ssettag $0x1  }
0x1: {  	s0 =	rddreg [dreg:$0x0]  }
0x2: {  	s1 =	rddreg [dreg:$0x1];
	s2 =	srdreg.scid;
	s3 =	simm.s32 $0x0  }
0x3: {  	s10 =	stileid.u32;
	s28 =	simm.s32 $0x6A00;
	s29 =	simm.s32 $0x9200  }
0x4: {  	s30 =	simm.s32 $0xA;
	s31 =	simm.s32 $0x4100;
	s6 =	smul.u32 $0x14000, s10  }
0x5: {  	s2 =	sand.u32 $0x1, s2;
	s9 =	sshll.u32 s10, $0xE;
	s10 =	smul.u32 $0x50000, s10  }
0x6: {  	[smem:$0x7FF] =	sst s3;
	s4 =	sadd.s32 $0x23A00, s0;
	s5 =	smul.u32 $0x140000, s2  }
0x7: {  	_ =	strace $0x8000004A;
	s7 =	ssub.s32 $0x2, s2;
	s2 =	sshll.u32 s2, $0x12  }
0x8: {  	s8 =	sshrl.u32 s7, $0x1;
	s2 =	sor.u32 s9, s2;
	s13 =	sshrl.u32 s10, $0x2  }
0x9: {  	s9 =	simm.s32 $0x8;
	s10 =	simm.s32 $0x3;
	s6 =	sadd.s32 s6, s5  }
0xa: {  	s5 =	sadd.s32 $0x3A00, s0;
	s11 =	ssub.s32 s7, s8;
	s18 =	sadd.s32 s13, s1  }
0xb: {  	s12 =	sshrl.u32 s2, $0x3;
	s17 =	sadd.s32 $0x2800, s18;
	[dreg:$0x4] =	wrdreg s18  }
0xc: {  	s13 =	simm.s32 $0x5;
	s19 =	sadd.s32 $0x5000, s18;
	[dreg:$0x7] =	wrdreg s17  }
0xd: {  	s6 =	sshrl.u32 s6, $0x3;
	s20 =	sadd.s32 $0x7800, s18;
	[dreg:$0x8] =	wrdreg s19  }
0xe: {  	s7 =	sadd.s32 s5, s12;
	s21 =	sadd.s32 $0xA000, s18;
	[dreg:$0x9] =	wrdreg s20  }
0xf: {  	s22 =	sadd.s32 $0xC800, s18;
	s23 =	sadd.s32 $0xF000, s18;
	[dreg:$0xa] =	wrdreg s21  }
0x10: {  	s24 =	sadd.s32 $0x11800, s18;
	s26 =	smax.u32 s11, $0x1;
	[dreg:$0xb] =	wrdreg s22  }
0x11: {  	s11 =	simm.s32 $0x9;
	s12 =	simm.s32 $0x4;
	[dreg:$0xc] =	wrdreg s23  }
0x12: {  	s0 =	sadd.s32 s6, s0;
	s6 =	sor.u32 $0x80000, s2;
	[dreg:$0xd] =	wrdreg s24  }
0x13: {  	s16 =	sadd.s32 $0x10010, s7;
	[dreg:$0x3] =	wrdreg s7;
	s25 =	sadd.s32 $0x10020, s7  }
0x14: {  	[dreg:$0x10] =	wrdreg s26;
	s21 =	simm.s32 $0xB;
	s22 =	simm.s32 $0x4000  }
0x15: {  	s23 =	simm.s32 $0x50;
	s24 =	simm.s32 $0x4200;
	s2 =	simm.s32 $0x1  }
0x16: {  	s26 =	simm.s32 $0x7;
	s14 =	sshrl.u32 s6, $0x3;
	[dreg:$0x6] =	wrdreg s16  }
0x17: {  	[dreg:$0xe] =	wrdreg s25;
	s0 =	sadd.s32 $0x4BA00, s0;
	s25 =	simm.s32 $0x4080  }
0x18: {  	s15 =	sadd.s32 s5, s14;
	[dreg:$0xf] =	wrdreg s0;
	s0 =	simm.s32 $0x2  }
0x19: {  	v0 =	vimm.f32 $0.0e+00;
	s14 =	simm.s32 $0x6;
	[dreg:$0x5] =	wrdreg s15;
	s15 =	simm.s32 $0x0  }
.LBB2_1:
0x1a: {  	s7 =	rddreg [dreg:$0x3]  }
0x1b: {  	[tilespmem:s3], [sflag:$0xB] =	stream.linear.gather [hbm4b:s7+s3], $0x3E80, $0x38;
	[tilespmem:$0x1FA00] =	vst v63  }
0x1c: {  	_ =	swait.ge [sflag:s21], $0x3E80  }
0x1d: {  	[sflag:s21] =	ssyncset.done $0x0  }
0x1e: {  	s17 =	rddreg [dreg:$0x5];
	[sflag:s21] =	ssyncadd.s32 $0xFFFFC180  }
0x1f: {  	[tilespmem:s22], [sflag:$0x7] =	stream.linear.gather [hbm4b:s17+s3], $0x80, $0x38;
	[tilespmem:$0x1FA00] =	vst v63  }
0x20: {  	_ = 	snop  }
0x21: {  	[tilespmem:s24], [sflag:$0x1] =	stream.indirect.gather [hbm4b:s4+s23], $0x80, s3, s23, $0xb8;
	[tilespmem:$0x1FA00] =	vst v63  }
0x22: {  	s19 =	rddreg [dreg:$0x6]  }
0x23: {  	[tilespmem:s25], [sflag:$0x8] =	stream.linear.gather [hbm4b:s19+s3], $0x80, $0x38;
	[tilespmem:$0x1FA00] =	vst v63  }
0x24: {  	s20 =	simm.s32 $0x80;
	s16 =	simm.s32 $0x0;
	s17 =	simm.s32 $0x200  }
0x25: {  	[tilespmem:s28], [sflag:$0x2] =	stream.indirect.gather [hbm4b:s4+s23], $0x80, s20, s23, $0xb8;
	[tilespmem:$0x1FA00] =	vst v63  }
.LBB2_2:
0x26: {  	p0 =	sne.s32 s17, $0x9E00;
	[tilespmem:s16+$0x9270] =	vst v0  }
0x27: {  	[tilespmem:s16+$0x9200] =	vst v0  }
0x28: {  	[tilespmem:s16+$0x9210] =	vst v0  }
.Ltmp0:
0x29: {  	[tilespmem:s16+$0x9220] =	vst v0;
	(pc) =	sbr.rel @p0 .LBB2_2-.Ltmp0, $4  }
0x2a: {  	[tilespmem:s16+$0x9230] =	vst v0  }
0x2b: {  	[tilespmem:s16+$0x9240] =	vst v0  }
0x2c: {  	[tilespmem:s16+$0x9250] =	vst v0  }
0x2d: {  	[tilespmem:s16+$0x9260] =	vst v0;
	s16 =	sshra.s32 s17, $0x2;
	s17 =	sadd.s32 $0x200, s17  }
0x2e: {  	[tilespmem:s16+$0x9270] =	vst v0  }
0x2f: {  	[tilespmem:s16+$0x9200] =	vst v0  }
0x30: {  	[tilespmem:s16+$0x9210] =	vst v0  }
0x31: {  	[tilespmem:s16+$0x9220] =	vst v0  }
0x32: {  	[tilespmem:s16+$0x9230] =	vst v0  }
0x33: {  	[tilespmem:s16+$0x9240] =	vst v0  }
0x34: {  	[tilespmem:s16+$0x9250] =	vst v0  }
0x35: {  	[tilespmem:s16+$0x9260] =	vst v0  }
0x36: {  	[spmem:s18] =	stream.linear.scatter [tilespmem:s29], [sflag:$0xA], $0x2800, $0x38;
	[tilespmem:$0x1FA00] =	vst v63  }
0x37: {  	s7 =	rddreg [dreg:$0x7]  }
0x38: {  	[spmem:s7] =	stream.linear.scatter [tilespmem:s29], [sflag:$0xA], $0x2800, $0x38;
	[tilespmem:$0x1FA00] =	vst v63  }
0x39: {  	s18 =	rddreg [dreg:$0x8]  }
0x3a: {  	[spmem:s18] =	stream.linear.scatter [tilespmem:s29], [sflag:$0xA], $0x2800, $0x38;
	[tilespmem:$0x1FA00] =	vst v63  }
0x3b: {  	s19 =	rddreg [dreg:$0x9]  }
0x3c: {  	[spmem:s19] =	stream.linear.scatter [tilespmem:s29], [sflag:$0xA], $0x2800, $0x38;
	[tilespmem:$0x1FA00] =	vst v63  }
0x3d: {  	s20 =	rddreg [dreg:$0xa]  }
0x3e: {  	[spmem:s20] =	stream.linear.scatter [tilespmem:s29], [sflag:$0xA], $0x2800, $0x38;
	[tilespmem:$0x1FA00] =	vst v63  }
0x3f: {  	s8 =	rddreg [dreg:$0xb]  }
0x40: {  	[spmem:s8] =	stream.linear.scatter [tilespmem:s29], [sflag:$0xA], $0x2800, $0x38;
	[tilespmem:$0x1FA00] =	vst v63  }
0x41: {  	s16 =	rddreg [dreg:$0xc]  }
0x42: {  	[spmem:s16] =	stream.linear.scatter [tilespmem:s29], [sflag:$0xA], $0x2800, $0x38;
	[tilespmem:$0x1FA00] =	vst v63  }
0x43: {  	s17 =	rddreg [dreg:$0xd]  }
0x44: {  	[spmem:s17] =	stream.linear.scatter [tilespmem:s29], [sflag:$0xA], $0x2800, $0x38;
	[tilespmem:$0x1FA00] =	vst v63  }
0x45: {  	_ =	swait.ge [sflag:s30], $0x2800  }
0x46: {  	[sflag:s30] =	ssyncset.done $0x0  }
0x47: {  	[sflag:s30] =	ssyncadd.s32 $0xFFFFD800  }
0x48: {  	_ =	swait.ge [sflag:s30], $0x2800  }
0x49: {  	[sflag:s30] =	ssyncset.done $0x0  }
0x4a: {  	[sflag:s30] =	ssyncadd.s32 $0xFFFFD800  }
0x4b: {  	_ =	swait.ge [sflag:s30], $0x2800  }
0x4c: {  	[sflag:s30] =	ssyncset.done $0x0  }
0x4d: {  	[sflag:s30] =	ssyncadd.s32 $0xFFFFD800  }
0x4e: {  	_ =	swait.ge [sflag:s30], $0x2800  }
0x4f: {  	[sflag:s30] =	ssyncset.done $0x0  }
0x50: {  	[sflag:s30] =	ssyncadd.s32 $0xFFFFD800  }
0x51: {  	_ =	swait.ge [sflag:s30], $0x2800  }
0x52: {  	[sflag:s30] =	ssyncset.done $0x0  }
0x53: {  	[sflag:s30] =	ssyncadd.s32 $0xFFFFD800  }
0x54: {  	_ =	swait.ge [sflag:s30], $0x2800  }
0x55: {  	[sflag:s30] =	ssyncset.done $0x0  }
0x56: {  	[sflag:s30] =	ssyncadd.s32 $0xFFFFD800  }
0x57: {  	_ =	swait.ge [sflag:s30], $0x2800  }
0x58: {  	[sflag:s30] =	ssyncset.done $0x0  }
0x59: {  	[sflag:s30] =	ssyncadd.s32 $0xFFFFD800  }
0x5a: {  	_ =	swait.ge [sflag:s30], $0x2800  }
0x5b: {  	[sflag:s30] =	ssyncset.done $0x0  }
0x5c: {  	s16 =	simm.s32 $0x0;
	s18 =	rddreg [dreg:$0xe];
	[sflag:s30] =	ssyncadd.s32 $0xFFFFD800  }
0x5d: {  	[tilespmem:s31], [sflag:$0x9] =	stream.linear.gather [hbm4b:s18+s16], $0x80, $0x38;
	[tilespmem:$0x1FA00] =	vst v63  }
0x5e: {  	s19 =	simm.s32 $0x100  }
0x5f: {  	[tilespmem:s29], [sflag:$0x3] =	stream.indirect.gather [hbm4b:s4+s23], $0x80, s19, s23, $0xb8;
	[tilespmem:$0x1FA00] =	vst v63  }
0x60: {  	[bflag:$0x0] =	sbarrier.arrive $0xFFFF  }
0x61: {  	_ =	swait.ge [sflag:s2], $0x2800  }
0x62: {  	[sflag:s2] =	ssyncset.done $0x0  }
0x63: {  	[sflag:s2] =	ssyncadd.s32 $0xFFFFD800  }
0x64: {  	_ =	swait.ge [sflag:s26], $0x80  }
0x65: {  	[sflag:s26] =	ssyncset.done $0x0  }
0x66: {  	[sflag:s26] =	ssyncadd.s32 $0xFFFFFF80  }
0x67: {  	[spmem:s1] =	stream.indirect.scatter.add.f32 [tilespmem:s24], [sflag:$0x4], $0x80, s22, s23, $0xb8;
	[tilespmem:$0x1FA00] =	vst v63  }
0x68: {  	_ =	swait.ge [sflag:s0], $0x2800  }
0x69: {  	[sflag:s0] =	ssyncset.done $0x0  }
0x6a: {  	[sflag:s0] =	ssyncadd.s32 $0xFFFFD800  }
0x6b: {  	_ =	swait.ge [sflag:s9], $0x80  }
0x6c: {  	[sflag:s9] =	ssyncset.done $0x0  }
0x6d: {  	[sflag:s9] =	ssyncadd.s32 $0xFFFFFF80  }
0x6e: {  	[spmem:s1] =	stream.indirect.scatter.add.f32 [tilespmem:s28], [sflag:$0x5], $0x80, s25, s23, $0xb8;
	[tilespmem:$0x1FA00] =	vst v63  }
0x6f: {  	_ =	swait.ge [sflag:s10], $0x2800  }
0x70: {  	[sflag:s10] =	ssyncset.done $0x0  }
0x71: {  	s17 =	simm.s32 $0x180;
	[sflag:s10] =	ssyncadd.s32 $0xFFFFD800  }
0x72: {  	s20 =	sand.u32 $0x7C00, s17;
	s17 =	sand.u32 $0x380, s17;
	_ =	swait.ge [sflag:s11], $0x80  }
0x73: {  	s18 =	sadd.s32 s6, s20;
	s16 =	smin.u32 s16, $0x77;
	[sflag:s11] =	ssyncset.done $0x0  }
0x74: {  	s17 =	sor.u32 s17, s18;
	s18 =	simm.s32 $0x200;
	[sflag:s11] =	ssyncadd.s32 $0xFFFFFF80  }
0x75: {  	[spmem:s1] =	stream.indirect.scatter.add.f32 [tilespmem:s29], [sflag:$0x6], $0x80, s31, s23, $0xb8;
	[tilespmem:$0x1FA00] =	vst v63  }
0x76: {  	s16 =	sshll.u32 s16, $0x7;
	s17 =	sshrl.u32 s17, $0x3;
	_ =	swait.ge [sflag:s12], $0x2800  }
0x77: {  	s19 =	sand.u32 $0x7C00, s18;
	s20 =	sand.u32 $0x380, s18;
	[sflag:s12] =	ssyncset.done $0x0  }
0x78: {  	s17 =	sadd.s32 s5, s17;
	s19 =	sadd.s32 s6, s19;
	[sflag:s12] =	ssyncadd.s32 $0xFFFFD800  }
0x79: {  	[tilespmem:s22], [sflag:$0x7] =	stream.linear.gather [hbm4b:s17+s3], $0x80, $0x38;
	[tilespmem:$0x1FA00] =	vst v63  }
0x7a: {  	s7 =	simm.s32 $0x180;
	s8 =	sor.u32 s20, s19;
	s20 =	sadd.s32 $0x280, s16  }
0x7b: {  	[tilespmem:s24], [sflag:$0x1] =	stream.indirect.gather [hbm4b:s4+s23], $0x80, s7, s23, $0xb8;
	[tilespmem:$0x1FA00] =	vst v63  }
0x7c: {  	s16 =	sand.u32 $0x7C00, s20;
	_ =	swait.ge [sflag:s13], $0x2800  }
0x7d: {  	s19 =	sand.u32 $0x380, s20;
	s17 =	sshrl.u32 s8, $0x3;
	[sflag:s13] =	ssyncset.done $0x0  }
0x7e: {  	s16 =	sadd.s32 s6, s16;
	s17 =	sadd.s32 s5, s17;
	[sflag:s13] =	ssyncadd.s32 $0xFFFFD800  }
0x7f: {  	[tilespmem:s25], [sflag:$0x8] =	stream.linear.gather [hbm4b:s17+s3], $0x80, $0x38;
	[tilespmem:$0x1FA00] =	vst v63  }
0x80: {  	s17 =	sor.u32 s19, s16  }
0x81: {  	[tilespmem:s28], [sflag:$0x2] =	stream.indirect.gather [hbm4b:s4+s23], $0x80, s18, s23, $0xb8;
	[tilespmem:$0x1FA00] =	vst v63  }
0x82: {  	s17 =	sshrl.u32 s17, $0x3;
	_ =	swait.ge [sflag:s14], $0x2800  }
0x83: {  	s16 =	simm.s32 $0x380;
	s19 =	sadd.s32 s5, s17;
	[sflag:s14] =	ssyncset.done $0x0  }
0x84: {  	s17 =	simm.s32 $0x3;
	s18 =	simm.s32 $0x380;
	[sflag:s14] =	ssyncadd.s32 $0xFFFFD800  }
.LBB2_4:
0x85: {  	[tilespmem:s31], [sflag:$0x9] =	stream.linear.gather [hbm4b:s19+s3], $0x80, $0x38;
	[tilespmem:$0x1FA00] =	vst v63  }
0x86: {  	p0 =	sne.s32 s16, $0x3E00;
	s19 =	smov.u32 s16;
	s16 =	sadd.s32 $0x180, s16  }
0x87: {  	[tilespmem:s29], [sflag:$0x3] =	stream.indirect.gather [hbm4b:s4+s23], $0x80, s20, s23, $0xb8;
	[tilespmem:$0x1FA00] =	vst v63  }
0x88: {  	_ =	swait.ge [sflag:s2], $0x2800  }
0x89: {  	[sflag:s2] =	ssyncset.done $0x0  }
0x8a: {  	[sflag:s2] =	ssyncadd.s32 $0xFFFFD800  }
0x8b: {  	_ =	swait.ge [sflag:s26], $0x80  }
0x8c: {  	[sflag:s26] =	ssyncset.done $0x0  }
0x8d: {  	[sflag:s26] =	ssyncadd.s32 $0xFFFFFF80  }
0x8e: {  	[spmem:s1] =	stream.indirect.scatter.add.f32 [tilespmem:s24], [sflag:$0x4], $0x80, s22, s23, $0xb8;
	[tilespmem:$0x1FA00] =	vst v63  }
0x8f: {  	_ =	swait.ge [sflag:s0], $0x2800  }
0x90: {  	[sflag:s0] =	ssyncset.done $0x0  }
0x91: {  	[sflag:s0] =	ssyncadd.s32 $0xFFFFD800  }
0x92: {  	_ =	swait.ge [sflag:s9], $0x80  }
0x93: {  	[sflag:s9] =	ssyncset.done $0x0  }
0x94: {  	[sflag:s9] =	ssyncadd.s32 $0xFFFFFF80  }
0x95: {  	[spmem:s1] =	stream.indirect.scatter.add.f32 [tilespmem:s28], [sflag:$0x5], $0x80, s25, s23, $0xb8;
	[tilespmem:$0x1FA00] =	vst v63  }
0x96: {  	_ =	swait.ge [sflag:s10], $0x2800  }
0x97: {  	[sflag:s10] =	ssyncset.done $0x0  }
0x98: {  	[sflag:s10] =	ssyncadd.s32 $0xFFFFD800  }
0x99: {  	s20 =	sadd.s32 $0xFFFFFF80, s19;
	_ =	swait.ge [sflag:s11], $0x80  }
0x9a: {  	s7 =	sand.u32 $0x7C00, s20;
	s20 =	sand.u32 $0x380, s20;
	[sflag:s11] =	ssyncset.done $0x0  }
0x9b: {  	s7 =	sadd.s32 s6, s7;
	[sflag:s11] =	ssyncadd.s32 $0xFFFFFF80  }
0x9c: {  	[spmem:s1] =	stream.indirect.scatter.add.f32 [tilespmem:s29], [sflag:$0x6], $0x80, s31, s23, $0xb8;
	[tilespmem:$0x1FA00] =	vst v63  }
0x9d: {  	s7 =	sor.u32 s20, s7;
	_ =	swait.ge [sflag:s12], $0x2800  }
0x9e: {  	s20 =	sand.u32 $0x7C00, s19;
	s7 =	sshrl.u32 s7, $0x3;
	[sflag:s12] =	ssyncset.done $0x0  }
0x9f: {  	s8 =	sadd.s32 $0xFFFFFF80, s18;
	s7 =	sadd.s32 s5, s7;
	[sflag:s12] =	ssyncadd.s32 $0xFFFFD800  }
0xa0: {  	[tilespmem:s22], [sflag:$0x7] =	stream.linear.gather [hbm4b:s7+s3], $0x80, $0x38;
	[tilespmem:$0x1FA00] =	vst v63  }
0xa1: {  	s19 =	sand.u32 $0x380, s19;
	s7 =	sadd.s32 s6, s20  }
0xa2: {  	[tilespmem:s24], [sflag:$0x1] =	stream.indirect.gather [hbm4b:s4+s23], $0x80, s8, s23, $0xb8;
	[tilespmem:$0x1FA00] =	vst v63  }
0xa3: {  	s7 =	sor.u32 s19, s7;
	s8 =	smin.u32 s17, $0x77;
	_ =	swait.ge [sflag:s13], $0x2800  }
0xa4: {  	s7 =	sshrl.u32 s7, $0x3;
	s8 =	sshll.u32 s8, $0x7;
	[sflag:s13] =	ssyncset.done $0x0  }
0xa5: {  	s7 =	sadd.s32 s5, s7;
	s20 =	sadd.s32 $0x280, s8;
	[sflag:s13] =	ssyncadd.s32 $0xFFFFD800  }
0xa6: {  	[tilespmem:s25], [sflag:$0x8] =	stream.linear.gather [hbm4b:s7+s3], $0x80, $0x38;
	[tilespmem:$0x1FA00] =	vst v63  }
0xa7: {  	s8 =	sand.u32 $0x380, s20;
	s7 =	sand.u32 $0x7C00, s20  }
0xa8: {  	[tilespmem:s28], [sflag:$0x2] =	stream.indirect.gather [hbm4b:s4+s23], $0x80, s18, s23, $0xb8;
	[tilespmem:$0x1FA00] =	vst v63  }
.Ltmp1:
0xa9: {  	_ = 	snop;
	(pc) =	sbr.rel @p0 .LBB2_4-.Ltmp1, $4  }
0xaa: {  	s7 =	sadd.s32 s6, s7;
	_ =	swait.ge [sflag:s14], $0x2800  }
0xab: {  	s7 =	sor.u32 s8, s7;
	[sflag:s14] =	ssyncset.done $0x0  }
0xac: {  	s7 =	sshrl.u32 s7, $0x3;
	[sflag:s14] =	ssyncadd.s32 $0xFFFFD800  }
0xad: {  	s17 =	sadd.s32 $0x3, s17;
	s18 =	sadd.s32 $0x180, s18;
	s19 =	sadd.s32 s5, s7  }
0xae: {  	[tilespmem:s31], [sflag:$0x9] =	stream.linear.gather [hbm4b:s19+s3], $0x80, $0x38;
	[tilespmem:$0x1FA00] =	vst v63  }
0xaf: {  	_ = 	snop  }
0xb0: {  	[tilespmem:s29], [sflag:$0x3] =	stream.indirect.gather [hbm4b:s4+s23], $0x80, s20, s23, $0xb8;
	[tilespmem:$0x1FA00] =	vst v63  }
0xb1: {  	_ =	swait.ge [sflag:s2], $0x2800  }
0xb2: {  	[sflag:s2] =	ssyncset.done $0x0  }
0xb3: {  	[sflag:s2] =	ssyncadd.s32 $0xFFFFD800  }
0xb4: {  	_ =	swait.ge [sflag:s26], $0x80  }
0xb5: {  	[sflag:s26] =	ssyncset.done $0x0  }
0xb6: {  	[sflag:s26] =	ssyncadd.s32 $0xFFFFFF80  }
0xb7: {  	[spmem:s1] =	stream.indirect.scatter.add.f32 [tilespmem:s24], [sflag:$0x4], $0x80, s22, s23, $0xb8;
	[tilespmem:$0x1FA00] =	vst v63  }
0xb8: {  	_ =	swait.ge [sflag:s0], $0x2800  }
0xb9: {  	[sflag:s0] =	ssyncset.done $0x0  }
0xba: {  	[sflag:s0] =	ssyncadd.s32 $0xFFFFD800  }
0xbb: {  	_ =	swait.ge [sflag:s9], $0x80  }
0xbc: {  	[sflag:s9] =	ssyncset.done $0x0  }
0xbd: {  	[sflag:s9] =	ssyncadd.s32 $0xFFFFFF80  }
0xbe: {  	[spmem:s1] =	stream.indirect.scatter.add.f32 [tilespmem:s28], [sflag:$0x5], $0x80, s25, s23, $0xb8;
	[tilespmem:$0x1FA00] =	vst v63  }
0xbf: {  	_ =	swait.ge [sflag:s10], $0x2800  }
0xc0: {  	[sflag:s10] =	ssyncset.done $0x0  }
0xc1: {  	[sflag:s10] =	ssyncadd.s32 $0xFFFFD800  }
0xc2: {  	_ =	swait.ge [sflag:s11], $0x80  }
0xc3: {  	[sflag:s11] =	ssyncset.done $0x0  }
0xc4: {  	[sflag:s11] =	ssyncadd.s32 $0xFFFFFF80  }
0xc5: {  	_ =	swait.ge [sflag:s12], $0x2800  }
0xc6: {  	[sflag:s12] =	ssyncset.done $0x0  }
0xc7: {  	[sflag:s12] =	ssyncadd.s32 $0xFFFFD800  }
0xc8: {  	_ =	swait.ge [sflag:s13], $0x2800  }
0xc9: {  	[sflag:s13] =	ssyncset.done $0x0  }
0xca: {  	[sflag:s13] =	ssyncadd.s32 $0xFFFFD800  }
0xcb: {  	s7 =	stileid.u32;
	[bflag:$0x0] =	sbarrier.arrive $0xFFFF  }
0xcc: {  	s7 =	sshll.u32 s7, $0x6;
	s18 =	rddreg [dreg:$0x4]  }
0xcd: {  	s7 =	sor.u32 $0x1C0B, s7;
	s16 =	rddreg [dreg:$0xf];
	s8 =	sshrl.u32 s18, $0x3  }
0xce: {  	[hbm:s16], [sflag:s7] =	dma.local [spmem:s8], $0x2800  }
0xcf: {  	_ =	swait.ge [sflag:s21], $0x2800  }
0xd0: {  	s15 =	sadd.s32 $0x1, s15;
	s20 =	rddreg [dreg:$0x10]  }
0xd1: {  	p0 =	sne.s32 s15, s20  }
.Ltmp2:
0xd2: {  	_ = 	snop;
	(pc) =	sbr.rel @p0 .LBB2_1-.Ltmp2, $3  }
0xd3: {  	_ =	sdelay $0x1  }
0xd4: {  	[sflag:s21] =	ssyncset.done $0x0  }
0xd5: {  	[sflag:s21] =	ssyncadd.s32 $0xFFFFD800  }
0xd6: {  	_ =	sfence.sel $0x180000  }
0xd7: {  	[bflag:$0x0] =	sbarrier.arrive $0xFFFF  }
0xd8: {  	_ =	strace $0x9000004A  }
0xd9: {  	s0 =	stileid.u32;
	[bflag:$0x2] =	sbarrier.arrive $0xFFFF  }
0xda: {  	p0 =	sne.s32 s0, $0x0;
	s0 =	rddreg [dreg:$0x2]  }
0xdb: {  	s0 =	sadd.s32 @!p0 $0x100000, s0  }
0xdc: {  	[sflag:s0] =	ssyncadd.tile.s32 @!p0 $0x1;
	_ =	shalt  }
.Lfunc_end2:
_tile_overlayer_lowered:
.L_overlay_start_2:
0xdd: {  	(tag) =	ssettag $0x2  }
0xde: {  	s0 =	rddreg [dreg:$0x0];
	s2 =	stileid.u32  }
0xdf: {  	s1 =	rddreg [dreg:$0x1];
	p0 =	sne.s32 s2, $0x0  }
0xe0: {  	s3 =	rddreg [dreg:$0x2];
	[bflag:$0x3] =	sbarrier.arrive $0xFFFF;
	s2 =	simm.s32 @!p0 $0x1C0B  }
0xe1: {  	[timem:s3], [sflag:s2] =	dma.local @!p0 [hbm:s0], s1  }
0xe2: {  	s0 =	simm.s32 @!p0 $0xB  }
0xe3: {  	_ =	swait.ge @!p0 [sflag:s0], s1  }
0xe4: {  	s1 =	ssub.s32 @!p0 $0x0, s1;
	[sflag:s0] =	ssyncset.done @!p0 $0x0  }
0xe5: {  	[sflag:s0] =	ssyncadd.s32 @!p0 s1  }
0xe6: {  	[bflag:$0x3] =	sbarrier.arrive $0xFFFF  }
0xe7: {  	_ =	shalt  }

// kernel: kernel.16.cloned.1.call-start
scs
__scs_entry_jumppad:
0x0: {  	(pc) =	sbr.rel $0x88, $3  }
0x1: {  	(tag) =	ssettag $0x0;
	lr =	simm.s32 $0x1  }
0x2: {  	[smem:$0x3F96] =	sst lr;
	_ =	strace $0xD0000000  }
0x3: {  	_ = 	snop  }
0x4: {  	_ = 	snop  }
0x5: {  	_ = 	snop  }
0x6: {  	_ = 	snop  }
0x7: {  	_ = 	snop  }
__scs_overlays_trampoline_lowered:
0x8: {  	[smem:$0x3FA5] =	sst s0  }
0x9: {  	[smem:$0x3FA6] =	sst s1  }
0xa: {  	[smem:$0x3FA7] =	sst s2  }
0xb: {  	[smem:$0x3FA8] =	sst s3  }
0xc: {  	[smem:$0x3FA9] =	sst s4  }
0xd: {  	[smem:$0x3FAA] =	sst s5  }
0xe: {  	[smem:$0x3FAB] =	sst s6  }
0xf: {  	[smem:$0x3FAC] =	sst s7  }
0x10: {  	[smem:$0x3FAD] =	sst s8  }
0x11: {  	[smem:$0x3FAE] =	sst s9;
	s0 =	simm.s32 @!p0 $0x0  }
0x12: {  	s1 =	sld [smem:$0x3F94];
	s0 =	simm.s32 @p0 $0x1  }
0x13: {  	[smem:$0x3FAF] =	sst s0;
	s0 =	simm.s32 @!p1 $0x0  }
0x14: {  	s2 =	sld [smem:$0x3F93];
	s0 =	simm.s32 @p1 $0x1  }
0x15: {  	[smem:$0x3FB0] =	sst s0;
	s0 =	simm.s32 @!p2 $0x0  }
0x16: {  	s3 =	sld [smem:$0x3FDB];
	s0 =	simm.s32 @p2 $0x1  }
0x17: {  	s4 =	simm.s32 $0x1BF5;
	[smem:$0x3FB2] =	sst s0  }
0x18: {  	s0 =	sld [smem:$0x3F95];
	_ =	swait.ge [sflag:s4], $0x0  }
0x19: {  	s7 =	sld [smem:$0x3F96]  }
0x1a: {  	s8 =	sadd.s32 $0xFFFFE003, lr  }
0x1b: {  	s9 =	sadd.s32 $0xFFFFFEF7, lr;
	s5 =	simm.s32 $0xFFFFFFFF;
	p2 =	slt.u32 s8, $0xFFFFF086  }
0x1c: {  	p1 =	slt.u32 s9, $0xF7A;
	s5 =	simm.s32 @!p2 $0x0  }
0x1d: {  	s5 =	simm.s32 @p1 $0x1;
	p0 =	seq.s32 s7, s2  }
0x1e: {  	s7 =	smul.u32 @!p0 $0xF7A, s2;
	p2 =	seq.s32 @!p0 s5, $0x0  }
0x1f: {  	s9 =	smul.u32 $0xF7A, s1;
	s8 =	simm.s32 @!p0 $0x1BF5;
	p2 =	por !p2, p0  }
0x20: {  	[sflag:s8] =	ssyncset.s32 @!p0 $0xFFFFF086;
	s6 =	sadd.s32 @!p0 s3, s7;
	s7 =	simm.s32 @!p0 $0x108  }
0x21: {  	s3 =	sadd.s32 s3, s9;
	s6 =	sadd.s32 @!p0 $0x88, s6;
	s7 =	simm.s32 @p2 $0x1082  }
0x22: {  	[simem:s7], [sflag:s8] =	dma.local @!p0 [hbm:s6], $0xF7A  }
0x23: {  	s9 =	sor.u32 $0xD0000000, s2;
	s6 =	simm.s32 $0x108;
	_ =	swait.ge @!p0 [sflag:s8], $0x0  }
0x24: {  	s3 =	sadd.s32 $0x88, s3;
	s6 =	simm.s32 @!p1 $0x1082;
	[sflag:s4] =	ssyncset.s32 $0xFFFFF086  }
0x25: {  	[simem:s6], [sflag:s4] =	dma.local [hbm:s3], $0xF7A  }
0x26: {  	[smem:$0x3F96] =	sst s1;
	(tag) =	ssettag s2;
	_ =	strace s9  }
0x27: {  	s1 =	sld [smem:$0x3FA6]  }
0x28: {  	s2 =	sld [smem:$0x3FA7]  }
0x29: {  	s4 =	sld [smem:$0x3FA9]  }
0x2a: {  	p0 =	seq.s32 s5, $0x0;
	s5 =	sld [smem:$0x3FAA]  }
0x2b: {  	s6 =	sld [smem:$0x3FAB]  }
0x2c: {  	s7 =	sld [smem:$0x3FAC]  }
0x2d: {  	s3 =	simm.s32 $0x108;
	s8 =	sld [smem:$0x3FAD]  }
0x2e: {  	s3 =	simm.s32 @!p0 $0x1082;
	s9 =	sld [smem:$0x3FAE]  }
0x2f: {  	lr =	sadd.s32 s0, s3;
	s0 =	sld [smem:$0x3FA5]  }
0x30: {  	s3 =	sld [smem:$0x3FA8]  }
0x31: {  	[smem:$0x3FB1] =	sst s10  }
0x32: {  	s10 =	sld [smem:$0x3FAF];
	_ =	sdelay $0x3  }
0x33: {  	p0 =	seq.s32 s10, $0x1;
	s10 =	sld [smem:$0x3FB1];
	_ =	sdelay $0x3  }
0x34: {  	[smem:$0x3FB1] =	sst s10  }
0x35: {  	s10 =	sld [smem:$0x3FB0];
	_ =	sdelay $0x3  }
0x36: {  	p1 =	seq.s32 s10, $0x1;
	s10 =	sld [smem:$0x3FB1];
	_ =	sdelay $0x3  }
0x37: {  	[smem:$0x3FB1] =	sst s10  }
0x38: {  	s10 =	sld [smem:$0x3FB2]  }
0x39: {  	_ = 	snop;
	(pc) =	sbr.ind lr, $3  }
0x3a: {  	_ = 	snop  }
0x3b: {  	_ = 	snop  }
0x3c: {  	p2 =	seq.s32 s10, $0x1;
	s10 =	sld [smem:$0x3FB1]  }
0x3d: {  	_ =	shalt  }
0x3e: {  	_ =	shalt  }
0x3f: {  	_ =	shalt  }
0x40: {  	_ =	shalt  }
0x41: {  	_ =	shalt  }
0x42: {  	_ =	shalt  }
0x43: {  	_ =	shalt  }
0x44: {  	_ =	shalt  }
0x45: {  	_ =	shalt  }
0x46: {  	_ =	shalt  }
0x47: {  	_ =	shalt  }
0x48: {  	_ =	shalt  }
0x49: {  	_ =	shalt  }
0x4a: {  	_ =	shalt  }
0x4b: {  	_ =	shalt  }
0x4c: {  	_ =	shalt  }
0x4d: {  	_ =	shalt  }
0x4e: {  	_ =	shalt  }
0x4f: {  	_ =	shalt  }
0x50: {  	_ =	shalt  }
0x51: {  	_ =	shalt  }
0x52: {  	_ =	shalt  }
0x53: {  	_ =	shalt  }
0x54: {  	_ =	shalt  }
0x55: {  	_ =	shalt  }
0x56: {  	_ =	shalt  }
0x57: {  	_ =	shalt  }
0x58: {  	_ =	shalt  }
0x59: {  	_ =	shalt  }
0x5a: {  	_ =	shalt  }
0x5b: {  	_ =	shalt  }
0x5c: {  	_ =	shalt  }
0x5d: {  	_ =	shalt  }
0x5e: {  	_ =	shalt  }
0x5f: {  	_ =	shalt  }
0x60: {  	_ =	shalt  }
0x61: {  	_ =	shalt  }
0x62: {  	_ =	shalt  }
0x63: {  	_ =	shalt  }
0x64: {  	_ =	shalt  }
0x65: {  	_ =	shalt  }
0x66: {  	_ =	shalt  }
0x67: {  	_ =	shalt  }
0x68: {  	_ =	shalt  }
0x69: {  	_ =	shalt  }
0x6a: {  	_ =	shalt  }
0x6b: {  	_ =	shalt  }
0x6c: {  	_ =	shalt  }
0x6d: {  	_ =	shalt  }
0x6e: {  	_ =	shalt  }
0x6f: {  	_ =	shalt  }
0x70: {  	_ =	shalt  }
0x71: {  	_ =	shalt  }
0x72: {  	_ =	shalt  }
0x73: {  	_ =	shalt  }
0x74: {  	_ =	shalt  }
0x75: {  	_ =	shalt  }
0x76: {  	_ =	shalt  }
0x77: {  	_ =	shalt  }
0x78: {  	_ =	shalt  }
0x79: {  	_ =	shalt  }
0x7a: {  	_ =	shalt  }
0x7b: {  	_ =	shalt  }
0x7c: {  	_ =	shalt  }
0x7d: {  	_ =	shalt  }
0x7e: {  	_ =	shalt  }
0x7f: {  	_ =	shalt  }
0x80: {  	_ =	shalt  }
0x81: {  	_ =	shalt  }
0x82: {  	_ =	shalt  }
0x83: {  	_ =	shalt  }
0x84: {  	_ =	shalt  }
0x85: {  	_ =	shalt  }
0x86: {  	_ =	shalt  }
0x87: {  	_ =	shalt  }
.Lfunc_end0:
.L_simem_size_0:
called_computation.2_lowered:
.L_overlay_start_0:
0x88: {  	s2 =	sld [smem:$0x3FD9]  }
0x89: {  	s3 =	sld [smem:$0x3FFE];
	_ =	sdelay $0x1  }
0x8a: {  	s1 =	srdreg.scid  }
0x8b: {  	s0 =	sand.u32 $0x1, s1  }
0x8c: {  	s16 =	sshll.u32 s0, $0xA;
	s2 =	sadd.s32 s3, s2  }
0x8d: {  	s2 =	sadd.s32 s2, s16  }
0x8e: {  	[smem:$0x3FBD] =	sst s2  }
0x8f: {  	_ = 	snop  }
0x90: {  	(tm) =	ssettm $0x1  }
0x91: {  	s17 =	sld [smem:$0x3FFB];
	_ =	sdelay $0x3  }
0x92: {  	_ =	strace s17  }
0x93: {  	s2 =	sld [smem:$0x3FFC];
	_ =	sdelay $0x3  }
0x94: {  	_ =	strace s2  }
0x95: {  	s2 =	sld [smem:$0x3FFD];
	_ =	sdelay $0x3  }
0x96: {  	_ =	strace s2  }
0x97: {  	_ =	strace $0x8FFFFFFF  }
0x98: {  	s18 =	sld [smem:$0x3FDB];
	_ =	sdelay $0x1  }
0x99: {  	s19 =	simm.s32 $_scs_section_size  }
0x9a: {  	s4 =	simm.s32 $_size__tile_overlayer_lowered;
	s5 =	simm.s32 $_tile_overlayer_lowered  }
0x9b: {  	s22 =	simm.s32 $0x1BFF;
	s21 =	sshll.u32 s5, $0x1;
	s2 =	sadd.s32 s19, s18  }
0x9c: {  	s6 =	simm.s32 $0x0;
	s20 =	sshll.u32 s4, $0x1;
	s4 =	sadd.s32 s21, s2  }
0x9d: {  	[timem:s6], [sflag:s22] =	dma.local [hbm:s4], s20  }
0x9e: {  	_ =	swait.ge [sflag:s22], s20  }
0x9f: {  	s3 =	ssub.s32 $0x0, s20;
	[sflag:s22] =	ssyncset.done $0x0  }
0xa0: {  	[sflag:s22] =	ssyncadd.s32 s3;
	_ =	sdelay $0x1  }
0xa1: {  	s23 =	simm.s32 $0x1B8B  }
0xa2: {  	_ =	swait.ge [sflag:s23], $0x1  }
0xa3: {  	[sflag:s23] =	ssyncset.done $0x0  }
0xa4: {  	s25 =	simm.s32 $0x1B8E;
	s24 =	sld [smem:$0x3FFE];
	[sflag:s23] =	ssyncadd.s32 $0xFFFFFFFF  }
0xa5: {  	s26 =	simm.s32 $execute0_lowered;
	[smem:$0x3FD2] =	sst s25  }
0xa6: {  	s4 =	sshll.u32 s26, $0x1;
	_ =	strace $0x8000004C;
	[dreg:$0x1] =	wrdreg $0xFFFFFFFF  }
0xa7: {  	s28 =	simm.s32 $_size_execute0_lowered;
	s2 =	sadd.s32 s2, s4;
	[dreg:$0x0] =	wrdreg $0x0  }
0xa8: {  	s4 =	sshll.u32 s28, $0x1;
	[dreg:$0x2] =	wrdreg s2  }
0xa9: {  	[dreg:$0x3] =	wrdreg s4  }
0xaa: {  	[dreg:$0x4] =	wrdreg $0xC0  }
0xab: {  	_ =	task [dreg:s6], $0x5FFFF  }
0xac: {  	[dreg:$0x1] =	wrdreg $0xFFFFFFFF  }
0xad: {  	[dreg:$0x0] =	wrdreg $0x60  }
0xae: {  	[dreg:$0x2] =	wrdreg s24  }
0xaf: {  	[dreg:$0x3] =	wrdreg $0xBA000  }
0xb0: {  	[dreg:$0x4] =	wrdreg $0x9  }
0xb1: {  	_ =	task.clear_ibuf [dreg:s6], $0x5FFFF;
	_ =	strace $0x9000004C  }
0xb2: {  	s29 =	simm.s32 $0x9;
	_ =	strace $0x8000004E  }
0xb3: {  	_ =	swait.ge [sflag:s29], $0x1  }
0xb4: {  	[sflag:s29] =	ssyncadd.s32 $0xFFFFFFFF  }
0xb5: {  	_ =	strace $0x9000004E  }
0xb6: {  	_ =	sfence  }
0xb7: {  	s30 =	sld [smem:$0x0];
	_ =	sdelay $0x2  }
0xb8: {  	s31 =	sshll.u32 s1, $0xD;
	s1 =	sshrl.u32 s1, $0x2  }
0xb9: {  	s3 =	sand.u32 $0x4000, s31;
	s1 =	sadd.s32 s1, s30  }
0xba: {  	s0 =	sor.u32 s3, s0;
	s1 =	sshll.u32 s1, $0x11  }
0xbb: {  	s0 =	sor.u32 s1, s0  }
0xbc: {  	s0 =	sadd.s32 $0x8F2B, s0  }
0xbd: {  	[sflag:s0] =	ssyncadd.remote.s32 $0x1  }
0xbe: {  	_ =	sfence.sel $0xFFFF  }
0xbf: {  	[dreg:$0x0] =	wrdreg $0xFFFFFFFF;
	(pc) =	sbr.abs _section_cstart, $3  }
0xc0: {  	[dreg:$0x1] =	wrdreg $0xFFFFFFFF  }
0xc1: {  	_ =	task.clear_ibuf [dreg:s6], $0x2FFFF;
	_ =	strace $0x9FFFFFFF  }
0xc2: {  	(tm) =	ssettm $0x7FFFFFFF  }
0xc3: {  	_ =	shalt  }
tec
execute0_lowered:
.L_overlay_start_1:
0x0: {  	(tag) =	ssettag $0x1  }
0x1: {  	s0 =	rddreg [dreg:$0x0]  }
0x2: {  	s1 =	rddreg [dreg:$0x1];
	s2 =	srdreg.scid;
	s3 =	simm.s32 $0x0  }
0x3: {  	s10 =	stileid.u32;
	s28 =	simm.s32 $0x6A00;
	s29 =	simm.s32 $0x9200  }
0x4: {  	s30 =	simm.s32 $0xA;
	s31 =	simm.s32 $0x4100;
	s6 =	smul.u32 $0x14000, s10  }
0x5: {  	s2 =	sand.u32 $0x1, s2;
	s9 =	sshll.u32 s10, $0xE;
	s10 =	smul.u32 $0x50000, s10  }
0x6: {  	[smem:$0x7FF] =	sst s3;
	s4 =	sadd.s32 $0x23A00, s0;
	s5 =	smul.u32 $0x140000, s2  }
0x7: {  	_ =	strace $0x8000004D;
	s7 =	ssub.s32 $0x2, s2;
	s2 =	sshll.u32 s2, $0x12  }
0x8: {  	s8 =	sshrl.u32 s7, $0x1;
	s2 =	sor.u32 s9, s2;
	s13 =	sshrl.u32 s10, $0x2  }
0x9: {  	s9 =	simm.s32 $0x8;
	s10 =	simm.s32 $0x3;
	s6 =	sadd.s32 s6, s5  }
0xa: {  	s5 =	sadd.s32 $0x3A00, s0;
	s11 =	ssub.s32 s7, s8;
	s18 =	sadd.s32 s13, s1  }
0xb: {  	s12 =	sshrl.u32 s2, $0x3;
	s17 =	sadd.s32 $0x2800, s18;
	[dreg:$0x4] =	wrdreg s18  }
0xc: {  	s13 =	simm.s32 $0x5;
	s19 =	sadd.s32 $0x5000, s18;
	[dreg:$0x7] =	wrdreg s17  }
0xd: {  	s6 =	sshrl.u32 s6, $0x3;
	s20 =	sadd.s32 $0x7800, s18;
	[dreg:$0x8] =	wrdreg s19  }
0xe: {  	s7 =	sadd.s32 s5, s12;
	s21 =	sadd.s32 $0xA000, s18;
	[dreg:$0x9] =	wrdreg s20  }
0xf: {  	s22 =	sadd.s32 $0xC800, s18;
	s23 =	sadd.s32 $0xF000, s18;
	[dreg:$0xa] =	wrdreg s21  }
0x10: {  	s24 =	sadd.s32 $0x11800, s18;
	s26 =	smax.u32 s11, $0x1;
	[dreg:$0xb] =	wrdreg s22  }
0x11: {  	s11 =	simm.s32 $0x9;
	s12 =	simm.s32 $0x4;
	[dreg:$0xc] =	wrdreg s23  }
0x12: {  	s0 =	sadd.s32 s6, s0;
	s6 =	sor.u32 $0x80000, s2;
	[dreg:$0xd] =	wrdreg s24  }
0x13: {  	s16 =	sadd.s32 $0x10010, s7;
	[dreg:$0x3] =	wrdreg s7;
	s25 =	sadd.s32 $0x10020, s7  }
0x14: {  	[dreg:$0x10] =	wrdreg s26;
	s21 =	simm.s32 $0xB;
	s22 =	simm.s32 $0x4000  }
0x15: {  	s23 =	simm.s32 $0x50;
	s24 =	simm.s32 $0x4200;
	s2 =	simm.s32 $0x1  }
0x16: {  	s26 =	simm.s32 $0x7;
	s14 =	sshrl.u32 s6, $0x3;
	[dreg:$0x6] =	wrdreg s16  }
0x17: {  	[dreg:$0xe] =	wrdreg s25;
	s0 =	sadd.s32 $0x4BA00, s0;
	s25 =	simm.s32 $0x4080  }
0x18: {  	s15 =	sadd.s32 s5, s14;
	[dreg:$0xf] =	wrdreg s0;
	s0 =	simm.s32 $0x2  }
0x19: {  	v0 =	vimm.f32 $0.0e+00;
	s14 =	simm.s32 $0x6;
	[dreg:$0x5] =	wrdreg s15;
	s15 =	simm.s32 $0x0  }
.LBB2_1:
0x1a: {  	s7 =	rddreg [dreg:$0x3]  }
0x1b: {  	[tilespmem:s3], [sflag:$0xB] =	stream.linear.gather [hbm4b:s7+s3], $0x3E80, $0x38;
	[tilespmem:$0x1FA00] =	vst v63  }
0x1c: {  	_ =	swait.ge [sflag:s21], $0x3E80  }
0x1d: {  	[sflag:s21] =	ssyncset.done $0x0  }
0x1e: {  	s17 =	rddreg [dreg:$0x5];
	[sflag:s21] =	ssyncadd.s32 $0xFFFFC180  }
0x1f: {  	[tilespmem:s22], [sflag:$0x7] =	stream.linear.gather [hbm4b:s17+s3], $0x80, $0x38;
	[tilespmem:$0x1FA00] =	vst v63  }
0x20: {  	_ = 	snop  }
0x21: {  	[tilespmem:s24], [sflag:$0x1] =	stream.indirect.gather [hbm4b:s4+s23], $0x80, s3, s23, $0xb8;
	[tilespmem:$0x1FA00] =	vst v63  }
0x22: {  	s19 =	rddreg [dreg:$0x6]  }
0x23: {  	[tilespmem:s25], [sflag:$0x8] =	stream.linear.gather [hbm4b:s19+s3], $0x80, $0x38;
	[tilespmem:$0x1FA00] =	vst v63  }
0x24: {  	s20 =	simm.s32 $0x80;
	s16 =	simm.s32 $0x0;
	s17 =	simm.s32 $0x200  }
0x25: {  	[tilespmem:s28], [sflag:$0x2] =	stream.indirect.gather [hbm4b:s4+s23], $0x80, s20, s23, $0xb8;
	[tilespmem:$0x1FA00] =	vst v63  }
.LBB2_2:
0x26: {  	p0 =	sne.s32 s17, $0x9E00;
	[tilespmem:s16+$0x9270] =	vst v0  }
0x27: {  	[tilespmem:s16+$0x9200] =	vst v0  }
0x28: {  	[tilespmem:s16+$0x9210] =	vst v0  }
.Ltmp0:
0x29: {  	[tilespmem:s16+$0x9220] =	vst v0;
	(pc) =	sbr.rel @p0 .LBB2_2-.Ltmp0, $4  }
0x2a: {  	[tilespmem:s16+$0x9230] =	vst v0  }
0x2b: {  	[tilespmem:s16+$0x9240] =	vst v0  }
0x2c: {  	[tilespmem:s16+$0x9250] =	vst v0  }
0x2d: {  	[tilespmem:s16+$0x9260] =	vst v0;
	s16 =	sshra.s32 s17, $0x2;
	s17 =	sadd.s32 $0x200, s17  }
0x2e: {  	[tilespmem:s16+$0x9270] =	vst v0  }
0x2f: {  	[tilespmem:s16+$0x9200] =	vst v0  }
0x30: {  	[tilespmem:s16+$0x9210] =	vst v0  }
0x31: {  	[tilespmem:s16+$0x9220] =	vst v0  }
0x32: {  	[tilespmem:s16+$0x9230] =	vst v0  }
0x33: {  	[tilespmem:s16+$0x9240] =	vst v0  }
0x34: {  	[tilespmem:s16+$0x9250] =	vst v0  }
0x35: {  	[tilespmem:s16+$0x9260] =	vst v0  }
0x36: {  	[spmem:s18] =	stream.linear.scatter [tilespmem:s29], [sflag:$0xA], $0x2800, $0x38;
	[tilespmem:$0x1FA00] =	vst v63  }
0x37: {  	s7 =	rddreg [dreg:$0x7]  }
0x38: {  	[spmem:s7] =	stream.linear.scatter [tilespmem:s29], [sflag:$0xA], $0x2800, $0x38;
	[tilespmem:$0x1FA00] =	vst v63  }
0x39: {  	s18 =	rddreg [dreg:$0x8]  }
0x3a: {  	[spmem:s18] =	stream.linear.scatter [tilespmem:s29], [sflag:$0xA], $0x2800, $0x38;
	[tilespmem:$0x1FA00] =	vst v63  }
0x3b: {  	s19 =	rddreg [dreg:$0x9]  }
0x3c: {  	[spmem:s19] =	stream.linear.scatter [tilespmem:s29], [sflag:$0xA], $0x2800, $0x38;
	[tilespmem:$0x1FA00] =	vst v63  }
0x3d: {  	s20 =	rddreg [dreg:$0xa]  }
0x3e: {  	[spmem:s20] =	stream.linear.scatter [tilespmem:s29], [sflag:$0xA], $0x2800, $0x38;
	[tilespmem:$0x1FA00] =	vst v63  }
0x3f: {  	s8 =	rddreg [dreg:$0xb]  }
0x40: {  	[spmem:s8] =	stream.linear.scatter [tilespmem:s29], [sflag:$0xA], $0x2800, $0x38;
	[tilespmem:$0x1FA00] =	vst v63  }
0x41: {  	s16 =	rddreg [dreg:$0xc]  }
0x42: {  	[spmem:s16] =	stream.linear.scatter [tilespmem:s29], [sflag:$0xA], $0x2800, $0x38;
	[tilespmem:$0x1FA00] =	vst v63  }
0x43: {  	s17 =	rddreg [dreg:$0xd]  }
0x44: {  	[spmem:s17] =	stream.linear.scatter [tilespmem:s29], [sflag:$0xA], $0x2800, $0x38;
	[tilespmem:$0x1FA00] =	vst v63  }
0x45: {  	_ =	swait.ge [sflag:s30], $0x2800  }
0x46: {  	[sflag:s30] =	ssyncset.done $0x0  }
0x47: {  	[sflag:s30] =	ssyncadd.s32 $0xFFFFD800  }
0x48: {  	_ =	swait.ge [sflag:s30], $0x2800  }
0x49: {  	[sflag:s30] =	ssyncset.done $0x0  }
0x4a: {  	[sflag:s30] =	ssyncadd.s32 $0xFFFFD800  }
0x4b: {  	_ =	swait.ge [sflag:s30], $0x2800  }
0x4c: {  	[sflag:s30] =	ssyncset.done $0x0  }
0x4d: {  	[sflag:s30] =	ssyncadd.s32 $0xFFFFD800  }
0x4e: {  	_ =	swait.ge [sflag:s30], $0x2800  }
0x4f: {  	[sflag:s30] =	ssyncset.done $0x0  }
0x50: {  	[sflag:s30] =	ssyncadd.s32 $0xFFFFD800  }
0x51: {  	_ =	swait.ge [sflag:s30], $0x2800  }
0x52: {  	[sflag:s30] =	ssyncset.done $0x0  }
0x53: {  	[sflag:s30] =	ssyncadd.s32 $0xFFFFD800  }
0x54: {  	_ =	swait.ge [sflag:s30], $0x2800  }
0x55: {  	[sflag:s30] =	ssyncset.done $0x0  }
0x56: {  	[sflag:s30] =	ssyncadd.s32 $0xFFFFD800  }
0x57: {  	_ =	swait.ge [sflag:s30], $0x2800  }
0x58: {  	[sflag:s30] =	ssyncset.done $0x0  }
0x59: {  	[sflag:s30] =	ssyncadd.s32 $0xFFFFD800  }
0x5a: {  	_ =	swait.ge [sflag:s30], $0x2800  }
0x5b: {  	[sflag:s30] =	ssyncset.done $0x0  }
0x5c: {  	s16 =	simm.s32 $0x0;
	s18 =	rddreg [dreg:$0xe];
	[sflag:s30] =	ssyncadd.s32 $0xFFFFD800  }
0x5d: {  	[tilespmem:s31], [sflag:$0x9] =	stream.linear.gather [hbm4b:s18+s16], $0x80, $0x38;
	[tilespmem:$0x1FA00] =	vst v63  }
0x5e: {  	s19 =	simm.s32 $0x100  }
0x5f: {  	[tilespmem:s29], [sflag:$0x3] =	stream.indirect.gather [hbm4b:s4+s23], $0x80, s19, s23, $0xb8;
	[tilespmem:$0x1FA00] =	vst v63  }
0x60: {  	[bflag:$0x0] =	sbarrier.arrive $0xFFFF  }
0x61: {  	_ =	swait.ge [sflag:s2], $0x2800  }
0x62: {  	[sflag:s2] =	ssyncset.done $0x0  }
0x63: {  	[sflag:s2] =	ssyncadd.s32 $0xFFFFD800  }
0x64: {  	_ =	swait.ge [sflag:s26], $0x80  }
0x65: {  	[sflag:s26] =	ssyncset.done $0x0  }
0x66: {  	[sflag:s26] =	ssyncadd.s32 $0xFFFFFF80  }
0x67: {  	[spmem:s1] =	stream.indirect.scatter.add.f32 [tilespmem:s24], [sflag:$0x4], $0x80, s22, s23, $0xb8;
	[tilespmem:$0x1FA00] =	vst v63  }
0x68: {  	_ =	swait.ge [sflag:s0], $0x2800  }
0x69: {  	[sflag:s0] =	ssyncset.done $0x0  }
0x6a: {  	[sflag:s0] =	ssyncadd.s32 $0xFFFFD800  }
0x6b: {  	_ =	swait.ge [sflag:s9], $0x80  }
0x6c: {  	[sflag:s9] =	ssyncset.done $0x0  }
0x6d: {  	[sflag:s9] =	ssyncadd.s32 $0xFFFFFF80  }
0x6e: {  	[spmem:s1] =	stream.indirect.scatter.add.f32 [tilespmem:s28], [sflag:$0x5], $0x80, s25, s23, $0xb8;
	[tilespmem:$0x1FA00] =	vst v63  }
0x6f: {  	_ =	swait.ge [sflag:s10], $0x2800  }
0x70: {  	[sflag:s10] =	ssyncset.done $0x0  }
0x71: {  	s17 =	simm.s32 $0x180;
	[sflag:s10] =	ssyncadd.s32 $0xFFFFD800  }
0x72: {  	s20 =	sand.u32 $0x7C00, s17;
	s17 =	sand.u32 $0x380, s17;
	_ =	swait.ge [sflag:s11], $0x80  }
0x73: {  	s18 =	sadd.s32 s6, s20;
	s16 =	smin.u32 s16, $0x77;
	[sflag:s11] =	ssyncset.done $0x0  }
0x74: {  	s17 =	sor.u32 s17, s18;
	s18 =	simm.s32 $0x200;
	[sflag:s11] =	ssyncadd.s32 $0xFFFFFF80  }
0x75: {  	[spmem:s1] =	stream.indirect.scatter.add.f32 [tilespmem:s29], [sflag:$0x6], $0x80, s31, s23, $0xb8;
	[tilespmem:$0x1FA00] =	vst v63  }
0x76: {  	s16 =	sshll.u32 s16, $0x7;
	s17 =	sshrl.u32 s17, $0x3;
	_ =	swait.ge [sflag:s12], $0x2800  }
0x77: {  	s19 =	sand.u32 $0x7C00, s18;
	s20 =	sand.u32 $0x380, s18;
	[sflag:s12] =	ssyncset.done $0x0  }
0x78: {  	s17 =	sadd.s32 s5, s17;
	s19 =	sadd.s32 s6, s19;
	[sflag:s12] =	ssyncadd.s32 $0xFFFFD800  }
0x79: {  	[tilespmem:s22], [sflag:$0x7] =	stream.linear.gather [hbm4b:s17+s3], $0x80, $0x38;
	[tilespmem:$0x1FA00] =	vst v63  }
0x7a: {  	s7 =	simm.s32 $0x180;
	s8 =	sor.u32 s20, s19;
	s20 =	sadd.s32 $0x280, s16  }
0x7b: {  	[tilespmem:s24], [sflag:$0x1] =	stream.indirect.gather [hbm4b:s4+s23], $0x80, s7, s23, $0xb8;
	[tilespmem:$0x1FA00] =	vst v63  }
0x7c: {  	s16 =	sand.u32 $0x7C00, s20;
	_ =	swait.ge [sflag:s13], $0x2800  }
0x7d: {  	s19 =	sand.u32 $0x380, s20;
	s17 =	sshrl.u32 s8, $0x3;
	[sflag:s13] =	ssyncset.done $0x0  }
0x7e: {  	s16 =	sadd.s32 s6, s16;
	s17 =	sadd.s32 s5, s17;
	[sflag:s13] =	ssyncadd.s32 $0xFFFFD800  }
0x7f: {  	[tilespmem:s25], [sflag:$0x8] =	stream.linear.gather [hbm4b:s17+s3], $0x80, $0x38;
	[tilespmem:$0x1FA00] =	vst v63  }
0x80: {  	s17 =	sor.u32 s19, s16  }
0x81: {  	[tilespmem:s28], [sflag:$0x2] =	stream.indirect.gather [hbm4b:s4+s23], $0x80, s18, s23, $0xb8;
	[tilespmem:$0x1FA00] =	vst v63  }
0x82: {  	s17 =	sshrl.u32 s17, $0x3;
	_ =	swait.ge [sflag:s14], $0x2800  }
0x83: {  	s16 =	simm.s32 $0x380;
	s19 =	sadd.s32 s5, s17;
	[sflag:s14] =	ssyncset.done $0x0  }
0x84: {  	s17 =	simm.s32 $0x3;
	s18 =	simm.s32 $0x380;
	[sflag:s14] =	ssyncadd.s32 $0xFFFFD800  }
.LBB2_4:
0x85: {  	[tilespmem:s31], [sflag:$0x9] =	stream.linear.gather [hbm4b:s19+s3], $0x80, $0x38;
	[tilespmem:$0x1FA00] =	vst v63  }
0x86: {  	p0 =	sne.s32 s16, $0x3E00;
	s19 =	smov.u32 s16;
	s16 =	sadd.s32 $0x180, s16  }
0x87: {  	[tilespmem:s29], [sflag:$0x3] =	stream.indirect.gather [hbm4b:s4+s23], $0x80, s20, s23, $0xb8;
	[tilespmem:$0x1FA00] =	vst v63  }
0x88: {  	_ =	swait.ge [sflag:s2], $0x2800  }
0x89: {  	[sflag:s2] =	ssyncset.done $0x0  }
0x8a: {  	[sflag:s2] =	ssyncadd.s32 $0xFFFFD800  }
0x8b: {  	_ =	swait.ge [sflag:s26], $0x80  }
0x8c: {  	[sflag:s26] =	ssyncset.done $0x0  }
0x8d: {  	[sflag:s26] =	ssyncadd.s32 $0xFFFFFF80  }
0x8e: {  	[spmem:s1] =	stream.indirect.scatter.add.f32 [tilespmem:s24], [sflag:$0x4], $0x80, s22, s23, $0xb8;
	[tilespmem:$0x1FA00] =	vst v63  }
0x8f: {  	_ =	swait.ge [sflag:s0], $0x2800  }
0x90: {  	[sflag:s0] =	ssyncset.done $0x0  }
0x91: {  	[sflag:s0] =	ssyncadd.s32 $0xFFFFD800  }
0x92: {  	_ =	swait.ge [sflag:s9], $0x80  }
0x93: {  	[sflag:s9] =	ssyncset.done $0x0  }
0x94: {  	[sflag:s9] =	ssyncadd.s32 $0xFFFFFF80  }
0x95: {  	[spmem:s1] =	stream.indirect.scatter.add.f32 [tilespmem:s28], [sflag:$0x5], $0x80, s25, s23, $0xb8;
	[tilespmem:$0x1FA00] =	vst v63  }
0x96: {  	_ =	swait.ge [sflag:s10], $0x2800  }
0x97: {  	[sflag:s10] =	ssyncset.done $0x0  }
0x98: {  	[sflag:s10] =	ssyncadd.s32 $0xFFFFD800  }
0x99: {  	s20 =	sadd.s32 $0xFFFFFF80, s19;
	_ =	swait.ge [sflag:s11], $0x80  }
0x9a: {  	s7 =	sand.u32 $0x7C00, s20;
	s20 =	sand.u32 $0x380, s20;
	[sflag:s11] =	ssyncset.done $0x0  }
0x9b: {  	s7 =	sadd.s32 s6, s7;
	[sflag:s11] =	ssyncadd.s32 $0xFFFFFF80  }
0x9c: {  	[spmem:s1] =	stream.indirect.scatter.add.f32 [tilespmem:s29], [sflag:$0x6], $0x80, s31, s23, $0xb8;
	[tilespmem:$0x1FA00] =	vst v63  }
0x9d: {  	s7 =	sor.u32 s20, s7;
	_ =	swait.ge [sflag:s12], $0x2800  }
0x9e: {  	s20 =	sand.u32 $0x7C00, s19;
	s7 =	sshrl.u32 s7, $0x3;
	[sflag:s12] =	ssyncset.done $0x0  }
0x9f: {  	s8 =	sadd.s32 $0xFFFFFF80, s18;
	s7 =	sadd.s32 s5, s7;
	[sflag:s12] =	ssyncadd.s32 $0xFFFFD800  }
0xa0: {  	[tilespmem:s22], [sflag:$0x7] =	stream.linear.gather [hbm4b:s7+s3], $0x80, $0x38;
	[tilespmem:$0x1FA00] =	vst v63  }
0xa1: {  	s19 =	sand.u32 $0x380, s19;
	s7 =	sadd.s32 s6, s20  }
0xa2: {  	[tilespmem:s24], [sflag:$0x1] =	stream.indirect.gather [hbm4b:s4+s23], $0x80, s8, s23, $0xb8;
	[tilespmem:$0x1FA00] =	vst v63  }
0xa3: {  	s7 =	sor.u32 s19, s7;
	s8 =	smin.u32 s17, $0x77;
	_ =	swait.ge [sflag:s13], $0x2800  }
0xa4: {  	s7 =	sshrl.u32 s7, $0x3;
	s8 =	sshll.u32 s8, $0x7;
	[sflag:s13] =	ssyncset.done $0x0  }
0xa5: {  	s7 =	sadd.s32 s5, s7;
	s20 =	sadd.s32 $0x280, s8;
	[sflag:s13] =	ssyncadd.s32 $0xFFFFD800  }
0xa6: {  	[tilespmem:s25], [sflag:$0x8] =	stream.linear.gather [hbm4b:s7+s3], $0x80, $0x38;
	[tilespmem:$0x1FA00] =	vst v63  }
0xa7: {  	s8 =	sand.u32 $0x380, s20;
	s7 =	sand.u32 $0x7C00, s20  }
0xa8: {  	[tilespmem:s28], [sflag:$0x2] =	stream.indirect.gather [hbm4b:s4+s23], $0x80, s18, s23, $0xb8;
	[tilespmem:$0x1FA00] =	vst v63  }
.Ltmp1:
0xa9: {  	_ = 	snop;
	(pc) =	sbr.rel @p0 .LBB2_4-.Ltmp1, $4  }
0xaa: {  	s7 =	sadd.s32 s6, s7;
	_ =	swait.ge [sflag:s14], $0x2800  }
0xab: {  	s7 =	sor.u32 s8, s7;
	[sflag:s14] =	ssyncset.done $0x0  }
0xac: {  	s7 =	sshrl.u32 s7, $0x3;
	[sflag:s14] =	ssyncadd.s32 $0xFFFFD800  }
0xad: {  	s17 =	sadd.s32 $0x3, s17;
	s18 =	sadd.s32 $0x180, s18;
	s19 =	sadd.s32 s5, s7  }
0xae: {  	[tilespmem:s31], [sflag:$0x9] =	stream.linear.gather [hbm4b:s19+s3], $0x80, $0x38;
	[tilespmem:$0x1FA00] =	vst v63  }
0xaf: {  	_ = 	snop  }
0xb0: {  	[tilespmem:s29], [sflag:$0x3] =	stream.indirect.gather [hbm4b:s4+s23], $0x80, s20, s23, $0xb8;
	[tilespmem:$0x1FA00] =	vst v63  }
0xb1: {  	_ =	swait.ge [sflag:s2], $0x2800  }
0xb2: {  	[sflag:s2] =	ssyncset.done $0x0  }
0xb3: {  	[sflag:s2] =	ssyncadd.s32 $0xFFFFD800  }
0xb4: {  	_ =	swait.ge [sflag:s26], $0x80  }
0xb5: {  	[sflag:s26] =	ssyncset.done $0x0  }
0xb6: {  	[sflag:s26] =	ssyncadd.s32 $0xFFFFFF80  }
0xb7: {  	[spmem:s1] =	stream.indirect.scatter.add.f32 [tilespmem:s24], [sflag:$0x4], $0x80, s22, s23, $0xb8;
	[tilespmem:$0x1FA00] =	vst v63  }
0xb8: {  	_ =	swait.ge [sflag:s0], $0x2800  }
0xb9: {  	[sflag:s0] =	ssyncset.done $0x0  }
0xba: {  	[sflag:s0] =	ssyncadd.s32 $0xFFFFD800  }
0xbb: {  	_ =	swait.ge [sflag:s9], $0x80  }
0xbc: {  	[sflag:s9] =	ssyncset.done $0x0  }
0xbd: {  	[sflag:s9] =	ssyncadd.s32 $0xFFFFFF80  }
0xbe: {  	[spmem:s1] =	stream.indirect.scatter.add.f32 [tilespmem:s28], [sflag:$0x5], $0x80, s25, s23, $0xb8;
	[tilespmem:$0x1FA00] =	vst v63  }
0xbf: {  	_ =	swait.ge [sflag:s10], $0x2800  }
0xc0: {  	[sflag:s10] =	ssyncset.done $0x0  }
0xc1: {  	[sflag:s10] =	ssyncadd.s32 $0xFFFFD800  }
0xc2: {  	_ =	swait.ge [sflag:s11], $0x80  }
0xc3: {  	[sflag:s11] =	ssyncset.done $0x0  }
0xc4: {  	[sflag:s11] =	ssyncadd.s32 $0xFFFFFF80  }
0xc5: {  	_ =	swait.ge [sflag:s12], $0x2800  }
0xc6: {  	[sflag:s12] =	ssyncset.done $0x0  }
0xc7: {  	[sflag:s12] =	ssyncadd.s32 $0xFFFFD800  }
0xc8: {  	_ =	swait.ge [sflag:s13], $0x2800  }
0xc9: {  	[sflag:s13] =	ssyncset.done $0x0  }
0xca: {  	[sflag:s13] =	ssyncadd.s32 $0xFFFFD800  }
0xcb: {  	s7 =	stileid.u32;
	[bflag:$0x0] =	sbarrier.arrive $0xFFFF  }
0xcc: {  	s7 =	sshll.u32 s7, $0x6;
	s18 =	rddreg [dreg:$0x4]  }
0xcd: {  	s7 =	sor.u32 $0x1C0B, s7;
	s16 =	rddreg [dreg:$0xf];
	s8 =	sshrl.u32 s18, $0x3  }
0xce: {  	[hbm:s16], [sflag:s7] =	dma.local [spmem:s8], $0x2800  }
0xcf: {  	_ =	swait.ge [sflag:s21], $0x2800  }
0xd0: {  	s15 =	sadd.s32 $0x1, s15;
	s20 =	rddreg [dreg:$0x10]  }
0xd1: {  	p0 =	sne.s32 s15, s20  }
.Ltmp2:
0xd2: {  	_ = 	snop;
	(pc) =	sbr.rel @p0 .LBB2_1-.Ltmp2, $3  }
0xd3: {  	_ =	sdelay $0x1  }
0xd4: {  	[sflag:s21] =	ssyncset.done $0x0  }
0xd5: {  	[sflag:s21] =	ssyncadd.s32 $0xFFFFD800  }
0xd6: {  	_ =	sfence.sel $0x180000  }
0xd7: {  	[bflag:$0x0] =	sbarrier.arrive $0xFFFF  }
0xd8: {  	_ =	strace $0x9000004D  }
0xd9: {  	s0 =	stileid.u32;
	[bflag:$0x2] =	sbarrier.arrive $0xFFFF  }
0xda: {  	p0 =	sne.s32 s0, $0x0;
	s0 =	rddreg [dreg:$0x2]  }
0xdb: {  	s0 =	sadd.s32 @!p0 $0x100000, s0  }
0xdc: {  	[sflag:s0] =	ssyncadd.tile.s32 @!p0 $0x1;
	_ =	shalt  }
.Lfunc_end2:
_tile_overlayer_lowered:
.L_overlay_start_2:
0xdd: {  	(tag) =	ssettag $0x2  }
0xde: {  	s0 =	rddreg [dreg:$0x0];
	s2 =	stileid.u32  }
0xdf: {  	s1 =	rddreg [dreg:$0x1];
	p0 =	sne.s32 s2, $0x0  }
0xe0: {  	s3 =	rddreg [dreg:$0x2];
	[bflag:$0x3] =	sbarrier.arrive $0xFFFF;
	s2 =	simm.s32 @!p0 $0x1C0B  }
0xe1: {  	[timem:s3], [sflag:s2] =	dma.local @!p0 [hbm:s0], s1  }
0xe2: {  	s0 =	simm.s32 @!p0 $0xB  }
0xe3: {  	_ =	swait.ge @!p0 [sflag:s0], s1  }
0xe4: {  	s1 =	ssub.s32 @!p0 $0x0, s1;
	[sflag:s0] =	ssyncset.done @!p0 $0x0  }
0xe5: {  	[sflag:s0] =	ssyncadd.s32 @!p0 s1  }
0xe6: {  	[bflag:$0x3] =	sbarrier.arrive $0xFFFF  }
0xe7: {  	_ =	shalt  }

// kernel: kernel.19.cloned.1.call-start
scs
__scs_entry_jumppad:
0x0: {  	(pc) =	sbr.rel $0x88, $3  }
0x1: {  	(tag) =	ssettag $0x0;
	lr =	simm.s32 $0x1  }
0x2: {  	[smem:$0x3F96] =	sst lr;
	_ =	strace $0xD0000000  }
0x3: {  	_ = 	snop  }
0x4: {  	_ = 	snop  }
0x5: {  	_ = 	snop  }
0x6: {  	_ = 	snop  }
0x7: {  	_ = 	snop  }
__scs_overlays_trampoline_lowered:
0x8: {  	[smem:$0x3FA5] =	sst s0  }
0x9: {  	[smem:$0x3FA6] =	sst s1  }
0xa: {  	[smem:$0x3FA7] =	sst s2  }
0xb: {  	[smem:$0x3FA8] =	sst s3  }
0xc: {  	[smem:$0x3FA9] =	sst s4  }
0xd: {  	[smem:$0x3FAA] =	sst s5  }
0xe: {  	[smem:$0x3FAB] =	sst s6  }
0xf: {  	[smem:$0x3FAC] =	sst s7  }
0x10: {  	[smem:$0x3FAD] =	sst s8  }
0x11: {  	[smem:$0x3FAE] =	sst s9;
	s0 =	simm.s32 @!p0 $0x0  }
0x12: {  	s1 =	sld [smem:$0x3F94];
	s0 =	simm.s32 @p0 $0x1  }
0x13: {  	[smem:$0x3FAF] =	sst s0;
	s0 =	simm.s32 @!p1 $0x0  }
0x14: {  	s2 =	sld [smem:$0x3F93];
	s0 =	simm.s32 @p1 $0x1  }
0x15: {  	[smem:$0x3FB0] =	sst s0;
	s0 =	simm.s32 @!p2 $0x0  }
0x16: {  	s3 =	sld [smem:$0x3FDB];
	s0 =	simm.s32 @p2 $0x1  }
0x17: {  	s4 =	simm.s32 $0x1BF5;
	[smem:$0x3FB2] =	sst s0  }
0x18: {  	s0 =	sld [smem:$0x3F95];
	_ =	swait.ge [sflag:s4], $0x0  }
0x19: {  	s7 =	sld [smem:$0x3F96]  }
0x1a: {  	s8 =	sadd.s32 $0xFFFFE003, lr  }
0x1b: {  	s9 =	sadd.s32 $0xFFFFFEF7, lr;
	s5 =	simm.s32 $0xFFFFFFFF;
	p2 =	slt.u32 s8, $0xFFFFF086  }
0x1c: {  	p1 =	slt.u32 s9, $0xF7A;
	s5 =	simm.s32 @!p2 $0x0  }
0x1d: {  	s5 =	simm.s32 @p1 $0x1;
	p0 =	seq.s32 s7, s2  }
0x1e: {  	s7 =	smul.u32 @!p0 $0xF7A, s2;
	p2 =	seq.s32 @!p0 s5, $0x0  }
0x1f: {  	s9 =	smul.u32 $0xF7A, s1;
	s8 =	simm.s32 @!p0 $0x1BF5;
	p2 =	por !p2, p0  }
0x20: {  	[sflag:s8] =	ssyncset.s32 @!p0 $0xFFFFF086;
	s6 =	sadd.s32 @!p0 s3, s7;
	s7 =	simm.s32 @!p0 $0x108  }
0x21: {  	s3 =	sadd.s32 s3, s9;
	s6 =	sadd.s32 @!p0 $0x88, s6;
	s7 =	simm.s32 @p2 $0x1082  }
0x22: {  	[simem:s7], [sflag:s8] =	dma.local @!p0 [hbm:s6], $0xF7A  }
0x23: {  	s9 =	sor.u32 $0xD0000000, s2;
	s6 =	simm.s32 $0x108;
	_ =	swait.ge @!p0 [sflag:s8], $0x0  }
0x24: {  	s3 =	sadd.s32 $0x88, s3;
	s6 =	simm.s32 @!p1 $0x1082;
	[sflag:s4] =	ssyncset.s32 $0xFFFFF086  }
0x25: {  	[simem:s6], [sflag:s4] =	dma.local [hbm:s3], $0xF7A  }
0x26: {  	[smem:$0x3F96] =	sst s1;
	(tag) =	ssettag s2;
	_ =	strace s9  }
0x27: {  	s1 =	sld [smem:$0x3FA6]  }
0x28: {  	s2 =	sld [smem:$0x3FA7]  }
0x29: {  	s4 =	sld [smem:$0x3FA9]  }
0x2a: {  	p0 =	seq.s32 s5, $0x0;
	s5 =	sld [smem:$0x3FAA]  }
0x2b: {  	s6 =	sld [smem:$0x3FAB]  }
0x2c: {  	s7 =	sld [smem:$0x3FAC]  }
0x2d: {  	s3 =	simm.s32 $0x108;
	s8 =	sld [smem:$0x3FAD]  }
0x2e: {  	s3 =	simm.s32 @!p0 $0x1082;
	s9 =	sld [smem:$0x3FAE]  }
0x2f: {  	lr =	sadd.s32 s0, s3;
	s0 =	sld [smem:$0x3FA5]  }
0x30: {  	s3 =	sld [smem:$0x3FA8]  }
0x31: {  	[smem:$0x3FB1] =	sst s10  }
0x32: {  	s10 =	sld [smem:$0x3FAF];
	_ =	sdelay $0x3  }
0x33: {  	p0 =	seq.s32 s10, $0x1;
	s10 =	sld [smem:$0x3FB1];
	_ =	sdelay $0x3  }
0x34: {  	[smem:$0x3FB1] =	sst s10  }
0x35: {  	s10 =	sld [smem:$0x3FB0];
	_ =	sdelay $0x3  }
0x36: {  	p1 =	seq.s32 s10, $0x1;
	s10 =	sld [smem:$0x3FB1];
	_ =	sdelay $0x3  }
0x37: {  	[smem:$0x3FB1] =	sst s10  }
0x38: {  	s10 =	sld [smem:$0x3FB2]  }
0x39: {  	_ = 	snop;
	(pc) =	sbr.ind lr, $3  }
0x3a: {  	_ = 	snop  }
0x3b: {  	_ = 	snop  }
0x3c: {  	p2 =	seq.s32 s10, $0x1;
	s10 =	sld [smem:$0x3FB1]  }
0x3d: {  	_ =	shalt  }
0x3e: {  	_ =	shalt  }
0x3f: {  	_ =	shalt  }
0x40: {  	_ =	shalt  }
0x41: {  	_ =	shalt  }
0x42: {  	_ =	shalt  }
0x43: {  	_ =	shalt  }
0x44: {  	_ =	shalt  }
0x45: {  	_ =	shalt  }
0x46: {  	_ =	shalt  }
0x47: {  	_ =	shalt  }
0x48: {  	_ =	shalt  }
0x49: {  	_ =	shalt  }
0x4a: {  	_ =	shalt  }
0x4b: {  	_ =	shalt  }
0x4c: {  	_ =	shalt  }
0x4d: {  	_ =	shalt  }
0x4e: {  	_ =	shalt  }
0x4f: {  	_ =	shalt  }
0x50: {  	_ =	shalt  }
0x51: {  	_ =	shalt  }
0x52: {  	_ =	shalt  }
0x53: {  	_ =	shalt  }
0x54: {  	_ =	shalt  }
0x55: {  	_ =	shalt  }
0x56: {  	_ =	shalt  }
0x57: {  	_ =	shalt  }
0x58: {  	_ =	shalt  }
0x59: {  	_ =	shalt  }
0x5a: {  	_ =	shalt  }
0x5b: {  	_ =	shalt  }
0x5c: {  	_ =	shalt  }
0x5d: {  	_ =	shalt  }
0x5e: {  	_ =	shalt  }
0x5f: {  	_ =	shalt  }
0x60: {  	_ =	shalt  }
0x61: {  	_ =	shalt  }
0x62: {  	_ =	shalt  }
0x63: {  	_ =	shalt  }
0x64: {  	_ =	shalt  }
0x65: {  	_ =	shalt  }
0x66: {  	_ =	shalt  }
0x67: {  	_ =	shalt  }
0x68: {  	_ =	shalt  }
0x69: {  	_ =	shalt  }
0x6a: {  	_ =	shalt  }
0x6b: {  	_ =	shalt  }
0x6c: {  	_ =	shalt  }
0x6d: {  	_ =	shalt  }
0x6e: {  	_ =	shalt  }
0x6f: {  	_ =	shalt  }
0x70: {  	_ =	shalt  }
0x71: {  	_ =	shalt  }
0x72: {  	_ =	shalt  }
0x73: {  	_ =	shalt  }
0x74: {  	_ =	shalt  }
0x75: {  	_ =	shalt  }
0x76: {  	_ =	shalt  }
0x77: {  	_ =	shalt  }
0x78: {  	_ =	shalt  }
0x79: {  	_ =	shalt  }
0x7a: {  	_ =	shalt  }
0x7b: {  	_ =	shalt  }
0x7c: {  	_ =	shalt  }
0x7d: {  	_ =	shalt  }
0x7e: {  	_ =	shalt  }
0x7f: {  	_ =	shalt  }
0x80: {  	_ =	shalt  }
0x81: {  	_ =	shalt  }
0x82: {  	_ =	shalt  }
0x83: {  	_ =	shalt  }
0x84: {  	_ =	shalt  }
0x85: {  	_ =	shalt  }
0x86: {  	_ =	shalt  }
0x87: {  	_ =	shalt  }
.Lfunc_end0:
.L_simem_size_0:
called_computation.3_lowered:
.L_overlay_start_0:
0x88: {  	s2 =	sld [smem:$0x3FD9]  }
0x89: {  	s3 =	sld [smem:$0x3FFE];
	_ =	sdelay $0x1  }
0x8a: {  	s1 =	srdreg.scid  }
0x8b: {  	s0 =	sand.u32 $0x1, s1  }
0x8c: {  	s16 =	sshll.u32 s0, $0xA;
	s2 =	sadd.s32 s3, s2  }
0x8d: {  	s2 =	sadd.s32 s2, s16  }
0x8e: {  	[smem:$0x3FBD] =	sst s2  }
0x8f: {  	_ = 	snop  }
0x90: {  	(tm) =	ssettm $0x1  }
0x91: {  	s17 =	sld [smem:$0x3FFB];
	_ =	sdelay $0x3  }
0x92: {  	_ =	strace s17  }
0x93: {  	s2 =	sld [smem:$0x3FFC];
	_ =	sdelay $0x3  }
0x94: {  	_ =	strace s2  }
0x95: {  	s2 =	sld [smem:$0x3FFD];
	_ =	sdelay $0x3  }
0x96: {  	_ =	strace s2  }
0x97: {  	_ =	strace $0x8FFFFFFF  }
0x98: {  	s18 =	sld [smem:$0x3FDB];
	_ =	sdelay $0x1  }
0x99: {  	s19 =	simm.s32 $_scs_section_size  }
0x9a: {  	s4 =	simm.s32 $_size__tile_overlayer_lowered;
	s5 =	simm.s32 $_tile_overlayer_lowered  }
0x9b: {  	s22 =	simm.s32 $0x1BFF;
	s21 =	sshll.u32 s5, $0x1;
	s2 =	sadd.s32 s19, s18  }
0x9c: {  	s6 =	simm.s32 $0x0;
	s20 =	sshll.u32 s4, $0x1;
	s4 =	sadd.s32 s21, s2  }
0x9d: {  	[timem:s6], [sflag:s22] =	dma.local [hbm:s4], s20  }
0x9e: {  	_ =	swait.ge [sflag:s22], s20  }
0x9f: {  	s3 =	ssub.s32 $0x0, s20;
	[sflag:s22] =	ssyncset.done $0x0  }
0xa0: {  	[sflag:s22] =	ssyncadd.s32 s3;
	_ =	sdelay $0x1  }
0xa1: {  	s23 =	simm.s32 $0x1B8B  }
0xa2: {  	_ =	swait.ge [sflag:s23], $0x1  }
0xa3: {  	[sflag:s23] =	ssyncset.done $0x0  }
0xa4: {  	s25 =	simm.s32 $0x1B8E;
	s24 =	sld [smem:$0x3FFE];
	[sflag:s23] =	ssyncadd.s32 $0xFFFFFFFF  }
0xa5: {  	s26 =	simm.s32 $execute0_lowered;
	[smem:$0x3FD2] =	sst s25  }
0xa6: {  	s4 =	sshll.u32 s26, $0x1;
	_ =	strace $0x8000004F;
	[dreg:$0x1] =	wrdreg $0xFFFFFFFF  }
0xa7: {  	s28 =	simm.s32 $_size_execute0_lowered;
	s2 =	sadd.s32 s2, s4;
	[dreg:$0x0] =	wrdreg $0x0  }
0xa8: {  	s4 =	sshll.u32 s28, $0x1;
	[dreg:$0x2] =	wrdreg s2  }
0xa9: {  	[dreg:$0x3] =	wrdreg s4  }
0xaa: {  	[dreg:$0x4] =	wrdreg $0xC0  }
0xab: {  	_ =	task [dreg:s6], $0x5FFFF  }
0xac: {  	[dreg:$0x1] =	wrdreg $0xFFFFFFFF  }
0xad: {  	[dreg:$0x0] =	wrdreg $0x60  }
0xae: {  	[dreg:$0x2] =	wrdreg s24  }
0xaf: {  	[dreg:$0x3] =	wrdreg $0xBA000  }
0xb0: {  	[dreg:$0x4] =	wrdreg $0x9  }
0xb1: {  	_ =	task.clear_ibuf [dreg:s6], $0x5FFFF;
	_ =	strace $0x9000004F  }
0xb2: {  	s29 =	simm.s32 $0x9;
	_ =	strace $0x80000051  }
0xb3: {  	_ =	swait.ge [sflag:s29], $0x1  }
0xb4: {  	[sflag:s29] =	ssyncadd.s32 $0xFFFFFFFF  }
0xb5: {  	_ =	strace $0x90000051  }
0xb6: {  	_ =	sfence  }
0xb7: {  	s30 =	sld [smem:$0x0];
	_ =	sdelay $0x2  }
0xb8: {  	s31 =	sshll.u32 s1, $0xD;
	s1 =	sshrl.u32 s1, $0x2  }
0xb9: {  	s3 =	sand.u32 $0x4000, s31;
	s1 =	sadd.s32 s1, s30  }
0xba: {  	s0 =	sor.u32 s3, s0;
	s1 =	sshll.u32 s1, $0x11  }
0xbb: {  	s0 =	sor.u32 s1, s0  }
0xbc: {  	s0 =	sadd.s32 $0x8F2B, s0  }
0xbd: {  	[sflag:s0] =	ssyncadd.remote.s32 $0x1  }
0xbe: {  	_ =	sfence.sel $0xFFFF  }
0xbf: {  	[dreg:$0x0] =	wrdreg $0xFFFFFFFF;
	(pc) =	sbr.abs _section_cstart, $3  }
0xc0: {  	[dreg:$0x1] =	wrdreg $0xFFFFFFFF  }
0xc1: {  	_ =	task.clear_ibuf [dreg:s6], $0x2FFFF;
	_ =	strace $0x9FFFFFFF  }
0xc2: {  	(tm) =	ssettm $0x7FFFFFFF  }
0xc3: {  	_ =	shalt  }
tec
execute0_lowered:
.L_overlay_start_1:
0x0: {  	(tag) =	ssettag $0x1  }
0x1: {  	s0 =	rddreg [dreg:$0x0]  }
0x2: {  	s1 =	rddreg [dreg:$0x1];
	s2 =	srdreg.scid;
	s3 =	simm.s32 $0x0  }
0x3: {  	s10 =	stileid.u32;
	s28 =	simm.s32 $0x6A00;
	s29 =	simm.s32 $0x9200  }
0x4: {  	s30 =	simm.s32 $0xA;
	s31 =	simm.s32 $0x4100;
	s6 =	smul.u32 $0x14000, s10  }
0x5: {  	s2 =	sand.u32 $0x1, s2;
	s9 =	sshll.u32 s10, $0xE;
	s10 =	smul.u32 $0x50000, s10  }
0x6: {  	[smem:$0x7FF] =	sst s3;
	s4 =	sadd.s32 $0x23A00, s0;
	s5 =	smul.u32 $0x140000, s2  }
0x7: {  	_ =	strace $0x80000050;
	s7 =	ssub.s32 $0x2, s2;
	s2 =	sshll.u32 s2, $0x12  }
0x8: {  	s8 =	sshrl.u32 s7, $0x1;
	s2 =	sor.u32 s9, s2;
	s13 =	sshrl.u32 s10, $0x2  }
0x9: {  	s9 =	simm.s32 $0x8;
	s10 =	simm.s32 $0x3;
	s6 =	sadd.s32 s6, s5  }
0xa: {  	s5 =	sadd.s32 $0x3A00, s0;
	s11 =	ssub.s32 s7, s8;
	s18 =	sadd.s32 s13, s1  }
0xb: {  	s12 =	sshrl.u32 s2, $0x3;
	s17 =	sadd.s32 $0x2800, s18;
	[dreg:$0x4] =	wrdreg s18  }
0xc: {  	s13 =	simm.s32 $0x5;
	s19 =	sadd.s32 $0x5000, s18;
	[dreg:$0x7] =	wrdreg s17  }
0xd: {  	s6 =	sshrl.u32 s6, $0x3;
	s20 =	sadd.s32 $0x7800, s18;
	[dreg:$0x8] =	wrdreg s19  }
0xe: {  	s7 =	sadd.s32 s5, s12;
	s21 =	sadd.s32 $0xA000, s18;
	[dreg:$0x9] =	wrdreg s20  }
0xf: {  	s22 =	sadd.s32 $0xC800, s18;
	s23 =	sadd.s32 $0xF000, s18;
	[dreg:$0xa] =	wrdreg s21  }
0x10: {  	s24 =	sadd.s32 $0x11800, s18;
	s26 =	smax.u32 s11, $0x1;
	[dreg:$0xb] =	wrdreg s22  }
0x11: {  	s11 =	simm.s32 $0x9;
	s12 =	simm.s32 $0x4;
	[dreg:$0xc] =	wrdreg s23  }
0x12: {  	s0 =	sadd.s32 s6, s0;
	s6 =	sor.u32 $0x80000, s2;
	[dreg:$0xd] =	wrdreg s24  }
0x13: {  	s16 =	sadd.s32 $0x10010, s7;
	[dreg:$0x3] =	wrdreg s7;
	s25 =	sadd.s32 $0x10020, s7  }
0x14: {  	[dreg:$0x10] =	wrdreg s26;
	s21 =	simm.s32 $0xB;
	s22 =	simm.s32 $0x4000  }
0x15: {  	s23 =	simm.s32 $0x50;
	s24 =	simm.s32 $0x4200;
	s2 =	simm.s32 $0x1  }
0x16: {  	s26 =	simm.s32 $0x7;
	s14 =	sshrl.u32 s6, $0x3;
	[dreg:$0x6] =	wrdreg s16  }
0x17: {  	[dreg:$0xe] =	wrdreg s25;
	s0 =	sadd.s32 $0x4BA00, s0;
	s25 =	simm.s32 $0x4080  }
0x18: {  	s15 =	sadd.s32 s5, s14;
	[dreg:$0xf] =	wrdreg s0;
	s0 =	simm.s32 $0x2  }
0x19: {  	v0 =	vimm.f32 $0.0e+00;
	s14 =	simm.s32 $0x6;
	[dreg:$0x5] =	wrdreg s15;
	s15 =	simm.s32 $0x0  }
.LBB2_1:
0x1a: {  	s7 =	rddreg [dreg:$0x3]  }
0x1b: {  	[tilespmem:s3], [sflag:$0xB] =	stream.linear.gather [hbm4b:s7+s3], $0x3E80, $0x38;
	[tilespmem:$0x1FA00] =	vst v63  }
0x1c: {  	_ =	swait.ge [sflag:s21], $0x3E80  }
0x1d: {  	[sflag:s21] =	ssyncset.done $0x0  }
0x1e: {  	s17 =	rddreg [dreg:$0x5];
	[sflag:s21] =	ssyncadd.s32 $0xFFFFC180  }
0x1f: {  	[tilespmem:s22], [sflag:$0x7] =	stream.linear.gather [hbm4b:s17+s3], $0x80, $0x38;
	[tilespmem:$0x1FA00] =	vst v63  }
0x20: {  	_ = 	snop  }
0x21: {  	[tilespmem:s24], [sflag:$0x1] =	stream.indirect.gather [hbm4b:s4+s23], $0x80, s3, s23, $0xb8;
	[tilespmem:$0x1FA00] =	vst v63  }
0x22: {  	s19 =	rddreg [dreg:$0x6]  }
0x23: {  	[tilespmem:s25], [sflag:$0x8] =	stream.linear.gather [hbm4b:s19+s3], $0x80, $0x38;
	[tilespmem:$0x1FA00] =	vst v63  }
0x24: {  	s20 =	simm.s32 $0x80;
	s16 =	simm.s32 $0x0;
	s17 =	simm.s32 $0x200  }
0x25: {  	[tilespmem:s28], [sflag:$0x2] =	stream.indirect.gather [hbm4b:s4+s23], $0x80, s20, s23, $0xb8;
	[tilespmem:$0x1FA00] =	vst v63  }
.LBB2_2:
0x26: {  	p0 =	sne.s32 s17, $0x9E00;
	[tilespmem:s16+$0x9270] =	vst v0  }
0x27: {  	[tilespmem:s16+$0x9200] =	vst v0  }
0x28: {  	[tilespmem:s16+$0x9210] =	vst v0  }
.Ltmp0:
0x29: {  	[tilespmem:s16+$0x9220] =	vst v0;
	(pc) =	sbr.rel @p0 .LBB2_2-.Ltmp0, $4  }
0x2a: {  	[tilespmem:s16+$0x9230] =	vst v0  }
0x2b: {  	[tilespmem:s16+$0x9240] =	vst v0  }
0x2c: {  	[tilespmem:s16+$0x9250] =	vst v0  }
0x2d: {  	[tilespmem:s16+$0x9260] =	vst v0;
	s16 =	sshra.s32 s17, $0x2;
	s17 =	sadd.s32 $0x200, s17  }
0x2e: {  	[tilespmem:s16+$0x9270] =	vst v0  }
0x2f: {  	[tilespmem:s16+$0x9200] =	vst v0  }
0x30: {  	[tilespmem:s16+$0x9210] =	vst v0  }
0x31: {  	[tilespmem:s16+$0x9220] =	vst v0  }
0x32: {  	[tilespmem:s16+$0x9230] =	vst v0  }
0x33: {  	[tilespmem:s16+$0x9240] =	vst v0  }
0x34: {  	[tilespmem:s16+$0x9250] =	vst v0  }
0x35: {  	[tilespmem:s16+$0x9260] =	vst v0  }
0x36: {  	[spmem:s18] =	stream.linear.scatter [tilespmem:s29], [sflag:$0xA], $0x2800, $0x38;
	[tilespmem:$0x1FA00] =	vst v63  }
0x37: {  	s7 =	rddreg [dreg:$0x7]  }
0x38: {  	[spmem:s7] =	stream.linear.scatter [tilespmem:s29], [sflag:$0xA], $0x2800, $0x38;
	[tilespmem:$0x1FA00] =	vst v63  }
0x39: {  	s18 =	rddreg [dreg:$0x8]  }
0x3a: {  	[spmem:s18] =	stream.linear.scatter [tilespmem:s29], [sflag:$0xA], $0x2800, $0x38;
	[tilespmem:$0x1FA00] =	vst v63  }
0x3b: {  	s19 =	rddreg [dreg:$0x9]  }
0x3c: {  	[spmem:s19] =	stream.linear.scatter [tilespmem:s29], [sflag:$0xA], $0x2800, $0x38;
	[tilespmem:$0x1FA00] =	vst v63  }
0x3d: {  	s20 =	rddreg [dreg:$0xa]  }
0x3e: {  	[spmem:s20] =	stream.linear.scatter [tilespmem:s29], [sflag:$0xA], $0x2800, $0x38;
	[tilespmem:$0x1FA00] =	vst v63  }
0x3f: {  	s8 =	rddreg [dreg:$0xb]  }
0x40: {  	[spmem:s8] =	stream.linear.scatter [tilespmem:s29], [sflag:$0xA], $0x2800, $0x38;
	[tilespmem:$0x1FA00] =	vst v63  }
0x41: {  	s16 =	rddreg [dreg:$0xc]  }
0x42: {  	[spmem:s16] =	stream.linear.scatter [tilespmem:s29], [sflag:$0xA], $0x2800, $0x38;
	[tilespmem:$0x1FA00] =	vst v63  }
0x43: {  	s17 =	rddreg [dreg:$0xd]  }
0x44: {  	[spmem:s17] =	stream.linear.scatter [tilespmem:s29], [sflag:$0xA], $0x2800, $0x38;
	[tilespmem:$0x1FA00] =	vst v63  }
0x45: {  	_ =	swait.ge [sflag:s30], $0x2800  }
0x46: {  	[sflag:s30] =	ssyncset.done $0x0  }
0x47: {  	[sflag:s30] =	ssyncadd.s32 $0xFFFFD800  }
0x48: {  	_ =	swait.ge [sflag:s30], $0x2800  }
0x49: {  	[sflag:s30] =	ssyncset.done $0x0  }
0x4a: {  	[sflag:s30] =	ssyncadd.s32 $0xFFFFD800  }
0x4b: {  	_ =	swait.ge [sflag:s30], $0x2800  }
0x4c: {  	[sflag:s30] =	ssyncset.done $0x0  }
0x4d: {  	[sflag:s30] =	ssyncadd.s32 $0xFFFFD800  }
0x4e: {  	_ =	swait.ge [sflag:s30], $0x2800  }
0x4f: {  	[sflag:s30] =	ssyncset.done $0x0  }
0x50: {  	[sflag:s30] =	ssyncadd.s32 $0xFFFFD800  }
0x51: {  	_ =	swait.ge [sflag:s30], $0x2800  }
0x52: {  	[sflag:s30] =	ssyncset.done $0x0  }
0x53: {  	[sflag:s30] =	ssyncadd.s32 $0xFFFFD800  }
0x54: {  	_ =	swait.ge [sflag:s30], $0x2800  }
0x55: {  	[sflag:s30] =	ssyncset.done $0x0  }
0x56: {  	[sflag:s30] =	ssyncadd.s32 $0xFFFFD800  }
0x57: {  	_ =	swait.ge [sflag:s30], $0x2800  }
0x58: {  	[sflag:s30] =	ssyncset.done $0x0  }
0x59: {  	[sflag:s30] =	ssyncadd.s32 $0xFFFFD800  }
0x5a: {  	_ =	swait.ge [sflag:s30], $0x2800  }
0x5b: {  	[sflag:s30] =	ssyncset.done $0x0  }
0x5c: {  	s16 =	simm.s32 $0x0;
	s18 =	rddreg [dreg:$0xe];
	[sflag:s30] =	ssyncadd.s32 $0xFFFFD800  }
0x5d: {  	[tilespmem:s31], [sflag:$0x9] =	stream.linear.gather [hbm4b:s18+s16], $0x80, $0x38;
	[tilespmem:$0x1FA00] =	vst v63  }
0x5e: {  	s19 =	simm.s32 $0x100  }
0x5f: {  	[tilespmem:s29], [sflag:$0x3] =	stream.indirect.gather [hbm4b:s4+s23], $0x80, s19, s23, $0xb8;
	[tilespmem:$0x1FA00] =	vst v63  }
0x60: {  	[bflag:$0x0] =	sbarrier.arrive $0xFFFF  }
0x61: {  	_ =	swait.ge [sflag:s2], $0x2800  }
0x62: {  	[sflag:s2] =	ssyncset.done $0x0  }
0x63: {  	[sflag:s2] =	ssyncadd.s32 $0xFFFFD800  }
0x64: {  	_ =	swait.ge [sflag:s26], $0x80  }
0x65: {  	[sflag:s26] =	ssyncset.done $0x0  }
0x66: {  	[sflag:s26] =	ssyncadd.s32 $0xFFFFFF80  }
0x67: {  	[spmem:s1] =	stream.indirect.scatter.add.f32 [tilespmem:s24], [sflag:$0x4], $0x80, s22, s23, $0xb8;
	[tilespmem:$0x1FA00] =	vst v63  }
0x68: {  	_ =	swait.ge [sflag:s0], $0x2800  }
0x69: {  	[sflag:s0] =	ssyncset.done $0x0  }
0x6a: {  	[sflag:s0] =	ssyncadd.s32 $0xFFFFD800  }
0x6b: {  	_ =	swait.ge [sflag:s9], $0x80  }
0x6c: {  	[sflag:s9] =	ssyncset.done $0x0  }
0x6d: {  	[sflag:s9] =	ssyncadd.s32 $0xFFFFFF80  }
0x6e: {  	[spmem:s1] =	stream.indirect.scatter.add.f32 [tilespmem:s28], [sflag:$0x5], $0x80, s25, s23, $0xb8;
	[tilespmem:$0x1FA00] =	vst v63  }
0x6f: {  	_ =	swait.ge [sflag:s10], $0x2800  }
0x70: {  	[sflag:s10] =	ssyncset.done $0x0  }
0x71: {  	s17 =	simm.s32 $0x180;
	[sflag:s10] =	ssyncadd.s32 $0xFFFFD800  }
0x72: {  	s20 =	sand.u32 $0x7C00, s17;
	s17 =	sand.u32 $0x380, s17;
	_ =	swait.ge [sflag:s11], $0x80  }
0x73: {  	s18 =	sadd.s32 s6, s20;
	s16 =	smin.u32 s16, $0x77;
	[sflag:s11] =	ssyncset.done $0x0  }
0x74: {  	s17 =	sor.u32 s17, s18;
	s18 =	simm.s32 $0x200;
	[sflag:s11] =	ssyncadd.s32 $0xFFFFFF80  }
0x75: {  	[spmem:s1] =	stream.indirect.scatter.add.f32 [tilespmem:s29], [sflag:$0x6], $0x80, s31, s23, $0xb8;
	[tilespmem:$0x1FA00] =	vst v63  }
0x76: {  	s16 =	sshll.u32 s16, $0x7;
	s17 =	sshrl.u32 s17, $0x3;
	_ =	swait.ge [sflag:s12], $0x2800  }
0x77: {  	s19 =	sand.u32 $0x7C00, s18;
	s20 =	sand.u32 $0x380, s18;
	[sflag:s12] =	ssyncset.done $0x0  }
0x78: {  	s17 =	sadd.s32 s5, s17;
	s19 =	sadd.s32 s6, s19;
	[sflag:s12] =	ssyncadd.s32 $0xFFFFD800  }
0x79: {  	[tilespmem:s22], [sflag:$0x7] =	stream.linear.gather [hbm4b:s17+s3], $0x80, $0x38;
	[tilespmem:$0x1FA00] =	vst v63  }
0x7a: {  	s7 =	simm.s32 $0x180;
	s8 =	sor.u32 s20, s19;
	s20 =	sadd.s32 $0x280, s16  }
0x7b: {  	[tilespmem:s24], [sflag:$0x1] =	stream.indirect.gather [hbm4b:s4+s23], $0x80, s7, s23, $0xb8;
	[tilespmem:$0x1FA00] =	vst v63  }
0x7c: {  	s16 =	sand.u32 $0x7C00, s20;
	_ =	swait.ge [sflag:s13], $0x2800  }
0x7d: {  	s19 =	sand.u32 $0x380, s20;
	s17 =	sshrl.u32 s8, $0x3;
	[sflag:s13] =	ssyncset.done $0x0  }
0x7e: {  	s16 =	sadd.s32 s6, s16;
	s17 =	sadd.s32 s5, s17;
	[sflag:s13] =	ssyncadd.s32 $0xFFFFD800  }
0x7f: {  	[tilespmem:s25], [sflag:$0x8] =	stream.linear.gather [hbm4b:s17+s3], $0x80, $0x38;
	[tilespmem:$0x1FA00] =	vst v63  }
0x80: {  	s17 =	sor.u32 s19, s16  }
0x81: {  	[tilespmem:s28], [sflag:$0x2] =	stream.indirect.gather [hbm4b:s4+s23], $0x80, s18, s23, $0xb8;
	[tilespmem:$0x1FA00] =	vst v63  }
0x82: {  	s17 =	sshrl.u32 s17, $0x3;
	_ =	swait.ge [sflag:s14], $0x2800  }
0x83: {  	s16 =	simm.s32 $0x380;
	s19 =	sadd.s32 s5, s17;
	[sflag:s14] =	ssyncset.done $0x0  }
0x84: {  	s17 =	simm.s32 $0x3;
	s18 =	simm.s32 $0x380;
	[sflag:s14] =	ssyncadd.s32 $0xFFFFD800  }
.LBB2_4:
0x85: {  	[tilespmem:s31], [sflag:$0x9] =	stream.linear.gather [hbm4b:s19+s3], $0x80, $0x38;
	[tilespmem:$0x1FA00] =	vst v63  }
0x86: {  	p0 =	sne.s32 s16, $0x3E00;
	s19 =	smov.u32 s16;
	s16 =	sadd.s32 $0x180, s16  }
0x87: {  	[tilespmem:s29], [sflag:$0x3] =	stream.indirect.gather [hbm4b:s4+s23], $0x80, s20, s23, $0xb8;
	[tilespmem:$0x1FA00] =	vst v63  }
0x88: {  	_ =	swait.ge [sflag:s2], $0x2800  }
0x89: {  	[sflag:s2] =	ssyncset.done $0x0  }
0x8a: {  	[sflag:s2] =	ssyncadd.s32 $0xFFFFD800  }
0x8b: {  	_ =	swait.ge [sflag:s26], $0x80  }
0x8c: {  	[sflag:s26] =	ssyncset.done $0x0  }
0x8d: {  	[sflag:s26] =	ssyncadd.s32 $0xFFFFFF80  }
0x8e: {  	[spmem:s1] =	stream.indirect.scatter.add.f32 [tilespmem:s24], [sflag:$0x4], $0x80, s22, s23, $0xb8;
	[tilespmem:$0x1FA00] =	vst v63  }
0x8f: {  	_ =	swait.ge [sflag:s0], $0x2800  }
0x90: {  	[sflag:s0] =	ssyncset.done $0x0  }
0x91: {  	[sflag:s0] =	ssyncadd.s32 $0xFFFFD800  }
0x92: {  	_ =	swait.ge [sflag:s9], $0x80  }
0x93: {  	[sflag:s9] =	ssyncset.done $0x0  }
0x94: {  	[sflag:s9] =	ssyncadd.s32 $0xFFFFFF80  }
0x95: {  	[spmem:s1] =	stream.indirect.scatter.add.f32 [tilespmem:s28], [sflag:$0x5], $0x80, s25, s23, $0xb8;
	[tilespmem:$0x1FA00] =	vst v63  }
0x96: {  	_ =	swait.ge [sflag:s10], $0x2800  }
0x97: {  	[sflag:s10] =	ssyncset.done $0x0  }
0x98: {  	[sflag:s10] =	ssyncadd.s32 $0xFFFFD800  }
0x99: {  	s20 =	sadd.s32 $0xFFFFFF80, s19;
	_ =	swait.ge [sflag:s11], $0x80  }
0x9a: {  	s7 =	sand.u32 $0x7C00, s20;
	s20 =	sand.u32 $0x380, s20;
	[sflag:s11] =	ssyncset.done $0x0  }
0x9b: {  	s7 =	sadd.s32 s6, s7;
	[sflag:s11] =	ssyncadd.s32 $0xFFFFFF80  }
0x9c: {  	[spmem:s1] =	stream.indirect.scatter.add.f32 [tilespmem:s29], [sflag:$0x6], $0x80, s31, s23, $0xb8;
	[tilespmem:$0x1FA00] =	vst v63  }
0x9d: {  	s7 =	sor.u32 s20, s7;
	_ =	swait.ge [sflag:s12], $0x2800  }
0x9e: {  	s20 =	sand.u32 $0x7C00, s19;
	s7 =	sshrl.u32 s7, $0x3;
	[sflag:s12] =	ssyncset.done $0x0  }
0x9f: {  	s8 =	sadd.s32 $0xFFFFFF80, s18;
	s7 =	sadd.s32 s5, s7;
	[sflag:s12] =	ssyncadd.s32 $0xFFFFD800  }
0xa0: {  	[tilespmem:s22], [sflag:$0x7] =	stream.linear.gather [hbm4b:s7+s3], $0x80, $0x38;
	[tilespmem:$0x1FA00] =	vst v63  }
0xa1: {  	s19 =	sand.u32 $0x380, s19;
	s7 =	sadd.s32 s6, s20  }
0xa2: {  	[tilespmem:s24], [sflag:$0x1] =	stream.indirect.gather [hbm4b:s4+s23], $0x80, s8, s23, $0xb8;
	[tilespmem:$0x1FA00] =	vst v63  }
0xa3: {  	s7 =	sor.u32 s19, s7;
	s8 =	smin.u32 s17, $0x77;
	_ =	swait.ge [sflag:s13], $0x2800  }
0xa4: {  	s7 =	sshrl.u32 s7, $0x3;
	s8 =	sshll.u32 s8, $0x7;
	[sflag:s13] =	ssyncset.done $0x0  }
0xa5: {  	s7 =	sadd.s32 s5, s7;
	s20 =	sadd.s32 $0x280, s8;
	[sflag:s13] =	ssyncadd.s32 $0xFFFFD800  }
0xa6: {  	[tilespmem:s25], [sflag:$0x8] =	stream.linear.gather [hbm4b:s7+s3], $0x80, $0x38;
	[tilespmem:$0x1FA00] =	vst v63  }
0xa7: {  	s8 =	sand.u32 $0x380, s20;
	s7 =	sand.u32 $0x7C00, s20  }
0xa8: {  	[tilespmem:s28], [sflag:$0x2] =	stream.indirect.gather [hbm4b:s4+s23], $0x80, s18, s23, $0xb8;
	[tilespmem:$0x1FA00] =	vst v63  }
.Ltmp1:
0xa9: {  	_ = 	snop;
	(pc) =	sbr.rel @p0 .LBB2_4-.Ltmp1, $4  }
0xaa: {  	s7 =	sadd.s32 s6, s7;
	_ =	swait.ge [sflag:s14], $0x2800  }
0xab: {  	s7 =	sor.u32 s8, s7;
	[sflag:s14] =	ssyncset.done $0x0  }
0xac: {  	s7 =	sshrl.u32 s7, $0x3;
	[sflag:s14] =	ssyncadd.s32 $0xFFFFD800  }
0xad: {  	s17 =	sadd.s32 $0x3, s17;
	s18 =	sadd.s32 $0x180, s18;
	s19 =	sadd.s32 s5, s7  }
0xae: {  	[tilespmem:s31], [sflag:$0x9] =	stream.linear.gather [hbm4b:s19+s3], $0x80, $0x38;
	[tilespmem:$0x1FA00] =	vst v63  }
0xaf: {  	_ = 	snop  }
0xb0: {  	[tilespmem:s29], [sflag:$0x3] =	stream.indirect.gather [hbm4b:s4+s23], $0x80, s20, s23, $0xb8;
	[tilespmem:$0x1FA00] =	vst v63  }
0xb1: {  	_ =	swait.ge [sflag:s2], $0x2800  }
0xb2: {  	[sflag:s2] =	ssyncset.done $0x0  }
0xb3: {  	[sflag:s2] =	ssyncadd.s32 $0xFFFFD800  }
0xb4: {  	_ =	swait.ge [sflag:s26], $0x80  }
0xb5: {  	[sflag:s26] =	ssyncset.done $0x0  }
0xb6: {  	[sflag:s26] =	ssyncadd.s32 $0xFFFFFF80  }
0xb7: {  	[spmem:s1] =	stream.indirect.scatter.add.f32 [tilespmem:s24], [sflag:$0x4], $0x80, s22, s23, $0xb8;
	[tilespmem:$0x1FA00] =	vst v63  }
0xb8: {  	_ =	swait.ge [sflag:s0], $0x2800  }
0xb9: {  	[sflag:s0] =	ssyncset.done $0x0  }
0xba: {  	[sflag:s0] =	ssyncadd.s32 $0xFFFFD800  }
0xbb: {  	_ =	swait.ge [sflag:s9], $0x80  }
0xbc: {  	[sflag:s9] =	ssyncset.done $0x0  }
0xbd: {  	[sflag:s9] =	ssyncadd.s32 $0xFFFFFF80  }
0xbe: {  	[spmem:s1] =	stream.indirect.scatter.add.f32 [tilespmem:s28], [sflag:$0x5], $0x80, s25, s23, $0xb8;
	[tilespmem:$0x1FA00] =	vst v63  }
0xbf: {  	_ =	swait.ge [sflag:s10], $0x2800  }
0xc0: {  	[sflag:s10] =	ssyncset.done $0x0  }
0xc1: {  	[sflag:s10] =	ssyncadd.s32 $0xFFFFD800  }
0xc2: {  	_ =	swait.ge [sflag:s11], $0x80  }
0xc3: {  	[sflag:s11] =	ssyncset.done $0x0  }
0xc4: {  	[sflag:s11] =	ssyncadd.s32 $0xFFFFFF80  }
0xc5: {  	_ =	swait.ge [sflag:s12], $0x2800  }
0xc6: {  	[sflag:s12] =	ssyncset.done $0x0  }
0xc7: {  	[sflag:s12] =	ssyncadd.s32 $0xFFFFD800  }
0xc8: {  	_ =	swait.ge [sflag:s13], $0x2800  }
0xc9: {  	[sflag:s13] =	ssyncset.done $0x0  }
0xca: {  	[sflag:s13] =	ssyncadd.s32 $0xFFFFD800  }
0xcb: {  	s7 =	stileid.u32;
	[bflag:$0x0] =	sbarrier.arrive $0xFFFF  }
0xcc: {  	s7 =	sshll.u32 s7, $0x6;
	s18 =	rddreg [dreg:$0x4]  }
0xcd: {  	s7 =	sor.u32 $0x1C0B, s7;
	s16 =	rddreg [dreg:$0xf];
	s8 =	sshrl.u32 s18, $0x3  }
0xce: {  	[hbm:s16], [sflag:s7] =	dma.local [spmem:s8], $0x2800  }
0xcf: {  	_ =	swait.ge [sflag:s21], $0x2800  }
0xd0: {  	s15 =	sadd.s32 $0x1, s15;
	s20 =	rddreg [dreg:$0x10]  }
0xd1: {  	p0 =	sne.s32 s15, s20  }
.Ltmp2:
0xd2: {  	_ = 	snop;
	(pc) =	sbr.rel @p0 .LBB2_1-.Ltmp2, $3  }
0xd3: {  	_ =	sdelay $0x1  }
0xd4: {  	[sflag:s21] =	ssyncset.done $0x0  }
0xd5: {  	[sflag:s21] =	ssyncadd.s32 $0xFFFFD800  }
0xd6: {  	_ =	sfence.sel $0x180000  }
0xd7: {  	[bflag:$0x0] =	sbarrier.arrive $0xFFFF  }
0xd8: {  	_ =	strace $0x90000050  }
0xd9: {  	s0 =	stileid.u32;
	[bflag:$0x2] =	sbarrier.arrive $0xFFFF  }
0xda: {  	p0 =	sne.s32 s0, $0x0;
	s0 =	rddreg [dreg:$0x2]  }
0xdb: {  	s0 =	sadd.s32 @!p0 $0x100000, s0  }
0xdc: {  	[sflag:s0] =	ssyncadd.tile.s32 @!p0 $0x1;
	_ =	shalt  }
.Lfunc_end2:
_tile_overlayer_lowered:
.L_overlay_start_2:
0xdd: {  	(tag) =	ssettag $0x2  }
0xde: {  	s0 =	rddreg [dreg:$0x0];
	s2 =	stileid.u32  }
0xdf: {  	s1 =	rddreg [dreg:$0x1];
	p0 =	sne.s32 s2, $0x0  }
0xe0: {  	s3 =	rddreg [dreg:$0x2];
	[bflag:$0x3] =	sbarrier.arrive $0xFFFF;
	s2 =	simm.s32 @!p0 $0x1C0B  }
0xe1: {  	[timem:s3], [sflag:s2] =	dma.local @!p0 [hbm:s0], s1  }
0xe2: {  	s0 =	simm.s32 @!p0 $0xB  }
0xe3: {  	_ =	swait.ge @!p0 [sflag:s0], s1  }
0xe4: {  	s1 =	ssub.s32 @!p0 $0x0, s1;
	[sflag:s0] =	ssyncset.done @!p0 $0x0  }
0xe5: {  	[sflag:s0] =	ssyncadd.s32 @!p0 s1  }
0xe6: {  	[bflag:$0x3] =	sbarrier.arrive $0xFFFF  }
0xe7: {  	_ =	shalt  }

</sc_bundles>
